<compile_context>
chip_gen: v7x
topology: tpu7x:2x2x1
jax: 0.10.2.dev20260603
libtpu: 0.0.44.dev20260713+nightly
codegen_flags: <defaults>
</compile_context>

<pallas_src>
import functools

import jax
import jax.numpy as jnp
import numpy as np
from jax import lax
from jax.experimental import pallas as pl
from jax.experimental.pallas import tpu as pltpu
from jax.experimental.pallas import tpu_sc as plsc

_S = 256
_KK = 3
_BIG = 1e30
_NEG = -3e38

_N_TOKENS = 224 * 224
with jax.default_device(jax.local_devices(backend="cpu")[0]):
    _RAND_IDX = np.asarray(
        jax.random.permutation(jax.random.key(42), _N_TOKENS)[:_S]
    ).astype(np.int32)


def _tc_body(x_ref, xs_ref, rand_ref, tkb_ref, *, T):
    b = pl.program_id(0)
    xt = x_ref[0]
    xs = xs_ref[0]
    norm = jnp.sqrt(jnp.sum(xs * xs, axis=0, keepdims=True))
    sn = xs / (norm + 1e-8)
    norm_t = jnp.sqrt(jnp.sum(xt * xt, axis=0, keepdims=True))
    xn = xt / (norm_t + 1e-8)
    scores = lax.dot_general(sn, xn, (((0,), (0,)), ((), ())))
    tok_id = (lax.broadcasted_iota(jnp.int32, (_S, T), 1)
              + pl.program_id(1) * T)
    scores = jnp.where(tok_id == rand_ref[...], _BIG, scores)
    iota_col = lax.broadcasted_iota(jnp.int32, (_S, T), 0)
    for k in range(_KK):
        m = jnp.max(scores, axis=0, keepdims=True)
        oh_b = scores == m
        if k < _KK - 1:
            scores = jnp.where(oh_b, _NEG, scores)
        a_i = jnp.min(jnp.where(oh_b, iota_col, _S),
                      axis=0, keepdims=True)
        tkb_ref[0, k:k + 1, :] = (a_i + (b * _KK + k) * _S) * 32


def _proj_body(xs_ref, w_ref, b_ref, proj_ref):
    xs = xs_ref[0]
    for k in range(_KK):
        projk = lax.dot_general(
            xs, w_ref[k], (((0,), (0,)), ((), ())),
            precision=lax.Precision.HIGHEST)
        if k == 0:
            projk = projk + b_ref[...]
        proj_ref[0, k] = projk


def _sc_kernel(tkb_hbm, proj_hbm, out_hbm, idx_v, proj_v, out_v,
               *, N, B, O, NW, CHUNK):
    info = plsc.get_sparse_core_info()
    nc = info.num_cores
    wid = lax.axis_index("s") * nc + lax.axis_index("c")

    @pl.when(wid < NW)
    def _():
        pltpu.sync_copy(proj_hbm, proj_v)
        ngrp = CHUNK // 16
        for b in range(B):
            for k in range(_KK):
                pltpu.sync_copy(
                    tkb_hbm.at[pl.ds((b * _KK + k) * N + wid * CHUNK, CHUNK)],
                    idx_v.at[pl.ds(k * CHUNK, CHUNK)])

            @plsc.parallel_loop(0, ngrp, unroll=2)
            def body(g, b=b):
                a0 = idx_v[pl.ds(0 * CHUNK + g * 16, 16)]
                a1 = idx_v[pl.ds(1 * CHUNK + g * 16, 16)]
                a2 = idx_v[pl.ds(2 * CHUNK + g * 16, 16)]
                for c in range(O):
                    acc = (plsc.load_gather(proj_v, [a0 + c])
                           + plsc.load_gather(proj_v, [a1 + c])
                           + plsc.load_gather(proj_v, [a2 + c]))
                    out_v[c, pl.ds(g * 16, 16)] = acc

            pltpu.sync_copy(out_v,
                            out_hbm.at[b, :, pl.ds(wid * CHUNK, CHUNK)])


def kernel(x, conv_w, conv_b):
    B, C, H, W = x.shape
    N = H * W
    O = conv_w.shape[0]
    T = 7168
    NT = N // T
    x_flat = x.reshape(B, C, N)
    x_sample = jnp.take(x_flat, _RAND_IDX, axis=2)
    rand_col = jnp.asarray(_RAND_IDX.reshape(_S, 1))
    w_r = jnp.transpose(conv_w, (2, 1, 0))
    b_r = conv_b.reshape(1, O)

    tkb = pl.pallas_call(
        functools.partial(_tc_body, T=T),
        grid=(B, NT),
        in_specs=[
            pl.BlockSpec((1, C, T), lambda b, t: (b, 0, t)),
            pl.BlockSpec((1, C, _S), lambda b, t: (b, 0, 0)),
            pl.BlockSpec((_S, 1), lambda b, t: (0, 0)),
        ],
        out_specs=pl.BlockSpec((1, _KK, T), lambda b, t: (b, 0, t)),
        out_shape=jax.ShapeDtypeStruct((B, _KK, N), jnp.int32),
    )(x_flat, x_sample, rand_col)

    proj = pl.pallas_call(
        _proj_body,
        grid=(B,),
        in_specs=[
            pl.BlockSpec((1, C, _S), lambda b: (b, 0, 0)),
            pl.BlockSpec((_KK, C, O), lambda b: (0, 0, 0)),
            pl.BlockSpec((1, O), lambda b: (0, 0)),
        ],
        out_specs=pl.BlockSpec((1, _KK, _S, O), lambda b: (b, 0, 0, 0)),
        out_shape=jax.ShapeDtypeStruct((B, _KK, _S, O), jnp.float32),
    )(x_sample, w_r, b_r)

    mesh = plsc.VectorSubcoreMesh(core_axis_name="c", subcore_axis_name="s")
    nw = 28
    chunk = N // nw
    sc = functools.partial(
        pl.kernel,
        mesh=mesh,
        compiler_params=pltpu.CompilerParams(needs_layout_passes=False),
        out_type=jax.ShapeDtypeStruct((B, O, N), jnp.float32),
        scratch_types=[
            pltpu.VMEM((_KK * chunk,), jnp.int32),
            pltpu.VMEM((B * _KK * _S * O,), jnp.float32),
            pltpu.VMEM((O, chunk), jnp.float32),
        ],
    )(functools.partial(_sc_kernel, N=N, B=B, O=O, NW=nw, CHUNK=chunk))
    out = sc(tkb.reshape(-1), proj.reshape(-1))
    return out.reshape(B, O, H, W)

# --- scband reference (transcript-rebuilt; emitter-appended) ---
"""Pipeline reference for scband-conv2d-nn-44976897523813 (READ-ONLY COPY).

The authoritative reference and input builder live on the scoring server;
editing this copy changes nothing except your own understanding.
"""

import jax, jax.numpy as jnp
import numpy as np

B, C_IN, C_OUT, H, W_DIM = 2, 32, 32, 224, 224
K = 3
SAMPLES = 256

def setup_inputs(seed: int = 0):
    key = jax.random.key(seed)
    k1, k2, k3 = jax.random.split(key, 3)
    x = jax.random.normal(k1, (B, C_IN, H, W_DIM), dtype=jnp.float32)
    conv_w = jax.random.normal(k2, (C_OUT, C_IN, K), dtype=jnp.float32) * 0.05
    conv_b = jax.random.normal(k3, (C_OUT,), dtype=jnp.float32) * 0.05
    return {"x": x, "conv_w": conv_w, "conv_b": conv_b}

def _conv1d_nn(x_flat, conv_w, conv_b):
    # Conv1d_NN: cosine-similarity KNN over a random candidate subset, gather K
    # nearest neighbors per token, then Conv1d(kernel=K, stride=K) over the
    # concatenated neighbor sequence (equivalent einsum form since kernel==stride).
    b, c, n = x_flat.shape
    rand_idx = jax.random.permutation(jax.random.key(42), n)[:SAMPLES]
    x_sample = x_flat[:, :, rand_idx]
    x_norm = x_flat / (jnp.linalg.norm(x_flat, axis=1, keepdims=True) + 1e-8)
    s_norm = x_sample / (jnp.linalg.norm(x_sample, axis=1, keepdims=True) + 1e-8)
    sim = jnp.einsum('bcn,bcs->bns', x_norm, s_norm)
    # sampled tokens always match themselves first
    sim = sim.at[:, rand_idx, jnp.arange(SAMPLES)].set(jnp.inf)
    _, topk_idx = jax.lax.top_k(sim, K)          # [B, N, K] indices into sample set
    nbr = rand_idx[topk_idx]                      # [B, N, K] indices into full token set
    # gather neighbors: prime[b, c, n, k] = x_flat[b, c, nbr[b, n, k]]
    prime = jax.vmap(lambda xf, nb: xf[:, nb])(x_flat, nbr)   # [B, C, N, K]
    out = jnp.einsum('bcnk,ock->bon', prime, conv_w) + conv_b[None, :, None]
    return out

def reference(x, conv_w, conv_b):
    # shuffle_pattern='NA', location_channels=False =>
    # forward reduces to flatten -> Conv1d_NN -> unflatten
    x_flat = x.reshape(x.shape[0], x.shape[1], -1)
    y = _conv1d_nn(x_flat, conv_w, conv_b)
    return y.reshape(y.shape[0], y.shape[1], x.shape[2], x.shape[3])

if __name__ == "__main__":
    import jax
    _d = setup_inputs()
    print(jax.jit(kernel)(*tuple(_d.values())))

</pallas_src>

<mosaic_0001>
#map = affine_map<(d0, d1) -> (0)>
#map1 = affine_map<(d0, d1) -> (0, 0, 0)>
module attributes {stable_mosaic.version = 14 : i64} {
  func.func @_sc_kernel(%arg0: i32, %arg1: i32, %arg2: memref<301056xi32, #tpu.memory_space<hbm>>, %arg3: memref<49152xf32, #tpu.memory_space<hbm>>, %arg4: memref<2x32x50176xf32, #tpu.memory_space<hbm>>, %arg5: memref<5376xi32, #tpu.memory_space<vmem>>, %arg6: memref<49152xf32, #tpu.memory_space<vmem>>, %arg7: memref<32x1792xf32, #tpu.memory_space<vmem>>) attributes {dimension_semantics = [#tpu.dimension_semantics<core_parallel>, #tpu.dimension_semantics<subcore_parallel>], iteration_bounds = array<i64: 2, 16>, scalar_prefetch = 0 : i64, scratch_operands = 3 : i64, tpu.core_type = #tpu.core_type<sc_vector_subcore>, window_params = [{transform_indices = #map}, {transform_indices = #map}, {transform_indices = #map1}]} {
    %mul3A = arith.constant 2 : i32
    %mul3A_0 = arith.muli %arg1, %mul3A : i32
    %add3A = arith.addi %mul3A_0, %arg0 : i32
    %lt3A = arith.constant 28 : i32
    %lt3A_1 = arith.cmpi slt, %add3A, %lt3A : i32
    %convert_element_type3A = arith.extui %lt3A_1 : i1 to i32
    %cond3A = arith.constant 0 : i32
    %cond3A_2 = arith.cmpi ne, %convert_element_type3A, %cond3A : i32
    scf.if %cond3A_2 {
      "tpu.region"() ({
        %run_scoped3A_37 = tpu.sem_alloc : memref<!tpu.dma_semaphore, #tpu.memory_space<semaphore_mem>>
        tpu.enqueue_dma source(%arg3 : memref<49152xf32, #tpu.memory_space<hbm>>) target(%arg6 : memref<49152xf32, #tpu.memory_space<vmem>>) target_semaphore(%run_scoped3A_37 : memref<!tpu.dma_semaphore, #tpu.memory_space<semaphore_mem>>)
        tpu.wait_dma2 semaphore(%run_scoped3A_37 : memref<!tpu.dma_semaphore, #tpu.memory_space<semaphore_mem>>) src(%arg3 : memref<49152xf32, #tpu.memory_space<hbm>>) dst(%arg6 : memref<49152xf32, #tpu.memory_space<vmem>>)
        tpu.yield
      }) : () -> ()
      %mul3A_3 = arith.constant 1792 : i32
      %mul3A_4 = arith.muli %add3A, %mul3A_3 : i32
      %add3A_5 = arith.constant 0 : i32
      %add3A_6 = arith.addi %add3A_5, %mul3A_4 : i32
      "tpu.region"() ({
        %run_scoped3A_37 = tpu.sem_alloc : memref<!tpu.dma_semaphore, #tpu.memory_space<semaphore_mem>>
        %dma_start3A = arith.constant 0 : i32
        %dma_start3A_38 = tpu.memref_slice %arg5[%dma_start3A] : memref<5376xi32, #tpu.memory_space<vmem>> -> memref<1792xi32, #tpu.memory_space<vmem>>
        %dma_start3A_39 = tpu.memref_slice %arg2[%add3A_6] : memref<301056xi32, #tpu.memory_space<hbm>> -> memref<1792xi32, #tpu.memory_space<hbm>>
        %dma_start3A_40 = arith.constant 0 : i32
        %dma_start3A_41 = tpu.memref_slice %arg5[%dma_start3A_40] : memref<5376xi32, #tpu.memory_space<vmem>> -> memref<1792xi32, #tpu.memory_space<vmem>>
        %dma_start3A_42 = tpu.memref_slice %arg2[%add3A_6] : memref<301056xi32, #tpu.memory_space<hbm>> -> memref<1792xi32, #tpu.memory_space<hbm>>
        tpu.enqueue_dma source(%dma_start3A_42 : memref<1792xi32, #tpu.memory_space<hbm>>) target(%dma_start3A_41 : memref<1792xi32, #tpu.memory_space<vmem>>) target_semaphore(%run_scoped3A_37 : memref<!tpu.dma_semaphore, #tpu.memory_space<semaphore_mem>>)
        %dma_wait3A = arith.constant 0 : i32
        %dma_wait3A_43 = tpu.memref_slice %arg5[%dma_wait3A] : memref<5376xi32, #tpu.memory_space<vmem>> -> memref<1792xi32, #tpu.memory_space<vmem>>
        %dma_wait3A_44 = tpu.memref_slice %arg2[%add3A_6] : memref<301056xi32, #tpu.memory_space<hbm>> -> memref<1792xi32, #tpu.memory_space<hbm>>
        %dma_wait3A_45 = arith.constant 0 : i32
        %dma_wait3A_46 = tpu.memref_slice %arg5[%dma_wait3A_45] : memref<5376xi32, #tpu.memory_space<vmem>> -> memref<1792xi32, #tpu.memory_space<vmem>>
        %dma_wait3A_47 = tpu.memref_slice %arg2[%add3A_6] : memref<301056xi32, #tpu.memory_space<hbm>> -> memref<1792xi32, #tpu.memory_space<hbm>>
        tpu.wait_dma2 semaphore(%run_scoped3A_37 : memref<!tpu.dma_semaphore, #tpu.memory_space<semaphore_mem>>) src(%dma_wait3A_47 : memref<1792xi32, #tpu.memory_space<hbm>>) dst(%dma_wait3A_46 : memref<1792xi32, #tpu.memory_space<vmem>>)
        tpu.yield
      }) : () -> ()
      %mul3A_7 = arith.constant 1792 : i32
      %mul3A_8 = arith.muli %add3A, %mul3A_7 : i32
      %add3A_9 = arith.constant 50176 : i32
      %add3A_10 = arith.addi %add3A_9, %mul3A_8 : i32
      "tpu.region"() ({
        %run_scoped3A_37 = tpu.sem_alloc : memref<!tpu.dma_semaphore, #tpu.memory_space<semaphore_mem>>
        %dma_start3A = arith.constant 1792 : i32
        %dma_start3A_38 = tpu.memref_slice %arg5[%dma_start3A] : memref<5376xi32, #tpu.memory_space<vmem>> -> memref<1792xi32, #tpu.memory_space<vmem>>
        %dma_start3A_39 = tpu.memref_slice %arg2[%add3A_10] : memref<301056xi32, #tpu.memory_space<hbm>> -> memref<1792xi32, #tpu.memory_space<hbm>>
        %dma_start3A_40 = arith.constant 1792 : i32
        %dma_start3A_41 = tpu.memref_slice %arg5[%dma_start3A_40] : memref<5376xi32, #tpu.memory_space<vmem>> -> memref<1792xi32, #tpu.memory_space<vmem>>
        %dma_start3A_42 = tpu.memref_slice %arg2[%add3A_10] : memref<301056xi32, #tpu.memory_space<hbm>> -> memref<1792xi32, #tpu.memory_space<hbm>>
        tpu.enqueue_dma source(%dma_start3A_42 : memref<1792xi32, #tpu.memory_space<hbm>>) target(%dma_start3A_41 : memref<1792xi32, #tpu.memory_space<vmem>>) target_semaphore(%run_scoped3A_37 : memref<!tpu.dma_semaphore, #tpu.memory_space<semaphore_mem>>)
        %dma_wait3A = arith.constant 1792 : i32
        %dma_wait3A_43 = tpu.memref_slice %arg5[%dma_wait3A] : memref<5376xi32, #tpu.memory_space<vmem>> -> memref<1792xi32, #tpu.memory_space<vmem>>
        %dma_wait3A_44 = tpu.memref_slice %arg2[%add3A_10] : memref<301056xi32, #tpu.memory_space<hbm>> -> memref<1792xi32, #tpu.memory_space<hbm>>
        %dma_wait3A_45 = arith.constant 1792 : i32
        %dma_wait3A_46 = tpu.memref_slice %arg5[%dma_wait3A_45] : memref<5376xi32, #tpu.memory_space<vmem>> -> memref<1792xi32, #tpu.memory_space<vmem>>
        %dma_wait3A_47 = tpu.memref_slice %arg2[%add3A_10] : memref<301056xi32, #tpu.memory_space<hbm>> -> memref<1792xi32, #tpu.memory_space<hbm>>
        tpu.wait_dma2 semaphore(%run_scoped3A_37 : memref<!tpu.dma_semaphore, #tpu.memory_space<semaphore_mem>>) src(%dma_wait3A_47 : memref<1792xi32, #tpu.memory_space<hbm>>) dst(%dma_wait3A_46 : memref<1792xi32, #tpu.memory_space<vmem>>)
        tpu.yield
      }) : () -> ()
      %mul3A_11 = arith.constant 1792 : i32
      %mul3A_12 = arith.muli %add3A, %mul3A_11 : i32
      %add3A_13 = arith.constant 100352 : i32
      %add3A_14 = arith.addi %add3A_13, %mul3A_12 : i32
      "tpu.region"() ({
        %run_scoped3A_37 = tpu.sem_alloc : memref<!tpu.dma_semaphore, #tpu.memory_space<semaphore_mem>>
        %dma_start3A = arith.constant 3584 : i32
        %dma_start3A_38 = tpu.memref_slice %arg5[%dma_start3A] : memref<5376xi32, #tpu.memory_space<vmem>> -> memref<1792xi32, #tpu.memory_space<vmem>>
        %dma_start3A_39 = tpu.memref_slice %arg2[%add3A_14] : memref<301056xi32, #tpu.memory_space<hbm>> -> memref<1792xi32, #tpu.memory_space<hbm>>
        %dma_start3A_40 = arith.constant 3584 : i32
        %dma_start3A_41 = tpu.memref_slice %arg5[%dma_start3A_40] : memref<5376xi32, #tpu.memory_space<vmem>> -> memref<1792xi32, #tpu.memory_space<vmem>>
        %dma_start3A_42 = tpu.memref_slice %arg2[%add3A_14] : memref<301056xi32, #tpu.memory_space<hbm>> -> memref<1792xi32, #tpu.memory_space<hbm>>
        tpu.enqueue_dma source(%dma_start3A_42 : memref<1792xi32, #tpu.memory_space<hbm>>) target(%dma_start3A_41 : memref<1792xi32, #tpu.memory_space<vmem>>) target_semaphore(%run_scoped3A_37 : memref<!tpu.dma_semaphore, #tpu.memory_space<semaphore_mem>>)
        %dma_wait3A = arith.constant 3584 : i32
        %dma_wait3A_43 = tpu.memref_slice %arg5[%dma_wait3A] : memref<5376xi32, #tpu.memory_space<vmem>> -> memref<1792xi32, #tpu.memory_space<vmem>>
        %dma_wait3A_44 = tpu.memref_slice %arg2[%add3A_14] : memref<301056xi32, #tpu.memory_space<hbm>> -> memref<1792xi32, #tpu.memory_space<hbm>>
        %dma_wait3A_45 = arith.constant 3584 : i32
        %dma_wait3A_46 = tpu.memref_slice %arg5[%dma_wait3A_45] : memref<5376xi32, #tpu.memory_space<vmem>> -> memref<1792xi32, #tpu.memory_space<vmem>>
        %dma_wait3A_47 = tpu.memref_slice %arg2[%add3A_14] : memref<301056xi32, #tpu.memory_space<hbm>> -> memref<1792xi32, #tpu.memory_space<hbm>>
        tpu.wait_dma2 semaphore(%run_scoped3A_37 : memref<!tpu.dma_semaphore, #tpu.memory_space<semaphore_mem>>) src(%dma_wait3A_47 : memref<1792xi32, #tpu.memory_space<hbm>>) dst(%dma_wait3A_46 : memref<1792xi32, #tpu.memory_space<vmem>>)
        tpu.yield
      }) : () -> ()
      %parallel_loop3A = arith.constant 0 : i32
      %parallel_loop3A_15 = arith.constant 112 : i32
      %parallel_loop3A_16 = arith.constant 1 : i32
      scf.for %parallel_loop3A_37 = %parallel_loop3A to %parallel_loop3A_15 step %parallel_loop3A_16  : i32 {
        %parallel_loop3A_38 = arith.constant 16 : i32
        %parallel_loop3A_39 = arith.muli %parallel_loop3A_37, %parallel_loop3A_38 : i32
        %parallel_loop3A_40 = arith.constant 0 : i32
        %parallel_loop3A_41 = arith.addi %parallel_loop3A_40, %parallel_loop3A_39 : i32
        %parallel_loop3A_42 = arith.index_cast %parallel_loop3A_41 : i32 to index
        %parallel_loop3A_43 = tpu.vector_load %arg5[%parallel_loop3A_42] {strides = array<i32>} : memref<5376xi32, #tpu.memory_space<vmem>>, vector<16xi32>,
        %parallel_loop3A_44 = arith.constant 16 : i32
        %parallel_loop3A_45 = arith.muli %parallel_loop3A_37, %parallel_loop3A_44 : i32
        %parallel_loop3A_46 = arith.constant 1792 : i32
        %parallel_loop3A_47 = arith.addi %parallel_loop3A_46, %parallel_loop3A_45 : i32
        %parallel_loop3A_48 = arith.index_cast %parallel_loop3A_47 : i32 to index
        %parallel_loop3A_49 = tpu.vector_load %arg5[%parallel_loop3A_48] {strides = array<i32>} : memref<5376xi32, #tpu.memory_space<vmem>>, vector<16xi32>,
        %parallel_loop3A_50 = arith.constant 16 : i32
        %parallel_loop3A_51 = arith.muli %parallel_loop3A_37, %parallel_loop3A_50 : i32
        %parallel_loop3A_52 = arith.constant 3584 : i32
        %parallel_loop3A_53 = arith.addi %parallel_loop3A_52, %parallel_loop3A_51 : i32
        %parallel_loop3A_54 = arith.index_cast %parallel_loop3A_53 : i32 to index
        %parallel_loop3A_55 = tpu.vector_load %arg5[%parallel_loop3A_54] {strides = array<i32>} : memref<5376xi32, #tpu.memory_space<vmem>>, vector<16xi32>,
        %parallel_loop3A_56 = arith.constant 0 : i32
        %parallel_loop3A_57 = vector.broadcast %parallel_loop3A_56 : i32 to vector<16xi32>
        %parallel_loop3A_58 = arith.addi %parallel_loop3A_43, %parallel_loop3A_57 : vector<16xi32>
        %parallel_loop3A_59 = tpu.vector_load_idx %arg6[%parallel_loop3A_58] : memref<49152xf32, #tpu.memory_space<vmem>>[vector<16xi32>], vector<16xf32>,
        %parallel_loop3A_60 = arith.constant 0 : i32
        %parallel_loop3A_61 = vector.broadcast %parallel_loop3A_60 : i32 to vector<16xi32>
        %parallel_loop3A_62 = arith.addi %parallel_loop3A_49, %parallel_loop3A_61 : vector<16xi32>
        %parallel_loop3A_63 = tpu.vector_load_idx %arg6[%parallel_loop3A_62] : memref<49152xf32, #tpu.memory_space<vmem>>[vector<16xi32>], vector<16xf32>,
        %parallel_loop3A_64 = arith.addf %parallel_loop3A_59, %parallel_loop3A_63 : vector<16xf32>
        %parallel_loop3A_65 = arith.constant 0 : i32
        %parallel_loop3A_66 = vector.broadcast %parallel_loop3A_65 : i32 to vector<16xi32>
        %parallel_loop3A_67 = arith.addi %parallel_loop3A_55, %parallel_loop3A_66 : vector<16xi32>
        %parallel_loop3A_68 = tpu.vector_load_idx %arg6[%parallel_loop3A_67] : memref<49152xf32, #tpu.memory_space<vmem>>[vector<16xi32>], vector<16xf32>,
        %parallel_loop3A_69 = arith.addf %parallel_loop3A_64, %parallel_loop3A_68 : vector<16xf32>
        %parallel_loop3A_70 = arith.constant 16 : i32
        %parallel_loop3A_71 = arith.muli %parallel_loop3A_37, %parallel_loop3A_70 : i32
        %parallel_loop3A_72 = arith.constant 0 : i32
        %parallel_loop3A_73 = arith.index_cast %parallel_loop3A_72 : i32 to index
        %parallel_loop3A_74 = arith.index_cast %parallel_loop3A_71 : i32 to index
        %parallel_loop3A_75 = tpu.vector_load %arg7[%parallel_loop3A_73, %parallel_loop3A_74] {strides = array<i32>} : memref<32x1792xf32, #tpu.memory_space<vmem>>, vector<16xf32>,
        tpu.vector_store %arg7[%parallel_loop3A_73, %parallel_loop3A_74], %parallel_loop3A_69 {strides = array<i32>} : memref<32x1792xf32, #tpu.memory_space<vmem>>, vector<16xf32>,
        %parallel_loop3A_76 = arith.constant 1 : i32
        %parallel_loop3A_77 = vector.broadcast %parallel_loop3A_76 : i32 to vector<16xi32>
        %parallel_loop3A_78 = arith.addi %parallel_loop3A_43, %parallel_loop3A_77 : vector<16xi32>
        %parallel_loop3A_79 = tpu.vector_load_idx %arg6[%parallel_loop3A_78] : memref<49152xf32, #tpu.memory_space<vmem>>[vector<16xi32>], vector<16xf32>,
        %parallel_loop3A_80 = arith.constant 1 : i32
        %parallel_loop3A_81 = vector.broadcast %parallel_loop3A_80 : i32 to vector<16xi32>
        %parallel_loop3A_82 = arith.addi %parallel_loop3A_49, %parallel_loop3A_81 : vector<16xi32>
        %parallel_loop3A_83 = tpu.vector_load_idx %arg6[%parallel_loop3A_82] : memref<49152xf32, #tpu.memory_space<vmem>>[vector<16xi32>], vector<16xf32>,
        %parallel_loop3A_84 = arith.addf %parallel_loop3A_79, %parallel_loop3A_83 : vector<16xf32>
        %parallel_loop3A_85 = arith.constant 1 : i32
        %parallel_loop3A_86 = vector.broadcast %parallel_loop3A_85 : i32 to vector<16xi32>
        %parallel_loop3A_87 = arith.addi %parallel_loop3A_55, %parallel_loop3A_86 : vector<16xi32>
        %parallel_loop3A_88 = tpu.vector_load_idx %arg6[%parallel_loop3A_87] : memref<49152xf32, #tpu.memory_space<vmem>>[vector<16xi32>], vector<16xf32>,
        %parallel_loop3A_89 = arith.addf %parallel_loop3A_84, %parallel_loop3A_88 : vector<16xf32>
        %parallel_loop3A_90 = arith.constant 16 : i32
        %parallel_loop3A_91 = arith.muli %parallel_loop3A_37, %parallel_loop3A_90 : i32
        %parallel_loop3A_92 = arith.constant 1 : i32
        %parallel_loop3A_93 = arith.index_cast %parallel_loop3A_92 : i32 to index
        %parallel_loop3A_94 = arith.index_cast %parallel_loop3A_91 : i32 to index
        %parallel_loop3A_95 = tpu.vector_load %arg7[%parallel_loop3A_93, %parallel_loop3A_94] {strides = array<i32>} : memref<32x1792xf32, #tpu.memory_space<vmem>>, vector<16xf32>,
        tpu.vector_store %arg7[%parallel_loop3A_93, %parallel_loop3A_94], %parallel_loop3A_89 {strides = array<i32>} : memref<32x1792xf32, #tpu.memory_space<vmem>>, vector<16xf32>,
        %parallel_loop3A_96 = arith.constant 2 : i32
        %parallel_loop3A_97 = vector.broadcast %parallel_loop3A_96 : i32 to vector<16xi32>
        %parallel_loop3A_98 = arith.addi %parallel_loop3A_43, %parallel_loop3A_97 : vector<16xi32>
        %parallel_loop3A_99 = tpu.vector_load_idx %arg6[%parallel_loop3A_98] : memref<49152xf32, #tpu.memory_space<vmem>>[vector<16xi32>], vector<16xf32>,
        %parallel_loop3A_100 = arith.constant 2 : i32
        %parallel_loop3A_101 = vector.broadcast %parallel_loop3A_100 : i32 to vector<16xi32>
        %parallel_loop3A_102 = arith.addi %parallel_loop3A_49, %parallel_loop3A_101 : vector<16xi32>
        %parallel_loop3A_103 = tpu.vector_load_idx %arg6[%parallel_loop3A_102] : memref<49152xf32, #tpu.memory_space<vmem>>[vector<16xi32>], vector<16xf32>,
        %parallel_loop3A_104 = arith.addf %parallel_loop3A_99, %parallel_loop3A_103 : vector<16xf32>
        %parallel_loop3A_105 = arith.constant 2 : i32
        %parallel_loop3A_106 = vector.broadcast %parallel_loop3A_105 : i32 to vector<16xi32>
        %parallel_loop3A_107 = arith.addi %parallel_loop3A_55, %parallel_loop3A_106 : vector<16xi32>
        %parallel_loop3A_108 = tpu.vector_load_idx %arg6[%parallel_loop3A_107] : memref<49152xf32, #tpu.memory_space<vmem>>[vector<16xi32>], vector<16xf32>,
        %parallel_loop3A_109 = arith.addf %parallel_loop3A_104, %parallel_loop3A_108 : vector<16xf32>
        %parallel_loop3A_110 = arith.constant 16 : i32
        %parallel_loop3A_111 = arith.muli %parallel_loop3A_37, %parallel_loop3A_110 : i32
        %parallel_loop3A_112 = arith.constant 2 : i32
        %parallel_loop3A_113 = arith.index_cast %parallel_loop3A_112 : i32 to index
        %parallel_loop3A_114 = arith.index_cast %parallel_loop3A_111 : i32 to index
        %parallel_loop3A_115 = tpu.vector_load %arg7[%parallel_loop3A_113, %parallel_loop3A_114] {strides = array<i32>} : memref<32x1792xf32, #tpu.memory_space<vmem>>, vector<16xf32>,
        tpu.vector_store %arg7[%parallel_loop3A_113, %parallel_loop3A_114], %parallel_loop3A_109 {strides = array<i32>} : memref<32x1792xf32, #tpu.memory_space<vmem>>, vector<16xf32>,
        %parallel_loop3A_116 = arith.constant 3 : i32
        %parallel_loop3A_117 = vector.broadcast %parallel_loop3A_116 : i32 to vector<16xi32>
        %parallel_loop3A_118 = arith.addi %parallel_loop3A_43, %parallel_loop3A_117 : vector<16xi32>
        %parallel_loop3A_119 = tpu.vector_load_idx %arg6[%parallel_loop3A_118] : memref<49152xf32, #tpu.memory_space<vmem>>[vector<16xi32>], vector<16xf32>,
        %parallel_loop3A_120 = arith.constant 3 : i32
        %parallel_loop3A_121 = vector.broadcast %parallel_loop3A_120 : i32 to vector<16xi32>
        %parallel_loop3A_122 = arith.addi %parallel_loop3A_49, %parallel_loop3A_121 : vector<16xi32>
        %parallel_loop3A_123 = tpu.vector_load_idx %arg6[%parallel_loop3A_122] : memref<49152xf32, #tpu.memory_space<vmem>>[vector<16xi32>], vector<16xf32>,
        %parallel_loop3A_124 = arith.addf %parallel_loop3A_119, %parallel_loop3A_123 : vector<16xf32>
        %parallel_loop3A_125 = arith.constant 3 : i32
        %parallel_loop3A_126 = vector.broadcast %parallel_loop3A_125 : i32 to vector<16xi32>
        %parallel_loop3A_127 = arith.addi %parallel_loop3A_55, %parallel_loop3A_126 : vector<16xi32>
        %parallel_loop3A_128 = tpu.vector_load_idx %arg6[%parallel_loop3A_127] : memref<49152xf32, #tpu.memory_space<vmem>>[vector<16xi32>], vector<16xf32>,
        %parallel_loop3A_129 = arith.addf %parallel_loop3A_124, %parallel_loop3A_128 : vector<16xf32>
        %parallel_loop3A_130 = arith.constant 16 : i32
        %parallel_loop3A_131 = arith.muli %parallel_loop3A_37, %parallel_loop3A_130 : i32
        %parallel_loop3A_132 = arith.constant 3 : i32
        %parallel_loop3A_133 = arith.index_cast %parallel_loop3A_132 : i32 to index
        %parallel_loop3A_134 = arith.index_cast %parallel_loop3A_131 : i32 to index
        %parallel_loop3A_135 = tpu.vector_load %arg7[%parallel_loop3A_133, %parallel_loop3A_134] {strides = array<i32>} : memref<32x1792xf32, #tpu.memory_space<vmem>>, vector<16xf32>,
        tpu.vector_store %arg7[%parallel_loop3A_133, %parallel_loop3A_134], %parallel_loop3A_129 {strides = array<i32>} : memref<32x1792xf32, #tpu.memory_space<vmem>>, vector<16xf32>,
        %parallel_loop3A_136 = arith.constant 4 : i32
        %parallel_loop3A_137 = vector.broadcast %parallel_loop3A_136 : i32 to vector<16xi32>
        %parallel_loop3A_138 = arith.addi %parallel_loop3A_43, %parallel_loop3A_137 : vector<16xi32>
        %parallel_loop3A_139 = tpu.vector_load_idx %arg6[%parallel_loop3A_138] : memref<49152xf32, #tpu.memory_space<vmem>>[vector<16xi32>], vector<16xf32>,
        %parallel_loop3A_140 = arith.constant 4 : i32
        %parallel_loop3A_141 = vector.broadcast %parallel_loop3A_140 : i32 to vector<16xi32>
        %parallel_loop3A_142 = arith.addi %parallel_loop3A_49, %parallel_loop3A_141 : vector<16xi32>
        %parallel_loop3A_143 = tpu.vector_load_idx %arg6[%parallel_loop3A_142] : memref<49152xf32, #tpu.memory_space<vmem>>[vector<16xi32>], vector<16xf32>,
        %parallel_loop3A_144 = arith.addf %parallel_loop3A_139, %parallel_loop3A_143 : vector<16xf32>
        %parallel_loop3A_145 = arith.constant 4 : i32
        %parallel_loop3A_146 = vector.broadcast %parallel_loop3A_145 : i32 to vector<16xi32>
        %parallel_loop3A_147 = arith.addi %parallel_loop3A_55, %parallel_loop3A_146 : vector<16xi32>
        %parallel_loop3A_148 = tpu.vector_load_idx %arg6[%parallel_loop3A_147] : memref<49152xf32, #tpu.memory_space<vmem>>[vector<16xi32>], vector<16xf32>,
        %parallel_loop3A_149 = arith.addf %parallel_loop3A_144, %parallel_loop3A_148 : vector<16xf32>
        %parallel_loop3A_150 = arith.constant 16 : i32
        %parallel_loop3A_151 = arith.muli %parallel_loop3A_37, %parallel_loop3A_150 : i32
        %parallel_loop3A_152 = arith.constant 4 : i32
        %parallel_loop3A_153 = arith.index_cast %parallel_loop3A_152 : i32 to index
        %parallel_loop3A_154 = arith.index_cast %parallel_loop3A_151 : i32 to index
        %parallel_loop3A_155 = tpu.vector_load %arg7[%parallel_loop3A_153, %parallel_loop3A_154] {strides = array<i32>} : memref<32x1792xf32, #tpu.memory_space<vmem>>, vector<16xf32>,
        tpu.vector_store %arg7[%parallel_loop3A_153, %parallel_loop3A_154], %parallel_loop3A_149 {strides = array<i32>} : memref<32x1792xf32, #tpu.memory_space<vmem>>, vector<16xf32>,
        %parallel_loop3A_156 = arith.constant 5 : i32
        %parallel_loop3A_157 = vector.broadcast %parallel_loop3A_156 : i32 to vector<16xi32>
        %parallel_loop3A_158 = arith.addi %parallel_loop3A_43, %parallel_loop3A_157 : vector<16xi32>
        %parallel_loop3A_159 = tpu.vector_load_idx %arg6[%parallel_loop3A_158] : memref<49152xf32, #tpu.memory_space<vmem>>[vector<16xi32>], vector<16xf32>,
        %parallel_loop3A_160 = arith.constant 5 : i32
        %parallel_loop3A_161 = vector.broadcast %parallel_loop3A_160 : i32 to vector<16xi32>
        %parallel_loop3A_162 = arith.addi %parallel_loop3A_49, %parallel_loop3A_161 : vector<16xi32>
        %parallel_loop3A_163 = tpu.vector_load_idx %arg6[%parallel_loop3A_162] : memref<49152xf32, #tpu.memory_space<vmem>>[vector<16xi32>], vector<16xf32>,
        %parallel_loop3A_164 = arith.addf %parallel_loop3A_159, %parallel_loop3A_163 : vector<16xf32>
        %parallel_loop3A_165 = arith.constant 5 : i32
        %parallel_loop3A_166 = vector.broadcast %parallel_loop3A_165 : i32 to vector<16xi32>
        %parallel_loop3A_167 = arith.addi %parallel_loop3A_55, %parallel_loop3A_166 : vector<16xi32>
        %parallel_loop3A_168 = tpu.vector_load_idx %arg6[%parallel_loop3A_167] : memref<49152xf32, #tpu.memory_space<vmem>>[vector<16xi32>], vector<16xf32>,
        %parallel_loop3A_169 = arith.addf %parallel_loop3A_164, %parallel_loop3A_168 : vector<16xf32>
        %parallel_loop3A_170 = arith.constant 16 : i32
        %parallel_loop3A_171 = arith.muli %parallel_loop3A_37, %parallel_loop3A_170 : i32
        %parallel_loop3A_172 = arith.constant 5 : i32
        %parallel_loop3A_173 = arith.index_cast %parallel_loop3A_172 : i32 to index
        %parallel_loop3A_174 = arith.index_cast %parallel_loop3A_171 : i32 to index
        %parallel_loop3A_175 = tpu.vector_load %arg7[%parallel_loop3A_173, %parallel_loop3A_174] {strides = array<i32>} : memref<32x1792xf32, #tpu.memory_space<vmem>>, vector<16xf32>,
        tpu.vector_store %arg7[%parallel_loop3A_173, %parallel_loop3A_174], %parallel_loop3A_169 {strides = array<i32>} : memref<32x1792xf32, #tpu.memory_space<vmem>>, vector<16xf32>,
        %parallel_loop3A_176 = arith.constant 6 : i32
        %parallel_loop3A_177 = vector.broadcast %parallel_loop3A_176 : i32 to vector<16xi32>
        %parallel_loop3A_178 = arith.addi %parallel_loop3A_43, %parallel_loop3A_177 : vector<16xi32>
        %parallel_loop3A_179 = tpu.vector_load_idx %arg6[%parallel_loop3A_178] : memref<49152xf32, #tpu.memory_space<vmem>>[vector<16xi32>], vector<16xf32>,
        %parallel_loop3A_180 = arith.constant 6 : i32
        %parallel_loop3A_181 = vector.broadcast %parallel_loop3A_180 : i32 to vector<16xi32>
        %parallel_loop3A_182 = arith.addi %parallel_loop3A_49, %parallel_loop3A_181 : vector<16xi32>
        %parallel_loop3A_183 = tpu.vector_load_idx %arg6[%parallel_loop3A_182] : memref<49152xf32, #tpu.memory_space<vmem>>[vector<16xi32>], vector<16xf32>,
        %parallel_loop3A_184 = arith.addf %parallel_loop3A_179, %parallel_loop3A_183 : vector<16xf32>
        %parallel_loop3A_185 = arith.constant 6 : i32
        %parallel_loop3A_186 = vector.broadcast %parallel_loop3A_185 : i32 to vector<16xi32>
        %parallel_loop3A_187 = arith.addi %parallel_loop3A_55, %parallel_loop3A_186 : vector<16xi32>
        %parallel_loop3A_188 = tpu.vector_load_idx %arg6[%parallel_loop3A_187] : memref<49152xf32, #tpu.memory_space<vmem>>[vector<16xi32>], vector<16xf32>,
        %parallel_loop3A_189 = arith.addf %parallel_loop3A_184, %parallel_loop3A_188 : vector<16xf32>
        %parallel_loop3A_190 = arith.constant 16 : i32
        %parallel_loop3A_191 = arith.muli %parallel_loop3A_37, %parallel_loop3A_190 : i32
        %parallel_loop3A_192 = arith.constant 6 : i32
        %parallel_loop3A_193 = arith.index_cast %parallel_loop3A_192 : i32 to index
        %parallel_loop3A_194 = arith.index_cast %parallel_loop3A_191 : i32 to index
        %parallel_loop3A_195 = tpu.vector_load %arg7[%parallel_loop3A_193, %parallel_loop3A_194] {strides = array<i32>} : memref<32x1792xf32, #tpu.memory_space<vmem>>, vector<16xf32>,
        tpu.vector_store %arg7[%parallel_loop3A_193, %parallel_loop3A_194], %parallel_loop3A_189 {strides = array<i32>} : memref<32x1792xf32, #tpu.memory_space<vmem>>, vector<16xf32>,
        %parallel_loop3A_196 = arith.constant 7 : i32
        %parallel_loop3A_197 = vector.broadcast %parallel_loop3A_196 : i32 to vector<16xi32>
        %parallel_loop3A_198 = arith.addi %parallel_loop3A_43, %parallel_loop3A_197 : vector<16xi32>
        %parallel_loop3A_199 = tpu.vector_load_idx %arg6[%parallel_loop3A_198] : memref<49152xf32, #tpu.memory_space<vmem>>[vector<16xi32>], vector<16xf32>,
        %parallel_loop3A_200 = arith.constant 7 : i32
        %parallel_loop3A_201 = vector.broadcast %parallel_loop3A_200 : i32 to vector<16xi32>
        %parallel_loop3A_202 = arith.addi %parallel_loop3A_49, %parallel_loop3A_201 : vector<16xi32>
        %parallel_loop3A_203 = tpu.vector_load_idx %arg6[%parallel_loop3A_202] : memref<49152xf32, #tpu.memory_space<vmem>>[vector<16xi32>], vector<16xf32>,
        %parallel_loop3A_204 = arith.addf %parallel_loop3A_199, %parallel_loop3A_203 : vector<16xf32>
        %parallel_loop3A_205 = arith.constant 7 : i32
        %parallel_loop3A_206 = vector.broadcast %parallel_loop3A_205 : i32 to vector<16xi32>
        %parallel_loop3A_207 = arith.addi %parallel_loop3A_55, %parallel_loop3A_206 : vector<16xi32>
        %parallel_loop3A_208 = tpu.vector_load_idx %arg6[%parallel_loop3A_207] : memref<49152xf32, #tpu.memory_space<vmem>>[vector<16xi32>], vector<16xf32>,
        %parallel_loop3A_209 = arith.addf %parallel_loop3A_204, %parallel_loop3A_208 : vector<16xf32>
        %parallel_loop3A_210 = arith.constant 16 : i32
        %parallel_loop3A_211 = arith.muli %parallel_loop3A_37, %parallel_loop3A_210 : i32
        %parallel_loop3A_212 = arith.constant 7 : i32
        %parallel_loop3A_213 = arith.index_cast %parallel_loop3A_212 : i32 to index
        %parallel_loop3A_214 = arith.index_cast %parallel_loop3A_211 : i32 to index
        %parallel_loop3A_215 = tpu.vector_load %arg7[%parallel_loop3A_213, %parallel_loop3A_214] {strides = array<i32>} : memref<32x1792xf32, #tpu.memory_space<vmem>>, vector<16xf32>,
        tpu.vector_store %arg7[%parallel_loop3A_213, %parallel_loop3A_214], %parallel_loop3A_209 {strides = array<i32>} : memref<32x1792xf32, #tpu.memory_space<vmem>>, vector<16xf32>,
        %parallel_loop3A_216 = arith.constant 8 : i32
        %parallel_loop3A_217 = vector.broadcast %parallel_loop3A_216 : i32 to vector<16xi32>
        %parallel_loop3A_218 = arith.addi %parallel_loop3A_43, %parallel_loop3A_217 : vector<16xi32>
        %parallel_loop3A_219 = tpu.vector_load_idx %arg6[%parallel_loop3A_218] : memref<49152xf32, #tpu.memory_space<vmem>>[vector<16xi32>], vector<16xf32>,
        %parallel_loop3A_220 = arith.constant 8 : i32
        %parallel_loop3A_221 = vector.broadcast %parallel_loop3A_220 : i32 to vector<16xi32>
        %parallel_loop3A_222 = arith.addi %parallel_loop3A_49, %parallel_loop3A_221 : vector<16xi32>
        %parallel_loop3A_223 = tpu.vector_load_idx %arg6[%parallel_loop3A_222] : memref<49152xf32, #tpu.memory_space<vmem>>[vector<16xi32>], vector<16xf32>,
        %parallel_loop3A_224 = arith.addf %parallel_loop3A_219, %parallel_loop3A_223 : vector<16xf32>
        %parallel_loop3A_225 = arith.constant 8 : i32
        %parallel_loop3A_226 = vector.broadcast %parallel_loop3A_225 : i32 to vector<16xi32>
        %parallel_loop3A_227 = arith.addi %parallel_loop3A_55, %parallel_loop3A_226 : vector<16xi32>
        %parallel_loop3A_228 = tpu.vector_load_idx %arg6[%parallel_loop3A_227] : memref<49152xf32, #tpu.memory_space<vmem>>[vector<16xi32>], vector<16xf32>,
        %parallel_loop3A_229 = arith.addf %parallel_loop3A_224, %parallel_loop3A_228 : vector<16xf32>
        %parallel_loop3A_230 = arith.constant 16 : i32
        %parallel_loop3A_231 = arith.muli %parallel_loop3A_37, %parallel_loop3A_230 : i32
        %parallel_loop3A_232 = arith.constant 8 : i32
        %parallel_loop3A_233 = arith.index_cast %parallel_loop3A_232 : i32 to index
        %parallel_loop3A_234 = arith.index_cast %parallel_loop3A_231 : i32 to index
        %parallel_loop3A_235 = tpu.vector_load %arg7[%parallel_loop3A_233, %parallel_loop3A_234] {strides = array<i32>} : memref<32x1792xf32, #tpu.memory_space<vmem>>, vector<16xf32>,
        tpu.vector_store %arg7[%parallel_loop3A_233, %parallel_loop3A_234], %parallel_loop3A_229 {strides = array<i32>} : memref<32x1792xf32, #tpu.memory_space<vmem>>, vector<16xf32>,
        %parallel_loop3A_236 = arith.constant 9 : i32
        %parallel_loop3A_237 = vector.broadcast %parallel_loop3A_236 : i32 to vector<16xi32>
        %parallel_loop3A_238 = arith.addi %parallel_loop3A_43, %parallel_loop3A_237 : vector<16xi32>
        %parallel_loop3A_239 = tpu.vector_load_idx %arg6[%parallel_loop3A_238] : memref<49152xf32, #tpu.memory_space<vmem>>[vector<16xi32>], vector<16xf32>,
        %parallel_loop3A_240 = arith.constant 9 : i32
        %parallel_loop3A_241 = vector.broadcast %parallel_loop3A_240 : i32 to vector<16xi32>
        %parallel_loop3A_242 = arith.addi %parallel_loop3A_49, %parallel_loop3A_241 : vector<16xi32>
        %parallel_loop3A_243 = tpu.vector_load_idx %arg6[%parallel_loop3A_242] : memref<49152xf32, #tpu.memory_space<vmem>>[vector<16xi32>], vector<16xf32>,
        %parallel_loop3A_244 = arith.addf %parallel_loop3A_239, %parallel_loop3A_243 : vector<16xf32>
        %parallel_loop3A_245 = arith.constant 9 : i32
        %parallel_loop3A_246 = vector.broadcast %parallel_loop3A_245 : i32 to vector<16xi32>
        %parallel_loop3A_247 = arith.addi %parallel_loop3A_55, %parallel_loop3A_246 : vector<16xi32>
        %parallel_loop3A_248 = tpu.vector_load_idx %arg6[%parallel_loop3A_247] : memref<49152xf32, #tpu.memory_space<vmem>>[vector<16xi32>], vector<16xf32>,
        %parallel_loop3A_249 = arith.addf %parallel_loop3A_244, %parallel_loop3A_248 : vector<16xf32>
        %parallel_loop3A_250 = arith.constant 16 : i32
        %parallel_loop3A_251 = arith.muli %parallel_loop3A_37, %parallel_loop3A_250 : i32
        %parallel_loop3A_252 = arith.constant 9 : i32
        %parallel_loop3A_253 = arith.index_cast %parallel_loop3A_252 : i32 to index
        %parallel_loop3A_254 = arith.index_cast %parallel_loop3A_251 : i32 to index
        %parallel_loop3A_255 = tpu.vector_load %arg7[%parallel_loop3A_253, %parallel_loop3A_254] {strides = array<i32>} : memref<32x1792xf32, #tpu.memory_space<vmem>>, vector<16xf32>,
        tpu.vector_store %arg7[%parallel_loop3A_253, %parallel_loop3A_254], %parallel_loop3A_249 {strides = array<i32>} : memref<32x1792xf32, #tpu.memory_space<vmem>>, vector<16xf32>,
        %parallel_loop3A_256 = arith.constant 10 : i32
        %parallel_loop3A_257 = vector.broadcast %parallel_loop3A_256 : i32 to vector<16xi32>
        %parallel_loop3A_258 = arith.addi %parallel_loop3A_43, %parallel_loop3A_257 : vector<16xi32>
        %parallel_loop3A_259 = tpu.vector_load_idx %arg6[%parallel_loop3A_258] : memref<49152xf32, #tpu.memory_space<vmem>>[vector<16xi32>], vector<16xf32>,
        %parallel_loop3A_260 = arith.constant 10 : i32
        %parallel_loop3A_261 = vector.broadcast %parallel_loop3A_260 : i32 to vector<16xi32>
        %parallel_loop3A_262 = arith.addi %parallel_loop3A_49, %parallel_loop3A_261 : vector<16xi32>
        %parallel_loop3A_263 = tpu.vector_load_idx %arg6[%parallel_loop3A_262] : memref<49152xf32, #tpu.memory_space<vmem>>[vector<16xi32>], vector<16xf32>,
        %parallel_loop3A_264 = arith.addf %parallel_loop3A_259, %parallel_loop3A_263 : vector<16xf32>
        %parallel_loop3A_265 = arith.constant 10 : i32
        %parallel_loop3A_266 = vector.broadcast %parallel_loop3A_265 : i32 to vector<16xi32>
        %parallel_loop3A_267 = arith.addi %parallel_loop3A_55, %parallel_loop3A_266 : vector<16xi32>
        %parallel_loop3A_268 = tpu.vector_load_idx %arg6[%parallel_loop3A_267] : memref<49152xf32, #tpu.memory_space<vmem>>[vector<16xi32>], vector<16xf32>,
        %parallel_loop3A_269 = arith.addf %parallel_loop3A_264, %parallel_loop3A_268 : vector<16xf32>
        %parallel_loop3A_270 = arith.constant 16 : i32
        %parallel_loop3A_271 = arith.muli %parallel_loop3A_37, %parallel_loop3A_270 : i32
        %parallel_loop3A_272 = arith.constant 10 : i32
        %parallel_loop3A_273 = arith.index_cast %parallel_loop3A_272 : i32 to index
        %parallel_loop3A_274 = arith.index_cast %parallel_loop3A_271 : i32 to index
        %parallel_loop3A_275 = tpu.vector_load %arg7[%parallel_loop3A_273, %parallel_loop3A_274] {strides = array<i32>} : memref<32x1792xf32, #tpu.memory_space<vmem>>, vector<16xf32>,
        tpu.vector_store %arg7[%parallel_loop3A_273, %parallel_loop3A_274], %parallel_loop3A_269 {strides = array<i32>} : memref<32x1792xf32, #tpu.memory_space<vmem>>, vector<16xf32>,
        %parallel_loop3A_276 = arith.constant 11 : i32
        %parallel_loop3A_277 = vector.broadcast %parallel_loop3A_276 : i32 to vector<16xi32>
        %parallel_loop3A_278 = arith.addi %parallel_loop3A_43, %parallel_loop3A_277 : vector<16xi32>
        %parallel_loop3A_279 = tpu.vector_load_idx %arg6[%parallel_loop3A_278] : memref<49152xf32, #tpu.memory_space<vmem>>[vector<16xi32>], vector<16xf32>,
        %parallel_loop3A_280 = arith.constant 11 : i32
        %parallel_loop3A_281 = vector.broadcast %parallel_loop3A_280 : i32 to vector<16xi32>
        %parallel_loop3A_282 = arith.addi %parallel_loop3A_49, %parallel_loop3A_281 : vector<16xi32>
        %parallel_loop3A_283 = tpu.vector_load_idx %arg6[%parallel_loop3A_282] : memref<49152xf32, #tpu.memory_space<vmem>>[vector<16xi32>], vector<16xf32>,
        %parallel_loop3A_284 = arith.addf %parallel_loop3A_279, %parallel_loop3A_283 : vector<16xf32>
        %parallel_loop3A_285 = arith.constant 11 : i32
        %parallel_loop3A_286 = vector.broadcast %parallel_loop3A_285 : i32 to vector<16xi32>
        %parallel_loop3A_287 = arith.addi %parallel_loop3A_55, %parallel_loop3A_286 : vector<16xi32>
        %parallel_loop3A_288 = tpu.vector_load_idx %arg6[%parallel_loop3A_287] : memref<49152xf32, #tpu.memory_space<vmem>>[vector<16xi32>], vector<16xf32>,
        %parallel_loop3A_289 = arith.addf %parallel_loop3A_284, %parallel_loop3A_288 : vector<16xf32>
        %parallel_loop3A_290 = arith.constant 16 : i32
        %parallel_loop3A_291 = arith.muli %parallel_loop3A_37, %parallel_loop3A_290 : i32
        %parallel_loop3A_292 = arith.constant 11 : i32
        %parallel_loop3A_293 = arith.index_cast %parallel_loop3A_292 : i32 to index
        %parallel_loop3A_294 = arith.index_cast %parallel_loop3A_291 : i32 to index
        %parallel_loop3A_295 = tpu.vector_load %arg7[%parallel_loop3A_293, %parallel_loop3A_294] {strides = array<i32>} : memref<32x1792xf32, #tpu.memory_space<vmem>>, vector<16xf32>,
        tpu.vector_store %arg7[%parallel_loop3A_293, %parallel_loop3A_294], %parallel_loop3A_289 {strides = array<i32>} : memref<32x1792xf32, #tpu.memory_space<vmem>>, vector<16xf32>,
        %parallel_loop3A_296 = arith.constant 12 : i32
        %parallel_loop3A_297 = vector.broadcast %parallel_loop3A_296 : i32 to vector<16xi32>
        %parallel_loop3A_298 = arith.addi %parallel_loop3A_43, %parallel_loop3A_297 : vector<16xi32>
        %parallel_loop3A_299 = tpu.vector_load_idx %arg6[%parallel_loop3A_298] : memref<49152xf32, #tpu.memory_space<vmem>>[vector<16xi32>], vector<16xf32>,
        %parallel_loop3A_300 = arith.constant 12 : i32
        %parallel_loop3A_301 = vector.broadcast %parallel_loop3A_300 : i32 to vector<16xi32>
        %parallel_loop3A_302 = arith.addi %parallel_loop3A_49, %parallel_loop3A_301 : vector<16xi32>
        %parallel_loop3A_303 = tpu.vector_load_idx %arg6[%parallel_loop3A_302] : memref<49152xf32, #tpu.memory_space<vmem>>[vector<16xi32>], vector<16xf32>,
        %parallel_loop3A_304 = arith.addf %parallel_loop3A_299, %parallel_loop3A_303 : vector<16xf32>
        %parallel_loop3A_305 = arith.constant 12 : i32
        %parallel_loop3A_306 = vector.broadcast %parallel_loop3A_305 : i32 to vector<16xi32>
        %parallel_loop3A_307 = arith.addi %parallel_loop3A_55, %parallel_loop3A_306 : vector<16xi32>
        %parallel_loop3A_308 = tpu.vector_load_idx %arg6[%parallel_loop3A_307] : memref<49152xf32, #tpu.memory_space<vmem>>[vector<16xi32>], vector<16xf32>,
        %parallel_loop3A_309 = arith.addf %parallel_loop3A_304, %parallel_loop3A_308 : vector<16xf32>
        %parallel_loop3A_310 = arith.constant 16 : i32
        %parallel_loop3A_311 = arith.muli %parallel_loop3A_37, %parallel_loop3A_310 : i32
        %parallel_loop3A_312 = arith.constant 12 : i32
        %parallel_loop3A_313 = arith.index_cast %parallel_loop3A_312 : i32 to index
        %parallel_loop3A_314 = arith.index_cast %parallel_loop3A_311 : i32 to index
        %parallel_loop3A_315 = tpu.vector_load %arg7[%parallel_loop3A_313, %parallel_loop3A_314] {strides = array<i32>} : memref<32x1792xf32, #tpu.memory_space<vmem>>, vector<16xf32>,
        tpu.vector_store %arg7[%parallel_loop3A_313, %parallel_loop3A_314], %parallel_loop3A_309 {strides = array<i32>} : memref<32x1792xf32, #tpu.memory_space<vmem>>, vector<16xf32>,
        %parallel_loop3A_316 = arith.constant 13 : i32
        %parallel_loop3A_317 = vector.broadcast %parallel_loop3A_316 : i32 to vector<16xi32>
        %parallel_loop3A_318 = arith.addi %parallel_loop3A_43, %parallel_loop3A_317 : vector<16xi32>
        %parallel_loop3A_319 = tpu.vector_load_idx %arg6[%parallel_loop3A_318] : memref<49152xf32, #tpu.memory_space<vmem>>[vector<16xi32>], vector<16xf32>,
        %parallel_loop3A_320 = arith.constant 13 : i32
        %parallel_loop3A_321 = vector.broadcast %parallel_loop3A_320 : i32 to vector<16xi32>
        %parallel_loop3A_322 = arith.addi %parallel_loop3A_49, %parallel_loop3A_321 : vector<16xi32>
        %parallel_loop3A_323 = tpu.vector_load_idx %arg6[%parallel_loop3A_322] : memref<49152xf32, #tpu.memory_space<vmem>>[vector<16xi32>], vector<16xf32>,
        %parallel_loop3A_324 = arith.addf %parallel_loop3A_319, %parallel_loop3A_323 : vector<16xf32>
        %parallel_loop3A_325 = arith.constant 13 : i32
        %parallel_loop3A_326 = vector.broadcast %parallel_loop3A_325 : i32 to vector<16xi32>
        %parallel_loop3A_327 = arith.addi %parallel_loop3A_55, %parallel_loop3A_326 : vector<16xi32>
        %parallel_loop3A_328 = tpu.vector_load_idx %arg6[%parallel_loop3A_327] : memref<49152xf32, #tpu.memory_space<vmem>>[vector<16xi32>], vector<16xf32>,
        %parallel_loop3A_329 = arith.addf %parallel_loop3A_324, %parallel_loop3A_328 : vector<16xf32>
        %parallel_loop3A_330 = arith.constant 16 : i32
        %parallel_loop3A_331 = arith.muli %parallel_loop3A_37, %parallel_loop3A_330 : i32
        %parallel_loop3A_332 = arith.constant 13 : i32
        %parallel_loop3A_333 = arith.index_cast %parallel_loop3A_332 : i32 to index
        %parallel_loop3A_334 = arith.index_cast %parallel_loop3A_331 : i32 to index
        %parallel_loop3A_335 = tpu.vector_load %arg7[%parallel_loop3A_333, %parallel_loop3A_334] {strides = array<i32>} : memref<32x1792xf32, #tpu.memory_space<vmem>>, vector<16xf32>,
        tpu.vector_store %arg7[%parallel_loop3A_333, %parallel_loop3A_334], %parallel_loop3A_329 {strides = array<i32>} : memref<32x1792xf32, #tpu.memory_space<vmem>>, vector<16xf32>,
        %parallel_loop3A_336 = arith.constant 14 : i32
        %parallel_loop3A_337 = vector.broadcast %parallel_loop3A_336 : i32 to vector<16xi32>
        %parallel_loop3A_338 = arith.addi %parallel_loop3A_43, %parallel_loop3A_337 : vector<16xi32>
        %parallel_loop3A_339 = tpu.vector_load_idx %arg6[%parallel_loop3A_338] : memref<49152xf32, #tpu.memory_space<vmem>>[vector<16xi32>], vector<16xf32>,
        %parallel_loop3A_340 = arith.constant 14 : i32
        %parallel_loop3A_341 = vector.broadcast %parallel_loop3A_340 : i32 to vector<16xi32>
        %parallel_loop3A_342 = arith.addi %parallel_loop3A_49, %parallel_loop3A_341 : vector<16xi32>
        %parallel_loop3A_343 = tpu.vector_load_idx %arg6[%parallel_loop3A_342] : memref<49152xf32, #tpu.memory_space<vmem>>[vector<16xi32>], vector<16xf32>,
        %parallel_loop3A_344 = arith.addf %parallel_loop3A_339, %parallel_loop3A_343 : vector<16xf32>
        %parallel_loop3A_345 = arith.constant 14 : i32
        %parallel_loop3A_346 = vector.broadcast %parallel_loop3A_345 : i32 to vector<16xi32>
        %parallel_loop3A_347 = arith.addi %parallel_loop3A_55, %parallel_loop3A_346 : vector<16xi32>
        %parallel_loop3A_348 = tpu.vector_load_idx %arg6[%parallel_loop3A_347] : memref<49152xf32, #tpu.memory_space<vmem>>[vector<16xi32>], vector<16xf32>,
        %parallel_loop3A_349 = arith.addf %parallel_loop3A_344, %parallel_loop3A_348 : vector<16xf32>
        %parallel_loop3A_350 = arith.constant 16 : i32
        %parallel_loop3A_351 = arith.muli %parallel_loop3A_37, %parallel_loop3A_350 : i32
        %parallel_loop3A_352 = arith.constant 14 : i32
        %parallel_loop3A_353 = arith.index_cast %parallel_loop3A_352 : i32 to index
        %parallel_loop3A_354 = arith.index_cast %parallel_loop3A_351 : i32 to index
        %parallel_loop3A_355 = tpu.vector_load %arg7[%parallel_loop3A_353, %parallel_loop3A_354] {strides = array<i32>} : memref<32x1792xf32, #tpu.memory_space<vmem>>, vector<16xf32>,
        tpu.vector_store %arg7[%parallel_loop3A_353, %parallel_loop3A_354], %parallel_loop3A_349 {strides = array<i32>} : memref<32x1792xf32, #tpu.memory_space<vmem>>, vector<16xf32>,
        %parallel_loop3A_356 = arith.constant 15 : i32
        %parallel_loop3A_357 = vector.broadcast %parallel_loop3A_356 : i32 to vector<16xi32>
        %parallel_loop3A_358 = arith.addi %parallel_loop3A_43, %parallel_loop3A_357 : vector<16xi32>
        %parallel_loop3A_359 = tpu.vector_load_idx %arg6[%parallel_loop3A_358] : memref<49152xf32, #tpu.memory_space<vmem>>[vector<16xi32>], vector<16xf32>,
        %parallel_loop3A_360 = arith.constant 15 : i32
        %parallel_loop3A_361 = vector.broadcast %parallel_loop3A_360 : i32 to vector<16xi32>
        %parallel_loop3A_362 = arith.addi %parallel_loop3A_49, %parallel_loop3A_361 : vector<16xi32>
        %parallel_loop3A_363 = tpu.vector_load_idx %arg6[%parallel_loop3A_362] : memref<49152xf32, #tpu.memory_space<vmem>>[vector<16xi32>], vector<16xf32>,
        %parallel_loop3A_364 = arith.addf %parallel_loop3A_359, %parallel_loop3A_363 : vector<16xf32>
        %parallel_loop3A_365 = arith.constant 15 : i32
        %parallel_loop3A_366 = vector.broadcast %parallel_loop3A_365 : i32 to vector<16xi32>
        %parallel_loop3A_367 = arith.addi %parallel_loop3A_55, %parallel_loop3A_366 : vector<16xi32>
        %parallel_loop3A_368 = tpu.vector_load_idx %arg6[%parallel_loop3A_367] : memref<49152xf32, #tpu.memory_space<vmem>>[vector<16xi32>], vector<16xf32>,
        %parallel_loop3A_369 = arith.addf %parallel_loop3A_364, %parallel_loop3A_368 : vector<16xf32>
        %parallel_loop3A_370 = arith.constant 16 : i32
        %parallel_loop3A_371 = arith.muli %parallel_loop3A_37, %parallel_loop3A_370 : i32
        %parallel_loop3A_372 = arith.constant 15 : i32
        %parallel_loop3A_373 = arith.index_cast %parallel_loop3A_372 : i32 to index
        %parallel_loop3A_374 = arith.index_cast %parallel_loop3A_371 : i32 to index
        %parallel_loop3A_375 = tpu.vector_load %arg7[%parallel_loop3A_373, %parallel_loop3A_374] {strides = array<i32>} : memref<32x1792xf32, #tpu.memory_space<vmem>>, vector<16xf32>,
        tpu.vector_store %arg7[%parallel_loop3A_373, %parallel_loop3A_374], %parallel_loop3A_369 {strides = array<i32>} : memref<32x1792xf32, #tpu.memory_space<vmem>>, vector<16xf32>,
        %parallel_loop3A_376 = arith.constant 16 : i32
        %parallel_loop3A_377 = vector.broadcast %parallel_loop3A_376 : i32 to vector<16xi32>
        %parallel_loop3A_378 = arith.addi %parallel_loop3A_43, %parallel_loop3A_377 : vector<16xi32>
        %parallel_loop3A_379 = tpu.vector_load_idx %arg6[%parallel_loop3A_378] : memref<49152xf32, #tpu.memory_space<vmem>>[vector<16xi32>], vector<16xf32>,
        %parallel_loop3A_380 = arith.constant 16 : i32
        %parallel_loop3A_381 = vector.broadcast %parallel_loop3A_380 : i32 to vector<16xi32>
        %parallel_loop3A_382 = arith.addi %parallel_loop3A_49, %parallel_loop3A_381 : vector<16xi32>
        %parallel_loop3A_383 = tpu.vector_load_idx %arg6[%parallel_loop3A_382] : memref<49152xf32, #tpu.memory_space<vmem>>[vector<16xi32>], vector<16xf32>,
        %parallel_loop3A_384 = arith.addf %parallel_loop3A_379, %parallel_loop3A_383 : vector<16xf32>
        %parallel_loop3A_385 = arith.constant 16 : i32
        %parallel_loop3A_386 = vector.broadcast %parallel_loop3A_385 : i32 to vector<16xi32>
        %parallel_loop3A_387 = arith.addi %parallel_loop3A_55, %parallel_loop3A_386 : vector<16xi32>
        %parallel_loop3A_388 = tpu.vector_load_idx %arg6[%parallel_loop3A_387] : memref<49152xf32, #tpu.memory_space<vmem>>[vector<16xi32>], vector<16xf32>,
        %parallel_loop3A_389 = arith.addf %parallel_loop3A_384, %parallel_loop3A_388 : vector<16xf32>
        %parallel_loop3A_390 = arith.constant 16 : i32
        %parallel_loop3A_391 = arith.muli %parallel_loop3A_37, %parallel_loop3A_390 : i32
        %parallel_loop3A_392 = arith.constant 16 : i32
        %parallel_loop3A_393 = arith.index_cast %parallel_loop3A_392 : i32 to index
        %parallel_loop3A_394 = arith.index_cast %parallel_loop3A_391 : i32 to index
        %parallel_loop3A_395 = tpu.vector_load %arg7[%parallel_loop3A_393, %parallel_loop3A_394] {strides = array<i32>} : memref<32x1792xf32, #tpu.memory_space<vmem>>, vector<16xf32>,
        tpu.vector_store %arg7[%parallel_loop3A_393, %parallel_loop3A_394], %parallel_loop3A_389 {strides = array<i32>} : memref<32x1792xf32, #tpu.memory_space<vmem>>, vector<16xf32>,
        %parallel_loop3A_396 = arith.constant 17 : i32
        %parallel_loop3A_397 = vector.broadcast %parallel_loop3A_396 : i32 to vector<16xi32>
        %parallel_loop3A_398 = arith.addi %parallel_loop3A_43, %parallel_loop3A_397 : vector<16xi32>
        %parallel_loop3A_399 = tpu.vector_load_idx %arg6[%parallel_loop3A_398] : memref<49152xf32, #tpu.memory_space<vmem>>[vector<16xi32>], vector<16xf32>,
        %parallel_loop3A_400 = arith.constant 17 : i32
        %parallel_loop3A_401 = vector.broadcast %parallel_loop3A_400 : i32 to vector<16xi32>
        %parallel_loop3A_402 = arith.addi %parallel_loop3A_49, %parallel_loop3A_401 : vector<16xi32>
        %parallel_loop3A_403 = tpu.vector_load_idx %arg6[%parallel_loop3A_402] : memref<49152xf32, #tpu.memory_space<vmem>>[vector<16xi32>], vector<16xf32>,
        %parallel_loop3A_404 = arith.addf %parallel_loop3A_399, %parallel_loop3A_403 : vector<16xf32>
        %parallel_loop3A_405 = arith.constant 17 : i32
        %parallel_loop3A_406 = vector.broadcast %parallel_loop3A_405 : i32 to vector<16xi32>
        %parallel_loop3A_407 = arith.addi %parallel_loop3A_55, %parallel_loop3A_406 : vector<16xi32>
        %parallel_loop3A_408 = tpu.vector_load_idx %arg6[%parallel_loop3A_407] : memref<49152xf32, #tpu.memory_space<vmem>>[vector<16xi32>], vector<16xf32>,
        %parallel_loop3A_409 = arith.addf %parallel_loop3A_404, %parallel_loop3A_408 : vector<16xf32>
        %parallel_loop3A_410 = arith.constant 16 : i32
        %parallel_loop3A_411 = arith.muli %parallel_loop3A_37, %parallel_loop3A_410 : i32
        %parallel_loop3A_412 = arith.constant 17 : i32
        %parallel_loop3A_413 = arith.index_cast %parallel_loop3A_412 : i32 to index
        %parallel_loop3A_414 = arith.index_cast %parallel_loop3A_411 : i32 to index
        %parallel_loop3A_415 = tpu.vector_load %arg7[%parallel_loop3A_413, %parallel_loop3A_414] {strides = array<i32>} : memref<32x1792xf32, #tpu.memory_space<vmem>>, vector<16xf32>,
        tpu.vector_store %arg7[%parallel_loop3A_413, %parallel_loop3A_414], %parallel_loop3A_409 {strides = array<i32>} : memref<32x1792xf32, #tpu.memory_space<vmem>>, vector<16xf32>,
        %parallel_loop3A_416 = arith.constant 18 : i32
        %parallel_loop3A_417 = vector.broadcast %parallel_loop3A_416 : i32 to vector<16xi32>
        %parallel_loop3A_418 = arith.addi %parallel_loop3A_43, %parallel_loop3A_417 : vector<16xi32>
        %parallel_loop3A_419 = tpu.vector_load_idx %arg6[%parallel_loop3A_418] : memref<49152xf32, #tpu.memory_space<vmem>>[vector<16xi32>], vector<16xf32>,
        %parallel_loop3A_420 = arith.constant 18 : i32
        %parallel_loop3A_421 = vector.broadcast %parallel_loop3A_420 : i32 to vector<16xi32>
        %parallel_loop3A_422 = arith.addi %parallel_loop3A_49, %parallel_loop3A_421 : vector<16xi32>
        %parallel_loop3A_423 = tpu.vector_load_idx %arg6[%parallel_loop3A_422] : memref<49152xf32, #tpu.memory_space<vmem>>[vector<16xi32>], vector<16xf32>,
        %parallel_loop3A_424 = arith.addf %parallel_loop3A_419, %parallel_loop3A_423 : vector<16xf32>
        %parallel_loop3A_425 = arith.constant 18 : i32
        %parallel_loop3A_426 = vector.broadcast %parallel_loop3A_425 : i32 to vector<16xi32>
        %parallel_loop3A_427 = arith.addi %parallel_loop3A_55, %parallel_loop3A_426 : vector<16xi32>
        %parallel_loop3A_428 = tpu.vector_load_idx %arg6[%parallel_loop3A_427] : memref<49152xf32, #tpu.memory_space<vmem>>[vector<16xi32>], vector<16xf32>,
        %parallel_loop3A_429 = arith.addf %parallel_loop3A_424, %parallel_loop3A_428 : vector<16xf32>
        %parallel_loop3A_430 = arith.constant 16 : i32
        %parallel_loop3A_431 = arith.muli %parallel_loop3A_37, %parallel_loop3A_430 : i32
        %parallel_loop3A_432 = arith.constant 18 : i32
        %parallel_loop3A_433 = arith.index_cast %parallel_loop3A_432 : i32 to index
        %parallel_loop3A_434 = arith.index_cast %parallel_loop3A_431 : i32 to index
        %parallel_loop3A_435 = tpu.vector_load %arg7[%parallel_loop3A_433, %parallel_loop3A_434] {strides = array<i32>} : memref<32x1792xf32, #tpu.memory_space<vmem>>, vector<16xf32>,
        tpu.vector_store %arg7[%parallel_loop3A_433, %parallel_loop3A_434], %parallel_loop3A_429 {strides = array<i32>} : memref<32x1792xf32, #tpu.memory_space<vmem>>, vector<16xf32>,
        %parallel_loop3A_436 = arith.constant 19 : i32
        %parallel_loop3A_437 = vector.broadcast %parallel_loop3A_436 : i32 to vector<16xi32>
        %parallel_loop3A_438 = arith.addi %parallel_loop3A_43, %parallel_loop3A_437 : vector<16xi32>
        %parallel_loop3A_439 = tpu.vector_load_idx %arg6[%parallel_loop3A_438] : memref<49152xf32, #tpu.memory_space<vmem>>[vector<16xi32>], vector<16xf32>,
        %parallel_loop3A_440 = arith.constant 19 : i32
        %parallel_loop3A_441 = vector.broadcast %parallel_loop3A_440 : i32 to vector<16xi32>
        %parallel_loop3A_442 = arith.addi %parallel_loop3A_49, %parallel_loop3A_441 : vector<16xi32>
        %parallel_loop3A_443 = tpu.vector_load_idx %arg6[%parallel_loop3A_442] : memref<49152xf32, #tpu.memory_space<vmem>>[vector<16xi32>], vector<16xf32>,
        %parallel_loop3A_444 = arith.addf %parallel_loop3A_439, %parallel_loop3A_443 : vector<16xf32>
        %parallel_loop3A_445 = arith.constant 19 : i32
        %parallel_loop3A_446 = vector.broadcast %parallel_loop3A_445 : i32 to vector<16xi32>
        %parallel_loop3A_447 = arith.addi %parallel_loop3A_55, %parallel_loop3A_446 : vector<16xi32>
        %parallel_loop3A_448 = tpu.vector_load_idx %arg6[%parallel_loop3A_447] : memref<49152xf32, #tpu.memory_space<vmem>>[vector<16xi32>], vector<16xf32>,
        %parallel_loop3A_449 = arith.addf %parallel_loop3A_444, %parallel_loop3A_448 : vector<16xf32>
        %parallel_loop3A_450 = arith.constant 16 : i32
        %parallel_loop3A_451 = arith.muli %parallel_loop3A_37, %parallel_loop3A_450 : i32
        %parallel_loop3A_452 = arith.constant 19 : i32
        %parallel_loop3A_453 = arith.index_cast %parallel_loop3A_452 : i32 to index
        %parallel_loop3A_454 = arith.index_cast %parallel_loop3A_451 : i32 to index
        %parallel_loop3A_455 = tpu.vector_load %arg7[%parallel_loop3A_453, %parallel_loop3A_454] {strides = array<i32>} : memref<32x1792xf32, #tpu.memory_space<vmem>>, vector<16xf32>,
        tpu.vector_store %arg7[%parallel_loop3A_453, %parallel_loop3A_454], %parallel_loop3A_449 {strides = array<i32>} : memref<32x1792xf32, #tpu.memory_space<vmem>>, vector<16xf32>,
        %parallel_loop3A_456 = arith.constant 20 : i32
        %parallel_loop3A_457 = vector.broadcast %parallel_loop3A_456 : i32 to vector<16xi32>
        %parallel_loop3A_458 = arith.addi %parallel_loop3A_43, %parallel_loop3A_457 : vector<16xi32>
        %parallel_loop3A_459 = tpu.vector_load_idx %arg6[%parallel_loop3A_458] : memref<49152xf32, #tpu.memory_space<vmem>>[vector<16xi32>], vector<16xf32>,
        %parallel_loop3A_460 = arith.constant 20 : i32
        %parallel_loop3A_461 = vector.broadcast %parallel_loop3A_460 : i32 to vector<16xi32>
        %parallel_loop3A_462 = arith.addi %parallel_loop3A_49, %parallel_loop3A_461 : vector<16xi32>
        %parallel_loop3A_463 = tpu.vector_load_idx %arg6[%parallel_loop3A_462] : memref<49152xf32, #tpu.memory_space<vmem>>[vector<16xi32>], vector<16xf32>,
        %parallel_loop3A_464 = arith.addf %parallel_loop3A_459, %parallel_loop3A_463 : vector<16xf32>
        %parallel_loop3A_465 = arith.constant 20 : i32
        %parallel_loop3A_466 = vector.broadcast %parallel_loop3A_465 : i32 to vector<16xi32>
        %parallel_loop3A_467 = arith.addi %parallel_loop3A_55, %parallel_loop3A_466 : vector<16xi32>
        %parallel_loop3A_468 = tpu.vector_load_idx %arg6[%parallel_loop3A_467] : memref<49152xf32, #tpu.memory_space<vmem>>[vector<16xi32>], vector<16xf32>,
        %parallel_loop3A_469 = arith.addf %parallel_loop3A_464, %parallel_loop3A_468 : vector<16xf32>
        %parallel_loop3A_470 = arith.constant 16 : i32
        %parallel_loop3A_471 = arith.muli %parallel_loop3A_37, %parallel_loop3A_470 : i32
        %parallel_loop3A_472 = arith.constant 20 : i32
        %parallel_loop3A_473 = arith.index_cast %parallel_loop3A_472 : i32 to index
        %parallel_loop3A_474 = arith.index_cast %parallel_loop3A_471 : i32 to index
        %parallel_loop3A_475 = tpu.vector_load %arg7[%parallel_loop3A_473, %parallel_loop3A_474] {strides = array<i32>} : memref<32x1792xf32, #tpu.memory_space<vmem>>, vector<16xf32>,
        tpu.vector_store %arg7[%parallel_loop3A_473, %parallel_loop3A_474], %parallel_loop3A_469 {strides = array<i32>} : memref<32x1792xf32, #tpu.memory_space<vmem>>, vector<16xf32>,
        %parallel_loop3A_476 = arith.constant 21 : i32
        %parallel_loop3A_477 = vector.broadcast %parallel_loop3A_476 : i32 to vector<16xi32>
        %parallel_loop3A_478 = arith.addi %parallel_loop3A_43, %parallel_loop3A_477 : vector<16xi32>
        %parallel_loop3A_479 = tpu.vector_load_idx %arg6[%parallel_loop3A_478] : memref<49152xf32, #tpu.memory_space<vmem>>[vector<16xi32>], vector<16xf32>,
        %parallel_loop3A_480 = arith.constant 21 : i32
        %parallel_loop3A_481 = vector.broadcast %parallel_loop3A_480 : i32 to vector<16xi32>
        %parallel_loop3A_482 = arith.addi %parallel_loop3A_49, %parallel_loop3A_481 : vector<16xi32>
        %parallel_loop3A_483 = tpu.vector_load_idx %arg6[%parallel_loop3A_482] : memref<49152xf32, #tpu.memory_space<vmem>>[vector<16xi32>], vector<16xf32>,
        %parallel_loop3A_484 = arith.addf %parallel_loop3A_479, %parallel_loop3A_483 : vector<16xf32>
        %parallel_loop3A_485 = arith.constant 21 : i32
        %parallel_loop3A_486 = vector.broadcast %parallel_loop3A_485 : i32 to vector<16xi32>
        %parallel_loop3A_487 = arith.addi %parallel_loop3A_55, %parallel_loop3A_486 : vector<16xi32>
        %parallel_loop3A_488 = tpu.vector_load_idx %arg6[%parallel_loop3A_487] : memref<49152xf32, #tpu.memory_space<vmem>>[vector<16xi32>], vector<16xf32>,
        %parallel_loop3A_489 = arith.addf %parallel_loop3A_484, %parallel_loop3A_488 : vector<16xf32>
        %parallel_loop3A_490 = arith.constant 16 : i32
        %parallel_loop3A_491 = arith.muli %parallel_loop3A_37, %parallel_loop3A_490 : i32
        %parallel_loop3A_492 = arith.constant 21 : i32
        %parallel_loop3A_493 = arith.index_cast %parallel_loop3A_492 : i32 to index
        %parallel_loop3A_494 = arith.index_cast %parallel_loop3A_491 : i32 to index
        %parallel_loop3A_495 = tpu.vector_load %arg7[%parallel_loop3A_493, %parallel_loop3A_494] {strides = array<i32>} : memref<32x1792xf32, #tpu.memory_space<vmem>>, vector<16xf32>,
        tpu.vector_store %arg7[%parallel_loop3A_493, %parallel_loop3A_494], %parallel_loop3A_489 {strides = array<i32>} : memref<32x1792xf32, #tpu.memory_space<vmem>>, vector<16xf32>,
        %parallel_loop3A_496 = arith.constant 22 : i32
        %parallel_loop3A_497 = vector.broadcast %parallel_loop3A_496 : i32 to vector<16xi32>
        %parallel_loop3A_498 = arith.addi %parallel_loop3A_43, %parallel_loop3A_497 : vector<16xi32>
        %parallel_loop3A_499 = tpu.vector_load_idx %arg6[%parallel_loop3A_498] : memref<49152xf32, #tpu.memory_space<vmem>>[vector<16xi32>], vector<16xf32>,
        %parallel_loop3A_500 = arith.constant 22 : i32
        %parallel_loop3A_501 = vector.broadcast %parallel_loop3A_500 : i32 to vector<16xi32>
        %parallel_loop3A_502 = arith.addi %parallel_loop3A_49, %parallel_loop3A_501 : vector<16xi32>
        %parallel_loop3A_503 = tpu.vector_load_idx %arg6[%parallel_loop3A_502] : memref<49152xf32, #tpu.memory_space<vmem>>[vector<16xi32>], vector<16xf32>,
        %parallel_loop3A_504 = arith.addf %parallel_loop3A_499, %parallel_loop3A_503 : vector<16xf32>
        %parallel_loop3A_505 = arith.constant 22 : i32
        %parallel_loop3A_506 = vector.broadcast %parallel_loop3A_505 : i32 to vector<16xi32>
        %parallel_loop3A_507 = arith.addi %parallel_loop3A_55, %parallel_loop3A_506 : vector<16xi32>
        %parallel_loop3A_508 = tpu.vector_load_idx %arg6[%parallel_loop3A_507] : memref<49152xf32, #tpu.memory_space<vmem>>[vector<16xi32>], vector<16xf32>,
        %parallel_loop3A_509 = arith.addf %parallel_loop3A_504, %parallel_loop3A_508 : vector<16xf32>
        %parallel_loop3A_510 = arith.constant 16 : i32
        %parallel_loop3A_511 = arith.muli %parallel_loop3A_37, %parallel_loop3A_510 : i32
        %parallel_loop3A_512 = arith.constant 22 : i32
        %parallel_loop3A_513 = arith.index_cast %parallel_loop3A_512 : i32 to index
        %parallel_loop3A_514 = arith.index_cast %parallel_loop3A_511 : i32 to index
        %parallel_loop3A_515 = tpu.vector_load %arg7[%parallel_loop3A_513, %parallel_loop3A_514] {strides = array<i32>} : memref<32x1792xf32, #tpu.memory_space<vmem>>, vector<16xf32>,
        tpu.vector_store %arg7[%parallel_loop3A_513, %parallel_loop3A_514], %parallel_loop3A_509 {strides = array<i32>} : memref<32x1792xf32, #tpu.memory_space<vmem>>, vector<16xf32>,
        %parallel_loop3A_516 = arith.constant 23 : i32
        %parallel_loop3A_517 = vector.broadcast %parallel_loop3A_516 : i32 to vector<16xi32>
        %parallel_loop3A_518 = arith.addi %parallel_loop3A_43, %parallel_loop3A_517 : vector<16xi32>
        %parallel_loop3A_519 = tpu.vector_load_idx %arg6[%parallel_loop3A_518] : memref<49152xf32, #tpu.memory_space<vmem>>[vector<16xi32>], vector<16xf32>,
        %parallel_loop3A_520 = arith.constant 23 : i32
        %parallel_loop3A_521 = vector.broadcast %parallel_loop3A_520 : i32 to vector<16xi32>
        %parallel_loop3A_522 = arith.addi %parallel_loop3A_49, %parallel_loop3A_521 : vector<16xi32>
        %parallel_loop3A_523 = tpu.vector_load_idx %arg6[%parallel_loop3A_522] : memref<49152xf32, #tpu.memory_space<vmem>>[vector<16xi32>], vector<16xf32>,
        %parallel_loop3A_524 = arith.addf %parallel_loop3A_519, %parallel_loop3A_523 : vector<16xf32>
        %parallel_loop3A_525 = arith.constant 23 : i32
        %parallel_loop3A_526 = vector.broadcast %parallel_loop3A_525 : i32 to vector<16xi32>
        %parallel_loop3A_527 = arith.addi %parallel_loop3A_55, %parallel_loop3A_526 : vector<16xi32>
        %parallel_loop3A_528 = tpu.vector_load_idx %arg6[%parallel_loop3A_527] : memref<49152xf32, #tpu.memory_space<vmem>>[vector<16xi32>], vector<16xf32>,
        %parallel_loop3A_529 = arith.addf %parallel_loop3A_524, %parallel_loop3A_528 : vector<16xf32>
        %parallel_loop3A_530 = arith.constant 16 : i32
        %parallel_loop3A_531 = arith.muli %parallel_loop3A_37, %parallel_loop3A_530 : i32
        %parallel_loop3A_532 = arith.constant 23 : i32
        %parallel_loop3A_533 = arith.index_cast %parallel_loop3A_532 : i32 to index
        %parallel_loop3A_534 = arith.index_cast %parallel_loop3A_531 : i32 to index
        %parallel_loop3A_535 = tpu.vector_load %arg7[%parallel_loop3A_533, %parallel_loop3A_534] {strides = array<i32>} : memref<32x1792xf32, #tpu.memory_space<vmem>>, vector<16xf32>,
        tpu.vector_store %arg7[%parallel_loop3A_533, %parallel_loop3A_534], %parallel_loop3A_529 {strides = array<i32>} : memref<32x1792xf32, #tpu.memory_space<vmem>>, vector<16xf32>,
        %parallel_loop3A_536 = arith.constant 24 : i32
        %parallel_loop3A_537 = vector.broadcast %parallel_loop3A_536 : i32 to vector<16xi32>
        %parallel_loop3A_538 = arith.addi %parallel_loop3A_43, %parallel_loop3A_537 : vector<16xi32>
        %parallel_loop3A_539 = tpu.vector_load_idx %arg6[%parallel_loop3A_538] : memref<49152xf32, #tpu.memory_space<vmem>>[vector<16xi32>], vector<16xf32>,
        %parallel_loop3A_540 = arith.constant 24 : i32
        %parallel_loop3A_541 = vector.broadcast %parallel_loop3A_540 : i32 to vector<16xi32>
        %parallel_loop3A_542 = arith.addi %parallel_loop3A_49, %parallel_loop3A_541 : vector<16xi32>
        %parallel_loop3A_543 = tpu.vector_load_idx %arg6[%parallel_loop3A_542] : memref<49152xf32, #tpu.memory_space<vmem>>[vector<16xi32>], vector<16xf32>,
        %parallel_loop3A_544 = arith.addf %parallel_loop3A_539, %parallel_loop3A_543 : vector<16xf32>
        %parallel_loop3A_545 = arith.constant 24 : i32
        %parallel_loop3A_546 = vector.broadcast %parallel_loop3A_545 : i32 to vector<16xi32>
        %parallel_loop3A_547 = arith.addi %parallel_loop3A_55, %parallel_loop3A_546 : vector<16xi32>
        %parallel_loop3A_548 = tpu.vector_load_idx %arg6[%parallel_loop3A_547] : memref<49152xf32, #tpu.memory_space<vmem>>[vector<16xi32>], vector<16xf32>,
        %parallel_loop3A_549 = arith.addf %parallel_loop3A_544, %parallel_loop3A_548 : vector<16xf32>
        %parallel_loop3A_550 = arith.constant 16 : i32
        %parallel_loop3A_551 = arith.muli %parallel_loop3A_37, %parallel_loop3A_550 : i32
        %parallel_loop3A_552 = arith.constant 24 : i32
        %parallel_loop3A_553 = arith.index_cast %parallel_loop3A_552 : i32 to index
        %parallel_loop3A_554 = arith.index_cast %parallel_loop3A_551 : i32 to index
        %parallel_loop3A_555 = tpu.vector_load %arg7[%parallel_loop3A_553, %parallel_loop3A_554] {strides = array<i32>} : memref<32x1792xf32, #tpu.memory_space<vmem>>, vector<16xf32>,
        tpu.vector_store %arg7[%parallel_loop3A_553, %parallel_loop3A_554], %parallel_loop3A_549 {strides = array<i32>} : memref<32x1792xf32, #tpu.memory_space<vmem>>, vector<16xf32>,
        %parallel_loop3A_556 = arith.constant 25 : i32
        %parallel_loop3A_557 = vector.broadcast %parallel_loop3A_556 : i32 to vector<16xi32>
        %parallel_loop3A_558 = arith.addi %parallel_loop3A_43, %parallel_loop3A_557 : vector<16xi32>
        %parallel_loop3A_559 = tpu.vector_load_idx %arg6[%parallel_loop3A_558] : memref<49152xf32, #tpu.memory_space<vmem>>[vector<16xi32>], vector<16xf32>,
        %parallel_loop3A_560 = arith.constant 25 : i32
        %parallel_loop3A_561 = vector.broadcast %parallel_loop3A_560 : i32 to vector<16xi32>
        %parallel_loop3A_562 = arith.addi %parallel_loop3A_49, %parallel_loop3A_561 : vector<16xi32>
        %parallel_loop3A_563 = tpu.vector_load_idx %arg6[%parallel_loop3A_562] : memref<49152xf32, #tpu.memory_space<vmem>>[vector<16xi32>], vector<16xf32>,
        %parallel_loop3A_564 = arith.addf %parallel_loop3A_559, %parallel_loop3A_563 : vector<16xf32>
        %parallel_loop3A_565 = arith.constant 25 : i32
        %parallel_loop3A_566 = vector.broadcast %parallel_loop3A_565 : i32 to vector<16xi32>
        %parallel_loop3A_567 = arith.addi %parallel_loop3A_55, %parallel_loop3A_566 : vector<16xi32>
        %parallel_loop3A_568 = tpu.vector_load_idx %arg6[%parallel_loop3A_567] : memref<49152xf32, #tpu.memory_space<vmem>>[vector<16xi32>], vector<16xf32>,
        %parallel_loop3A_569 = arith.addf %parallel_loop3A_564, %parallel_loop3A_568 : vector<16xf32>
        %parallel_loop3A_570 = arith.constant 16 : i32
        %parallel_loop3A_571 = arith.muli %parallel_loop3A_37, %parallel_loop3A_570 : i32
        %parallel_loop3A_572 = arith.constant 25 : i32
        %parallel_loop3A_573 = arith.index_cast %parallel_loop3A_572 : i32 to index
        %parallel_loop3A_574 = arith.index_cast %parallel_loop3A_571 : i32 to index
        %parallel_loop3A_575 = tpu.vector_load %arg7[%parallel_loop3A_573, %parallel_loop3A_574] {strides = array<i32>} : memref<32x1792xf32, #tpu.memory_space<vmem>>, vector<16xf32>,
        tpu.vector_store %arg7[%parallel_loop3A_573, %parallel_loop3A_574], %parallel_loop3A_569 {strides = array<i32>} : memref<32x1792xf32, #tpu.memory_space<vmem>>, vector<16xf32>,
        %parallel_loop3A_576 = arith.constant 26 : i32
        %parallel_loop3A_577 = vector.broadcast %parallel_loop3A_576 : i32 to vector<16xi32>
        %parallel_loop3A_578 = arith.addi %parallel_loop3A_43, %parallel_loop3A_577 : vector<16xi32>
        %parallel_loop3A_579 = tpu.vector_load_idx %arg6[%parallel_loop3A_578] : memref<49152xf32, #tpu.memory_space<vmem>>[vector<16xi32>], vector<16xf32>,
        %parallel_loop3A_580 = arith.constant 26 : i32
        %parallel_loop3A_581 = vector.broadcast %parallel_loop3A_580 : i32 to vector<16xi32>
        %parallel_loop3A_582 = arith.addi %parallel_loop3A_49, %parallel_loop3A_581 : vector<16xi32>
        %parallel_loop3A_583 = tpu.vector_load_idx %arg6[%parallel_loop3A_582] : memref<49152xf32, #tpu.memory_space<vmem>>[vector<16xi32>], vector<16xf32>,
        %parallel_loop3A_584 = arith.addf %parallel_loop3A_579, %parallel_loop3A_583 : vector<16xf32>
        %parallel_loop3A_585 = arith.constant 26 : i32
        %parallel_loop3A_586 = vector.broadcast %parallel_loop3A_585 : i32 to vector<16xi32>
        %parallel_loop3A_587 = arith.addi %parallel_loop3A_55, %parallel_loop3A_586 : vector<16xi32>
        %parallel_loop3A_588 = tpu.vector_load_idx %arg6[%parallel_loop3A_587] : memref<49152xf32, #tpu.memory_space<vmem>>[vector<16xi32>], vector<16xf32>,
        %parallel_loop3A_589 = arith.addf %parallel_loop3A_584, %parallel_loop3A_588 : vector<16xf32>
        %parallel_loop3A_590 = arith.constant 16 : i32
        %parallel_loop3A_591 = arith.muli %parallel_loop3A_37, %parallel_loop3A_590 : i32
        %parallel_loop3A_592 = arith.constant 26 : i32
        %parallel_loop3A_593 = arith.index_cast %parallel_loop3A_592 : i32 to index
        %parallel_loop3A_594 = arith.index_cast %parallel_loop3A_591 : i32 to index
        %parallel_loop3A_595 = tpu.vector_load %arg7[%parallel_loop3A_593, %parallel_loop3A_594] {strides = array<i32>} : memref<32x1792xf32, #tpu.memory_space<vmem>>, vector<16xf32>,
        tpu.vector_store %arg7[%parallel_loop3A_593, %parallel_loop3A_594], %parallel_loop3A_589 {strides = array<i32>} : memref<32x1792xf32, #tpu.memory_space<vmem>>, vector<16xf32>,
        %parallel_loop3A_596 = arith.constant 27 : i32
        %parallel_loop3A_597 = vector.broadcast %parallel_loop3A_596 : i32 to vector<16xi32>
        %parallel_loop3A_598 = arith.addi %parallel_loop3A_43, %parallel_loop3A_597 : vector<16xi32>
        %parallel_loop3A_599 = tpu.vector_load_idx %arg6[%parallel_loop3A_598] : memref<49152xf32, #tpu.memory_space<vmem>>[vector<16xi32>], vector<16xf32>,
        %parallel_loop3A_600 = arith.constant 27 : i32
        %parallel_loop3A_601 = vector.broadcast %parallel_loop3A_600 : i32 to vector<16xi32>
        %parallel_loop3A_602 = arith.addi %parallel_loop3A_49, %parallel_loop3A_601 : vector<16xi32>
        %parallel_loop3A_603 = tpu.vector_load_idx %arg6[%parallel_loop3A_602] : memref<49152xf32, #tpu.memory_space<vmem>>[vector<16xi32>], vector<16xf32>,
        %parallel_loop3A_604 = arith.addf %parallel_loop3A_599, %parallel_loop3A_603 : vector<16xf32>
        %parallel_loop3A_605 = arith.constant 27 : i32
        %parallel_loop3A_606 = vector.broadcast %parallel_loop3A_605 : i32 to vector<16xi32>
        %parallel_loop3A_607 = arith.addi %parallel_loop3A_55, %parallel_loop3A_606 : vector<16xi32>
        %parallel_loop3A_608 = tpu.vector_load_idx %arg6[%parallel_loop3A_607] : memref<49152xf32, #tpu.memory_space<vmem>>[vector<16xi32>], vector<16xf32>,
        %parallel_loop3A_609 = arith.addf %parallel_loop3A_604, %parallel_loop3A_608 : vector<16xf32>
        %parallel_loop3A_610 = arith.constant 16 : i32
        %parallel_loop3A_611 = arith.muli %parallel_loop3A_37, %parallel_loop3A_610 : i32
        %parallel_loop3A_612 = arith.constant 27 : i32
        %parallel_loop3A_613 = arith.index_cast %parallel_loop3A_612 : i32 to index
        %parallel_loop3A_614 = arith.index_cast %parallel_loop3A_611 : i32 to index
        %parallel_loop3A_615 = tpu.vector_load %arg7[%parallel_loop3A_613, %parallel_loop3A_614] {strides = array<i32>} : memref<32x1792xf32, #tpu.memory_space<vmem>>, vector<16xf32>,
        tpu.vector_store %arg7[%parallel_loop3A_613, %parallel_loop3A_614], %parallel_loop3A_609 {strides = array<i32>} : memref<32x1792xf32, #tpu.memory_space<vmem>>, vector<16xf32>,
        %parallel_loop3A_616 = arith.constant 28 : i32
        %parallel_loop3A_617 = vector.broadcast %parallel_loop3A_616 : i32 to vector<16xi32>
        %parallel_loop3A_618 = arith.addi %parallel_loop3A_43, %parallel_loop3A_617 : vector<16xi32>
        %parallel_loop3A_619 = tpu.vector_load_idx %arg6[%parallel_loop3A_618] : memref<49152xf32, #tpu.memory_space<vmem>>[vector<16xi32>], vector<16xf32>,
        %parallel_loop3A_620 = arith.constant 28 : i32
        %parallel_loop3A_621 = vector.broadcast %parallel_loop3A_620 : i32 to vector<16xi32>
        %parallel_loop3A_622 = arith.addi %parallel_loop3A_49, %parallel_loop3A_621 : vector<16xi32>
        %parallel_loop3A_623 = tpu.vector_load_idx %arg6[%parallel_loop3A_622] : memref<49152xf32, #tpu.memory_space<vmem>>[vector<16xi32>], vector<16xf32>,
        %parallel_loop3A_624 = arith.addf %parallel_loop3A_619, %parallel_loop3A_623 : vector<16xf32>
        %parallel_loop3A_625 = arith.constant 28 : i32
        %parallel_loop3A_626 = vector.broadcast %parallel_loop3A_625 : i32 to vector<16xi32>
        %parallel_loop3A_627 = arith.addi %parallel_loop3A_55, %parallel_loop3A_626 : vector<16xi32>
        %parallel_loop3A_628 = tpu.vector_load_idx %arg6[%parallel_loop3A_627] : memref<49152xf32, #tpu.memory_space<vmem>>[vector<16xi32>], vector<16xf32>,
        %parallel_loop3A_629 = arith.addf %parallel_loop3A_624, %parallel_loop3A_628 : vector<16xf32>
        %parallel_loop3A_630 = arith.constant 16 : i32
        %parallel_loop3A_631 = arith.muli %parallel_loop3A_37, %parallel_loop3A_630 : i32
        %parallel_loop3A_632 = arith.constant 28 : i32
        %parallel_loop3A_633 = arith.index_cast %parallel_loop3A_632 : i32 to index
        %parallel_loop3A_634 = arith.index_cast %parallel_loop3A_631 : i32 to index
        %parallel_loop3A_635 = tpu.vector_load %arg7[%parallel_loop3A_633, %parallel_loop3A_634] {strides = array<i32>} : memref<32x1792xf32, #tpu.memory_space<vmem>>, vector<16xf32>,
        tpu.vector_store %arg7[%parallel_loop3A_633, %parallel_loop3A_634], %parallel_loop3A_629 {strides = array<i32>} : memref<32x1792xf32, #tpu.memory_space<vmem>>, vector<16xf32>,
        %parallel_loop3A_636 = arith.constant 29 : i32
        %parallel_loop3A_637 = vector.broadcast %parallel_loop3A_636 : i32 to vector<16xi32>
        %parallel_loop3A_638 = arith.addi %parallel_loop3A_43, %parallel_loop3A_637 : vector<16xi32>
        %parallel_loop3A_639 = tpu.vector_load_idx %arg6[%parallel_loop3A_638] : memref<49152xf32, #tpu.memory_space<vmem>>[vector<16xi32>], vector<16xf32>,
        %parallel_loop3A_640 = arith.constant 29 : i32
        %parallel_loop3A_641 = vector.broadcast %parallel_loop3A_640 : i32 to vector<16xi32>
        %parallel_loop3A_642 = arith.addi %parallel_loop3A_49, %parallel_loop3A_641 : vector<16xi32>
        %parallel_loop3A_643 = tpu.vector_load_idx %arg6[%parallel_loop3A_642] : memref<49152xf32, #tpu.memory_space<vmem>>[vector<16xi32>], vector<16xf32>,
        %parallel_loop3A_644 = arith.addf %parallel_loop3A_639, %parallel_loop3A_643 : vector<16xf32>
        %parallel_loop3A_645 = arith.constant 29 : i32
        %parallel_loop3A_646 = vector.broadcast %parallel_loop3A_645 : i32 to vector<16xi32>
        %parallel_loop3A_647 = arith.addi %parallel_loop3A_55, %parallel_loop3A_646 : vector<16xi32>
        %parallel_loop3A_648 = tpu.vector_load_idx %arg6[%parallel_loop3A_647] : memref<49152xf32, #tpu.memory_space<vmem>>[vector<16xi32>], vector<16xf32>,
        %parallel_loop3A_649 = arith.addf %parallel_loop3A_644, %parallel_loop3A_648 : vector<16xf32>
        %parallel_loop3A_650 = arith.constant 16 : i32
        %parallel_loop3A_651 = arith.muli %parallel_loop3A_37, %parallel_loop3A_650 : i32
        %parallel_loop3A_652 = arith.constant 29 : i32
        %parallel_loop3A_653 = arith.index_cast %parallel_loop3A_652 : i32 to index
        %parallel_loop3A_654 = arith.index_cast %parallel_loop3A_651 : i32 to index
        %parallel_loop3A_655 = tpu.vector_load %arg7[%parallel_loop3A_653, %parallel_loop3A_654] {strides = array<i32>} : memref<32x1792xf32, #tpu.memory_space<vmem>>, vector<16xf32>,
        tpu.vector_store %arg7[%parallel_loop3A_653, %parallel_loop3A_654], %parallel_loop3A_649 {strides = array<i32>} : memref<32x1792xf32, #tpu.memory_space<vmem>>, vector<16xf32>,
        %parallel_loop3A_656 = arith.constant 30 : i32
        %parallel_loop3A_657 = vector.broadcast %parallel_loop3A_656 : i32 to vector<16xi32>
        %parallel_loop3A_658 = arith.addi %parallel_loop3A_43, %parallel_loop3A_657 : vector<16xi32>
        %parallel_loop3A_659 = tpu.vector_load_idx %arg6[%parallel_loop3A_658] : memref<49152xf32, #tpu.memory_space<vmem>>[vector<16xi32>], vector<16xf32>,
        %parallel_loop3A_660 = arith.constant 30 : i32
        %parallel_loop3A_661 = vector.broadcast %parallel_loop3A_660 : i32 to vector<16xi32>
        %parallel_loop3A_662 = arith.addi %parallel_loop3A_49, %parallel_loop3A_661 : vector<16xi32>
        %parallel_loop3A_663 = tpu.vector_load_idx %arg6[%parallel_loop3A_662] : memref<49152xf32, #tpu.memory_space<vmem>>[vector<16xi32>], vector<16xf32>,
        %parallel_loop3A_664 = arith.addf %parallel_loop3A_659, %parallel_loop3A_663 : vector<16xf32>
        %parallel_loop3A_665 = arith.constant 30 : i32
        %parallel_loop3A_666 = vector.broadcast %parallel_loop3A_665 : i32 to vector<16xi32>
        %parallel_loop3A_667 = arith.addi %parallel_loop3A_55, %parallel_loop3A_666 : vector<16xi32>
        %parallel_loop3A_668 = tpu.vector_load_idx %arg6[%parallel_loop3A_667] : memref<49152xf32, #tpu.memory_space<vmem>>[vector<16xi32>], vector<16xf32>,
        %parallel_loop3A_669 = arith.addf %parallel_loop3A_664, %parallel_loop3A_668 : vector<16xf32>
        %parallel_loop3A_670 = arith.constant 16 : i32
        %parallel_loop3A_671 = arith.muli %parallel_loop3A_37, %parallel_loop3A_670 : i32
        %parallel_loop3A_672 = arith.constant 30 : i32
        %parallel_loop3A_673 = arith.index_cast %parallel_loop3A_672 : i32 to index
        %parallel_loop3A_674 = arith.index_cast %parallel_loop3A_671 : i32 to index
        %parallel_loop3A_675 = tpu.vector_load %arg7[%parallel_loop3A_673, %parallel_loop3A_674] {strides = array<i32>} : memref<32x1792xf32, #tpu.memory_space<vmem>>, vector<16xf32>,
        tpu.vector_store %arg7[%parallel_loop3A_673, %parallel_loop3A_674], %parallel_loop3A_669 {strides = array<i32>} : memref<32x1792xf32, #tpu.memory_space<vmem>>, vector<16xf32>,
        %parallel_loop3A_676 = arith.constant 31 : i32
        %parallel_loop3A_677 = vector.broadcast %parallel_loop3A_676 : i32 to vector<16xi32>
        %parallel_loop3A_678 = arith.addi %parallel_loop3A_43, %parallel_loop3A_677 : vector<16xi32>
        %parallel_loop3A_679 = tpu.vector_load_idx %arg6[%parallel_loop3A_678] : memref<49152xf32, #tpu.memory_space<vmem>>[vector<16xi32>], vector<16xf32>,
        %parallel_loop3A_680 = arith.constant 31 : i32
        %parallel_loop3A_681 = vector.broadcast %parallel_loop3A_680 : i32 to vector<16xi32>
        %parallel_loop3A_682 = arith.addi %parallel_loop3A_49, %parallel_loop3A_681 : vector<16xi32>
        %parallel_loop3A_683 = tpu.vector_load_idx %arg6[%parallel_loop3A_682] : memref<49152xf32, #tpu.memory_space<vmem>>[vector<16xi32>], vector<16xf32>,
        %parallel_loop3A_684 = arith.addf %parallel_loop3A_679, %parallel_loop3A_683 : vector<16xf32>
        %parallel_loop3A_685 = arith.constant 31 : i32
        %parallel_loop3A_686 = vector.broadcast %parallel_loop3A_685 : i32 to vector<16xi32>
        %parallel_loop3A_687 = arith.addi %parallel_loop3A_55, %parallel_loop3A_686 : vector<16xi32>
        %parallel_loop3A_688 = tpu.vector_load_idx %arg6[%parallel_loop3A_687] : memref<49152xf32, #tpu.memory_space<vmem>>[vector<16xi32>], vector<16xf32>,
        %parallel_loop3A_689 = arith.addf %parallel_loop3A_684, %parallel_loop3A_688 : vector<16xf32>
        %parallel_loop3A_690 = arith.constant 16 : i32
        %parallel_loop3A_691 = arith.muli %parallel_loop3A_37, %parallel_loop3A_690 : i32
        %parallel_loop3A_692 = arith.constant 31 : i32
        %parallel_loop3A_693 = arith.index_cast %parallel_loop3A_692 : i32 to index
        %parallel_loop3A_694 = arith.index_cast %parallel_loop3A_691 : i32 to index
        %parallel_loop3A_695 = tpu.vector_load %arg7[%parallel_loop3A_693, %parallel_loop3A_694] {strides = array<i32>} : memref<32x1792xf32, #tpu.memory_space<vmem>>, vector<16xf32>,
        tpu.vector_store %arg7[%parallel_loop3A_693, %parallel_loop3A_694], %parallel_loop3A_689 {strides = array<i32>} : memref<32x1792xf32, #tpu.memory_space<vmem>>, vector<16xf32>,
      } {sc.loop_unroll_factor = 2 : i64, sc.parallel_access}
      %mul3A_17 = arith.constant 1792 : i32
      %mul3A_18 = arith.muli %add3A, %mul3A_17 : i32
      %run_scoped3A = arith.constant 0 : i32
      "tpu.region"() ({
        %run_scoped3A_37 = tpu.sem_alloc : memref<!tpu.dma_semaphore, #tpu.memory_space<semaphore_mem>>
        %dma_start3A = arith.constant 0 : i32
        %dma_start3A_38 = tpu.memref_slice %arg4[%run_scoped3A, %dma_start3A, %mul3A_18] : memref<2x32x50176xf32, #tpu.memory_space<hbm>> -> memref<1x32x1792xf32, #tpu.memory_space<hbm>>
        %dma_start3A_39 = tpu.memref_squeeze %dma_start3A_38 : memref<1x32x1792xf32, #tpu.memory_space<hbm>> -> memref<32x1792xf32, #tpu.memory_space<hbm>>
        %dma_start3A_40 = arith.constant 0 : i32
        %dma_start3A_41 = tpu.memref_slice %arg4[%run_scoped3A, %dma_start3A_40, %mul3A_18] : memref<2x32x50176xf32, #tpu.memory_space<hbm>> -> memref<1x32x1792xf32, #tpu.memory_space<hbm>>
        %dma_start3A_42 = tpu.memref_squeeze %dma_start3A_41 : memref<1x32x1792xf32, #tpu.memory_space<hbm>> -> memref<32x1792xf32, #tpu.memory_space<hbm>>
        tpu.enqueue_dma source(%arg7 : memref<32x1792xf32, #tpu.memory_space<vmem>>) target(%dma_start3A_42 : memref<32x1792xf32, #tpu.memory_space<hbm>>) target_semaphore(%run_scoped3A_37 : memref<!tpu.dma_semaphore, #tpu.memory_space<semaphore_mem>>)
        %dma_wait3A = arith.constant 0 : i32
        %dma_wait3A_43 = tpu.memref_slice %arg4[%run_scoped3A, %dma_wait3A, %mul3A_18] : memref<2x32x50176xf32, #tpu.memory_space<hbm>> -> memref<1x32x1792xf32, #tpu.memory_space<hbm>>
        %dma_wait3A_44 = tpu.memref_squeeze %dma_wait3A_43 : memref<1x32x1792xf32, #tpu.memory_space<hbm>> -> memref<32x1792xf32, #tpu.memory_space<hbm>>
        %dma_wait3A_45 = arith.constant 0 : i32
        %dma_wait3A_46 = tpu.memref_slice %arg4[%run_scoped3A, %dma_wait3A_45, %mul3A_18] : memref<2x32x50176xf32, #tpu.memory_space<hbm>> -> memref<1x32x1792xf32, #tpu.memory_space<hbm>>
        %dma_wait3A_47 = tpu.memref_squeeze %dma_wait3A_46 : memref<1x32x1792xf32, #tpu.memory_space<hbm>> -> memref<32x1792xf32, #tpu.memory_space<hbm>>
        tpu.wait_dma2 semaphore(%run_scoped3A_37 : memref<!tpu.dma_semaphore, #tpu.memory_space<semaphore_mem>>) src(%arg7 : memref<32x1792xf32, #tpu.memory_space<vmem>>) dst(%dma_wait3A_47 : memref<32x1792xf32, #tpu.memory_space<hbm>>)
        tpu.yield
      }) : () -> ()
      %mul3A_19 = arith.constant 1792 : i32
      %mul3A_20 = arith.muli %add3A, %mul3A_19 : i32
      %add3A_21 = arith.constant 150528 : i32
      %add3A_22 = arith.addi %add3A_21, %mul3A_20 : i32
      "tpu.region"() ({
        %run_scoped3A_37 = tpu.sem_alloc : memref<!tpu.dma_semaphore, #tpu.memory_space<semaphore_mem>>
        %dma_start3A = arith.constant 0 : i32
        %dma_start3A_38 = tpu.memref_slice %arg5[%dma_start3A] : memref<5376xi32, #tpu.memory_space<vmem>> -> memref<1792xi32, #tpu.memory_space<vmem>>
        %dma_start3A_39 = tpu.memref_slice %arg2[%add3A_22] : memref<301056xi32, #tpu.memory_space<hbm>> -> memref<1792xi32, #tpu.memory_space<hbm>>
        %dma_start3A_40 = arith.constant 0 : i32
        %dma_start3A_41 = tpu.memref_slice %arg5[%dma_start3A_40] : memref<5376xi32, #tpu.memory_space<vmem>> -> memref<1792xi32, #tpu.memory_space<vmem>>
        %dma_start3A_42 = tpu.memref_slice %arg2[%add3A_22] : memref<301056xi32, #tpu.memory_space<hbm>> -> memref<1792xi32, #tpu.memory_space<hbm>>
        tpu.enqueue_dma source(%dma_start3A_42 : memref<1792xi32, #tpu.memory_space<hbm>>) target(%dma_start3A_41 : memref<1792xi32, #tpu.memory_space<vmem>>) target_semaphore(%run_scoped3A_37 : memref<!tpu.dma_semaphore, #tpu.memory_space<semaphore_mem>>)
        %dma_wait3A = arith.constant 0 : i32
        %dma_wait3A_43 = tpu.memref_slice %arg5[%dma_wait3A] : memref<5376xi32, #tpu.memory_space<vmem>> -> memref<1792xi32, #tpu.memory_space<vmem>>
        %dma_wait3A_44 = tpu.memref_slice %arg2[%add3A_22] : memref<301056xi32, #tpu.memory_space<hbm>> -> memref<1792xi32, #tpu.memory_space<hbm>>
        %dma_wait3A_45 = arith.constant 0 : i32
        %dma_wait3A_46 = tpu.memref_slice %arg5[%dma_wait3A_45] : memref<5376xi32, #tpu.memory_space<vmem>> -> memref<1792xi32, #tpu.memory_space<vmem>>
        %dma_wait3A_47 = tpu.memref_slice %arg2[%add3A_22] : memref<301056xi32, #tpu.memory_space<hbm>> -> memref<1792xi32, #tpu.memory_space<hbm>>
        tpu.wait_dma2 semaphore(%run_scoped3A_37 : memref<!tpu.dma_semaphore, #tpu.memory_space<semaphore_mem>>) src(%dma_wait3A_47 : memref<1792xi32, #tpu.memory_space<hbm>>) dst(%dma_wait3A_46 : memref<1792xi32, #tpu.memory_space<vmem>>)
        tpu.yield
      }) : () -> ()
      %mul3A_23 = arith.constant 1792 : i32
      %mul3A_24 = arith.muli %add3A, %mul3A_23 : i32
      %add3A_25 = arith.constant 200704 : i32
      %add3A_26 = arith.addi %add3A_25, %mul3A_24 : i32
      "tpu.region"() ({
        %run_scoped3A_37 = tpu.sem_alloc : memref<!tpu.dma_semaphore, #tpu.memory_space<semaphore_mem>>
        %dma_start3A = arith.constant 1792 : i32
        %dma_start3A_38 = tpu.memref_slice %arg5[%dma_start3A] : memref<5376xi32, #tpu.memory_space<vmem>> -> memref<1792xi32, #tpu.memory_space<vmem>>
        %dma_start3A_39 = tpu.memref_slice %arg2[%add3A_26] : memref<301056xi32, #tpu.memory_space<hbm>> -> memref<1792xi32, #tpu.memory_space<hbm>>
        %dma_start3A_40 = arith.constant 1792 : i32
        %dma_start3A_41 = tpu.memref_slice %arg5[%dma_start3A_40] : memref<5376xi32, #tpu.memory_space<vmem>> -> memref<1792xi32, #tpu.memory_space<vmem>>
        %dma_start3A_42 = tpu.memref_slice %arg2[%add3A_26] : memref<301056xi32, #tpu.memory_space<hbm>> -> memref<1792xi32, #tpu.memory_space<hbm>>
        tpu.enqueue_dma source(%dma_start3A_42 : memref<1792xi32, #tpu.memory_space<hbm>>) target(%dma_start3A_41 : memref<1792xi32, #tpu.memory_space<vmem>>) target_semaphore(%run_scoped3A_37 : memref<!tpu.dma_semaphore, #tpu.memory_space<semaphore_mem>>)
        %dma_wait3A = arith.constant 1792 : i32
        %dma_wait3A_43 = tpu.memref_slice %arg5[%dma_wait3A] : memref<5376xi32, #tpu.memory_space<vmem>> -> memref<1792xi32, #tpu.memory_space<vmem>>
        %dma_wait3A_44 = tpu.memref_slice %arg2[%add3A_26] : memref<301056xi32, #tpu.memory_space<hbm>> -> memref<1792xi32, #tpu.memory_space<hbm>>
        %dma_wait3A_45 = arith.constant 1792 : i32
        %dma_wait3A_46 = tpu.memref_slice %arg5[%dma_wait3A_45] : memref<5376xi32, #tpu.memory_space<vmem>> -> memref<1792xi32, #tpu.memory_space<vmem>>
        %dma_wait3A_47 = tpu.memref_slice %arg2[%add3A_26] : memref<301056xi32, #tpu.memory_space<hbm>> -> memref<1792xi32, #tpu.memory_space<hbm>>
        tpu.wait_dma2 semaphore(%run_scoped3A_37 : memref<!tpu.dma_semaphore, #tpu.memory_space<semaphore_mem>>) src(%dma_wait3A_47 : memref<1792xi32, #tpu.memory_space<hbm>>) dst(%dma_wait3A_46 : memref<1792xi32, #tpu.memory_space<vmem>>)
        tpu.yield
      }) : () -> ()
      %mul3A_27 = arith.constant 1792 : i32
      %mul3A_28 = arith.muli %add3A, %mul3A_27 : i32
      %add3A_29 = arith.constant 250880 : i32
      %add3A_30 = arith.addi %add3A_29, %mul3A_28 : i32
      "tpu.region"() ({
        %run_scoped3A_37 = tpu.sem_alloc : memref<!tpu.dma_semaphore, #tpu.memory_space<semaphore_mem>>
        %dma_start3A = arith.constant 3584 : i32
        %dma_start3A_38 = tpu.memref_slice %arg5[%dma_start3A] : memref<5376xi32, #tpu.memory_space<vmem>> -> memref<1792xi32, #tpu.memory_space<vmem>>
        %dma_start3A_39 = tpu.memref_slice %arg2[%add3A_30] : memref<301056xi32, #tpu.memory_space<hbm>> -> memref<1792xi32, #tpu.memory_space<hbm>>
        %dma_start3A_40 = arith.constant 3584 : i32
        %dma_start3A_41 = tpu.memref_slice %arg5[%dma_start3A_40] : memref<5376xi32, #tpu.memory_space<vmem>> -> memref<1792xi32, #tpu.memory_space<vmem>>
        %dma_start3A_42 = tpu.memref_slice %arg2[%add3A_30] : memref<301056xi32, #tpu.memory_space<hbm>> -> memref<1792xi32, #tpu.memory_space<hbm>>
        tpu.enqueue_dma source(%dma_start3A_42 : memref<1792xi32, #tpu.memory_space<hbm>>) target(%dma_start3A_41 : memref<1792xi32, #tpu.memory_space<vmem>>) target_semaphore(%run_scoped3A_37 : memref<!tpu.dma_semaphore, #tpu.memory_space<semaphore_mem>>)
        %dma_wait3A = arith.constant 3584 : i32
        %dma_wait3A_43 = tpu.memref_slice %arg5[%dma_wait3A] : memref<5376xi32, #tpu.memory_space<vmem>> -> memref<1792xi32, #tpu.memory_space<vmem>>
        %dma_wait3A_44 = tpu.memref_slice %arg2[%add3A_30] : memref<301056xi32, #tpu.memory_space<hbm>> -> memref<1792xi32, #tpu.memory_space<hbm>>
        %dma_wait3A_45 = arith.constant 3584 : i32
        %dma_wait3A_46 = tpu.memref_slice %arg5[%dma_wait3A_45] : memref<5376xi32, #tpu.memory_space<vmem>> -> memref<1792xi32, #tpu.memory_space<vmem>>
        %dma_wait3A_47 = tpu.memref_slice %arg2[%add3A_30] : memref<301056xi32, #tpu.memory_space<hbm>> -> memref<1792xi32, #tpu.memory_space<hbm>>
        tpu.wait_dma2 semaphore(%run_scoped3A_37 : memref<!tpu.dma_semaphore, #tpu.memory_space<semaphore_mem>>) src(%dma_wait3A_47 : memref<1792xi32, #tpu.memory_space<hbm>>) dst(%dma_wait3A_46 : memref<1792xi32, #tpu.memory_space<vmem>>)
        tpu.yield
      }) : () -> ()
      %parallel_loop3A_31 = arith.constant 0 : i32
      %parallel_loop3A_32 = arith.constant 112 : i32
      %parallel_loop3A_33 = arith.constant 1 : i32
      scf.for %parallel_loop3A_37 = %parallel_loop3A_31 to %parallel_loop3A_32 step %parallel_loop3A_33  : i32 {
        %parallel_loop3A_38 = arith.constant 16 : i32
        %parallel_loop3A_39 = arith.muli %parallel_loop3A_37, %parallel_loop3A_38 : i32
        %parallel_loop3A_40 = arith.constant 0 : i32
        %parallel_loop3A_41 = arith.addi %parallel_loop3A_40, %parallel_loop3A_39 : i32
        %parallel_loop3A_42 = arith.index_cast %parallel_loop3A_41 : i32 to index
        %parallel_loop3A_43 = tpu.vector_load %arg5[%parallel_loop3A_42] {strides = array<i32>} : memref<5376xi32, #tpu.memory_space<vmem>>, vector<16xi32>,
        %parallel_loop3A_44 = arith.constant 16 : i32
        %parallel_loop3A_45 = arith.muli %parallel_loop3A_37, %parallel_loop3A_44 : i32
        %parallel_loop3A_46 = arith.constant 1792 : i32
        %parallel_loop3A_47 = arith.addi %parallel_loop3A_46, %parallel_loop3A_45 : i32
        %parallel_loop3A_48 = arith.index_cast %parallel_loop3A_47 : i32 to index
        %parallel_loop3A_49 = tpu.vector_load %arg5[%parallel_loop3A_48] {strides = array<i32>} : memref<5376xi32, #tpu.memory_space<vmem>>, vector<16xi32>,
        %parallel_loop3A_50 = arith.constant 16 : i32
        %parallel_loop3A_51 = arith.muli %parallel_loop3A_37, %parallel_loop3A_50 : i32
        %parallel_loop3A_52 = arith.constant 3584 : i32
        %parallel_loop3A_53 = arith.addi %parallel_loop3A_52, %parallel_loop3A_51 : i32
        %parallel_loop3A_54 = arith.index_cast %parallel_loop3A_53 : i32 to index
        %parallel_loop3A_55 = tpu.vector_load %arg5[%parallel_loop3A_54] {strides = array<i32>} : memref<5376xi32, #tpu.memory_space<vmem>>, vector<16xi32>,
        %parallel_loop3A_56 = arith.constant 0 : i32
        %parallel_loop3A_57 = vector.broadcast %parallel_loop3A_56 : i32 to vector<16xi32>
        %parallel_loop3A_58 = arith.addi %parallel_loop3A_43, %parallel_loop3A_57 : vector<16xi32>
        %parallel_loop3A_59 = tpu.vector_load_idx %arg6[%parallel_loop3A_58] : memref<49152xf32, #tpu.memory_space<vmem>>[vector<16xi32>], vector<16xf32>,
        %parallel_loop3A_60 = arith.constant 0 : i32
        %parallel_loop3A_61 = vector.broadcast %parallel_loop3A_60 : i32 to vector<16xi32>
        %parallel_loop3A_62 = arith.addi %parallel_loop3A_49, %parallel_loop3A_61 : vector<16xi32>
        %parallel_loop3A_63 = tpu.vector_load_idx %arg6[%parallel_loop3A_62] : memref<49152xf32, #tpu.memory_space<vmem>>[vector<16xi32>], vector<16xf32>,
        %parallel_loop3A_64 = arith.addf %parallel_loop3A_59, %parallel_loop3A_63 : vector<16xf32>
        %parallel_loop3A_65 = arith.constant 0 : i32
        %parallel_loop3A_66 = vector.broadcast %parallel_loop3A_65 : i32 to vector<16xi32>
        %parallel_loop3A_67 = arith.addi %parallel_loop3A_55, %parallel_loop3A_66 : vector<16xi32>
        %parallel_loop3A_68 = tpu.vector_load_idx %arg6[%parallel_loop3A_67] : memref<49152xf32, #tpu.memory_space<vmem>>[vector<16xi32>], vector<16xf32>,
        %parallel_loop3A_69 = arith.addf %parallel_loop3A_64, %parallel_loop3A_68 : vector<16xf32>
        %parallel_loop3A_70 = arith.constant 16 : i32
        %parallel_loop3A_71 = arith.muli %parallel_loop3A_37, %parallel_loop3A_70 : i32
        %parallel_loop3A_72 = arith.constant 0 : i32
        %parallel_loop3A_73 = arith.index_cast %parallel_loop3A_72 : i32 to index
        %parallel_loop3A_74 = arith.index_cast %parallel_loop3A_71 : i32 to index
        %parallel_loop3A_75 = tpu.vector_load %arg7[%parallel_loop3A_73, %parallel_loop3A_74] {strides = array<i32>} : memref<32x1792xf32, #tpu.memory_space<vmem>>, vector<16xf32>,
        tpu.vector_store %arg7[%parallel_loop3A_73, %parallel_loop3A_74], %parallel_loop3A_69 {strides = array<i32>} : memref<32x1792xf32, #tpu.memory_space<vmem>>, vector<16xf32>,
        %parallel_loop3A_76 = arith.constant 1 : i32
        %parallel_loop3A_77 = vector.broadcast %parallel_loop3A_76 : i32 to vector<16xi32>
        %parallel_loop3A_78 = arith.addi %parallel_loop3A_43, %parallel_loop3A_77 : vector<16xi32>
        %parallel_loop3A_79 = tpu.vector_load_idx %arg6[%parallel_loop3A_78] : memref<49152xf32, #tpu.memory_space<vmem>>[vector<16xi32>], vector<16xf32>,
        %parallel_loop3A_80 = arith.constant 1 : i32
        %parallel_loop3A_81 = vector.broadcast %parallel_loop3A_80 : i32 to vector<16xi32>
        %parallel_loop3A_82 = arith.addi %parallel_loop3A_49, %parallel_loop3A_81 : vector<16xi32>
        %parallel_loop3A_83 = tpu.vector_load_idx %arg6[%parallel_loop3A_82] : memref<49152xf32, #tpu.memory_space<vmem>>[vector<16xi32>], vector<16xf32>,
        %parallel_loop3A_84 = arith.addf %parallel_loop3A_79, %parallel_loop3A_83 : vector<16xf32>
        %parallel_loop3A_85 = arith.constant 1 : i32
        %parallel_loop3A_86 = vector.broadcast %parallel_loop3A_85 : i32 to vector<16xi32>
        %parallel_loop3A_87 = arith.addi %parallel_loop3A_55, %parallel_loop3A_86 : vector<16xi32>
        %parallel_loop3A_88 = tpu.vector_load_idx %arg6[%parallel_loop3A_87] : memref<49152xf32, #tpu.memory_space<vmem>>[vector<16xi32>], vector<16xf32>,
        %parallel_loop3A_89 = arith.addf %parallel_loop3A_84, %parallel_loop3A_88 : vector<16xf32>
        %parallel_loop3A_90 = arith.constant 16 : i32
        %parallel_loop3A_91 = arith.muli %parallel_loop3A_37, %parallel_loop3A_90 : i32
        %parallel_loop3A_92 = arith.constant 1 : i32
        %parallel_loop3A_93 = arith.index_cast %parallel_loop3A_92 : i32 to index
        %parallel_loop3A_94 = arith.index_cast %parallel_loop3A_91 : i32 to index
        %parallel_loop3A_95 = tpu.vector_load %arg7[%parallel_loop3A_93, %parallel_loop3A_94] {strides = array<i32>} : memref<32x1792xf32, #tpu.memory_space<vmem>>, vector<16xf32>,
        tpu.vector_store %arg7[%parallel_loop3A_93, %parallel_loop3A_94], %parallel_loop3A_89 {strides = array<i32>} : memref<32x1792xf32, #tpu.memory_space<vmem>>, vector<16xf32>,
        %parallel_loop3A_96 = arith.constant 2 : i32
        %parallel_loop3A_97 = vector.broadcast %parallel_loop3A_96 : i32 to vector<16xi32>
        %parallel_loop3A_98 = arith.addi %parallel_loop3A_43, %parallel_loop3A_97 : vector<16xi32>
        %parallel_loop3A_99 = tpu.vector_load_idx %arg6[%parallel_loop3A_98] : memref<49152xf32, #tpu.memory_space<vmem>>[vector<16xi32>], vector<16xf32>,
        %parallel_loop3A_100 = arith.constant 2 : i32
        %parallel_loop3A_101 = vector.broadcast %parallel_loop3A_100 : i32 to vector<16xi32>
        %parallel_loop3A_102 = arith.addi %parallel_loop3A_49, %parallel_loop3A_101 : vector<16xi32>
        %parallel_loop3A_103 = tpu.vector_load_idx %arg6[%parallel_loop3A_102] : memref<49152xf32, #tpu.memory_space<vmem>>[vector<16xi32>], vector<16xf32>,
        %parallel_loop3A_104 = arith.addf %parallel_loop3A_99, %parallel_loop3A_103 : vector<16xf32>
        %parallel_loop3A_105 = arith.constant 2 : i32
        %parallel_loop3A_106 = vector.broadcast %parallel_loop3A_105 : i32 to vector<16xi32>
        %parallel_loop3A_107 = arith.addi %parallel_loop3A_55, %parallel_loop3A_106 : vector<16xi32>
        %parallel_loop3A_108 = tpu.vector_load_idx %arg6[%parallel_loop3A_107] : memref<49152xf32, #tpu.memory_space<vmem>>[vector<16xi32>], vector<16xf32>,
        %parallel_loop3A_109 = arith.addf %parallel_loop3A_104, %parallel_loop3A_108 : vector<16xf32>
        %parallel_loop3A_110 = arith.constant 16 : i32
        %parallel_loop3A_111 = arith.muli %parallel_loop3A_37, %parallel_loop3A_110 : i32
        %parallel_loop3A_112 = arith.constant 2 : i32
        %parallel_loop3A_113 = arith.index_cast %parallel_loop3A_112 : i32 to index
        %parallel_loop3A_114 = arith.index_cast %parallel_loop3A_111 : i32 to index
        %parallel_loop3A_115 = tpu.vector_load %arg7[%parallel_loop3A_113, %parallel_loop3A_114] {strides = array<i32>} : memref<32x1792xf32, #tpu.memory_space<vmem>>, vector<16xf32>,
        tpu.vector_store %arg7[%parallel_loop3A_113, %parallel_loop3A_114], %parallel_loop3A_109 {strides = array<i32>} : memref<32x1792xf32, #tpu.memory_space<vmem>>, vector<16xf32>,
        %parallel_loop3A_116 = arith.constant 3 : i32
        %parallel_loop3A_117 = vector.broadcast %parallel_loop3A_116 : i32 to vector<16xi32>
        %parallel_loop3A_118 = arith.addi %parallel_loop3A_43, %parallel_loop3A_117 : vector<16xi32>
        %parallel_loop3A_119 = tpu.vector_load_idx %arg6[%parallel_loop3A_118] : memref<49152xf32, #tpu.memory_space<vmem>>[vector<16xi32>], vector<16xf32>,
        %parallel_loop3A_120 = arith.constant 3 : i32
        %parallel_loop3A_121 = vector.broadcast %parallel_loop3A_120 : i32 to vector<16xi32>
        %parallel_loop3A_122 = arith.addi %parallel_loop3A_49, %parallel_loop3A_121 : vector<16xi32>
        %parallel_loop3A_123 = tpu.vector_load_idx %arg6[%parallel_loop3A_122] : memref<49152xf32, #tpu.memory_space<vmem>>[vector<16xi32>], vector<16xf32>,
        %parallel_loop3A_124 = arith.addf %parallel_loop3A_119, %parallel_loop3A_123 : vector<16xf32>
        %parallel_loop3A_125 = arith.constant 3 : i32
        %parallel_loop3A_126 = vector.broadcast %parallel_loop3A_125 : i32 to vector<16xi32>
        %parallel_loop3A_127 = arith.addi %parallel_loop3A_55, %parallel_loop3A_126 : vector<16xi32>
        %parallel_loop3A_128 = tpu.vector_load_idx %arg6[%parallel_loop3A_127] : memref<49152xf32, #tpu.memory_space<vmem>>[vector<16xi32>], vector<16xf32>,
        %parallel_loop3A_129 = arith.addf %parallel_loop3A_124, %parallel_loop3A_128 : vector<16xf32>
        %parallel_loop3A_130 = arith.constant 16 : i32
        %parallel_loop3A_131 = arith.muli %parallel_loop3A_37, %parallel_loop3A_130 : i32
        %parallel_loop3A_132 = arith.constant 3 : i32
        %parallel_loop3A_133 = arith.index_cast %parallel_loop3A_132 : i32 to index
        %parallel_loop3A_134 = arith.index_cast %parallel_loop3A_131 : i32 to index
        %parallel_loop3A_135 = tpu.vector_load %arg7[%parallel_loop3A_133, %parallel_loop3A_134] {strides = array<i32>} : memref<32x1792xf32, #tpu.memory_space<vmem>>, vector<16xf32>,
        tpu.vector_store %arg7[%parallel_loop3A_133, %parallel_loop3A_134], %parallel_loop3A_129 {strides = array<i32>} : memref<32x1792xf32, #tpu.memory_space<vmem>>, vector<16xf32>,
        %parallel_loop3A_136 = arith.constant 4 : i32
        %parallel_loop3A_137 = vector.broadcast %parallel_loop3A_136 : i32 to vector<16xi32>
        %parallel_loop3A_138 = arith.addi %parallel_loop3A_43, %parallel_loop3A_137 : vector<16xi32>
        %parallel_loop3A_139 = tpu.vector_load_idx %arg6[%parallel_loop3A_138] : memref<49152xf32, #tpu.memory_space<vmem>>[vector<16xi32>], vector<16xf32>,
        %parallel_loop3A_140 = arith.constant 4 : i32
        %parallel_loop3A_141 = vector.broadcast %parallel_loop3A_140 : i32 to vector<16xi32>
        %parallel_loop3A_142 = arith.addi %parallel_loop3A_49, %parallel_loop3A_141 : vector<16xi32>
        %parallel_loop3A_143 = tpu.vector_load_idx %arg6[%parallel_loop3A_142] : memref<49152xf32, #tpu.memory_space<vmem>>[vector<16xi32>], vector<16xf32>,
        %parallel_loop3A_144 = arith.addf %parallel_loop3A_139, %parallel_loop3A_143 : vector<16xf32>
        %parallel_loop3A_145 = arith.constant 4 : i32
        %parallel_loop3A_146 = vector.broadcast %parallel_loop3A_145 : i32 to vector<16xi32>
        %parallel_loop3A_147 = arith.addi %parallel_loop3A_55, %parallel_loop3A_146 : vector<16xi32>
        %parallel_loop3A_148 = tpu.vector_load_idx %arg6[%parallel_loop3A_147] : memref<49152xf32, #tpu.memory_space<vmem>>[vector<16xi32>], vector<16xf32>,
        %parallel_loop3A_149 = arith.addf %parallel_loop3A_144, %parallel_loop3A_148 : vector<16xf32>
        %parallel_loop3A_150 = arith.constant 16 : i32
        %parallel_loop3A_151 = arith.muli %parallel_loop3A_37, %parallel_loop3A_150 : i32
        %parallel_loop3A_152 = arith.constant 4 : i32
        %parallel_loop3A_153 = arith.index_cast %parallel_loop3A_152 : i32 to index
        %parallel_loop3A_154 = arith.index_cast %parallel_loop3A_151 : i32 to index
        %parallel_loop3A_155 = tpu.vector_load %arg7[%parallel_loop3A_153, %parallel_loop3A_154] {strides = array<i32>} : memref<32x1792xf32, #tpu.memory_space<vmem>>, vector<16xf32>,
        tpu.vector_store %arg7[%parallel_loop3A_153, %parallel_loop3A_154], %parallel_loop3A_149 {strides = array<i32>} : memref<32x1792xf32, #tpu.memory_space<vmem>>, vector<16xf32>,
        %parallel_loop3A_156 = arith.constant 5 : i32
        %parallel_loop3A_157 = vector.broadcast %parallel_loop3A_156 : i32 to vector<16xi32>
        %parallel_loop3A_158 = arith.addi %parallel_loop3A_43, %parallel_loop3A_157 : vector<16xi32>
        %parallel_loop3A_159 = tpu.vector_load_idx %arg6[%parallel_loop3A_158] : memref<49152xf32, #tpu.memory_space<vmem>>[vector<16xi32>], vector<16xf32>,
        %parallel_loop3A_160 = arith.constant 5 : i32
        %parallel_loop3A_161 = vector.broadcast %parallel_loop3A_160 : i32 to vector<16xi32>
        %parallel_loop3A_162 = arith.addi %parallel_loop3A_49, %parallel_loop3A_161 : vector<16xi32>
        %parallel_loop3A_163 = tpu.vector_load_idx %arg6[%parallel_loop3A_162] : memref<49152xf32, #tpu.memory_space<vmem>>[vector<16xi32>], vector<16xf32>,
        %parallel_loop3A_164 = arith.addf %parallel_loop3A_159, %parallel_loop3A_163 : vector<16xf32>
        %parallel_loop3A_165 = arith.constant 5 : i32
        %parallel_loop3A_166 = vector.broadcast %parallel_loop3A_165 : i32 to vector<16xi32>
        %parallel_loop3A_167 = arith.addi %parallel_loop3A_55, %parallel_loop3A_166 : vector<16xi32>
        %parallel_loop3A_168 = tpu.vector_load_idx %arg6[%parallel_loop3A_167] : memref<49152xf32, #tpu.memory_space<vmem>>[vector<16xi32>], vector<16xf32>,
        %parallel_loop3A_169 = arith.addf %parallel_loop3A_164, %parallel_loop3A_168 : vector<16xf32>
        %parallel_loop3A_170 = arith.constant 16 : i32
        %parallel_loop3A_171 = arith.muli %parallel_loop3A_37, %parallel_loop3A_170 : i32
        %parallel_loop3A_172 = arith.constant 5 : i32
        %parallel_loop3A_173 = arith.index_cast %parallel_loop3A_172 : i32 to index
        %parallel_loop3A_174 = arith.index_cast %parallel_loop3A_171 : i32 to index
        %parallel_loop3A_175 = tpu.vector_load %arg7[%parallel_loop3A_173, %parallel_loop3A_174] {strides = array<i32>} : memref<32x1792xf32, #tpu.memory_space<vmem>>, vector<16xf32>,
        tpu.vector_store %arg7[%parallel_loop3A_173, %parallel_loop3A_174], %parallel_loop3A_169 {strides = array<i32>} : memref<32x1792xf32, #tpu.memory_space<vmem>>, vector<16xf32>,
        %parallel_loop3A_176 = arith.constant 6 : i32
        %parallel_loop3A_177 = vector.broadcast %parallel_loop3A_176 : i32 to vector<16xi32>
        %parallel_loop3A_178 = arith.addi %parallel_loop3A_43, %parallel_loop3A_177 : vector<16xi32>
        %parallel_loop3A_179 = tpu.vector_load_idx %arg6[%parallel_loop3A_178] : memref<49152xf32, #tpu.memory_space<vmem>>[vector<16xi32>], vector<16xf32>,
        %parallel_loop3A_180 = arith.constant 6 : i32
        %parallel_loop3A_181 = vector.broadcast %parallel_loop3A_180 : i32 to vector<16xi32>
        %parallel_loop3A_182 = arith.addi %parallel_loop3A_49, %parallel_loop3A_181 : vector<16xi32>
        %parallel_loop3A_183 = tpu.vector_load_idx %arg6[%parallel_loop3A_182] : memref<49152xf32, #tpu.memory_space<vmem>>[vector<16xi32>], vector<16xf32>,
        %parallel_loop3A_184 = arith.addf %parallel_loop3A_179, %parallel_loop3A_183 : vector<16xf32>
        %parallel_loop3A_185 = arith.constant 6 : i32
        %parallel_loop3A_186 = vector.broadcast %parallel_loop3A_185 : i32 to vector<16xi32>
        %parallel_loop3A_187 = arith.addi %parallel_loop3A_55, %parallel_loop3A_186 : vector<16xi32>
        %parallel_loop3A_188 = tpu.vector_load_idx %arg6[%parallel_loop3A_187] : memref<49152xf32, #tpu.memory_space<vmem>>[vector<16xi32>], vector<16xf32>,
        %parallel_loop3A_189 = arith.addf %parallel_loop3A_184, %parallel_loop3A_188 : vector<16xf32>
        %parallel_loop3A_190 = arith.constant 16 : i32
        %parallel_loop3A_191 = arith.muli %parallel_loop3A_37, %parallel_loop3A_190 : i32
        %parallel_loop3A_192 = arith.constant 6 : i32
        %parallel_loop3A_193 = arith.index_cast %parallel_loop3A_192 : i32 to index
        %parallel_loop3A_194 = arith.index_cast %parallel_loop3A_191 : i32 to index
        %parallel_loop3A_195 = tpu.vector_load %arg7[%parallel_loop3A_193, %parallel_loop3A_194] {strides = array<i32>} : memref<32x1792xf32, #tpu.memory_space<vmem>>, vector<16xf32>,
        tpu.vector_store %arg7[%parallel_loop3A_193, %parallel_loop3A_194], %parallel_loop3A_189 {strides = array<i32>} : memref<32x1792xf32, #tpu.memory_space<vmem>>, vector<16xf32>,
        %parallel_loop3A_196 = arith.constant 7 : i32
        %parallel_loop3A_197 = vector.broadcast %parallel_loop3A_196 : i32 to vector<16xi32>
        %parallel_loop3A_198 = arith.addi %parallel_loop3A_43, %parallel_loop3A_197 : vector<16xi32>
        %parallel_loop3A_199 = tpu.vector_load_idx %arg6[%parallel_loop3A_198] : memref<49152xf32, #tpu.memory_space<vmem>>[vector<16xi32>], vector<16xf32>,
        %parallel_loop3A_200 = arith.constant 7 : i32
        %parallel_loop3A_201 = vector.broadcast %parallel_loop3A_200 : i32 to vector<16xi32>
        %parallel_loop3A_202 = arith.addi %parallel_loop3A_49, %parallel_loop3A_201 : vector<16xi32>
        %parallel_loop3A_203 = tpu.vector_load_idx %arg6[%parallel_loop3A_202] : memref<49152xf32, #tpu.memory_space<vmem>>[vector<16xi32>], vector<16xf32>,
        %parallel_loop3A_204 = arith.addf %parallel_loop3A_199, %parallel_loop3A_203 : vector<16xf32>
        %parallel_loop3A_205 = arith.constant 7 : i32
        %parallel_loop3A_206 = vector.broadcast %parallel_loop3A_205 : i32 to vector<16xi32>
        %parallel_loop3A_207 = arith.addi %parallel_loop3A_55, %parallel_loop3A_206 : vector<16xi32>
        %parallel_loop3A_208 = tpu.vector_load_idx %arg6[%parallel_loop3A_207] : memref<49152xf32, #tpu.memory_space<vmem>>[vector<16xi32>], vector<16xf32>,
        %parallel_loop3A_209 = arith.addf %parallel_loop3A_204, %parallel_loop3A_208 : vector<16xf32>
        %parallel_loop3A_210 = arith.constant 16 : i32
        %parallel_loop3A_211 = arith.muli %parallel_loop3A_37, %parallel_loop3A_210 : i32
        %parallel_loop3A_212 = arith.constant 7 : i32
        %parallel_loop3A_213 = arith.index_cast %parallel_loop3A_212 : i32 to index
        %parallel_loop3A_214 = arith.index_cast %parallel_loop3A_211 : i32 to index
        %parallel_loop3A_215 = tpu.vector_load %arg7[%parallel_loop3A_213, %parallel_loop3A_214] {strides = array<i32>} : memref<32x1792xf32, #tpu.memory_space<vmem>>, vector<16xf32>,
        tpu.vector_store %arg7[%parallel_loop3A_213, %parallel_loop3A_214], %parallel_loop3A_209 {strides = array<i32>} : memref<32x1792xf32, #tpu.memory_space<vmem>>, vector<16xf32>,
        %parallel_loop3A_216 = arith.constant 8 : i32
        %parallel_loop3A_217 = vector.broadcast %parallel_loop3A_216 : i32 to vector<16xi32>
        %parallel_loop3A_218 = arith.addi %parallel_loop3A_43, %parallel_loop3A_217 : vector<16xi32>
        %parallel_loop3A_219 = tpu.vector_load_idx %arg6[%parallel_loop3A_218] : memref<49152xf32, #tpu.memory_space<vmem>>[vector<16xi32>], vector<16xf32>,
        %parallel_loop3A_220 = arith.constant 8 : i32
        %parallel_loop3A_221 = vector.broadcast %parallel_loop3A_220 : i32 to vector<16xi32>
        %parallel_loop3A_222 = arith.addi %parallel_loop3A_49, %parallel_loop3A_221 : vector<16xi32>
        %parallel_loop3A_223 = tpu.vector_load_idx %arg6[%parallel_loop3A_222] : memref<49152xf32, #tpu.memory_space<vmem>>[vector<16xi32>], vector<16xf32>,
        %parallel_loop3A_224 = arith.addf %parallel_loop3A_219, %parallel_loop3A_223 : vector<16xf32>
        %parallel_loop3A_225 = arith.constant 8 : i32
        %parallel_loop3A_226 = vector.broadcast %parallel_loop3A_225 : i32 to vector<16xi32>
        %parallel_loop3A_227 = arith.addi %parallel_loop3A_55, %parallel_loop3A_226 : vector<16xi32>
        %parallel_loop3A_228 = tpu.vector_load_idx %arg6[%parallel_loop3A_227] : memref<49152xf32, #tpu.memory_space<vmem>>[vector<16xi32>], vector<16xf32>,
        %parallel_loop3A_229 = arith.addf %parallel_loop3A_224, %parallel_loop3A_228 : vector<16xf32>
        %parallel_loop3A_230 = arith.constant 16 : i32
        %parallel_loop3A_231 = arith.muli %parallel_loop3A_37, %parallel_loop3A_230 : i32
        %parallel_loop3A_232 = arith.constant 8 : i32
        %parallel_loop3A_233 = arith.index_cast %parallel_loop3A_232 : i32 to index
        %parallel_loop3A_234 = arith.index_cast %parallel_loop3A_231 : i32 to index
        %parallel_loop3A_235 = tpu.vector_load %arg7[%parallel_loop3A_233, %parallel_loop3A_234] {strides = array<i32>} : memref<32x1792xf32, #tpu.memory_space<vmem>>, vector<16xf32>,
        tpu.vector_store %arg7[%parallel_loop3A_233, %parallel_loop3A_234], %parallel_loop3A_229 {strides = array<i32>} : memref<32x1792xf32, #tpu.memory_space<vmem>>, vector<16xf32>,
        %parallel_loop3A_236 = arith.constant 9 : i32
        %parallel_loop3A_237 = vector.broadcast %parallel_loop3A_236 : i32 to vector<16xi32>
        %parallel_loop3A_238 = arith.addi %parallel_loop3A_43, %parallel_loop3A_237 : vector<16xi32>
        %parallel_loop3A_239 = tpu.vector_load_idx %arg6[%parallel_loop3A_238] : memref<49152xf32, #tpu.memory_space<vmem>>[vector<16xi32>], vector<16xf32>,
        %parallel_loop3A_240 = arith.constant 9 : i32
        %parallel_loop3A_241 = vector.broadcast %parallel_loop3A_240 : i32 to vector<16xi32>
        %parallel_loop3A_242 = arith.addi %parallel_loop3A_49, %parallel_loop3A_241 : vector<16xi32>
        %parallel_loop3A_243 = tpu.vector_load_idx %arg6[%parallel_loop3A_242] : memref<49152xf32, #tpu.memory_space<vmem>>[vector<16xi32>], vector<16xf32>,
        %parallel_loop3A_244 = arith.addf %parallel_loop3A_239, %parallel_loop3A_243 : vector<16xf32>
        %parallel_loop3A_245 = arith.constant 9 : i32
        %parallel_loop3A_246 = vector.broadcast %parallel_loop3A_245 : i32 to vector<16xi32>
        %parallel_loop3A_247 = arith.addi %parallel_loop3A_55, %parallel_loop3A_246 : vector<16xi32>
        %parallel_loop3A_248 = tpu.vector_load_idx %arg6[%parallel_loop3A_247] : memref<49152xf32, #tpu.memory_space<vmem>>[vector<16xi32>], vector<16xf32>,
        %parallel_loop3A_249 = arith.addf %parallel_loop3A_244, %parallel_loop3A_248 : vector<16xf32>
        %parallel_loop3A_250 = arith.constant 16 : i32
        %parallel_loop3A_251 = arith.muli %parallel_loop3A_37, %parallel_loop3A_250 : i32
        %parallel_loop3A_252 = arith.constant 9 : i32
        %parallel_loop3A_253 = arith.index_cast %parallel_loop3A_252 : i32 to index
        %parallel_loop3A_254 = arith.index_cast %parallel_loop3A_251 : i32 to index
        %parallel_loop3A_255 = tpu.vector_load %arg7[%parallel_loop3A_253, %parallel_loop3A_254] {strides = array<i32>} : memref<32x1792xf32, #tpu.memory_space<vmem>>, vector<16xf32>,
        tpu.vector_store %arg7[%parallel_loop3A_253, %parallel_loop3A_254], %parallel_loop3A_249 {strides = array<i32>} : memref<32x1792xf32, #tpu.memory_space<vmem>>, vector<16xf32>,
        %parallel_loop3A_256 = arith.constant 10 : i32
        %parallel_loop3A_257 = vector.broadcast %parallel_loop3A_256 : i32 to vector<16xi32>
        %parallel_loop3A_258 = arith.addi %parallel_loop3A_43, %parallel_loop3A_257 : vector<16xi32>
        %parallel_loop3A_259 = tpu.vector_load_idx %arg6[%parallel_loop3A_258] : memref<49152xf32, #tpu.memory_space<vmem>>[vector<16xi32>], vector<16xf32>,
        %parallel_loop3A_260 = arith.constant 10 : i32
        %parallel_loop3A_261 = vector.broadcast %parallel_loop3A_260 : i32 to vector<16xi32>
        %parallel_loop3A_262 = arith.addi %parallel_loop3A_49, %parallel_loop3A_261 : vector<16xi32>
        %parallel_loop3A_263 = tpu.vector_load_idx %arg6[%parallel_loop3A_262] : memref<49152xf32, #tpu.memory_space<vmem>>[vector<16xi32>], vector<16xf32>,
        %parallel_loop3A_264 = arith.addf %parallel_loop3A_259, %parallel_loop3A_263 : vector<16xf32>
        %parallel_loop3A_265 = arith.constant 10 : i32
        %parallel_loop3A_266 = vector.broadcast %parallel_loop3A_265 : i32 to vector<16xi32>
        %parallel_loop3A_267 = arith.addi %parallel_loop3A_55, %parallel_loop3A_266 : vector<16xi32>
        %parallel_loop3A_268 = tpu.vector_load_idx %arg6[%parallel_loop3A_267] : memref<49152xf32, #tpu.memory_space<vmem>>[vector<16xi32>], vector<16xf32>,
        %parallel_loop3A_269 = arith.addf %parallel_loop3A_264, %parallel_loop3A_268 : vector<16xf32>
        %parallel_loop3A_270 = arith.constant 16 : i32
        %parallel_loop3A_271 = arith.muli %parallel_loop3A_37, %parallel_loop3A_270 : i32
        %parallel_loop3A_272 = arith.constant 10 : i32
        %parallel_loop3A_273 = arith.index_cast %parallel_loop3A_272 : i32 to index
        %parallel_loop3A_274 = arith.index_cast %parallel_loop3A_271 : i32 to index
        %parallel_loop3A_275 = tpu.vector_load %arg7[%parallel_loop3A_273, %parallel_loop3A_274] {strides = array<i32>} : memref<32x1792xf32, #tpu.memory_space<vmem>>, vector<16xf32>,
        tpu.vector_store %arg7[%parallel_loop3A_273, %parallel_loop3A_274], %parallel_loop3A_269 {strides = array<i32>} : memref<32x1792xf32, #tpu.memory_space<vmem>>, vector<16xf32>,
        %parallel_loop3A_276 = arith.constant 11 : i32
        %parallel_loop3A_277 = vector.broadcast %parallel_loop3A_276 : i32 to vector<16xi32>
        %parallel_loop3A_278 = arith.addi %parallel_loop3A_43, %parallel_loop3A_277 : vector<16xi32>
        %parallel_loop3A_279 = tpu.vector_load_idx %arg6[%parallel_loop3A_278] : memref<49152xf32, #tpu.memory_space<vmem>>[vector<16xi32>], vector<16xf32>,
        %parallel_loop3A_280 = arith.constant 11 : i32
        %parallel_loop3A_281 = vector.broadcast %parallel_loop3A_280 : i32 to vector<16xi32>
        %parallel_loop3A_282 = arith.addi %parallel_loop3A_49, %parallel_loop3A_281 : vector<16xi32>
        %parallel_loop3A_283 = tpu.vector_load_idx %arg6[%parallel_loop3A_282] : memref<49152xf32, #tpu.memory_space<vmem>>[vector<16xi32>], vector<16xf32>,
        %parallel_loop3A_284 = arith.addf %parallel_loop3A_279, %parallel_loop3A_283 : vector<16xf32>
        %parallel_loop3A_285 = arith.constant 11 : i32
        %parallel_loop3A_286 = vector.broadcast %parallel_loop3A_285 : i32 to vector<16xi32>
        %parallel_loop3A_287 = arith.addi %parallel_loop3A_55, %parallel_loop3A_286 : vector<16xi32>
        %parallel_loop3A_288 = tpu.vector_load_idx %arg6[%parallel_loop3A_287] : memref<49152xf32, #tpu.memory_space<vmem>>[vector<16xi32>], vector<16xf32>,
        %parallel_loop3A_289 = arith.addf %parallel_loop3A_284, %parallel_loop3A_288 : vector<16xf32>
        %parallel_loop3A_290 = arith.constant 16 : i32
        %parallel_loop3A_291 = arith.muli %parallel_loop3A_37, %parallel_loop3A_290 : i32
        %parallel_loop3A_292 = arith.constant 11 : i32
        %parallel_loop3A_293 = arith.index_cast %parallel_loop3A_292 : i32 to index
        %parallel_loop3A_294 = arith.index_cast %parallel_loop3A_291 : i32 to index
        %parallel_loop3A_295 = tpu.vector_load %arg7[%parallel_loop3A_293, %parallel_loop3A_294] {strides = array<i32>} : memref<32x1792xf32, #tpu.memory_space<vmem>>, vector<16xf32>,
        tpu.vector_store %arg7[%parallel_loop3A_293, %parallel_loop3A_294], %parallel_loop3A_289 {strides = array<i32>} : memref<32x1792xf32, #tpu.memory_space<vmem>>, vector<16xf32>,
        %parallel_loop3A_296 = arith.constant 12 : i32
        %parallel_loop3A_297 = vector.broadcast %parallel_loop3A_296 : i32 to vector<16xi32>
        %parallel_loop3A_298 = arith.addi %parallel_loop3A_43, %parallel_loop3A_297 : vector<16xi32>
        %parallel_loop3A_299 = tpu.vector_load_idx %arg6[%parallel_loop3A_298] : memref<49152xf32, #tpu.memory_space<vmem>>[vector<16xi32>], vector<16xf32>,
        %parallel_loop3A_300 = arith.constant 12 : i32
        %parallel_loop3A_301 = vector.broadcast %parallel_loop3A_300 : i32 to vector<16xi32>
        %parallel_loop3A_302 = arith.addi %parallel_loop3A_49, %parallel_loop3A_301 : vector<16xi32>
        %parallel_loop3A_303 = tpu.vector_load_idx %arg6[%parallel_loop3A_302] : memref<49152xf32, #tpu.memory_space<vmem>>[vector<16xi32>], vector<16xf32>,
        %parallel_loop3A_304 = arith.addf %parallel_loop3A_299, %parallel_loop3A_303 : vector<16xf32>
        %parallel_loop3A_305 = arith.constant 12 : i32
        %parallel_loop3A_306 = vector.broadcast %parallel_loop3A_305 : i32 to vector<16xi32>
        %parallel_loop3A_307 = arith.addi %parallel_loop3A_55, %parallel_loop3A_306 : vector<16xi32>
        %parallel_loop3A_308 = tpu.vector_load_idx %arg6[%parallel_loop3A_307] : memref<49152xf32, #tpu.memory_space<vmem>>[vector<16xi32>], vector<16xf32>,
        %parallel_loop3A_309 = arith.addf %parallel_loop3A_304, %parallel_loop3A_308 : vector<16xf32>
        %parallel_loop3A_310 = arith.constant 16 : i32
        %parallel_loop3A_311 = arith.muli %parallel_loop3A_37, %parallel_loop3A_310 : i32
        %parallel_loop3A_312 = arith.constant 12 : i32
        %parallel_loop3A_313 = arith.index_cast %parallel_loop3A_312 : i32 to index
        %parallel_loop3A_314 = arith.index_cast %parallel_loop3A_311 : i32 to index
        %parallel_loop3A_315 = tpu.vector_load %arg7[%parallel_loop3A_313, %parallel_loop3A_314] {strides = array<i32>} : memref<32x1792xf32, #tpu.memory_space<vmem>>, vector<16xf32>,
        tpu.vector_store %arg7[%parallel_loop3A_313, %parallel_loop3A_314], %parallel_loop3A_309 {strides = array<i32>} : memref<32x1792xf32, #tpu.memory_space<vmem>>, vector<16xf32>,
        %parallel_loop3A_316 = arith.constant 13 : i32
        %parallel_loop3A_317 = vector.broadcast %parallel_loop3A_316 : i32 to vector<16xi32>
        %parallel_loop3A_318 = arith.addi %parallel_loop3A_43, %parallel_loop3A_317 : vector<16xi32>
        %parallel_loop3A_319 = tpu.vector_load_idx %arg6[%parallel_loop3A_318] : memref<49152xf32, #tpu.memory_space<vmem>>[vector<16xi32>], vector<16xf32>,
        %parallel_loop3A_320 = arith.constant 13 : i32
        %parallel_loop3A_321 = vector.broadcast %parallel_loop3A_320 : i32 to vector<16xi32>
        %parallel_loop3A_322 = arith.addi %parallel_loop3A_49, %parallel_loop3A_321 : vector<16xi32>
        %parallel_loop3A_323 = tpu.vector_load_idx %arg6[%parallel_loop3A_322] : memref<49152xf32, #tpu.memory_space<vmem>>[vector<16xi32>], vector<16xf32>,
        %parallel_loop3A_324 = arith.addf %parallel_loop3A_319, %parallel_loop3A_323 : vector<16xf32>
        %parallel_loop3A_325 = arith.constant 13 : i32
        %parallel_loop3A_326 = vector.broadcast %parallel_loop3A_325 : i32 to vector<16xi32>
        %parallel_loop3A_327 = arith.addi %parallel_loop3A_55, %parallel_loop3A_326 : vector<16xi32>
        %parallel_loop3A_328 = tpu.vector_load_idx %arg6[%parallel_loop3A_327] : memref<49152xf32, #tpu.memory_space<vmem>>[vector<16xi32>], vector<16xf32>,
        %parallel_loop3A_329 = arith.addf %parallel_loop3A_324, %parallel_loop3A_328 : vector<16xf32>
        %parallel_loop3A_330 = arith.constant 16 : i32
        %parallel_loop3A_331 = arith.muli %parallel_loop3A_37, %parallel_loop3A_330 : i32
        %parallel_loop3A_332 = arith.constant 13 : i32
        %parallel_loop3A_333 = arith.index_cast %parallel_loop3A_332 : i32 to index
        %parallel_loop3A_334 = arith.index_cast %parallel_loop3A_331 : i32 to index
        %parallel_loop3A_335 = tpu.vector_load %arg7[%parallel_loop3A_333, %parallel_loop3A_334] {strides = array<i32>} : memref<32x1792xf32, #tpu.memory_space<vmem>>, vector<16xf32>,
        tpu.vector_store %arg7[%parallel_loop3A_333, %parallel_loop3A_334], %parallel_loop3A_329 {strides = array<i32>} : memref<32x1792xf32, #tpu.memory_space<vmem>>, vector<16xf32>,
        %parallel_loop3A_336 = arith.constant 14 : i32
        %parallel_loop3A_337 = vector.broadcast %parallel_loop3A_336 : i32 to vector<16xi32>
        %parallel_loop3A_338 = arith.addi %parallel_loop3A_43, %parallel_loop3A_337 : vector<16xi32>
        %parallel_loop3A_339 = tpu.vector_load_idx %arg6[%parallel_loop3A_338] : memref<49152xf32, #tpu.memory_space<vmem>>[vector<16xi32>], vector<16xf32>,
        %parallel_loop3A_340 = arith.constant 14 : i32
        %parallel_loop3A_341 = vector.broadcast %parallel_loop3A_340 : i32 to vector<16xi32>
        %parallel_loop3A_342 = arith.addi %parallel_loop3A_49, %parallel_loop3A_341 : vector<16xi32>
        %parallel_loop3A_343 = tpu.vector_load_idx %arg6[%parallel_loop3A_342] : memref<49152xf32, #tpu.memory_space<vmem>>[vector<16xi32>], vector<16xf32>,
        %parallel_loop3A_344 = arith.addf %parallel_loop3A_339, %parallel_loop3A_343 : vector<16xf32>
        %parallel_loop3A_345 = arith.constant 14 : i32
        %parallel_loop3A_346 = vector.broadcast %parallel_loop3A_345 : i32 to vector<16xi32>
        %parallel_loop3A_347 = arith.addi %parallel_loop3A_55, %parallel_loop3A_346 : vector<16xi32>
        %parallel_loop3A_348 = tpu.vector_load_idx %arg6[%parallel_loop3A_347] : memref<49152xf32, #tpu.memory_space<vmem>>[vector<16xi32>], vector<16xf32>,
        %parallel_loop3A_349 = arith.addf %parallel_loop3A_344, %parallel_loop3A_348 : vector<16xf32>
        %parallel_loop3A_350 = arith.constant 16 : i32
        %parallel_loop3A_351 = arith.muli %parallel_loop3A_37, %parallel_loop3A_350 : i32
        %parallel_loop3A_352 = arith.constant 14 : i32
        %parallel_loop3A_353 = arith.index_cast %parallel_loop3A_352 : i32 to index
        %parallel_loop3A_354 = arith.index_cast %parallel_loop3A_351 : i32 to index
        %parallel_loop3A_355 = tpu.vector_load %arg7[%parallel_loop3A_353, %parallel_loop3A_354] {strides = array<i32>} : memref<32x1792xf32, #tpu.memory_space<vmem>>, vector<16xf32>,
        tpu.vector_store %arg7[%parallel_loop3A_353, %parallel_loop3A_354], %parallel_loop3A_349 {strides = array<i32>} : memref<32x1792xf32, #tpu.memory_space<vmem>>, vector<16xf32>,
        %parallel_loop3A_356 = arith.constant 15 : i32
        %parallel_loop3A_357 = vector.broadcast %parallel_loop3A_356 : i32 to vector<16xi32>
        %parallel_loop3A_358 = arith.addi %parallel_loop3A_43, %parallel_loop3A_357 : vector<16xi32>
        %parallel_loop3A_359 = tpu.vector_load_idx %arg6[%parallel_loop3A_358] : memref<49152xf32, #tpu.memory_space<vmem>>[vector<16xi32>], vector<16xf32>,
        %parallel_loop3A_360 = arith.constant 15 : i32
        %parallel_loop3A_361 = vector.broadcast %parallel_loop3A_360 : i32 to vector<16xi32>
        %parallel_loop3A_362 = arith.addi %parallel_loop3A_49, %parallel_loop3A_361 : vector<16xi32>
        %parallel_loop3A_363 = tpu.vector_load_idx %arg6[%parallel_loop3A_362] : memref<49152xf32, #tpu.memory_space<vmem>>[vector<16xi32>], vector<16xf32>,
        %parallel_loop3A_364 = arith.addf %parallel_loop3A_359, %parallel_loop3A_363 : vector<16xf32>
        %parallel_loop3A_365 = arith.constant 15 : i32
        %parallel_loop3A_366 = vector.broadcast %parallel_loop3A_365 : i32 to vector<16xi32>
        %parallel_loop3A_367 = arith.addi %parallel_loop3A_55, %parallel_loop3A_366 : vector<16xi32>
        %parallel_loop3A_368 = tpu.vector_load_idx %arg6[%parallel_loop3A_367] : memref<49152xf32, #tpu.memory_space<vmem>>[vector<16xi32>], vector<16xf32>,
        %parallel_loop3A_369 = arith.addf %parallel_loop3A_364, %parallel_loop3A_368 : vector<16xf32>
        %parallel_loop3A_370 = arith.constant 16 : i32
        %parallel_loop3A_371 = arith.muli %parallel_loop3A_37, %parallel_loop3A_370 : i32
        %parallel_loop3A_372 = arith.constant 15 : i32
        %parallel_loop3A_373 = arith.index_cast %parallel_loop3A_372 : i32 to index
        %parallel_loop3A_374 = arith.index_cast %parallel_loop3A_371 : i32 to index
        %parallel_loop3A_375 = tpu.vector_load %arg7[%parallel_loop3A_373, %parallel_loop3A_374] {strides = array<i32>} : memref<32x1792xf32, #tpu.memory_space<vmem>>, vector<16xf32>,
        tpu.vector_store %arg7[%parallel_loop3A_373, %parallel_loop3A_374], %parallel_loop3A_369 {strides = array<i32>} : memref<32x1792xf32, #tpu.memory_space<vmem>>, vector<16xf32>,
        %parallel_loop3A_376 = arith.constant 16 : i32
        %parallel_loop3A_377 = vector.broadcast %parallel_loop3A_376 : i32 to vector<16xi32>
        %parallel_loop3A_378 = arith.addi %parallel_loop3A_43, %parallel_loop3A_377 : vector<16xi32>
        %parallel_loop3A_379 = tpu.vector_load_idx %arg6[%parallel_loop3A_378] : memref<49152xf32, #tpu.memory_space<vmem>>[vector<16xi32>], vector<16xf32>,
        %parallel_loop3A_380 = arith.constant 16 : i32
        %parallel_loop3A_381 = vector.broadcast %parallel_loop3A_380 : i32 to vector<16xi32>
        %parallel_loop3A_382 = arith.addi %parallel_loop3A_49, %parallel_loop3A_381 : vector<16xi32>
        %parallel_loop3A_383 = tpu.vector_load_idx %arg6[%parallel_loop3A_382] : memref<49152xf32, #tpu.memory_space<vmem>>[vector<16xi32>], vector<16xf32>,
        %parallel_loop3A_384 = arith.addf %parallel_loop3A_379, %parallel_loop3A_383 : vector<16xf32>
        %parallel_loop3A_385 = arith.constant 16 : i32
        %parallel_loop3A_386 = vector.broadcast %parallel_loop3A_385 : i32 to vector<16xi32>
        %parallel_loop3A_387 = arith.addi %parallel_loop3A_55, %parallel_loop3A_386 : vector<16xi32>
        %parallel_loop3A_388 = tpu.vector_load_idx %arg6[%parallel_loop3A_387] : memref<49152xf32, #tpu.memory_space<vmem>>[vector<16xi32>], vector<16xf32>,
        %parallel_loop3A_389 = arith.addf %parallel_loop3A_384, %parallel_loop3A_388 : vector<16xf32>
        %parallel_loop3A_390 = arith.constant 16 : i32
        %parallel_loop3A_391 = arith.muli %parallel_loop3A_37, %parallel_loop3A_390 : i32
        %parallel_loop3A_392 = arith.constant 16 : i32
        %parallel_loop3A_393 = arith.index_cast %parallel_loop3A_392 : i32 to index
        %parallel_loop3A_394 = arith.index_cast %parallel_loop3A_391 : i32 to index
        %parallel_loop3A_395 = tpu.vector_load %arg7[%parallel_loop3A_393, %parallel_loop3A_394] {strides = array<i32>} : memref<32x1792xf32, #tpu.memory_space<vmem>>, vector<16xf32>,
        tpu.vector_store %arg7[%parallel_loop3A_393, %parallel_loop3A_394], %parallel_loop3A_389 {strides = array<i32>} : memref<32x1792xf32, #tpu.memory_space<vmem>>, vector<16xf32>,
        %parallel_loop3A_396 = arith.constant 17 : i32
        %parallel_loop3A_397 = vector.broadcast %parallel_loop3A_396 : i32 to vector<16xi32>
        %parallel_loop3A_398 = arith.addi %parallel_loop3A_43, %parallel_loop3A_397 : vector<16xi32>
        %parallel_loop3A_399 = tpu.vector_load_idx %arg6[%parallel_loop3A_398] : memref<49152xf32, #tpu.memory_space<vmem>>[vector<16xi32>], vector<16xf32>,
        %parallel_loop3A_400 = arith.constant 17 : i32
        %parallel_loop3A_401 = vector.broadcast %parallel_loop3A_400 : i32 to vector<16xi32>
        %parallel_loop3A_402 = arith.addi %parallel_loop3A_49, %parallel_loop3A_401 : vector<16xi32>
        %parallel_loop3A_403 = tpu.vector_load_idx %arg6[%parallel_loop3A_402] : memref<49152xf32, #tpu.memory_space<vmem>>[vector<16xi32>], vector<16xf32>,
        %parallel_loop3A_404 = arith.addf %parallel_loop3A_399, %parallel_loop3A_403 : vector<16xf32>
        %parallel_loop3A_405 = arith.constant 17 : i32
        %parallel_loop3A_406 = vector.broadcast %parallel_loop3A_405 : i32 to vector<16xi32>
        %parallel_loop3A_407 = arith.addi %parallel_loop3A_55, %parallel_loop3A_406 : vector<16xi32>
        %parallel_loop3A_408 = tpu.vector_load_idx %arg6[%parallel_loop3A_407] : memref<49152xf32, #tpu.memory_space<vmem>>[vector<16xi32>], vector<16xf32>,
        %parallel_loop3A_409 = arith.addf %parallel_loop3A_404, %parallel_loop3A_408 : vector<16xf32>
        %parallel_loop3A_410 = arith.constant 16 : i32
        %parallel_loop3A_411 = arith.muli %parallel_loop3A_37, %parallel_loop3A_410 : i32
        %parallel_loop3A_412 = arith.constant 17 : i32
        %parallel_loop3A_413 = arith.index_cast %parallel_loop3A_412 : i32 to index
        %parallel_loop3A_414 = arith.index_cast %parallel_loop3A_411 : i32 to index
        %parallel_loop3A_415 = tpu.vector_load %arg7[%parallel_loop3A_413, %parallel_loop3A_414] {strides = array<i32>} : memref<32x1792xf32, #tpu.memory_space<vmem>>, vector<16xf32>,
        tpu.vector_store %arg7[%parallel_loop3A_413, %parallel_loop3A_414], %parallel_loop3A_409 {strides = array<i32>} : memref<32x1792xf32, #tpu.memory_space<vmem>>, vector<16xf32>,
        %parallel_loop3A_416 = arith.constant 18 : i32
        %parallel_loop3A_417 = vector.broadcast %parallel_loop3A_416 : i32 to vector<16xi32>
        %parallel_loop3A_418 = arith.addi %parallel_loop3A_43, %parallel_loop3A_417 : vector<16xi32>
        %parallel_loop3A_419 = tpu.vector_load_idx %arg6[%parallel_loop3A_418] : memref<49152xf32, #tpu.memory_space<vmem>>[vector<16xi32>], vector<16xf32>,
        %parallel_loop3A_420 = arith.constant 18 : i32
        %parallel_loop3A_421 = vector.broadcast %parallel_loop3A_420 : i32 to vector<16xi32>
        %parallel_loop3A_422 = arith.addi %parallel_loop3A_49, %parallel_loop3A_421 : vector<16xi32>
        %parallel_loop3A_423 = tpu.vector_load_idx %arg6[%parallel_loop3A_422] : memref<49152xf32, #tpu.memory_space<vmem>>[vector<16xi32>], vector<16xf32>,
        %parallel_loop3A_424 = arith.addf %parallel_loop3A_419, %parallel_loop3A_423 : vector<16xf32>
        %parallel_loop3A_425 = arith.constant 18 : i32
        %parallel_loop3A_426 = vector.broadcast %parallel_loop3A_425 : i32 to vector<16xi32>
        %parallel_loop3A_427 = arith.addi %parallel_loop3A_55, %parallel_loop3A_426 : vector<16xi32>
        %parallel_loop3A_428 = tpu.vector_load_idx %arg6[%parallel_loop3A_427] : memref<49152xf32, #tpu.memory_space<vmem>>[vector<16xi32>], vector<16xf32>,
        %parallel_loop3A_429 = arith.addf %parallel_loop3A_424, %parallel_loop3A_428 : vector<16xf32>
        %parallel_loop3A_430 = arith.constant 16 : i32
        %parallel_loop3A_431 = arith.muli %parallel_loop3A_37, %parallel_loop3A_430 : i32
        %parallel_loop3A_432 = arith.constant 18 : i32
        %parallel_loop3A_433 = arith.index_cast %parallel_loop3A_432 : i32 to index
        %parallel_loop3A_434 = arith.index_cast %parallel_loop3A_431 : i32 to index
        %parallel_loop3A_435 = tpu.vector_load %arg7[%parallel_loop3A_433, %parallel_loop3A_434] {strides = array<i32>} : memref<32x1792xf32, #tpu.memory_space<vmem>>, vector<16xf32>,
        tpu.vector_store %arg7[%parallel_loop3A_433, %parallel_loop3A_434], %parallel_loop3A_429 {strides = array<i32>} : memref<32x1792xf32, #tpu.memory_space<vmem>>, vector<16xf32>,
        %parallel_loop3A_436 = arith.constant 19 : i32
        %parallel_loop3A_437 = vector.broadcast %parallel_loop3A_436 : i32 to vector<16xi32>
        %parallel_loop3A_438 = arith.addi %parallel_loop3A_43, %parallel_loop3A_437 : vector<16xi32>
        %parallel_loop3A_439 = tpu.vector_load_idx %arg6[%parallel_loop3A_438] : memref<49152xf32, #tpu.memory_space<vmem>>[vector<16xi32>], vector<16xf32>,
        %parallel_loop3A_440 = arith.constant 19 : i32
        %parallel_loop3A_441 = vector.broadcast %parallel_loop3A_440 : i32 to vector<16xi32>
        %parallel_loop3A_442 = arith.addi %parallel_loop3A_49, %parallel_loop3A_441 : vector<16xi32>
        %parallel_loop3A_443 = tpu.vector_load_idx %arg6[%parallel_loop3A_442] : memref<49152xf32, #tpu.memory_space<vmem>>[vector<16xi32>], vector<16xf32>,
        %parallel_loop3A_444 = arith.addf %parallel_loop3A_439, %parallel_loop3A_443 : vector<16xf32>
        %parallel_loop3A_445 = arith.constant 19 : i32
        %parallel_loop3A_446 = vector.broadcast %parallel_loop3A_445 : i32 to vector<16xi32>
        %parallel_loop3A_447 = arith.addi %parallel_loop3A_55, %parallel_loop3A_446 : vector<16xi32>
        %parallel_loop3A_448 = tpu.vector_load_idx %arg6[%parallel_loop3A_447] : memref<49152xf32, #tpu.memory_space<vmem>>[vector<16xi32>], vector<16xf32>,
        %parallel_loop3A_449 = arith.addf %parallel_loop3A_444, %parallel_loop3A_448 : vector<16xf32>
        %parallel_loop3A_450 = arith.constant 16 : i32
        %parallel_loop3A_451 = arith.muli %parallel_loop3A_37, %parallel_loop3A_450 : i32
        %parallel_loop3A_452 = arith.constant 19 : i32
        %parallel_loop3A_453 = arith.index_cast %parallel_loop3A_452 : i32 to index
        %parallel_loop3A_454 = arith.index_cast %parallel_loop3A_451 : i32 to index
        %parallel_loop3A_455 = tpu.vector_load %arg7[%parallel_loop3A_453, %parallel_loop3A_454] {strides = array<i32>} : memref<32x1792xf32, #tpu.memory_space<vmem>>, vector<16xf32>,
        tpu.vector_store %arg7[%parallel_loop3A_453, %parallel_loop3A_454], %parallel_loop3A_449 {strides = array<i32>} : memref<32x1792xf32, #tpu.memory_space<vmem>>, vector<16xf32>,
        %parallel_loop3A_456 = arith.constant 20 : i32
        %parallel_loop3A_457 = vector.broadcast %parallel_loop3A_456 : i32 to vector<16xi32>
        %parallel_loop3A_458 = arith.addi %parallel_loop3A_43, %parallel_loop3A_457 : vector<16xi32>
        %parallel_loop3A_459 = tpu.vector_load_idx %arg6[%parallel_loop3A_458] : memref<49152xf32, #tpu.memory_space<vmem>>[vector<16xi32>], vector<16xf32>,
        %parallel_loop3A_460 = arith.constant 20 : i32
        %parallel_loop3A_461 = vector.broadcast %parallel_loop3A_460 : i32 to vector<16xi32>
        %parallel_loop3A_462 = arith.addi %parallel_loop3A_49, %parallel_loop3A_461 : vector<16xi32>
        %parallel_loop3A_463 = tpu.vector_load_idx %arg6[%parallel_loop3A_462] : memref<49152xf32, #tpu.memory_space<vmem>>[vector<16xi32>], vector<16xf32>,
        %parallel_loop3A_464 = arith.addf %parallel_loop3A_459, %parallel_loop3A_463 : vector<16xf32>
        %parallel_loop3A_465 = arith.constant 20 : i32
        %parallel_loop3A_466 = vector.broadcast %parallel_loop3A_465 : i32 to vector<16xi32>
        %parallel_loop3A_467 = arith.addi %parallel_loop3A_55, %parallel_loop3A_466 : vector<16xi32>
        %parallel_loop3A_468 = tpu.vector_load_idx %arg6[%parallel_loop3A_467] : memref<49152xf32, #tpu.memory_space<vmem>>[vector<16xi32>], vector<16xf32>,
        %parallel_loop3A_469 = arith.addf %parallel_loop3A_464, %parallel_loop3A_468 : vector<16xf32>
        %parallel_loop3A_470 = arith.constant 16 : i32
        %parallel_loop3A_471 = arith.muli %parallel_loop3A_37, %parallel_loop3A_470 : i32
        %parallel_loop3A_472 = arith.constant 20 : i32
        %parallel_loop3A_473 = arith.index_cast %parallel_loop3A_472 : i32 to index
        %parallel_loop3A_474 = arith.index_cast %parallel_loop3A_471 : i32 to index
        %parallel_loop3A_475 = tpu.vector_load %arg7[%parallel_loop3A_473, %parallel_loop3A_474] {strides = array<i32>} : memref<32x1792xf32, #tpu.memory_space<vmem>>, vector<16xf32>,
        tpu.vector_store %arg7[%parallel_loop3A_473, %parallel_loop3A_474], %parallel_loop3A_469 {strides = array<i32>} : memref<32x1792xf32, #tpu.memory_space<vmem>>, vector<16xf32>,
        %parallel_loop3A_476 = arith.constant 21 : i32
        %parallel_loop3A_477 = vector.broadcast %parallel_loop3A_476 : i32 to vector<16xi32>
        %parallel_loop3A_478 = arith.addi %parallel_loop3A_43, %parallel_loop3A_477 : vector<16xi32>
        %parallel_loop3A_479 = tpu.vector_load_idx %arg6[%parallel_loop3A_478] : memref<49152xf32, #tpu.memory_space<vmem>>[vector<16xi32>], vector<16xf32>,
        %parallel_loop3A_480 = arith.constant 21 : i32
        %parallel_loop3A_481 = vector.broadcast %parallel_loop3A_480 : i32 to vector<16xi32>
        %parallel_loop3A_482 = arith.addi %parallel_loop3A_49, %parallel_loop3A_481 : vector<16xi32>
        %parallel_loop3A_483 = tpu.vector_load_idx %arg6[%parallel_loop3A_482] : memref<49152xf32, #tpu.memory_space<vmem>>[vector<16xi32>], vector<16xf32>,
        %parallel_loop3A_484 = arith.addf %parallel_loop3A_479, %parallel_loop3A_483 : vector<16xf32>
        %parallel_loop3A_485 = arith.constant 21 : i32
        %parallel_loop3A_486 = vector.broadcast %parallel_loop3A_485 : i32 to vector<16xi32>
        %parallel_loop3A_487 = arith.addi %parallel_loop3A_55, %parallel_loop3A_486 : vector<16xi32>
        %parallel_loop3A_488 = tpu.vector_load_idx %arg6[%parallel_loop3A_487] : memref<49152xf32, #tpu.memory_space<vmem>>[vector<16xi32>], vector<16xf32>,
        %parallel_loop3A_489 = arith.addf %parallel_loop3A_484, %parallel_loop3A_488 : vector<16xf32>
        %parallel_loop3A_490 = arith.constant 16 : i32
        %parallel_loop3A_491 = arith.muli %parallel_loop3A_37, %parallel_loop3A_490 : i32
        %parallel_loop3A_492 = arith.constant 21 : i32
        %parallel_loop3A_493 = arith.index_cast %parallel_loop3A_492 : i32 to index
        %parallel_loop3A_494 = arith.index_cast %parallel_loop3A_491 : i32 to index
        %parallel_loop3A_495 = tpu.vector_load %arg7[%parallel_loop3A_493, %parallel_loop3A_494] {strides = array<i32>} : memref<32x1792xf32, #tpu.memory_space<vmem>>, vector<16xf32>,
        tpu.vector_store %arg7[%parallel_loop3A_493, %parallel_loop3A_494], %parallel_loop3A_489 {strides = array<i32>} : memref<32x1792xf32, #tpu.memory_space<vmem>>, vector<16xf32>,
        %parallel_loop3A_496 = arith.constant 22 : i32
        %parallel_loop3A_497 = vector.broadcast %parallel_loop3A_496 : i32 to vector<16xi32>
        %parallel_loop3A_498 = arith.addi %parallel_loop3A_43, %parallel_loop3A_497 : vector<16xi32>
        %parallel_loop3A_499 = tpu.vector_load_idx %arg6[%parallel_loop3A_498] : memref<49152xf32, #tpu.memory_space<vmem>>[vector<16xi32>], vector<16xf32>,
        %parallel_loop3A_500 = arith.constant 22 : i32
        %parallel_loop3A_501 = vector.broadcast %parallel_loop3A_500 : i32 to vector<16xi32>
        %parallel_loop3A_502 = arith.addi %parallel_loop3A_49, %parallel_loop3A_501 : vector<16xi32>
        %parallel_loop3A_503 = tpu.vector_load_idx %arg6[%parallel_loop3A_502] : memref<49152xf32, #tpu.memory_space<vmem>>[vector<16xi32>], vector<16xf32>,
        %parallel_loop3A_504 = arith.addf %parallel_loop3A_499, %parallel_loop3A_503 : vector<16xf32>
        %parallel_loop3A_505 = arith.constant 22 : i32
        %parallel_loop3A_506 = vector.broadcast %parallel_loop3A_505 : i32 to vector<16xi32>
        %parallel_loop3A_507 = arith.addi %parallel_loop3A_55, %parallel_loop3A_506 : vector<16xi32>
        %parallel_loop3A_508 = tpu.vector_load_idx %arg6[%parallel_loop3A_507] : memref<49152xf32, #tpu.memory_space<vmem>>[vector<16xi32>], vector<16xf32>,
        %parallel_loop3A_509 = arith.addf %parallel_loop3A_504, %parallel_loop3A_508 : vector<16xf32>
        %parallel_loop3A_510 = arith.constant 16 : i32
        %parallel_loop3A_511 = arith.muli %parallel_loop3A_37, %parallel_loop3A_510 : i32
        %parallel_loop3A_512 = arith.constant 22 : i32
        %parallel_loop3A_513 = arith.index_cast %parallel_loop3A_512 : i32 to index
        %parallel_loop3A_514 = arith.index_cast %parallel_loop3A_511 : i32 to index
        %parallel_loop3A_515 = tpu.vector_load %arg7[%parallel_loop3A_513, %parallel_loop3A_514] {strides = array<i32>} : memref<32x1792xf32, #tpu.memory_space<vmem>>, vector<16xf32>,
        tpu.vector_store %arg7[%parallel_loop3A_513, %parallel_loop3A_514], %parallel_loop3A_509 {strides = array<i32>} : memref<32x1792xf32, #tpu.memory_space<vmem>>, vector<16xf32>,
        %parallel_loop3A_516 = arith.constant 23 : i32
        %parallel_loop3A_517 = vector.broadcast %parallel_loop3A_516 : i32 to vector<16xi32>
        %parallel_loop3A_518 = arith.addi %parallel_loop3A_43, %parallel_loop3A_517 : vector<16xi32>
        %parallel_loop3A_519 = tpu.vector_load_idx %arg6[%parallel_loop3A_518] : memref<49152xf32, #tpu.memory_space<vmem>>[vector<16xi32>], vector<16xf32>,
        %parallel_loop3A_520 = arith.constant 23 : i32
        %parallel_loop3A_521 = vector.broadcast %parallel_loop3A_520 : i32 to vector<16xi32>
        %parallel_loop3A_522 = arith.addi %parallel_loop3A_49, %parallel_loop3A_521 : vector<16xi32>
        %parallel_loop3A_523 = tpu.vector_load_idx %arg6[%parallel_loop3A_522] : memref<49152xf32, #tpu.memory_space<vmem>>[vector<16xi32>], vector<16xf32>,
        %parallel_loop3A_524 = arith.addf %parallel_loop3A_519, %parallel_loop3A_523 : vector<16xf32>
        %parallel_loop3A_525 = arith.constant 23 : i32
        %parallel_loop3A_526 = vector.broadcast %parallel_loop3A_525 : i32 to vector<16xi32>
        %parallel_loop3A_527 = arith.addi %parallel_loop3A_55, %parallel_loop3A_526 : vector<16xi32>
        %parallel_loop3A_528 = tpu.vector_load_idx %arg6[%parallel_loop3A_527] : memref<49152xf32, #tpu.memory_space<vmem>>[vector<16xi32>], vector<16xf32>,
        %parallel_loop3A_529 = arith.addf %parallel_loop3A_524, %parallel_loop3A_528 : vector<16xf32>
        %parallel_loop3A_530 = arith.constant 16 : i32
        %parallel_loop3A_531 = arith.muli %parallel_loop3A_37, %parallel_loop3A_530 : i32
        %parallel_loop3A_532 = arith.constant 23 : i32
        %parallel_loop3A_533 = arith.index_cast %parallel_loop3A_532 : i32 to index
        %parallel_loop3A_534 = arith.index_cast %parallel_loop3A_531 : i32 to index
        %parallel_loop3A_535 = tpu.vector_load %arg7[%parallel_loop3A_533, %parallel_loop3A_534] {strides = array<i32>} : memref<32x1792xf32, #tpu.memory_space<vmem>>, vector<16xf32>,
        tpu.vector_store %arg7[%parallel_loop3A_533, %parallel_loop3A_534], %parallel_loop3A_529 {strides = array<i32>} : memref<32x1792xf32, #tpu.memory_space<vmem>>, vector<16xf32>,
        %parallel_loop3A_536 = arith.constant 24 : i32
        %parallel_loop3A_537 = vector.broadcast %parallel_loop3A_536 : i32 to vector<16xi32>
        %parallel_loop3A_538 = arith.addi %parallel_loop3A_43, %parallel_loop3A_537 : vector<16xi32>
        %parallel_loop3A_539 = tpu.vector_load_idx %arg6[%parallel_loop3A_538] : memref<49152xf32, #tpu.memory_space<vmem>>[vector<16xi32>], vector<16xf32>,
        %parallel_loop3A_540 = arith.constant 24 : i32
        %parallel_loop3A_541 = vector.broadcast %parallel_loop3A_540 : i32 to vector<16xi32>
        %parallel_loop3A_542 = arith.addi %parallel_loop3A_49, %parallel_loop3A_541 : vector<16xi32>
        %parallel_loop3A_543 = tpu.vector_load_idx %arg6[%parallel_loop3A_542] : memref<49152xf32, #tpu.memory_space<vmem>>[vector<16xi32>], vector<16xf32>,
        %parallel_loop3A_544 = arith.addf %parallel_loop3A_539, %parallel_loop3A_543 : vector<16xf32>
        %parallel_loop3A_545 = arith.constant 24 : i32
        %parallel_loop3A_546 = vector.broadcast %parallel_loop3A_545 : i32 to vector<16xi32>
        %parallel_loop3A_547 = arith.addi %parallel_loop3A_55, %parallel_loop3A_546 : vector<16xi32>
        %parallel_loop3A_548 = tpu.vector_load_idx %arg6[%parallel_loop3A_547] : memref<49152xf32, #tpu.memory_space<vmem>>[vector<16xi32>], vector<16xf32>,
        %parallel_loop3A_549 = arith.addf %parallel_loop3A_544, %parallel_loop3A_548 : vector<16xf32>
        %parallel_loop3A_550 = arith.constant 16 : i32
        %parallel_loop3A_551 = arith.muli %parallel_loop3A_37, %parallel_loop3A_550 : i32
        %parallel_loop3A_552 = arith.constant 24 : i32
        %parallel_loop3A_553 = arith.index_cast %parallel_loop3A_552 : i32 to index
        %parallel_loop3A_554 = arith.index_cast %parallel_loop3A_551 : i32 to index
        %parallel_loop3A_555 = tpu.vector_load %arg7[%parallel_loop3A_553, %parallel_loop3A_554] {strides = array<i32>} : memref<32x1792xf32, #tpu.memory_space<vmem>>, vector<16xf32>,
        tpu.vector_store %arg7[%parallel_loop3A_553, %parallel_loop3A_554], %parallel_loop3A_549 {strides = array<i32>} : memref<32x1792xf32, #tpu.memory_space<vmem>>, vector<16xf32>,
        %parallel_loop3A_556 = arith.constant 25 : i32
        %parallel_loop3A_557 = vector.broadcast %parallel_loop3A_556 : i32 to vector<16xi32>
        %parallel_loop3A_558 = arith.addi %parallel_loop3A_43, %parallel_loop3A_557 : vector<16xi32>
        %parallel_loop3A_559 = tpu.vector_load_idx %arg6[%parallel_loop3A_558] : memref<49152xf32, #tpu.memory_space<vmem>>[vector<16xi32>], vector<16xf32>,
        %parallel_loop3A_560 = arith.constant 25 : i32
        %parallel_loop3A_561 = vector.broadcast %parallel_loop3A_560 : i32 to vector<16xi32>
        %parallel_loop3A_562 = arith.addi %parallel_loop3A_49, %parallel_loop3A_561 : vector<16xi32>
        %parallel_loop3A_563 = tpu.vector_load_idx %arg6[%parallel_loop3A_562] : memref<49152xf32, #tpu.memory_space<vmem>>[vector<16xi32>], vector<16xf32>,
        %parallel_loop3A_564 = arith.addf %parallel_loop3A_559, %parallel_loop3A_563 : vector<16xf32>
        %parallel_loop3A_565 = arith.constant 25 : i32
        %parallel_loop3A_566 = vector.broadcast %parallel_loop3A_565 : i32 to vector<16xi32>
        %parallel_loop3A_567 = arith.addi %parallel_loop3A_55, %parallel_loop3A_566 : vector<16xi32>
        %parallel_loop3A_568 = tpu.vector_load_idx %arg6[%parallel_loop3A_567] : memref<49152xf32, #tpu.memory_space<vmem>>[vector<16xi32>], vector<16xf32>,
        %parallel_loop3A_569 = arith.addf %parallel_loop3A_564, %parallel_loop3A_568 : vector<16xf32>
        %parallel_loop3A_570 = arith.constant 16 : i32
        %parallel_loop3A_571 = arith.muli %parallel_loop3A_37, %parallel_loop3A_570 : i32
        %parallel_loop3A_572 = arith.constant 25 : i32
        %parallel_loop3A_573 = arith.index_cast %parallel_loop3A_572 : i32 to index
        %parallel_loop3A_574 = arith.index_cast %parallel_loop3A_571 : i32 to index
        %parallel_loop3A_575 = tpu.vector_load %arg7[%parallel_loop3A_573, %parallel_loop3A_574] {strides = array<i32>} : memref<32x1792xf32, #tpu.memory_space<vmem>>, vector<16xf32>,
        tpu.vector_store %arg7[%parallel_loop3A_573, %parallel_loop3A_574], %parallel_loop3A_569 {strides = array<i32>} : memref<32x1792xf32, #tpu.memory_space<vmem>>, vector<16xf32>,
        %parallel_loop3A_576 = arith.constant 26 : i32
        %parallel_loop3A_577 = vector.broadcast %parallel_loop3A_576 : i32 to vector<16xi32>
        %parallel_loop3A_578 = arith.addi %parallel_loop3A_43, %parallel_loop3A_577 : vector<16xi32>
        %parallel_loop3A_579 = tpu.vector_load_idx %arg6[%parallel_loop3A_578] : memref<49152xf32, #tpu.memory_space<vmem>>[vector<16xi32>], vector<16xf32>,
        %parallel_loop3A_580 = arith.constant 26 : i32
        %parallel_loop3A_581 = vector.broadcast %parallel_loop3A_580 : i32 to vector<16xi32>
        %parallel_loop3A_582 = arith.addi %parallel_loop3A_49, %parallel_loop3A_581 : vector<16xi32>
        %parallel_loop3A_583 = tpu.vector_load_idx %arg6[%parallel_loop3A_582] : memref<49152xf32, #tpu.memory_space<vmem>>[vector<16xi32>], vector<16xf32>,
        %parallel_loop3A_584 = arith.addf %parallel_loop3A_579, %parallel_loop3A_583 : vector<16xf32>
        %parallel_loop3A_585 = arith.constant 26 : i32
        %parallel_loop3A_586 = vector.broadcast %parallel_loop3A_585 : i32 to vector<16xi32>
        %parallel_loop3A_587 = arith.addi %parallel_loop3A_55, %parallel_loop3A_586 : vector<16xi32>
        %parallel_loop3A_588 = tpu.vector_load_idx %arg6[%parallel_loop3A_587] : memref<49152xf32, #tpu.memory_space<vmem>>[vector<16xi32>], vector<16xf32>,
        %parallel_loop3A_589 = arith.addf %parallel_loop3A_584, %parallel_loop3A_588 : vector<16xf32>
        %parallel_loop3A_590 = arith.constant 16 : i32
        %parallel_loop3A_591 = arith.muli %parallel_loop3A_37, %parallel_loop3A_590 : i32
        %parallel_loop3A_592 = arith.constant 26 : i32
        %parallel_loop3A_593 = arith.index_cast %parallel_loop3A_592 : i32 to index
        %parallel_loop3A_594 = arith.index_cast %parallel_loop3A_591 : i32 to index
        %parallel_loop3A_595 = tpu.vector_load %arg7[%parallel_loop3A_593, %parallel_loop3A_594] {strides = array<i32>} : memref<32x1792xf32, #tpu.memory_space<vmem>>, vector<16xf32>,
        tpu.vector_store %arg7[%parallel_loop3A_593, %parallel_loop3A_594], %parallel_loop3A_589 {strides = array<i32>} : memref<32x1792xf32, #tpu.memory_space<vmem>>, vector<16xf32>,
        %parallel_loop3A_596 = arith.constant 27 : i32
        %parallel_loop3A_597 = vector.broadcast %parallel_loop3A_596 : i32 to vector<16xi32>
        %parallel_loop3A_598 = arith.addi %parallel_loop3A_43, %parallel_loop3A_597 : vector<16xi32>
        %parallel_loop3A_599 = tpu.vector_load_idx %arg6[%parallel_loop3A_598] : memref<49152xf32, #tpu.memory_space<vmem>>[vector<16xi32>], vector<16xf32>,
        %parallel_loop3A_600 = arith.constant 27 : i32
        %parallel_loop3A_601 = vector.broadcast %parallel_loop3A_600 : i32 to vector<16xi32>
        %parallel_loop3A_602 = arith.addi %parallel_loop3A_49, %parallel_loop3A_601 : vector<16xi32>
        %parallel_loop3A_603 = tpu.vector_load_idx %arg6[%parallel_loop3A_602] : memref<49152xf32, #tpu.memory_space<vmem>>[vector<16xi32>], vector<16xf32>,
        %parallel_loop3A_604 = arith.addf %parallel_loop3A_599, %parallel_loop3A_603 : vector<16xf32>
        %parallel_loop3A_605 = arith.constant 27 : i32
        %parallel_loop3A_606 = vector.broadcast %parallel_loop3A_605 : i32 to vector<16xi32>
        %parallel_loop3A_607 = arith.addi %parallel_loop3A_55, %parallel_loop3A_606 : vector<16xi32>
        %parallel_loop3A_608 = tpu.vector_load_idx %arg6[%parallel_loop3A_607] : memref<49152xf32, #tpu.memory_space<vmem>>[vector<16xi32>], vector<16xf32>,
        %parallel_loop3A_609 = arith.addf %parallel_loop3A_604, %parallel_loop3A_608 : vector<16xf32>
        %parallel_loop3A_610 = arith.constant 16 : i32
        %parallel_loop3A_611 = arith.muli %parallel_loop3A_37, %parallel_loop3A_610 : i32
        %parallel_loop3A_612 = arith.constant 27 : i32
        %parallel_loop3A_613 = arith.index_cast %parallel_loop3A_612 : i32 to index
        %parallel_loop3A_614 = arith.index_cast %parallel_loop3A_611 : i32 to index
        %parallel_loop3A_615 = tpu.vector_load %arg7[%parallel_loop3A_613, %parallel_loop3A_614] {strides = array<i32>} : memref<32x1792xf32, #tpu.memory_space<vmem>>, vector<16xf32>,
        tpu.vector_store %arg7[%parallel_loop3A_613, %parallel_loop3A_614], %parallel_loop3A_609 {strides = array<i32>} : memref<32x1792xf32, #tpu.memory_space<vmem>>, vector<16xf32>,
        %parallel_loop3A_616 = arith.constant 28 : i32
        %parallel_loop3A_617 = vector.broadcast %parallel_loop3A_616 : i32 to vector<16xi32>
        %parallel_loop3A_618 = arith.addi %parallel_loop3A_43, %parallel_loop3A_617 : vector<16xi32>
        %parallel_loop3A_619 = tpu.vector_load_idx %arg6[%parallel_loop3A_618] : memref<49152xf32, #tpu.memory_space<vmem>>[vector<16xi32>], vector<16xf32>,
        %parallel_loop3A_620 = arith.constant 28 : i32
        %parallel_loop3A_621 = vector.broadcast %parallel_loop3A_620 : i32 to vector<16xi32>
        %parallel_loop3A_622 = arith.addi %parallel_loop3A_49, %parallel_loop3A_621 : vector<16xi32>
        %parallel_loop3A_623 = tpu.vector_load_idx %arg6[%parallel_loop3A_622] : memref<49152xf32, #tpu.memory_space<vmem>>[vector<16xi32>], vector<16xf32>,
        %parallel_loop3A_624 = arith.addf %parallel_loop3A_619, %parallel_loop3A_623 : vector<16xf32>
        %parallel_loop3A_625 = arith.constant 28 : i32
        %parallel_loop3A_626 = vector.broadcast %parallel_loop3A_625 : i32 to vector<16xi32>
        %parallel_loop3A_627 = arith.addi %parallel_loop3A_55, %parallel_loop3A_626 : vector<16xi32>
        %parallel_loop3A_628 = tpu.vector_load_idx %arg6[%parallel_loop3A_627] : memref<49152xf32, #tpu.memory_space<vmem>>[vector<16xi32>], vector<16xf32>,
        %parallel_loop3A_629 = arith.addf %parallel_loop3A_624, %parallel_loop3A_628 : vector<16xf32>
        %parallel_loop3A_630 = arith.constant 16 : i32
        %parallel_loop3A_631 = arith.muli %parallel_loop3A_37, %parallel_loop3A_630 : i32
        %parallel_loop3A_632 = arith.constant 28 : i32
        %parallel_loop3A_633 = arith.index_cast %parallel_loop3A_632 : i32 to index
        %parallel_loop3A_634 = arith.index_cast %parallel_loop3A_631 : i32 to index
        %parallel_loop3A_635 = tpu.vector_load %arg7[%parallel_loop3A_633, %parallel_loop3A_634] {strides = array<i32>} : memref<32x1792xf32, #tpu.memory_space<vmem>>, vector<16xf32>,
        tpu.vector_store %arg7[%parallel_loop3A_633, %parallel_loop3A_634], %parallel_loop3A_629 {strides = array<i32>} : memref<32x1792xf32, #tpu.memory_space<vmem>>, vector<16xf32>,
        %parallel_loop3A_636 = arith.constant 29 : i32
        %parallel_loop3A_637 = vector.broadcast %parallel_loop3A_636 : i32 to vector<16xi32>
        %parallel_loop3A_638 = arith.addi %parallel_loop3A_43, %parallel_loop3A_637 : vector<16xi32>
        %parallel_loop3A_639 = tpu.vector_load_idx %arg6[%parallel_loop3A_638] : memref<49152xf32, #tpu.memory_space<vmem>>[vector<16xi32>], vector<16xf32>,
        %parallel_loop3A_640 = arith.constant 29 : i32
        %parallel_loop3A_641 = vector.broadcast %parallel_loop3A_640 : i32 to vector<16xi32>
        %parallel_loop3A_642 = arith.addi %parallel_loop3A_49, %parallel_loop3A_641 : vector<16xi32>
        %parallel_loop3A_643 = tpu.vector_load_idx %arg6[%parallel_loop3A_642] : memref<49152xf32, #tpu.memory_space<vmem>>[vector<16xi32>], vector<16xf32>,
        %parallel_loop3A_644 = arith.addf %parallel_loop3A_639, %parallel_loop3A_643 : vector<16xf32>
        %parallel_loop3A_645 = arith.constant 29 : i32
        %parallel_loop3A_646 = vector.broadcast %parallel_loop3A_645 : i32 to vector<16xi32>
        %parallel_loop3A_647 = arith.addi %parallel_loop3A_55, %parallel_loop3A_646 : vector<16xi32>
        %parallel_loop3A_648 = tpu.vector_load_idx %arg6[%parallel_loop3A_647] : memref<49152xf32, #tpu.memory_space<vmem>>[vector<16xi32>], vector<16xf32>,
        %parallel_loop3A_649 = arith.addf %parallel_loop3A_644, %parallel_loop3A_648 : vector<16xf32>
        %parallel_loop3A_650 = arith.constant 16 : i32
        %parallel_loop3A_651 = arith.muli %parallel_loop3A_37, %parallel_loop3A_650 : i32
        %parallel_loop3A_652 = arith.constant 29 : i32
        %parallel_loop3A_653 = arith.index_cast %parallel_loop3A_652 : i32 to index
        %parallel_loop3A_654 = arith.index_cast %parallel_loop3A_651 : i32 to index
        %parallel_loop3A_655 = tpu.vector_load %arg7[%parallel_loop3A_653, %parallel_loop3A_654] {strides = array<i32>} : memref<32x1792xf32, #tpu.memory_space<vmem>>, vector<16xf32>,
        tpu.vector_store %arg7[%parallel_loop3A_653, %parallel_loop3A_654], %parallel_loop3A_649 {strides = array<i32>} : memref<32x1792xf32, #tpu.memory_space<vmem>>, vector<16xf32>,
        %parallel_loop3A_656 = arith.constant 30 : i32
        %parallel_loop3A_657 = vector.broadcast %parallel_loop3A_656 : i32 to vector<16xi32>
        %parallel_loop3A_658 = arith.addi %parallel_loop3A_43, %parallel_loop3A_657 : vector<16xi32>
        %parallel_loop3A_659 = tpu.vector_load_idx %arg6[%parallel_loop3A_658] : memref<49152xf32, #tpu.memory_space<vmem>>[vector<16xi32>], vector<16xf32>,
        %parallel_loop3A_660 = arith.constant 30 : i32
        %parallel_loop3A_661 = vector.broadcast %parallel_loop3A_660 : i32 to vector<16xi32>
        %parallel_loop3A_662 = arith.addi %parallel_loop3A_49, %parallel_loop3A_661 : vector<16xi32>
        %parallel_loop3A_663 = tpu.vector_load_idx %arg6[%parallel_loop3A_662] : memref<49152xf32, #tpu.memory_space<vmem>>[vector<16xi32>], vector<16xf32>,
        %parallel_loop3A_664 = arith.addf %parallel_loop3A_659, %parallel_loop3A_663 : vector<16xf32>
        %parallel_loop3A_665 = arith.constant 30 : i32
        %parallel_loop3A_666 = vector.broadcast %parallel_loop3A_665 : i32 to vector<16xi32>
        %parallel_loop3A_667 = arith.addi %parallel_loop3A_55, %parallel_loop3A_666 : vector<16xi32>
        %parallel_loop3A_668 = tpu.vector_load_idx %arg6[%parallel_loop3A_667] : memref<49152xf32, #tpu.memory_space<vmem>>[vector<16xi32>], vector<16xf32>,
        %parallel_loop3A_669 = arith.addf %parallel_loop3A_664, %parallel_loop3A_668 : vector<16xf32>
        %parallel_loop3A_670 = arith.constant 16 : i32
        %parallel_loop3A_671 = arith.muli %parallel_loop3A_37, %parallel_loop3A_670 : i32
        %parallel_loop3A_672 = arith.constant 30 : i32
        %parallel_loop3A_673 = arith.index_cast %parallel_loop3A_672 : i32 to index
        %parallel_loop3A_674 = arith.index_cast %parallel_loop3A_671 : i32 to index
        %parallel_loop3A_675 = tpu.vector_load %arg7[%parallel_loop3A_673, %parallel_loop3A_674] {strides = array<i32>} : memref<32x1792xf32, #tpu.memory_space<vmem>>, vector<16xf32>,
        tpu.vector_store %arg7[%parallel_loop3A_673, %parallel_loop3A_674], %parallel_loop3A_669 {strides = array<i32>} : memref<32x1792xf32, #tpu.memory_space<vmem>>, vector<16xf32>,
        %parallel_loop3A_676 = arith.constant 31 : i32
        %parallel_loop3A_677 = vector.broadcast %parallel_loop3A_676 : i32 to vector<16xi32>
        %parallel_loop3A_678 = arith.addi %parallel_loop3A_43, %parallel_loop3A_677 : vector<16xi32>
        %parallel_loop3A_679 = tpu.vector_load_idx %arg6[%parallel_loop3A_678] : memref<49152xf32, #tpu.memory_space<vmem>>[vector<16xi32>], vector<16xf32>,
        %parallel_loop3A_680 = arith.constant 31 : i32
        %parallel_loop3A_681 = vector.broadcast %parallel_loop3A_680 : i32 to vector<16xi32>
        %parallel_loop3A_682 = arith.addi %parallel_loop3A_49, %parallel_loop3A_681 : vector<16xi32>
        %parallel_loop3A_683 = tpu.vector_load_idx %arg6[%parallel_loop3A_682] : memref<49152xf32, #tpu.memory_space<vmem>>[vector<16xi32>], vector<16xf32>,
        %parallel_loop3A_684 = arith.addf %parallel_loop3A_679, %parallel_loop3A_683 : vector<16xf32>
        %parallel_loop3A_685 = arith.constant 31 : i32
        %parallel_loop3A_686 = vector.broadcast %parallel_loop3A_685 : i32 to vector<16xi32>
        %parallel_loop3A_687 = arith.addi %parallel_loop3A_55, %parallel_loop3A_686 : vector<16xi32>
        %parallel_loop3A_688 = tpu.vector_load_idx %arg6[%parallel_loop3A_687] : memref<49152xf32, #tpu.memory_space<vmem>>[vector<16xi32>], vector<16xf32>,
        %parallel_loop3A_689 = arith.addf %parallel_loop3A_684, %parallel_loop3A_688 : vector<16xf32>
        %parallel_loop3A_690 = arith.constant 16 : i32
        %parallel_loop3A_691 = arith.muli %parallel_loop3A_37, %parallel_loop3A_690 : i32
        %parallel_loop3A_692 = arith.constant 31 : i32
        %parallel_loop3A_693 = arith.index_cast %parallel_loop3A_692 : i32 to index
        %parallel_loop3A_694 = arith.index_cast %parallel_loop3A_691 : i32 to index
        %parallel_loop3A_695 = tpu.vector_load %arg7[%parallel_loop3A_693, %parallel_loop3A_694] {strides = array<i32>} : memref<32x1792xf32, #tpu.memory_space<vmem>>, vector<16xf32>,
        tpu.vector_store %arg7[%parallel_loop3A_693, %parallel_loop3A_694], %parallel_loop3A_689 {strides = array<i32>} : memref<32x1792xf32, #tpu.memory_space<vmem>>, vector<16xf32>,
      } {sc.loop_unroll_factor = 2 : i64, sc.parallel_access}
      %mul3A_34 = arith.constant 1792 : i32
      %mul3A_35 = arith.muli %add3A, %mul3A_34 : i32
      %run_scoped3A_36 = arith.constant 1 : i32
      "tpu.region"() ({
        %run_scoped3A_37 = tpu.sem_alloc : memref<!tpu.dma_semaphore, #tpu.memory_space<semaphore_mem>>
        %dma_start3A = arith.constant 0 : i32
        %dma_start3A_38 = tpu.memref_slice %arg4[%run_scoped3A_36, %dma_start3A, %mul3A_35] : memref<2x32x50176xf32, #tpu.memory_space<hbm>> -> memref<1x32x1792xf32, #tpu.memory_space<hbm>>
        %dma_start3A_39 = tpu.memref_squeeze %dma_start3A_38 : memref<1x32x1792xf32, #tpu.memory_space<hbm>> -> memref<32x1792xf32, #tpu.memory_space<hbm>>
        %dma_start3A_40 = arith.constant 0 : i32
        %dma_start3A_41 = tpu.memref_slice %arg4[%run_scoped3A_36, %dma_start3A_40, %mul3A_35] : memref<2x32x50176xf32, #tpu.memory_space<hbm>> -> memref<1x32x1792xf32, #tpu.memory_space<hbm>>
        %dma_start3A_42 = tpu.memref_squeeze %dma_start3A_41 : memref<1x32x1792xf32, #tpu.memory_space<hbm>> -> memref<32x1792xf32, #tpu.memory_space<hbm>>
        tpu.enqueue_dma source(%arg7 : memref<32x1792xf32, #tpu.memory_space<vmem>>) target(%dma_start3A_42 : memref<32x1792xf32, #tpu.memory_space<hbm>>) target_semaphore(%run_scoped3A_37 : memref<!tpu.dma_semaphore, #tpu.memory_space<semaphore_mem>>)
        %dma_wait3A = arith.constant 0 : i32
        %dma_wait3A_43 = tpu.memref_slice %arg4[%run_scoped3A_36, %dma_wait3A, %mul3A_35] : memref<2x32x50176xf32, #tpu.memory_space<hbm>> -> memref<1x32x1792xf32, #tpu.memory_space<hbm>>
        %dma_wait3A_44 = tpu.memref_squeeze %dma_wait3A_43 : memref<1x32x1792xf32, #tpu.memory_space<hbm>> -> memref<32x1792xf32, #tpu.memory_space<hbm>>
        %dma_wait3A_45 = arith.constant 0 : i32
        %dma_wait3A_46 = tpu.memref_slice %arg4[%run_scoped3A_36, %dma_wait3A_45, %mul3A_35] : memref<2x32x50176xf32, #tpu.memory_space<hbm>> -> memref<1x32x1792xf32, #tpu.memory_space<hbm>>
        %dma_wait3A_47 = tpu.memref_squeeze %dma_wait3A_46 : memref<1x32x1792xf32, #tpu.memory_space<hbm>> -> memref<32x1792xf32, #tpu.memory_space<hbm>>
        tpu.wait_dma2 semaphore(%run_scoped3A_37 : memref<!tpu.dma_semaphore, #tpu.memory_space<semaphore_mem>>) src(%arg7 : memref<32x1792xf32, #tpu.memory_space<vmem>>) dst(%dma_wait3A_47 : memref<32x1792xf32, #tpu.memory_space<hbm>>)
        tpu.yield
      }) : () -> ()
    } else {
    }
    return
  }
}

module attributes {stable_mosaic.version = 14 : i64} {
  func.func @_tc_body(%arg0: i32, %arg1: i32, %arg2: memref<1x32x7168xf32, #tpu.memory_space<vmem>>, %arg3: memref<1x32x256xf32, #tpu.memory_space<vmem>>, %arg4: memref<256x1xi32, #tpu.memory_space<vmem>>, %arg5: memref<1x3x7168xi32, #tpu.memory_space<vmem>>) attributes {dimension_semantics = [#tpu.dimension_semantics<arbitrary>, #tpu.dimension_semantics<arbitrary>], iteration_bounds = array<i64: 2, 7>, scalar_prefetch = 0 : i64, scratch_operands = 0 : i64, tpu.core_type = #tpu.core_type<tc>, window_params = [{transform_indices = @transform_0, window_bounds = array<i64: 1, 32, 7168>}, {transform_indices = @transform_1, window_bounds = array<i64: 1, 32, 256>}, {pipeline_mode = #tpu.pipeline_mode<synchronous>, transform_indices = @transform_2, window_bounds = array<i64: 256, 1>}, {transform_indices = @transform_3, window_bounds = array<i64: 1, 3, 7168>}]} {
    %get3A = arith.constant 0 : index
    %get3A_0 = arith.constant 0 : index
    %get3A_1 = arith.constant 0 : index
    %get3A_2 = vector.load %arg2[%get3A, %get3A_0, %get3A_1] : memref<1x32x7168xf32, #tpu.memory_space<vmem>>, vector<1x32x7168xf32>
    %get3A_3 = vector.shape_cast %get3A_2 : vector<1x32x7168xf32> to vector<32x7168xf32>
    %get3A_4 = arith.constant 0 : index
    %get3A_5 = arith.constant 0 : index
    %get3A_6 = arith.constant 0 : index
    %get3A_7 = vector.load %arg3[%get3A_4, %get3A_5, %get3A_6] : memref<1x32x256xf32, #tpu.memory_space<vmem>>, vector<1x32x256xf32>
    %get3A_8 = vector.shape_cast %get3A_7 : vector<1x32x256xf32> to vector<32x256xf32>
    %mul3A = arith.mulf %get3A_8, %get3A_8 : vector<32x256xf32>
    %reduce_sum3A = arith.constant dense<0.000000e+00> : vector<256xf32>
    %reduce_sum3A_9 = vector.multi_reduction <add>, %mul3A, %reduce_sum3A [0] : vector<32x256xf32> to vector<256xf32>
    %broadcast_in_dim3A = vector.shape_cast %reduce_sum3A_9 : vector<256xf32> to vector<1x256xf32>
    %sqrt3A = math.sqrt %broadcast_in_dim3A : vector<1x256xf32>
    %add3A = arith.constant 9.99999993E-9 : f32
    %add3A_10 = vector.broadcast %add3A : f32 to vector<1x256xf32>
    %add3A_11 = arith.addf %sqrt3A, %add3A_10 : vector<1x256xf32>
    %div3A = vector.broadcast %add3A_11 : vector<1x256xf32> to vector<32x256xf32>
    %div3A_12 = arith.divf %get3A_8, %div3A : vector<32x256xf32>
    %mul3A_13 = arith.mulf %get3A_3, %get3A_3 : vector<32x7168xf32>
    %reduce_sum3A_14 = arith.constant dense<0.000000e+00> : vector<7168xf32>
    %reduce_sum3A_15 = vector.multi_reduction <add>, %mul3A_13, %reduce_sum3A_14 [0] : vector<32x7168xf32> to vector<7168xf32>
    %broadcast_in_dim3A_16 = vector.shape_cast %reduce_sum3A_15 : vector<7168xf32> to vector<1x7168xf32>
    %sqrt3A_17 = math.sqrt %broadcast_in_dim3A_16 : vector<1x7168xf32>
    %add3A_18 = arith.constant 9.99999993E-9 : f32
    %add3A_19 = vector.broadcast %add3A_18 : f32 to vector<1x7168xf32>
    %add3A_20 = arith.addf %sqrt3A_17, %add3A_19 : vector<1x7168xf32>
    %div3A_21 = vector.broadcast %add3A_20 : vector<1x7168xf32> to vector<32x7168xf32>
    %div3A_22 = arith.divf %get3A_3, %div3A_21 : vector<32x7168xf32>
    %dot_general3A = arith.constant dense<0.000000e+00> : vector<256x7168xf32>
    %dot_general3A_23 = tpu.matmul %div3A_12, %div3A_22, %dot_general3A {dimension_numbers = #tpu.dot_dimension_numbers<[0], [0], [1], [1], [0, 1, 1, 1], [], []>, transpose_lhs_hint = false} : vector<32x256xf32>, vector<32x7168xf32>, vector<256x7168xf32> -> vector<256x7168xf32>
    %iota3A = tpu.iota {dimensions = array<i32: 1>} : vector<256x7168xi32>
    %mul3A_24 = arith.constant 7168 : i32
    %mul3A_25 = arith.muli %arg1, %mul3A_24 : i32
    %add3A_26 = vector.broadcast %mul3A_25 : i32 to vector<256x7168xi32>
    %add3A_27 = arith.addi %iota3A, %add3A_26 : vector<256x7168xi32>
    %get3A_28 = arith.constant 0 : index
    %get3A_29 = arith.constant 0 : index
    %get3A_30 = vector.load %arg4[%get3A_28, %get3A_29] : memref<256x1xi32, #tpu.memory_space<vmem>>, vector<256x1xi32>
    %eq3A = vector.broadcast %get3A_30 : vector<256x1xi32> to vector<256x7168xi32>
    %eq3A_31 = arith.cmpi eq, %add3A_27, %eq3A : vector<256x7168xi32>
    %jit3A = arith.constant 1.000000e+30 : f32
    %broadcast_in_dim3A_32 = vector.broadcast %jit3A : f32 to vector<256x7168xf32>
    %select_n3A = arith.select %eq3A_31, %broadcast_in_dim3A_32, %dot_general3A_23 : vector<256x7168xi1>, vector<256x7168xf32>
    %iota3A_33 = tpu.iota {dimensions = array<i32: 0>} : vector<256x7168xi32>
    %reduce_max3A = arith.constant dense<0xFF800000> : vector<7168xf32>
    %reduce_max3A_34 = vector.multi_reduction <maximumf>, %select_n3A, %reduce_max3A [0] : vector<256x7168xf32> to vector<7168xf32>
    %broadcast_in_dim3A_35 = vector.shape_cast %reduce_max3A_34 : vector<7168xf32> to vector<1x7168xf32>
    %eq3A_36 = vector.broadcast %broadcast_in_dim3A_35 : vector<1x7168xf32> to vector<256x7168xf32>
    %eq3A_37 = arith.cmpf oeq, %select_n3A, %eq3A_36 : vector<256x7168xf32>
    %jit3A_38 = arith.constant -3.000000e+38 : f32
    %broadcast_in_dim3A_39 = vector.broadcast %jit3A_38 : f32 to vector<256x7168xf32>
    %select_n3A_40 = arith.select %eq3A_37, %broadcast_in_dim3A_39, %select_n3A : vector<256x7168xi1>, vector<256x7168xf32>
    %jit3A_41 = arith.constant 256 : i32
    %broadcast_in_dim3A_42 = vector.broadcast %jit3A_41 : i32 to vector<256x7168xi32>
    %select_n3A_43 = arith.select %eq3A_37, %iota3A_33, %broadcast_in_dim3A_42 : vector<256x7168xi1>, vector<256x7168xi32>
    %reduce_min3A = arith.constant dense<2147483647> : vector<7168xi32>
    %reduce_min3A_44 = vector.multi_reduction <minsi>, %select_n3A_43, %reduce_min3A [0] : vector<256x7168xi32> to vector<7168xi32>
    %broadcast_in_dim3A_45 = vector.shape_cast %reduce_min3A_44 : vector<7168xi32> to vector<1x7168xi32>
    %mul3A_46 = arith.constant 3 : i32
    %mul3A_47 = arith.muli %arg0, %mul3A_46 : i32
    %add3A_48 = arith.constant 0 : i32
    %add3A_49 = arith.addi %mul3A_47, %add3A_48 : i32
    %mul3A_50 = arith.constant 256 : i32
    %mul3A_51 = arith.muli %add3A_49, %mul3A_50 : i32
    %add3A_52 = vector.broadcast %mul3A_51 : i32 to vector<1x7168xi32>
    %add3A_53 = arith.addi %broadcast_in_dim3A_45, %add3A_52 : vector<1x7168xi32>
    %mul3A_54 = arith.constant 32 : i32
    %mul3A_55 = vector.broadcast %mul3A_54 : i32 to vector<1x7168xi32>
    %mul3A_56 = arith.muli %add3A_53, %mul3A_55 : vector<1x7168xi32>
    %swap3A = arith.constant 0 : index
    %swap3A_57 = arith.constant 0 : index
    %swap3A_58 = arith.constant 0 : index
    %swap3A_59 = vector.load %arg5[%swap3A, %swap3A_57, %swap3A_58] : memref<1x3x7168xi32, #tpu.memory_space<vmem>>, vector<1x1x7168xi32>
    %swap3A_60 = vector.shape_cast %swap3A_59 : vector<1x1x7168xi32> to vector<1x7168xi32>
    %swap3A_61 = vector.shape_cast %mul3A_56 : vector<1x7168xi32> to vector<1x1x7168xi32>
    tpu.vector_store %arg5[%swap3A, %swap3A_57, %swap3A_58], %swap3A_61 {strides = array<i32>} : memref<1x3x7168xi32, #tpu.memory_space<vmem>>, vector<1x1x7168xi32>,
    %reduce_max3A_62 = arith.constant dense<0xFF800000> : vector<7168xf32>
    %reduce_max3A_63 = vector.multi_reduction <maximumf>, %select_n3A_40, %reduce_max3A_62 [0] : vector<256x7168xf32> to vector<7168xf32>
    %broadcast_in_dim3A_64 = vector.shape_cast %reduce_max3A_63 : vector<7168xf32> to vector<1x7168xf32>
    %eq3A_65 = vector.broadcast %broadcast_in_dim3A_64 : vector<1x7168xf32> to vector<256x7168xf32>
    %eq3A_66 = arith.cmpf oeq, %select_n3A_40, %eq3A_65 : vector<256x7168xf32>
    %jit3A_67 = arith.constant -3.000000e+38 : f32
    %broadcast_in_dim3A_68 = vector.broadcast %jit3A_67 : f32 to vector<256x7168xf32>
    %select_n3A_69 = arith.select %eq3A_66, %broadcast_in_dim3A_68, %select_n3A_40 : vector<256x7168xi1>, vector<256x7168xf32>
    %jit3A_70 = arith.constant 256 : i32
    %broadcast_in_dim3A_71 = vector.broadcast %jit3A_70 : i32 to vector<256x7168xi32>
    %select_n3A_72 = arith.select %eq3A_66, %iota3A_33, %broadcast_in_dim3A_71 : vector<256x7168xi1>, vector<256x7168xi32>
    %reduce_min3A_73 = arith.constant dense<2147483647> : vector<7168xi32>
    %reduce_min3A_74 = vector.multi_reduction <minsi>, %select_n3A_72, %reduce_min3A_73 [0] : vector<256x7168xi32> to vector<7168xi32>
    %broadcast_in_dim3A_75 = vector.shape_cast %reduce_min3A_74 : vector<7168xi32> to vector<1x7168xi32>
    %mul3A_76 = arith.constant 3 : i32
    %mul3A_77 = arith.muli %arg0, %mul3A_76 : i32
    %add3A_78 = arith.constant 1 : i32
    %add3A_79 = arith.addi %mul3A_77, %add3A_78 : i32
    %mul3A_80 = arith.constant 256 : i32
    %mul3A_81 = arith.muli %add3A_79, %mul3A_80 : i32
    %add3A_82 = vector.broadcast %mul3A_81 : i32 to vector<1x7168xi32>
    %add3A_83 = arith.addi %broadcast_in_dim3A_75, %add3A_82 : vector<1x7168xi32>
    %mul3A_84 = arith.constant 32 : i32
    %mul3A_85 = vector.broadcast %mul3A_84 : i32 to vector<1x7168xi32>
    %mul3A_86 = arith.muli %add3A_83, %mul3A_85 : vector<1x7168xi32>
    %swap3A_87 = arith.constant 0 : index
    %swap3A_88 = arith.constant 1 : index
    %swap3A_89 = arith.constant 0 : index
    %swap3A_90 = vector.load %arg5[%swap3A_87, %swap3A_88, %swap3A_89] : memref<1x3x7168xi32, #tpu.memory_space<vmem>>, vector<1x1x7168xi32>
    %swap3A_91 = vector.shape_cast %swap3A_90 : vector<1x1x7168xi32> to vector<1x7168xi32>
    %swap3A_92 = vector.shape_cast %mul3A_86 : vector<1x7168xi32> to vector<1x1x7168xi32>
    tpu.vector_store %arg5[%swap3A_87, %swap3A_88, %swap3A_89], %swap3A_92 {strides = array<i32>} : memref<1x3x7168xi32, #tpu.memory_space<vmem>>, vector<1x1x7168xi32>,
    %reduce_max3A_93 = arith.constant dense<0xFF800000> : vector<7168xf32>
    %reduce_max3A_94 = vector.multi_reduction <maximumf>, %select_n3A_69, %reduce_max3A_93 [0] : vector<256x7168xf32> to vector<7168xf32>
    %broadcast_in_dim3A_95 = vector.shape_cast %reduce_max3A_94 : vector<7168xf32> to vector<1x7168xf32>
    %eq3A_96 = vector.broadcast %broadcast_in_dim3A_95 : vector<1x7168xf32> to vector<256x7168xf32>
    %eq3A_97 = arith.cmpf oeq, %select_n3A_69, %eq3A_96 : vector<256x7168xf32>
    %jit3A_98 = arith.constant 256 : i32
    %broadcast_in_dim3A_99 = vector.broadcast %jit3A_98 : i32 to vector<256x7168xi32>
    %select_n3A_100 = arith.select %eq3A_97, %iota3A_33, %broadcast_in_dim3A_99 : vector<256x7168xi1>, vector<256x7168xi32>
    %reduce_min3A_101 = arith.constant dense<2147483647> : vector<7168xi32>
    %reduce_min3A_102 = vector.multi_reduction <minsi>, %select_n3A_100, %reduce_min3A_101 [0] : vector<256x7168xi32> to vector<7168xi32>
    %broadcast_in_dim3A_103 = vector.shape_cast %reduce_min3A_102 : vector<7168xi32> to vector<1x7168xi32>
    %mul3A_104 = arith.constant 3 : i32
    %mul3A_105 = arith.muli %arg0, %mul3A_104 : i32
    %add3A_106 = arith.constant 2 : i32
    %add3A_107 = arith.addi %mul3A_105, %add3A_106 : i32
    %mul3A_108 = arith.constant 256 : i32
    %mul3A_109 = arith.muli %add3A_107, %mul3A_108 : i32
    %add3A_110 = vector.broadcast %mul3A_109 : i32 to vector<1x7168xi32>
    %add3A_111 = arith.addi %broadcast_in_dim3A_103, %add3A_110 : vector<1x7168xi32>
    %mul3A_112 = arith.constant 32 : i32
    %mul3A_113 = vector.broadcast %mul3A_112 : i32 to vector<1x7168xi32>
    %mul3A_114 = arith.muli %add3A_111, %mul3A_113 : vector<1x7168xi32>
    %swap3A_115 = arith.constant 0 : index
    %swap3A_116 = arith.constant 2 : index
    %swap3A_117 = arith.constant 0 : index
    %swap3A_118 = vector.load %arg5[%swap3A_115, %swap3A_116, %swap3A_117] : memref<1x3x7168xi32, #tpu.memory_space<vmem>>, vector<1x1x7168xi32>
    %swap3A_119 = vector.shape_cast %swap3A_118 : vector<1x1x7168xi32> to vector<1x7168xi32>
    %swap3A_120 = vector.shape_cast %mul3A_114 : vector<1x7168xi32> to vector<1x1x7168xi32>
    tpu.vector_store %arg5[%swap3A_115, %swap3A_116, %swap3A_117], %swap3A_120 {strides = array<i32>} : memref<1x3x7168xi32, #tpu.memory_space<vmem>>, vector<1x1x7168xi32>,
    return
  }
  func.func @transform_0(%arg0: i32, %arg1: i32) -> (i32, i32, i32) {
    %c0_i32 = arith.constant 0 : i32
    %c0_i32_0 = arith.constant 0 : i32
    return %arg0, %c0_i32, %arg1 : i32, i32, i32
  }
  func.func @transform_1(%arg0: i32, %arg1: i32) -> (i32, i32, i32) {
    %c0_i32 = arith.constant 0 : i32
    %c0_i32_0 = arith.constant 0 : i32
    %c0_i32_1 = arith.constant 0 : i32
    return %arg0, %c0_i32, %c0_i32_0 : i32, i32, i32
  }
  func.func @transform_2(%arg0: i32, %arg1: i32) -> (i32, i32) {
    %c0_i32 = arith.constant 0 : i32
    %c0_i32_0 = arith.constant 0 : i32
    %c0_i32_1 = arith.constant 0 : i32
    return %c0_i32, %c0_i32_0 : i32, i32
  }
  func.func @transform_3(%arg0: i32, %arg1: i32) -> (i32, i32, i32) {
    %c0_i32 = arith.constant 0 : i32
    %c0_i32_0 = arith.constant 0 : i32
    return %arg0, %c0_i32, %arg1 : i32, i32, i32
  }
}

module attributes {stable_mosaic.version = 14 : i64} {
  func.func @_proj_body(%arg0: i32, %arg1: memref<1x32x256xf32, #tpu.memory_space<vmem>>, %arg2: memref<3x32x32xf32, #tpu.memory_space<vmem>>, %arg3: memref<1x32xf32, #tpu.memory_space<vmem>>, %arg4: memref<1x3x256x32xf32, #tpu.memory_space<vmem>>) attributes {dimension_semantics = [#tpu.dimension_semantics<arbitrary>], iteration_bounds = array<i64: 2>, scalar_prefetch = 0 : i64, scratch_operands = 0 : i64, tpu.core_type = #tpu.core_type<tc>, window_params = [{transform_indices = @transform_0, window_bounds = array<i64: 1, 32, 256>}, {pipeline_mode = #tpu.pipeline_mode<synchronous>, transform_indices = @transform_1, window_bounds = array<i64: 3, 32, 32>}, {pipeline_mode = #tpu.pipeline_mode<synchronous>, transform_indices = @transform_2, window_bounds = array<i64: 1, 32>}, {transform_indices = @transform_3, window_bounds = array<i64: 1, 3, 256, 32>}]} {
    %get3A = arith.constant 0 : index
    %get3A_0 = arith.constant 0 : index
    %get3A_1 = arith.constant 0 : index
    %get3A_2 = vector.load %arg1[%get3A, %get3A_0, %get3A_1] : memref<1x32x256xf32, #tpu.memory_space<vmem>>, vector<1x32x256xf32>
    %get3A_3 = vector.shape_cast %get3A_2 : vector<1x32x256xf32> to vector<32x256xf32>
    %get3A_4 = arith.constant 0 : index
    %get3A_5 = arith.constant 0 : index
    %get3A_6 = arith.constant 0 : index
    %get3A_7 = vector.load %arg2[%get3A_4, %get3A_5, %get3A_6] : memref<3x32x32xf32, #tpu.memory_space<vmem>>, vector<1x32x32xf32>
    %get3A_8 = vector.shape_cast %get3A_7 : vector<1x32x32xf32> to vector<32x32xf32>
    %dot_general3A = arith.constant dense<0.000000e+00> : vector<256x32xf32>
    %dot_general3A_9 = tpu.matmul %get3A_3, %get3A_8, %dot_general3A {dimension_numbers = #tpu.dot_dimension_numbers<[0], [0], [1], [1], [0, 1, 1, 1], [], []>, precision = #tpu.contract_precision<fp32>, transpose_lhs_hint = false} : vector<32x256xf32>, vector<32x32xf32>, vector<256x32xf32> -> vector<256x32xf32>
    %get3A_10 = arith.constant 0 : index
    %get3A_11 = arith.constant 0 : index
    %get3A_12 = vector.load %arg3[%get3A_10, %get3A_11] : memref<1x32xf32, #tpu.memory_space<vmem>>, vector<1x32xf32>
    %add3A = vector.broadcast %get3A_12 : vector<1x32xf32> to vector<256x32xf32>
    %add3A_13 = arith.addf %dot_general3A_9, %add3A : vector<256x32xf32>
    %swap3A = arith.constant 0 : index
    %swap3A_14 = arith.constant 0 : index
    %swap3A_15 = arith.constant 0 : index
    %swap3A_16 = arith.constant 0 : index
    %swap3A_17 = vector.load %arg4[%swap3A, %swap3A_14, %swap3A_15, %swap3A_16] : memref<1x3x256x32xf32, #tpu.memory_space<vmem>>, vector<1x1x256x32xf32>
    %swap3A_18 = vector.shape_cast %swap3A_17 : vector<1x1x256x32xf32> to vector<256x32xf32>
    %swap3A_19 = vector.shape_cast %add3A_13 : vector<256x32xf32> to vector<1x1x256x32xf32>
    tpu.vector_store %arg4[%swap3A, %swap3A_14, %swap3A_15, %swap3A_16], %swap3A_19 {strides = array<i32>} : memref<1x3x256x32xf32, #tpu.memory_space<vmem>>, vector<1x1x256x32xf32>,
    %get3A_20 = arith.constant 1 : index
    %get3A_21 = arith.constant 0 : index
    %get3A_22 = arith.constant 0 : index
    %get3A_23 = vector.load %arg2[%get3A_20, %get3A_21, %get3A_22] : memref<3x32x32xf32, #tpu.memory_space<vmem>>, vector<1x32x32xf32>
    %get3A_24 = vector.shape_cast %get3A_23 : vector<1x32x32xf32> to vector<32x32xf32>
    %dot_general3A_25 = arith.constant dense<0.000000e+00> : vector<256x32xf32>
    %dot_general3A_26 = tpu.matmul %get3A_3, %get3A_24, %dot_general3A_25 {dimension_numbers = #tpu.dot_dimension_numbers<[0], [0], [1], [1], [0, 1, 1, 1], [], []>, precision = #tpu.contract_precision<fp32>, transpose_lhs_hint = false} : vector<32x256xf32>, vector<32x32xf32>, vector<256x32xf32> -> vector<256x32xf32>
    %swap3A_27 = arith.constant 0 : index
    %swap3A_28 = arith.constant 1 : index
    %swap3A_29 = arith.constant 0 : index
    %swap3A_30 = arith.constant 0 : index
    %swap3A_31 = vector.load %arg4[%swap3A_27, %swap3A_28, %swap3A_29, %swap3A_30] : memref<1x3x256x32xf32, #tpu.memory_space<vmem>>, vector<1x1x256x32xf32>
    %swap3A_32 = vector.shape_cast %swap3A_31 : vector<1x1x256x32xf32> to vector<256x32xf32>
    %swap3A_33 = vector.shape_cast %dot_general3A_26 : vector<256x32xf32> to vector<1x1x256x32xf32>
    tpu.vector_store %arg4[%swap3A_27, %swap3A_28, %swap3A_29, %swap3A_30], %swap3A_33 {strides = array<i32>} : memref<1x3x256x32xf32, #tpu.memory_space<vmem>>, vector<1x1x256x32xf32>,
    %get3A_34 = arith.constant 2 : index
    %get3A_35 = arith.constant 0 : index
    %get3A_36 = arith.constant 0 : index
    %get3A_37 = vector.load %arg2[%get3A_34, %get3A_35, %get3A_36] : memref<3x32x32xf32, #tpu.memory_space<vmem>>, vector<1x32x32xf32>
    %get3A_38 = vector.shape_cast %get3A_37 : vector<1x32x32xf32> to vector<32x32xf32>
    %dot_general3A_39 = arith.constant dense<0.000000e+00> : vector<256x32xf32>
    %dot_general3A_40 = tpu.matmul %get3A_3, %get3A_38, %dot_general3A_39 {dimension_numbers = #tpu.dot_dimension_numbers<[0], [0], [1], [1], [0, 1, 1, 1], [], []>, precision = #tpu.contract_precision<fp32>, transpose_lhs_hint = false} : vector<32x256xf32>, vector<32x32xf32>, vector<256x32xf32> -> vector<256x32xf32>
    %swap3A_41 = arith.constant 0 : index
    %swap3A_42 = arith.constant 2 : index
    %swap3A_43 = arith.constant 0 : index
    %swap3A_44 = arith.constant 0 : index
    %swap3A_45 = vector.load %arg4[%swap3A_41, %swap3A_42, %swap3A_43, %swap3A_44] : memref<1x3x256x32xf32, #tpu.memory_space<vmem>>, vector<1x1x256x32xf32>
    %swap3A_46 = vector.shape_cast %swap3A_45 : vector<1x1x256x32xf32> to vector<256x32xf32>
    %swap3A_47 = vector.shape_cast %dot_general3A_40 : vector<256x32xf32> to vector<1x1x256x32xf32>
    tpu.vector_store %arg4[%swap3A_41, %swap3A_42, %swap3A_43, %swap3A_44], %swap3A_47 {strides = array<i32>} : memref<1x3x256x32xf32, #tpu.memory_space<vmem>>, vector<1x1x256x32xf32>,
    return
  }
  func.func @transform_0(%arg0: i32) -> (i32, i32, i32) {
    %c0_i32 = arith.constant 0 : i32
    %c0_i32_0 = arith.constant 0 : i32
    %c0_i32_1 = arith.constant 0 : i32
    return %arg0, %c0_i32, %c0_i32_0 : i32, i32, i32
  }
  func.func @transform_1(%arg0: i32) -> (i32, i32, i32) {
    %c0_i32 = arith.constant 0 : i32
    %c0_i32_0 = arith.constant 0 : i32
    %c0_i32_1 = arith.constant 0 : i32
    %c0_i32_2 = arith.constant 0 : i32
    return %c0_i32, %c0_i32_0, %c0_i32_1 : i32, i32, i32
  }
  func.func @transform_2(%arg0: i32) -> (i32, i32) {
    %c0_i32 = arith.constant 0 : i32
    %c0_i32_0 = arith.constant 0 : i32
    %c0_i32_1 = arith.constant 0 : i32
    return %c0_i32, %c0_i32_0 : i32, i32
  }
  func.func @transform_3(%arg0: i32) -> (i32, i32, i32, i32) {
    %c0_i32 = arith.constant 0 : i32
    %c0_i32_0 = arith.constant 0 : i32
    %c0_i32_1 = arith.constant 0 : i32
    %c0_i32_2 = arith.constant 0 : i32
    return %arg0, %c0_i32, %c0_i32_0, %c0_i32_1 : i32, i32, i32, i32
  }
}

</mosaic_0001>

<sc_bundles>
// kernel: kernel.5.cloned.1.call-start
scs
__scs_entry_jumppad:
0x0: {  	(pc) =	sbr.rel $0x88, $3  }
0x1: {  	(tag) =	ssettag $0x0;
	lr =	simm.s32 $0x1  }
0x2: {  	[smem:$0x3F9E] =	sst lr;
	_ =	strace $0xD0000000  }
0x3: {  	_ = 	snop  }
0x4: {  	_ = 	snop  }
0x5: {  	_ = 	snop  }
0x6: {  	_ = 	snop  }
0x7: {  	_ = 	snop  }
__scs_overlays_trampoline_lowered:
0x8: {  	[smem:$0x3FAD] =	sst s0  }
0x9: {  	[smem:$0x3FAE] =	sst s1  }
0xa: {  	[smem:$0x3FAF] =	sst s2  }
0xb: {  	[smem:$0x3FB0] =	sst s3  }
0xc: {  	[smem:$0x3FB1] =	sst s4  }
0xd: {  	[smem:$0x3FB2] =	sst s5  }
0xe: {  	[smem:$0x3FB3] =	sst s6  }
0xf: {  	[smem:$0x3FB4] =	sst s7  }
0x10: {  	[smem:$0x3FB5] =	sst s8  }
0x11: {  	[smem:$0x3FB6] =	sst s9;
	s0 =	simm.s32 @!p0 $0x0  }
0x12: {  	s1 =	sld [smem:$0x3F9C];
	s0 =	simm.s32 @p0 $0x1  }
0x13: {  	[smem:$0x3FB7] =	sst s0;
	s0 =	simm.s32 @!p1 $0x0  }
0x14: {  	s2 =	sld [smem:$0x3F9B];
	s0 =	simm.s32 @p1 $0x1  }
0x15: {  	[smem:$0x3FB8] =	sst s0;
	s0 =	simm.s32 @!p2 $0x0  }
0x16: {  	s3 =	sld [smem:$0x3FDB];
	s0 =	simm.s32 @p2 $0x1  }
0x17: {  	s4 =	simm.s32 $0x1BF5;
	[smem:$0x3FBA] =	sst s0  }
0x18: {  	s0 =	sld [smem:$0x3F9D];
	_ =	swait.ge [sflag:s4], $0x0  }
0x19: {  	s7 =	sld [smem:$0x3F9E]  }
0x1a: {  	s8 =	sadd.s32 $0xFFFFE003, lr  }
0x1b: {  	s9 =	sadd.s32 $0xFFFFFEF7, lr;
	s5 =	simm.s32 $0xFFFFFFFF;
	p2 =	slt.u32 s8, $0xFFFFF086  }
0x1c: {  	p1 =	slt.u32 s9, $0xF7A;
	s5 =	simm.s32 @!p2 $0x0  }
0x1d: {  	s5 =	simm.s32 @p1 $0x1;
	p0 =	seq.s32 s7, s2  }
0x1e: {  	s7 =	smul.u32 @!p0 $0xF7A, s2;
	p2 =	seq.s32 @!p0 s5, $0x0  }
0x1f: {  	s9 =	smul.u32 $0xF7A, s1;
	s8 =	simm.s32 @!p0 $0x1BF5;
	p2 =	por !p2, p0  }
0x20: {  	[sflag:s8] =	ssyncset.s32 @!p0 $0xFFFFF086;
	s6 =	sadd.s32 @!p0 s3, s7;
	s7 =	simm.s32 @!p0 $0x108  }
0x21: {  	s3 =	sadd.s32 s3, s9;
	s6 =	sadd.s32 @!p0 $0x88, s6;
	s7 =	simm.s32 @p2 $0x1082  }
0x22: {  	[simem:s7], [sflag:s8] =	dma.local @!p0 [hbm:s6], $0xF7A  }
0x23: {  	s9 =	sor.u32 $0xD0000000, s2;
	s6 =	simm.s32 $0x108;
	_ =	swait.ge @!p0 [sflag:s8], $0x0  }
0x24: {  	s3 =	sadd.s32 $0x88, s3;
	s6 =	simm.s32 @!p1 $0x1082;
	[sflag:s4] =	ssyncset.s32 $0xFFFFF086  }
0x25: {  	[simem:s6], [sflag:s4] =	dma.local [hbm:s3], $0xF7A  }
0x26: {  	[smem:$0x3F9E] =	sst s1;
	(tag) =	ssettag s2;
	_ =	strace s9  }
0x27: {  	s1 =	sld [smem:$0x3FAE]  }
0x28: {  	s2 =	sld [smem:$0x3FAF]  }
0x29: {  	s4 =	sld [smem:$0x3FB1]  }
0x2a: {  	p0 =	seq.s32 s5, $0x0;
	s5 =	sld [smem:$0x3FB2]  }
0x2b: {  	s6 =	sld [smem:$0x3FB3]  }
0x2c: {  	s7 =	sld [smem:$0x3FB4]  }
0x2d: {  	s3 =	simm.s32 $0x108;
	s8 =	sld [smem:$0x3FB5]  }
0x2e: {  	s3 =	simm.s32 @!p0 $0x1082;
	s9 =	sld [smem:$0x3FB6]  }
0x2f: {  	lr =	sadd.s32 s0, s3;
	s0 =	sld [smem:$0x3FAD]  }
0x30: {  	s3 =	sld [smem:$0x3FB0]  }
0x31: {  	[smem:$0x3FB9] =	sst s10  }
0x32: {  	s10 =	sld [smem:$0x3FB7];
	_ =	sdelay $0x3  }
0x33: {  	p0 =	seq.s32 s10, $0x1;
	s10 =	sld [smem:$0x3FB9];
	_ =	sdelay $0x3  }
0x34: {  	[smem:$0x3FB9] =	sst s10  }
0x35: {  	s10 =	sld [smem:$0x3FB8];
	_ =	sdelay $0x3  }
0x36: {  	p1 =	seq.s32 s10, $0x1;
	s10 =	sld [smem:$0x3FB9];
	_ =	sdelay $0x3  }
0x37: {  	[smem:$0x3FB9] =	sst s10  }
0x38: {  	s10 =	sld [smem:$0x3FBA]  }
0x39: {  	_ = 	snop;
	(pc) =	sbr.ind lr, $3  }
0x3a: {  	_ = 	snop  }
0x3b: {  	_ = 	snop  }
0x3c: {  	p2 =	seq.s32 s10, $0x1;
	s10 =	sld [smem:$0x3FB9]  }
0x3d: {  	_ =	shalt  }
0x3e: {  	_ =	shalt  }
0x3f: {  	_ =	shalt  }
0x40: {  	_ =	shalt  }
0x41: {  	_ =	shalt  }
0x42: {  	_ =	shalt  }
0x43: {  	_ =	shalt  }
0x44: {  	_ =	shalt  }
0x45: {  	_ =	shalt  }
0x46: {  	_ =	shalt  }
0x47: {  	_ =	shalt  }
0x48: {  	_ =	shalt  }
0x49: {  	_ =	shalt  }
0x4a: {  	_ =	shalt  }
0x4b: {  	_ =	shalt  }
0x4c: {  	_ =	shalt  }
0x4d: {  	_ =	shalt  }
0x4e: {  	_ =	shalt  }
0x4f: {  	_ =	shalt  }
0x50: {  	_ =	shalt  }
0x51: {  	_ =	shalt  }
0x52: {  	_ =	shalt  }
0x53: {  	_ =	shalt  }
0x54: {  	_ =	shalt  }
0x55: {  	_ =	shalt  }
0x56: {  	_ =	shalt  }
0x57: {  	_ =	shalt  }
0x58: {  	_ =	shalt  }
0x59: {  	_ =	shalt  }
0x5a: {  	_ =	shalt  }
0x5b: {  	_ =	shalt  }
0x5c: {  	_ =	shalt  }
0x5d: {  	_ =	shalt  }
0x5e: {  	_ =	shalt  }
0x5f: {  	_ =	shalt  }
0x60: {  	_ =	shalt  }
0x61: {  	_ =	shalt  }
0x62: {  	_ =	shalt  }
0x63: {  	_ =	shalt  }
0x64: {  	_ =	shalt  }
0x65: {  	_ =	shalt  }
0x66: {  	_ =	shalt  }
0x67: {  	_ =	shalt  }
0x68: {  	_ =	shalt  }
0x69: {  	_ =	shalt  }
0x6a: {  	_ =	shalt  }
0x6b: {  	_ =	shalt  }
0x6c: {  	_ =	shalt  }
0x6d: {  	_ =	shalt  }
0x6e: {  	_ =	shalt  }
0x6f: {  	_ =	shalt  }
0x70: {  	_ =	shalt  }
0x71: {  	_ =	shalt  }
0x72: {  	_ =	shalt  }
0x73: {  	_ =	shalt  }
0x74: {  	_ =	shalt  }
0x75: {  	_ =	shalt  }
0x76: {  	_ =	shalt  }
0x77: {  	_ =	shalt  }
0x78: {  	_ =	shalt  }
0x79: {  	_ =	shalt  }
0x7a: {  	_ =	shalt  }
0x7b: {  	_ =	shalt  }
0x7c: {  	_ =	shalt  }
0x7d: {  	_ =	shalt  }
0x7e: {  	_ =	shalt  }
0x7f: {  	_ =	shalt  }
0x80: {  	_ =	shalt  }
0x81: {  	_ =	shalt  }
0x82: {  	_ =	shalt  }
0x83: {  	_ =	shalt  }
0x84: {  	_ =	shalt  }
0x85: {  	_ =	shalt  }
0x86: {  	_ =	shalt  }
0x87: {  	_ =	shalt  }
.Lfunc_end0:
.L_simem_size_0:
called_computation_lowered:
.L_overlay_start_0:
0x88: {  	s2 =	sld [smem:$0x3FD9]  }
0x89: {  	s3 =	sld [smem:$0x3FFE];
	_ =	sdelay $0x1  }
0x8a: {  	s1 =	srdreg.scid  }
0x8b: {  	s0 =	sand.u32 $0x1, s1  }
0x8c: {  	s17 =	sshll.u32 s0, $0xA;
	s2 =	sadd.s32 s3, s2  }
0x8d: {  	s2 =	sadd.s32 s2, s17  }
0x8e: {  	[smem:$0x3FC5] =	sst s2  }
0x8f: {  	_ = 	snop  }
0x90: {  	s2 =	sld [smem:$0x3FD0];
	(tm) =	ssettm $0x1  }
0x91: {  	s18 =	sld [smem:$0x3FFB];
	_ =	sdelay $0x3  }
0x92: {  	_ =	strace s18  }
0x93: {  	s3 =	sld [smem:$0x3FFC];
	_ =	sdelay $0x3  }
0x94: {  	_ =	strace s3  }
0x95: {  	s3 =	sld [smem:$0x3FFD];
	_ =	sdelay $0x3  }
0x96: {  	_ =	strace s3  }
0x97: {  	_ =	strace $0x8FFFFFFF  }
0x98: {  	s19 =	sld [smem:$0x3FDB];
	_ =	sdelay $0x1  }
0x99: {  	s4 =	simm.s32 $_scs_section_size  }
0x9a: {  	s5 =	simm.s32 $_size__tile_overlayer_lowered;
	s6 =	simm.s32 $_tile_overlayer_lowered  }
0x9b: {  	s22 =	simm.s32 $0x1BFF;
	s21 =	sshll.u32 s6, $0x1;
	s3 =	sadd.s32 s4, s19  }
0x9c: {  	s7 =	simm.s32 $0x0;
	s20 =	sshll.u32 s5, $0x1;
	s5 =	sadd.s32 s21, s3  }
0x9d: {  	[timem:s7], [sflag:s22] =	dma.local [hbm:s5], s20  }
0x9e: {  	_ =	swait.ge [sflag:s22], s20  }
0x9f: {  	s4 =	ssub.s32 $0x0, s20;
	[sflag:s22] =	ssyncset.done $0x0  }
0xa0: {  	[sflag:s22] =	ssyncadd.s32 s4;
	_ =	sdelay $0x1  }
0xa1: {  	s23 =	simm.s32 $0x1B8B  }
0xa2: {  	_ =	swait.ge [sflag:s23], $0x1  }
0xa3: {  	[sflag:s23] =	ssyncset.done $0x0  }
0xa4: {  	s25 =	simm.s32 $0x1B8E;
	s24 =	sld [smem:$0x3FFE];
	[sflag:s23] =	ssyncadd.s32 $0xFFFFFFFF  }
0xa5: {  	s26 =	simm.s32 $execute0_lowered;
	[smem:$0x3FD2] =	sst s25  }
0xa6: {  	s5 =	sshll.u32 s26, $0x1;
	_ =	strace $0x80000046;
	[dreg:$0x1] =	wrdreg $0xFFFFFFFF  }
0xa7: {  	s28 =	simm.s32 $_size_execute0_lowered;
	s3 =	sadd.s32 s3, s5;
	[dreg:$0x0] =	wrdreg $0x0  }
0xa8: {  	s5 =	sshll.u32 s28, $0x1;
	[dreg:$0x2] =	wrdreg s3  }
0xa9: {  	[dreg:$0x3] =	wrdreg s5  }
0xaa: {  	[dreg:$0x4] =	wrdreg $0xC0  }
0xab: {  	_ =	task [dreg:s7], $0x5FFFF  }
0xac: {  	[dreg:$0x1] =	wrdreg $0xFFFFFFFF  }
0xad: {  	[dreg:$0x0] =	wrdreg $0x60  }
0xae: {  	[dreg:$0x2] =	wrdreg s2  }
0xaf: {  	[dreg:$0x3] =	wrdreg s24  }
0xb0: {  	[dreg:$0x4] =	wrdreg $0x9  }
0xb1: {  	_ =	task.clear_ibuf [dreg:s7], $0x5FFFF;
	_ =	strace $0x90000046  }
0xb2: {  	s29 =	simm.s32 $0x9;
	_ =	strace $0x80000048  }
0xb3: {  	_ =	swait.ge [sflag:s29], $0x1  }
0xb4: {  	[sflag:s29] =	ssyncadd.s32 $0xFFFFFFFF  }
0xb5: {  	_ =	strace $0x90000048  }
0xb6: {  	_ =	sfence  }
0xb7: {  	s30 =	sld [smem:$0x0];
	_ =	sdelay $0x2  }
0xb8: {  	s31 =	sshll.u32 s1, $0xD;
	s1 =	sshrl.u32 s1, $0x2  }
0xb9: {  	s3 =	sand.u32 $0x4000, s31;
	s1 =	sadd.s32 s1, s30  }
0xba: {  	s0 =	sor.u32 s3, s0;
	s1 =	sshll.u32 s1, $0x11  }
0xbb: {  	s0 =	sor.u32 s1, s0  }
0xbc: {  	s0 =	sadd.s32 $0x8F2B, s0  }
0xbd: {  	[sflag:s0] =	ssyncadd.remote.s32 $0x1  }
0xbe: {  	_ =	sfence.sel $0xFFFF  }
0xbf: {  	[dreg:$0x0] =	wrdreg $0xFFFFFFFF;
	(pc) =	sbr.abs _section_cstart, $3  }
0xc0: {  	[dreg:$0x1] =	wrdreg $0xFFFFFFFF  }
0xc1: {  	_ =	task.clear_ibuf [dreg:s7], $0x2FFFF;
	_ =	strace $0x9FFFFFFF  }
0xc2: {  	(tm) =	ssettm $0x7FFFFFFF  }
0xc3: {  	_ =	shalt  }
tec
execute0_lowered:
.L_overlay_start_1:
0x0: {  	(tag) =	ssettag $0x1  }
0x1: {  	s2 =	stileid.u32  }
0x2: {  	p0 =	sgt.u32 s2, $0xD  }
.Ltmp0:
0x3: {  	_ = 	snop;
	(pc) =	sbr.rel @p0 .LBB2_7-.Ltmp0, $4  }
0x4: {  	_ = 	snop  }
0x5: {  	s0 =	rddreg [dreg:$0x0];
	s5 =	simm.s32 $0x0  }
0x6: {  	[smem:$0x7FF] =	sst s5  }
0x7: {  	s1 =	rddreg [dreg:$0x1];
	_ =	strace $0x80000047  }
0x8: {  	s2 =	srdreg.scid;
	s3 =	stileid.u32  }
0x9: {  	s2 =	sand.u32 $0x1, s2;
	s3 =	sshll.u32 s3, $0x1  }
0xa: {  	s3 =	sor.u32 s2, s3  }
0xb: {  	s4 =	smul.u32 $0x3800, s3  }
0xc: {  	s3 =	smul.u32 $0x700, s3;
	_ =	sdelay $0x1  }
0xd: {  	s6 =	sadd.s32 $0xC00, s1;
	s3 =	sshrl.u32 s3, $0x3  }
0xe: {  	[dreg:$0x4] =	wrdreg s6;
	s3 =	sadd.s32 s0, s3  }
0xf: {  	s4 =	sshrl.u32 s4, $0x3;
	s0 =	sadd.s32 $0x1880, s3;
	[dreg:$0x5] =	wrdreg s3  }
0x10: {  	s24 =	sadd.s32 s4, s1;
	s25 =	sadd.s32 $0x3100, s3;
	[dreg:$0x6] =	wrdreg s0  }
0x11: {  	s28 =	sadd.s32 $0x2400, s24;
	[dreg:$0x7] =	wrdreg s25  }
0x12: {  	s29 =	sadd.s32 $0x4980, s3;
	[dreg:$0x8] =	wrdreg s28  }
0x13: {  	s26 =	ssub.s32 $0x2, s2;
	s31 =	sadd.s32 $0x6200, s3;
	[dreg:$0x9] =	wrdreg s29  }
0x14: {  	s30 =	sshrl.u32 s26, $0x1;
	s3 =	sadd.s32 $0x7A80, s3;
	[dreg:$0xa] =	wrdreg s31  }
0x15: {  	s1 =	sadd.s32 $0x33400, s24;
	[dreg:$0xb] =	wrdreg s3;
	s0 =	ssub.s32 s26, s30  }
0x16: {  	[dreg:$0xc] =	wrdreg s1;
	s0 =	smax.u32 s0, $0x1  }
0x17: {  	s13 =	simm.s32 $0x1500;
	s2 =	simm.s32 $0x1;
	[dreg:$0xd] =	wrdreg s0  }
.LBB2_2:
0x18: {  	[dreg:$0x3] =	wrdreg s5  }
0x19: {  	s0 =	simm.s32 $0x0;
	s1 =	rddreg [dreg:$0x4]  }
0x1a: {  	[tilespmem:s13], [sflag:$0x1] =	stream.linear.gather [hbm4b:s1+s0], $0xC000, $0x38;
	[tilespmem:$0x1B500] =	vst v63  }
0x1b: {  	_ =	swait.ge [sflag:s2], $0xC000  }
0x1c: {  	[sflag:s2] =	ssyncset.done $0x0  }
0x1d: {  	s15 =	rddreg [dreg:$0x5];
	[sflag:s2] =	ssyncadd.s32 $0xFFFF4000  }
0x1e: {  	[tilespmem:s0], [sflag:$0x1] =	stream.linear.gather [hbm4b:s15+s0], $0x700, $0x38;
	[tilespmem:$0x1B500] =	vst v63  }
0x1f: {  	_ =	swait.ge [sflag:s2], $0x700  }
0x20: {  	[sflag:s2] =	ssyncset.done $0x0  }
0x21: {  	s3 =	simm.s32 $0x700;
	s16 =	rddreg [dreg:$0x6];
	[sflag:s2] =	ssyncadd.s32 $0xFFFFF900  }
0x22: {  	[tilespmem:s3], [sflag:$0x1] =	stream.linear.gather [hbm4b:s16+s0], $0x700, $0x38;
	[tilespmem:$0x1B500] =	vst v63  }
0x23: {  	_ =	swait.ge [sflag:s2], $0x700  }
0x24: {  	[sflag:s2] =	ssyncset.done $0x0  }
0x25: {  	s18 =	simm.s32 $0xE00;
	s17 =	rddreg [dreg:$0x7];
	[sflag:s2] =	ssyncadd.s32 $0xFFFFF900  }
0x26: {  	[tilespmem:s18], [sflag:$0x1] =	stream.linear.gather [hbm4b:s17+s0], $0x700, $0x38;
	[tilespmem:$0x1B500] =	vst v63  }
0x27: {  	_ =	swait.ge [sflag:s2], $0x700  }
0x28: {  	[sflag:s2] =	ssyncset.done $0x0  }
0x29: {  	s19 =	simm.s32 $0x0;
	[sflag:s2] =	ssyncadd.s32 $0xFFFFF900  }
0x2a: {  	s20 =	sand.u32 $0x7E0, s19;
	v2 =	vld [tilespmem:s0+$0x0]  }
0x2b: {  	v1 =	vld [tilespmem:s20+$0x700];
	_ =	sdelay $0x1  }
0x2c: {  	v0 =	vld [tilespmem:s20+$0xE00];
	_ =	sdelay $0x4  }
0x2d: {  	v3 =	vld.idx.msk [tilespmem:v2+s13+$0x0], $0xffff  }
0x2e: {  	v4 =	vld.idx.msk [tilespmem:v1+s13+$0x0], $0xffff;
	_ =	sdelay $0x1  }
0x2f: {  	v5 =	vld.idx.msk [tilespmem:v0+s13+$0x0], $0xffff;
	_ =	sdelay $0x2  }
0x30: {  	v3 =	vadd.f32 v4, v3;
	v4 =	vadd.s32 $0x1, v2  }
0x31: {  	s26 =	sand.u32 $0x3C00, s0;
	v6 =	vadd.s32 $0x1, v1  }
0x32: {  	s25 =	sand.u32 $0x60, s19;
	s21 =	sadd.s32 $0xD500, s26;
	v3 =	vadd.f32 v5, v3  }
0x33: {  	s22 =	sor.u32 s25, s21;
	v5 =	vadd.s32 $0x1, v0  }
0x34: {  	[tilespmem:s22+$0x0] =	vst v3  }
0x35: {  	v3 =	vld.idx.msk [tilespmem:v4+s13+$0x0], $0xffff  }
0x36: {  	v4 =	vld.idx.msk [tilespmem:v6+s13+$0x0], $0xffff;
	_ =	sdelay $0x1  }
0x37: {  	v5 =	vld.idx.msk [tilespmem:v5+s13+$0x0], $0xffff;
	_ =	sdelay $0x2  }
0x38: {  	v6 =	vadd.s32 $0x2, v2;
	v3 =	vadd.f32 v4, v3  }
0x39: {  	v7 =	vadd.s32 $0x2, v1  }
0x3a: {  	v5 =	vadd.f32 v5, v3  }
0x3b: {  	v8 =	vadd.s32 $0x2, v0;
	v4 =	vld [tilespmem:s0+$0x10]  }
0x3c: {  	v3 =	vld [tilespmem:s0+$0x710];
	[tilespmem:s22+$0x80] =	vst v5  }
0x3d: {  	v5 =	vld.idx.msk [tilespmem:v6+s13+$0x0], $0xffff  }
0x3e: {  	v7 =	vld.idx.msk [tilespmem:v7+s13+$0x0], $0xffff  }
0x3f: {  	v6 =	vld [tilespmem:s0+$0xE10]  }
0x40: {  	v8 =	vld.idx.msk [tilespmem:v8+s13+$0x0], $0xffff;
	_ =	sdelay $0x2  }
0x41: {  	v5 =	vadd.f32 v7, v5;
	v7 =	vadd.s32 $0x3, v2  }
0x42: {  	v10 =	vadd.s32 $0x3, v1;
	v9 =	vld.idx.msk [tilespmem:v4+s13+$0x0], $0xffff  }
0x43: {  	v11 =	vld.idx.msk [tilespmem:v3+s13+$0x0], $0xffff;
	v5 =	vadd.f32 v8, v5  }
0x44: {  	v8 =	vadd.s32 $0x3, v0  }
0x45: {  	v12 =	vld.idx.msk [tilespmem:v6+s13+$0x0], $0xffff;
	[tilespmem:s22+$0x100] =	vst v5  }
0x46: {  	v5 =	vld.idx.msk [tilespmem:v7+s13+$0x0], $0xffff  }
0x47: {  	v7 =	vld.idx.msk [tilespmem:v10+s13+$0x0], $0xffff  }
0x48: {  	v10 =	vadd.s32 $0x1, v4;
	v9 =	vadd.f32 v11, v9  }
0x49: {  	s23 =	simm.s32 $0x10;
	v11 =	vadd.s32 $0x1, v3;
	v8 =	vld.idx.msk [tilespmem:v8+s13+$0x0], $0xffff  }
0x4a: {  	s28 =	sand.u32 $0x70, s23;
	v9 =	vadd.f32 v12, v9  }
0x4b: {  	s1 =	sor.u32 s28, s21;
	v12 =	vadd.s32 $0x1, v6  }
0x4c: {  	[tilespmem:s1+$0x0] =	vst v9;
	v5 =	vadd.f32 v7, v5;
	v7 =	vadd.s32 $0x4, v2  }
0x4d: {  	v9 =	vld.idx.msk [tilespmem:v10+s13+$0x0], $0xffff;
	v10 =	vadd.s32 $0x4, v1  }
0x4e: {  	v11 =	vld.idx.msk [tilespmem:v11+s13+$0x0], $0xffff;
	v5 =	vadd.f32 v8, v5  }
0x4f: {  	v8 =	vadd.s32 $0x4, v0  }
0x50: {  	v12 =	vld.idx.msk [tilespmem:v12+s13+$0x0], $0xffff;
	[tilespmem:s22+$0x180] =	vst v5  }
0x51: {  	v5 =	vld.idx.msk [tilespmem:v7+s13+$0x0], $0xffff  }
0x52: {  	v7 =	vld.idx.msk [tilespmem:v10+s13+$0x0], $0xffff  }
0x53: {  	v10 =	vadd.s32 $0x2, v4;
	v9 =	vadd.f32 v11, v9  }
0x54: {  	v11 =	vadd.s32 $0x2, v3;
	v8 =	vld.idx.msk [tilespmem:v8+s13+$0x0], $0xffff  }
0x55: {  	v9 =	vadd.f32 v12, v9  }
0x56: {  	v12 =	vadd.s32 $0x2, v6  }
0x57: {  	[tilespmem:s1+$0x80] =	vst v9;
	v5 =	vadd.f32 v7, v5;
	v7 =	vadd.s32 $0x5, v2  }
0x58: {  	v9 =	vld.idx.msk [tilespmem:v10+s13+$0x0], $0xffff;
	v10 =	vadd.s32 $0x5, v1  }
0x59: {  	v11 =	vld.idx.msk [tilespmem:v11+s13+$0x0], $0xffff;
	v5 =	vadd.f32 v8, v5  }
0x5a: {  	v8 =	vadd.s32 $0x5, v0  }
0x5b: {  	v12 =	vld.idx.msk [tilespmem:v12+s13+$0x0], $0xffff;
	[tilespmem:s22+$0x200] =	vst v5  }
0x5c: {  	v5 =	vld.idx.msk [tilespmem:v7+s13+$0x0], $0xffff  }
0x5d: {  	v7 =	vld.idx.msk [tilespmem:v10+s13+$0x0], $0xffff  }
0x5e: {  	v10 =	vadd.s32 $0x3, v4;
	v9 =	vadd.f32 v11, v9  }
0x5f: {  	v11 =	vadd.s32 $0x3, v3;
	v8 =	vld.idx.msk [tilespmem:v8+s13+$0x0], $0xffff  }
0x60: {  	v9 =	vadd.f32 v12, v9  }
0x61: {  	v12 =	vadd.s32 $0x3, v6  }
0x62: {  	[tilespmem:s1+$0x100] =	vst v9;
	v5 =	vadd.f32 v7, v5;
	v7 =	vadd.s32 $0x6, v2  }
0x63: {  	v9 =	vld.idx.msk [tilespmem:v10+s13+$0x0], $0xffff;
	v10 =	vadd.s32 $0x6, v1  }
0x64: {  	v11 =	vld.idx.msk [tilespmem:v11+s13+$0x0], $0xffff;
	v5 =	vadd.f32 v8, v5  }
0x65: {  	v8 =	vadd.s32 $0x6, v0  }
0x66: {  	v12 =	vld.idx.msk [tilespmem:v12+s13+$0x0], $0xffff;
	[tilespmem:s22+$0x280] =	vst v5  }
0x67: {  	v5 =	vld.idx.msk [tilespmem:v7+s13+$0x0], $0xffff  }
0x68: {  	v7 =	vld.idx.msk [tilespmem:v10+s13+$0x0], $0xffff  }
0x69: {  	v10 =	vadd.s32 $0x4, v4;
	v9 =	vadd.f32 v11, v9  }
0x6a: {  	v11 =	vadd.s32 $0x4, v3;
	v8 =	vld.idx.msk [tilespmem:v8+s13+$0x0], $0xffff  }
0x6b: {  	v9 =	vadd.f32 v12, v9  }
0x6c: {  	v12 =	vadd.s32 $0x4, v6  }
0x6d: {  	s24 =	sand.u32 $0x3, s0;
	[tilespmem:s1+$0x180] =	vst v9;
	v5 =	vadd.f32 v7, v5;
	v7 =	vadd.s32 $0x7, v2  }
0x6e: {  	s2 =	sshll.u32 s24, $0x5;
	v9 =	vld.idx.msk [tilespmem:v10+s13+$0x0], $0xffff;
	v10 =	vadd.s32 $0x7, v1  }
0x6f: {  	s2 =	sadd.s32 $0x0, s2;
	v11 =	vld.idx.msk [tilespmem:v11+s13+$0x0], $0xffff;
	v5 =	vadd.f32 v8, v5  }
0x70: {  	s31 =	sor.u32 $0x300, s2;
	v8 =	vadd.s32 $0x7, v0  }
0x71: {  	v12 =	vld.idx.msk [tilespmem:v12+s13+$0x0], $0xffff;
	[tilespmem:s31+$0xD500] =	vst v5  }
0x72: {  	v5 =	vld.idx.msk [tilespmem:v7+s13+$0x0], $0xffff  }
0x73: {  	v7 =	vld.idx.msk [tilespmem:v10+s13+$0x0], $0xffff  }
0x74: {  	v10 =	vadd.s32 $0x5, v4;
	v9 =	vadd.f32 v11, v9  }
0x75: {  	v11 =	vadd.s32 $0x5, v3;
	v8 =	vld.idx.msk [tilespmem:v8+s13+$0x0], $0xffff  }
0x76: {  	v9 =	vadd.f32 v12, v9  }
0x77: {  	v12 =	vadd.s32 $0x5, v6  }
0x78: {  	[tilespmem:s1+$0x200] =	vst v9;
	v5 =	vadd.f32 v7, v5;
	v7 =	vadd.s32 $0x8, v2  }
0x79: {  	v9 =	vld.idx.msk [tilespmem:v10+s13+$0x0], $0xffff;
	v10 =	vadd.s32 $0x8, v1  }
0x7a: {  	v11 =	vld.idx.msk [tilespmem:v11+s13+$0x0], $0xffff;
	v5 =	vadd.f32 v8, v5  }
0x7b: {  	s2 =	sor.u32 $0x380, s2;
	v8 =	vadd.s32 $0x8, v0  }
0x7c: {  	v12 =	vld.idx.msk [tilespmem:v12+s13+$0x0], $0xffff;
	[tilespmem:s2+$0xD500] =	vst v5  }
0x7d: {  	v5 =	vld.idx.msk [tilespmem:v7+s13+$0x0], $0xffff  }
0x7e: {  	v7 =	vld.idx.msk [tilespmem:v10+s13+$0x0], $0xffff  }
0x7f: {  	v10 =	vadd.s32 $0x6, v4;
	v9 =	vadd.f32 v11, v9  }
0x80: {  	v11 =	vadd.s32 $0x6, v3;
	v8 =	vld.idx.msk [tilespmem:v8+s13+$0x0], $0xffff  }
0x81: {  	v9 =	vadd.f32 v12, v9  }
0x82: {  	v12 =	vadd.s32 $0x6, v6  }
0x83: {  	[tilespmem:s1+$0x280] =	vst v9;
	v5 =	vadd.f32 v7, v5;
	v7 =	vadd.s32 $0x9, v2  }
0x84: {  	v9 =	vld.idx.msk [tilespmem:v10+s13+$0x0], $0xffff;
	v10 =	vadd.s32 $0x9, v1  }
0x85: {  	s4 =	sadd.s32 $0x10D00, s26;
	v11 =	vld.idx.msk [tilespmem:v11+s13+$0x0], $0xffff;
	v5 =	vadd.f32 v8, v5  }
0x86: {  	s5 =	sor.u32 s25, s4;
	v8 =	vadd.s32 $0x9, v0  }
0x87: {  	v12 =	vld.idx.msk [tilespmem:v12+s13+$0x0], $0xffff;
	[tilespmem:s5+$0x0] =	vst v5  }
0x88: {  	v5 =	vld.idx.msk [tilespmem:v7+s13+$0x0], $0xffff  }
0x89: {  	v7 =	vld.idx.msk [tilespmem:v10+s13+$0x0], $0xffff  }
0x8a: {  	s0 =	sand.u32 $0x7, s0;
	v10 =	vadd.s32 $0x7, v4;
	v9 =	vadd.f32 v11, v9  }
0x8b: {  	s0 =	sshll.u32 s0, $0x4;
	v11 =	vadd.s32 $0x7, v3;
	v8 =	vld.idx.msk [tilespmem:v8+s13+$0x0], $0xffff  }
0x8c: {  	s0 =	sadd.s32 $0x10, s0;
	v9 =	vadd.f32 v12, v9  }
0x8d: {  	s6 =	sor.u32 $0x300, s0;
	v12 =	vadd.s32 $0x7, v6  }
0x8e: {  	[tilespmem:s6+$0xD500] =	vst v9;
	v5 =	vadd.f32 v7, v5;
	v7 =	vadd.s32 $0xA, v2  }
0x8f: {  	v9 =	vld.idx.msk [tilespmem:v10+s13+$0x0], $0xffff;
	v10 =	vadd.s32 $0xA, v1  }
0x90: {  	s7 =	sadd.s32 $0x10D80, s26;
	v11 =	vld.idx.msk [tilespmem:v11+s13+$0x0], $0xffff;
	v5 =	vadd.f32 v8, v5  }
0x91: {  	s8 =	sor.u32 s25, s7;
	v8 =	vadd.s32 $0xA, v0  }
0x92: {  	v12 =	vld.idx.msk [tilespmem:v12+s13+$0x0], $0xffff;
	[tilespmem:s8+$0x0] =	vst v5  }
0x93: {  	v5 =	vld.idx.msk [tilespmem:v7+s13+$0x0], $0xffff  }
0x94: {  	v7 =	vld.idx.msk [tilespmem:v10+s13+$0x0], $0xffff  }
0x95: {  	v10 =	vadd.s32 $0x8, v4;
	v9 =	vadd.f32 v11, v9  }
0x96: {  	v11 =	vadd.s32 $0x8, v3;
	v8 =	vld.idx.msk [tilespmem:v8+s13+$0x0], $0xffff  }
0x97: {  	v9 =	vadd.f32 v12, v9  }
0x98: {  	s0 =	sor.u32 $0x380, s0;
	v12 =	vadd.s32 $0x8, v6  }
0x99: {  	[tilespmem:s0+$0xD500] =	vst v9;
	v5 =	vadd.f32 v7, v5;
	v7 =	vadd.s32 $0xB, v2  }
0x9a: {  	v9 =	vld.idx.msk [tilespmem:v10+s13+$0x0], $0xffff;
	v10 =	vadd.s32 $0xB, v1  }
0x9b: {  	s9 =	sadd.s32 $0x10E00, s26;
	v11 =	vld.idx.msk [tilespmem:v11+s13+$0x0], $0xffff;
	v5 =	vadd.f32 v8, v5  }
0x9c: {  	s10 =	sor.u32 s25, s9;
	v8 =	vadd.s32 $0xB, v0  }
0x9d: {  	v12 =	vld.idx.msk [tilespmem:v12+s13+$0x0], $0xffff;
	[tilespmem:s10+$0x0] =	vst v5  }
0x9e: {  	v5 =	vld.idx.msk [tilespmem:v7+s13+$0x0], $0xffff  }
0x9f: {  	v7 =	vld.idx.msk [tilespmem:v10+s13+$0x0], $0xffff  }
0xa0: {  	v10 =	vadd.s32 $0x9, v4;
	v9 =	vadd.f32 v11, v9  }
0xa1: {  	v11 =	vadd.s32 $0x9, v3;
	v8 =	vld.idx.msk [tilespmem:v8+s13+$0x0], $0xffff  }
0xa2: {  	v9 =	vadd.f32 v12, v9  }
0xa3: {  	s11 =	sor.u32 s28, s4;
	v12 =	vadd.s32 $0x9, v6  }
0xa4: {  	[tilespmem:s11+$0x0] =	vst v9;
	v5 =	vadd.f32 v7, v5;
	v7 =	vadd.s32 $0xC, v2  }
0xa5: {  	v9 =	vld.idx.msk [tilespmem:v10+s13+$0x0], $0xffff;
	v10 =	vadd.s32 $0xC, v1  }
0xa6: {  	s12 =	sadd.s32 $0x10E80, s26;
	v11 =	vld.idx.msk [tilespmem:v11+s13+$0x0], $0xffff;
	v5 =	vadd.f32 v8, v5  }
0xa7: {  	s14 =	sor.u32 s25, s12;
	v8 =	vadd.s32 $0xC, v0  }
0xa8: {  	v12 =	vld.idx.msk [tilespmem:v12+s13+$0x0], $0xffff;
	[tilespmem:s14+$0x0] =	vst v5  }
0xa9: {  	v5 =	vld.idx.msk [tilespmem:v7+s13+$0x0], $0xffff  }
0xaa: {  	v7 =	vld.idx.msk [tilespmem:v10+s13+$0x0], $0xffff  }
0xab: {  	v10 =	vadd.s32 $0xA, v4;
	v9 =	vadd.f32 v11, v9  }
0xac: {  	v11 =	vadd.s32 $0xA, v3;
	v8 =	vld.idx.msk [tilespmem:v8+s13+$0x0], $0xffff  }
0xad: {  	v9 =	vadd.f32 v12, v9  }
0xae: {  	s15 =	sor.u32 s28, s7;
	v12 =	vadd.s32 $0xA, v6  }
0xaf: {  	[tilespmem:s15+$0x0] =	vst v9;
	v5 =	vadd.f32 v7, v5;
	v7 =	vadd.s32 $0xD, v2  }
0xb0: {  	v9 =	vld.idx.msk [tilespmem:v10+s13+$0x0], $0xffff;
	v10 =	vadd.s32 $0xD, v1  }
0xb1: {  	s16 =	sadd.s32 $0x10F00, s26;
	v11 =	vld.idx.msk [tilespmem:v11+s13+$0x0], $0xffff;
	v5 =	vadd.f32 v8, v5  }
0xb2: {  	s17 =	sor.u32 s25, s16;
	v8 =	vadd.s32 $0xD, v0  }
0xb3: {  	v12 =	vld.idx.msk [tilespmem:v12+s13+$0x0], $0xffff;
	[tilespmem:s17+$0x0] =	vst v5  }
0xb4: {  	v5 =	vld.idx.msk [tilespmem:v7+s13+$0x0], $0xffff  }
0xb5: {  	v7 =	vld.idx.msk [tilespmem:v10+s13+$0x0], $0xffff  }
0xb6: {  	v10 =	vadd.s32 $0xB, v4;
	v9 =	vadd.f32 v11, v9  }
0xb7: {  	v11 =	vadd.s32 $0xB, v3;
	v8 =	vld.idx.msk [tilespmem:v8+s13+$0x0], $0xffff  }
0xb8: {  	v9 =	vadd.f32 v12, v9  }
0xb9: {  	s18 =	sor.u32 s28, s9;
	v12 =	vadd.s32 $0xB, v6  }
0xba: {  	[tilespmem:s18+$0x0] =	vst v9;
	v5 =	vadd.f32 v7, v5;
	v7 =	vadd.s32 $0xE, v2  }
0xbb: {  	v9 =	vld.idx.msk [tilespmem:v10+s13+$0x0], $0xffff;
	v10 =	vadd.s32 $0xE, v1  }
0xbc: {  	s6 =	sadd.s32 $0x10F80, s26;
	v11 =	vld.idx.msk [tilespmem:v11+s13+$0x0], $0xffff;
	v5 =	vadd.f32 v8, v5  }
0xbd: {  	s19 =	sor.u32 s25, s6;
	v8 =	vadd.s32 $0xE, v0  }
0xbe: {  	v12 =	vld.idx.msk [tilespmem:v12+s13+$0x0], $0xffff;
	[tilespmem:s19+$0x0] =	vst v5  }
0xbf: {  	v5 =	vld.idx.msk [tilespmem:v7+s13+$0x0], $0xffff  }
0xc0: {  	v7 =	vld.idx.msk [tilespmem:v10+s13+$0x0], $0xffff  }
0xc1: {  	v10 =	vadd.s32 $0xC, v4;
	v9 =	vadd.f32 v11, v9  }
0xc2: {  	v8 =	vld.idx.msk [tilespmem:v8+s13+$0x0], $0xffff  }
0xc3: {  	v9 =	vadd.f32 v12, v9  }
0xc4: {  	s1 =	sor.u32 s28, s12  }
0xc5: {  	[tilespmem:s1+$0x0] =	vst v9;
	v5 =	vadd.f32 v7, v5;
	v7 =	vadd.s32 $0xF, v2  }
0xc6: {  	v9 =	vld.idx.msk [tilespmem:v10+s13+$0x0], $0xffff;
	v10 =	vadd.s32 $0xF, v1  }
0xc7: {  	s4 =	sadd.s32 $0x11000, s26;
	s21 =	simm.s32 $0x20;
	v5 =	vadd.f32 v8, v5  }
0xc8: {  	s23 =	sand.u32 $0x7E0, s21;
	s20 =	sor.u32 s25, s4;
	v8 =	vadd.s32 $0xF, v0  }
0xc9: {  	v25 =	vld [tilespmem:s23+$0x700];
	[tilespmem:s20+$0x0] =	vst v5  }
0xca: {  	v5 =	vld.idx.msk [tilespmem:v7+s13+$0x0], $0xffff  }
0xcb: {  	v7 =	vld.idx.msk [tilespmem:v10+s13+$0x0], $0xffff  }
0xcc: {  	v13 =	vadd.s32 $0xC, v6  }
0xcd: {  	v10 =	vld.idx.msk [tilespmem:v8+s13+$0x0], $0xffff;
	_ =	sdelay $0x2  }
0xce: {  	v5 =	vadd.f32 v7, v5;
	v7 =	vadd.s32 $0x10, v2  }
0xcf: {  	v12 =	vld.idx.msk [tilespmem:v13+s13+$0x0], $0xffff;
	v13 =	vadd.s32 $0x10, v1  }
0xd0: {  	s24 =	sadd.s32 $0x11080, s26;
	v23 =	vld [tilespmem:s23+$0xE00];
	v5 =	vadd.f32 v10, v5  }
0xd1: {  	s7 =	sor.u32 s25, s24;
	v15 =	vld.idx.msk [tilespmem:v25+s13+$0x0], $0xffff;
	s22 =	simm.s32 $0x20;
	v10 =	vadd.s32 $0x10, v0  }
0xd2: {  	v11 =	vadd.s32 $0xC, v3;
	v8 =	vld [tilespmem:s22+$0x0];
	[tilespmem:s7+$0x0] =	vst v5  }
0xd3: {  	v5 =	vld.idx.msk [tilespmem:v7+s13+$0x0], $0xffff  }
0xd4: {  	v13 =	vld.idx.msk [tilespmem:v13+s13+$0x0], $0xffff  }
0xd5: {  	v27 =	vld [tilespmem:s22+$0x10]  }
0xd6: {  	v10 =	vld.idx.msk [tilespmem:v10+s13+$0x0], $0xffff  }
0xd7: {  	v11 =	vld.idx.msk [tilespmem:v11+s13+$0x0], $0xffff  }
0xd8: {  	v7 =	vld [tilespmem:s22+$0x710]  }
0xd9: {  	v26 =	vld [tilespmem:s22+$0xE10];
	v5 =	vadd.f32 v13, v5;
	v13 =	vadd.s32 $0x11, v2  }
0xda: {  	v16 =	vadd.s32 $0x11, v1;
	v14 =	vld.idx.msk [tilespmem:v8+s13+$0x0], $0xffff  }
0xdb: {  	s3 =	sadd.s32 $0x14500, s26;
	v5 =	vadd.f32 v10, v5  }
0xdc: {  	v17 =	vadd.s32 $0x11, v0;
	s11 =	sor.u32 s25, s3;
	v10 =	vld.idx.msk [tilespmem:v23+s13+$0x0], $0xffff  }
0xdd: {  	v9 =	vadd.f32 v11, v9;
	v11 =	vld.idx.msk [tilespmem:v27+s13+$0x0], $0xffff;
	[tilespmem:s11+$0x0] =	vst v5  }
0xde: {  	v18 =	vadd.s32 $0xD, v4;
	v5 =	vld.idx.msk [tilespmem:v13+s13+$0x0], $0xffff  }
0xdf: {  	s12 =	simm.s32 $0x100;
	v9 =	vadd.f32 v12, v9;
	v12 =	vadd.f32 v15, v14;
	v13 =	vadd.s32 $0x1, v8;
	v14 =	vld.idx.msk [tilespmem:v16+s13+$0x0], $0xffff  }
0xe0: {  	s0 =	sand.u32 $0x3C00, s12;
	s14 =	sor.u32 s28, s16;
	v15 =	vadd.s32 $0x1, v25;
	v16 =	vld.idx.msk [tilespmem:v7+s13+$0x0], $0xffff  }
0xe1: {  	v19 =	vadd.s32 $0xD, v3;
	s31 =	sand.u32 $0x60, s21;
	s2 =	sadd.s32 $0xD500, s0;
	[tilespmem:s14+$0x0] =	vst v9;
	v9 =	vadd.f32 v10, v12;
	v10 =	vld.idx.msk [tilespmem:v17+s13+$0x0], $0xffff  }
0xe2: {  	v20 =	vld.idx.msk [tilespmem:v26+s13+$0x0], $0xffff;
	s10 =	sor.u32 s31, s2;
	v17 =	vadd.s32 $0x1, v23  }
0xe3: {  	v12 =	vld.idx.msk [tilespmem:v18+s13+$0x0], $0xffff;
	v18 =	vadd.s32 $0xD, v6;
	[tilespmem:s10+$0x0] =	vst v9  }
0xe4: {  	v9 =	vld.idx.msk [tilespmem:v13+s13+$0x0], $0xffff;
	v5 =	vadd.f32 v14, v5;
	v13 =	vadd.s32 $0x12, v2  }
0xe5: {  	v14 =	vld.idx.msk [tilespmem:v15+s13+$0x0], $0xffff;
	v15 =	vadd.s32 $0x12, v1  }
0xe6: {  	s9 =	sadd.s32 $0x14580, s26;
	v21 =	vadd.s32 $0x1, v27;
	v19 =	vld.idx.msk [tilespmem:v19+s13+$0x0], $0xffff;
	v11 =	vadd.f32 v16, v11;
	v5 =	vadd.f32 v10, v5  }
0xe7: {  	s16 =	sor.u32 s25, s9;
	s15 =	simm.s32 $0x30;
	v16 =	vadd.s32 $0x12, v0;
	v10 =	vld.idx.msk [tilespmem:v17+s13+$0x0], $0xffff  }
0xe8: {  	s1 =	sand.u32 $0x70, s15;
	v17 =	vld.idx.msk [tilespmem:v18+s13+$0x0], $0xffff;
	v18 =	vadd.s32 $0x1, v7;
	v11 =	vadd.f32 v20, v11;
	[tilespmem:s16+$0x0] =	vst v5  }
0xe9: {  	s17 =	sor.u32 s1, s2;
	v5 =	vadd.s32 $0x1, v26;
	v13 =	vld.idx.msk [tilespmem:v13+s13+$0x0], $0xffff  }
0xea: {  	[tilespmem:s17+$0x0] =	vst v11;
	v11 =	vadd.s32 $0x2, v8;
	v9 =	vadd.f32 v14, v9;
	v14 =	vld.idx.msk [tilespmem:v15+s13+$0x0], $0xffff  }
0xeb: {  	v15 =	vadd.s32 $0x2, v25;
	v20 =	vld.idx.msk [tilespmem:v21+s13+$0x0], $0xffff  }
0xec: {  	v12 =	vadd.f32 v19, v12;
	v21 =	vadd.s32 $0xE, v4;
	v9 =	vadd.f32 v10, v9;
	v10 =	vld.idx.msk [tilespmem:v16+s13+$0x0], $0xffff  }
0xed: {  	v16 =	vadd.s32 $0x2, v23;
	v18 =	vld.idx.msk [tilespmem:v18+s13+$0x0], $0xffff  }
0xee: {  	v19 =	vadd.s32 $0xE, v3;
	v12 =	vadd.f32 v17, v12;
	[tilespmem:s10+$0x80] =	vst v9;
	v5 =	vld.idx.msk [tilespmem:v5+s13+$0x0], $0xffff  }
0xef: {  	s18 =	sor.u32 s28, s6;
	v9 =	vadd.s32 $0xE, v6;
	v11 =	vld.idx.msk [tilespmem:v11+s13+$0x0], $0xffff  }
0xf0: {  	[tilespmem:s18+$0x0] =	vst v12;
	v12 =	vld.idx.msk [tilespmem:v15+s13+$0x0], $0xffff;
	v13 =	vadd.f32 v14, v13;
	v14 =	vadd.s32 $0x13, v2  }
0xf1: {  	v15 =	vadd.s32 $0x13, v1;
	v17 =	vld.idx.msk [tilespmem:v21+s13+$0x0], $0xffff  }
0xf2: {  	s8 =	sadd.s32 $0x14600, s26;
	v16 =	vld.idx.msk [tilespmem:v16+s13+$0x0], $0xffff;
	v10 =	vadd.f32 v10, v13;
	v13 =	vadd.s32 $0x13, v0  }
0xf3: {  	s19 =	sor.u32 s25, s8;
	v21 =	vadd.s32 $0x2, v27;
	v19 =	vld.idx.msk [tilespmem:v19+s13+$0x0], $0xffff;
	v18 =	vadd.f32 v18, v20  }
0xf4: {  	v20 =	vadd.s32 $0x2, v7;
	[tilespmem:s19+$0x0] =	vst v10;
	v9 =	vld.idx.msk [tilespmem:v9+s13+$0x0], $0xffff  }
0xf5: {  	v5 =	vadd.f32 v5, v18;
	v10 =	vld.idx.msk [tilespmem:v14+s13+$0x0], $0xffff;
	v11 =	vadd.f32 v12, v11;
	v12 =	vadd.s32 $0x3, v8  }
0xf6: {  	v14 =	vld.idx.msk [tilespmem:v15+s13+$0x0], $0xffff;
	v15 =	vadd.s32 $0x3, v25  }
0xf7: {  	v18 =	vadd.s32 $0x2, v26;
	[tilespmem:s17+$0x80] =	vst v5;
	v5 =	vadd.f32 v16, v11;
	v11 =	vld.idx.msk [tilespmem:v13+s13+$0x0], $0xffff  }
0xf8: {  	v13 =	vadd.s32 $0x3, v23;
	v16 =	vld.idx.msk [tilespmem:v21+s13+$0x0], $0xffff  }
0xf9: {  	v17 =	vadd.f32 v19, v17;
	v21 =	vadd.s32 $0xF, v4;
	[tilespmem:s10+$0x100] =	vst v5;
	v5 =	vld.idx.msk [tilespmem:v20+s13+$0x0], $0xffff  }
0xfa: {  	v19 =	vadd.s32 $0xF, v3;
	v12 =	vld.idx.msk [tilespmem:v12+s13+$0x0], $0xffff  }
0xfb: {  	v9 =	vadd.f32 v9, v17;
	v15 =	vld.idx.msk [tilespmem:v15+s13+$0x0], $0xffff;
	v10 =	vadd.f32 v14, v10;
	v14 =	vadd.s32 $0x14, v2  }
0xfc: {  	s20 =	sor.u32 s28, s4;
	v17 =	vld.idx.msk [tilespmem:v18+s13+$0x0], $0xffff;
	v18 =	vadd.s32 $0x14, v1  }
0xfd: {  	s4 =	sadd.s32 $0x14680, s26;
	v20 =	vadd.s32 $0xF, v6;
	[tilespmem:s20+$0x0] =	vst v9;
	v9 =	vld.idx.msk [tilespmem:v13+s13+$0x0], $0xffff;
	v10 =	vadd.f32 v11, v10  }
0xfe: {  	s21 =	sor.u32 s25, s4;
	v11 =	vadd.s32 $0x14, v0;
	v13 =	vld.idx.msk [tilespmem:v21+s13+$0x0], $0xffff  }
0xff: {  	v21 =	vadd.s32 $0x3, v27;
	v5 =	vadd.f32 v5, v16;
	[tilespmem:s21+$0x0] =	vst v10;
	v10 =	vld.idx.msk [tilespmem:v19+s13+$0x0], $0xffff  }
0x100: {  	v14 =	vld.idx.msk [tilespmem:v14+s13+$0x0], $0xffff;
	v12 =	vadd.f32 v15, v12;
	v15 =	vadd.s32 $0x4, v8  }
0x101: {  	v16 =	vld.idx.msk [tilespmem:v18+s13+$0x0], $0xffff;
	v18 =	vadd.s32 $0x4, v25;
	v5 =	vadd.f32 v17, v5  }
0x102: {  	v19 =	vld.idx.msk [tilespmem:v20+s13+$0x0], $0xffff;
	v17 =	vadd.s32 $0x3, v7;
	v9 =	vadd.f32 v9, v12  }
0x103: {  	v11 =	vld.idx.msk [tilespmem:v11+s13+$0x0], $0xffff;
	v12 =	vadd.s32 $0x4, v23;
	[tilespmem:s17+$0x100] =	vst v5  }
0x104: {  	v5 =	vadd.s32 $0x3, v26;
	[tilespmem:s10+$0x180] =	vst v9;
	v9 =	vld.idx.msk [tilespmem:v21+s13+$0x0], $0xffff  }
0x105: {  	v20 =	vadd.s32 $0x10, v4;
	v10 =	vadd.f32 v10, v13;
	v13 =	vld.idx.msk [tilespmem:v15+s13+$0x0], $0xffff  }
0x106: {  	v15 =	vld.idx.msk [tilespmem:v18+s13+$0x0], $0xffff;
	v14 =	vadd.f32 v16, v14;
	v16 =	vadd.s32 $0x15, v2  }
0x107: {  	v18 =	vadd.s32 $0x15, v1;
	v17 =	vld.idx.msk [tilespmem:v17+s13+$0x0], $0xffff;
	v10 =	vadd.f32 v19, v10  }
0x108: {  	s6 =	sadd.s32 $0x14700, s26;
	s22 =	sor.u32 s28, s24;
	v19 =	vadd.s32 $0x10, v3;
	v12 =	vld.idx.msk [tilespmem:v12+s13+$0x0], $0xffff;
	v11 =	vadd.f32 v11, v14  }
0x109: {  	s23 =	sor.u32 s25, s6;
	v14 =	vadd.s32 $0x15, v0;
	v5 =	vld.idx.msk [tilespmem:v5+s13+$0x0], $0xffff;
	[tilespmem:s22+$0x0] =	vst v10  }
0x10a: {  	v10 =	vadd.s32 $0x10, v6;
	[tilespmem:s23+$0x0] =	vst v11;
	v11 =	vld.idx.msk [tilespmem:v20+s13+$0x0], $0xffff  }
0x10b: {  	v16 =	vld.idx.msk [tilespmem:v16+s13+$0x0], $0xffff;
	v13 =	vadd.f32 v15, v13;
	v15 =	vadd.s32 $0x5, v8  }
0x10c: {  	v20 =	vadd.s32 $0x5, v25;
	v18 =	vld.idx.msk [tilespmem:v18+s13+$0x0], $0xffff  }
0x10d: {  	v21 =	vadd.s32 $0x4, v27;
	v9 =	vadd.f32 v17, v9;
	v17 =	vld.idx.msk [tilespmem:v19+s13+$0x0], $0xffff;
	v12 =	vadd.f32 v12, v13  }
0x10e: {  	v13 =	vld.idx.msk [tilespmem:v14+s13+$0x0], $0xffff;
	v14 =	vadd.s32 $0x5, v23  }
0x10f: {  	v19 =	vadd.s32 $0x4, v7;
	v5 =	vadd.f32 v5, v9;
	v9 =	vld.idx.msk [tilespmem:v10+s13+$0x0], $0xffff;
	[tilespmem:s10+$0x200] =	vst v12  }
0x110: {  	v10 =	vadd.s32 $0x4, v26;
	v12 =	vld.idx.msk [tilespmem:v15+s13+$0x0], $0xffff  }
0x111: {  	[tilespmem:s17+$0x180] =	vst v5;
	v5 =	vld.idx.msk [tilespmem:v20+s13+$0x0], $0xffff;
	v15 =	vadd.f32 v18, v16;
	v16 =	vadd.s32 $0x16, v2  }
0x112: {  	v20 =	vadd.s32 $0x16, v1;
	v18 =	vld.idx.msk [tilespmem:v21+s13+$0x0], $0xffff  }
0x113: {  	s5 =	sadd.s32 $0x14780, s26;
	v21 =	vadd.s32 $0x11, v4;
	v11 =	vadd.f32 v17, v11;
	v14 =	vld.idx.msk [tilespmem:v14+s13+$0x0], $0xffff;
	v13 =	vadd.f32 v13, v15  }
0x114: {  	s24 =	sor.u32 s25, s5;
	v17 =	vadd.s32 $0x16, v0;
	v15 =	vld.idx.msk [tilespmem:v19+s13+$0x0], $0xffff  }
0x115: {  	v19 =	vadd.s32 $0x11, v3;
	v9 =	vadd.f32 v9, v11;
	v10 =	vld.idx.msk [tilespmem:v10+s13+$0x0], $0xffff;
	[tilespmem:s24+$0x0] =	vst v13  }
0x116: {  	s11 =	sor.u32 s28, s3;
	v11 =	vadd.s32 $0x11, v6;
	v13 =	vld.idx.msk [tilespmem:v16+s13+$0x0], $0xffff  }
0x117: {  	[tilespmem:s11+$0x0] =	vst v9;
	v5 =	vadd.f32 v5, v12;
	v9 =	vadd.s32 $0x6, v8;
	v12 =	vld.idx.msk [tilespmem:v20+s13+$0x0], $0xffff  }
0x118: {  	v16 =	vadd.s32 $0x6, v25;
	v20 =	vld.idx.msk [tilespmem:v21+s13+$0x0], $0xffff  }
0x119: {  	v5 =	vadd.f32 v14, v5;
	v14 =	vld.idx.msk [tilespmem:v17+s13+$0x0], $0xffff;
	v17 =	vadd.s32 $0x6, v23  }
0x11a: {  	v21 =	vadd.s32 $0x5, v27;
	v15 =	vadd.f32 v15, v18;
	v18 =	vld.idx.msk [tilespmem:v19+s13+$0x0], $0xffff  }
0x11b: {  	v19 =	vadd.s32 $0x5, v7;
	[tilespmem:s10+$0x280] =	vst v5;
	v5 =	vld.idx.msk [tilespmem:v11+s13+$0x0], $0xffff  }
0x11c: {  	v10 =	vadd.f32 v10, v15;
	v9 =	vld.idx.msk [tilespmem:v9+s13+$0x0], $0xffff;
	v11 =	vadd.f32 v12, v13;
	v12 =	vadd.s32 $0x17, v2  }
0x11d: {  	v15 =	vadd.s32 $0x17, v1;
	v13 =	vld.idx.msk [tilespmem:v16+s13+$0x0], $0xffff  }
0x11e: {  	s3 =	sadd.s32 $0x14800, s26;
	v16 =	vadd.s32 $0x5, v26;
	[tilespmem:s17+$0x200] =	vst v10;
	v10 =	vld.idx.msk [tilespmem:v17+s13+$0x0], $0xffff;
	v11 =	vadd.f32 v14, v11  }
0x11f: {  	s12 =	sor.u32 s25, s3;
	v14 =	vld.idx.msk [tilespmem:v21+s13+$0x0], $0xffff;
	v17 =	vadd.s32 $0x17, v0  }
0x120: {  	v21 =	vadd.s32 $0x12, v4;
	v18 =	vadd.f32 v18, v20;
	v19 =	vld.idx.msk [tilespmem:v19+s13+$0x0], $0xffff;
	[tilespmem:s12+$0x0] =	vst v11  }
0x121: {  	s14 =	simm.s32 $0x1;
	v11 =	vadd.s32 $0x12, v3;
	v12 =	vld.idx.msk [tilespmem:v12+s13+$0x0], $0xffff  }
0x122: {  	s2 =	sand.u32 $0x3, s14;
	v5 =	vadd.f32 v5, v18;
	v9 =	vadd.f32 v13, v9;
	v13 =	vadd.s32 $0x7, v8;
	v15 =	vld.idx.msk [tilespmem:v15+s13+$0x0], $0xffff  }
0x123: {  	s9 =	sor.u32 s28, s9;
	s2 =	sshll.u32 s2, $0x5;
	v18 =	vadd.s32 $0x7, v25;
	v16 =	vld.idx.msk [tilespmem:v16+s13+$0x0], $0xffff  }
0x124: {  	s2 =	sadd.s32 $0x100, s2;
	v20 =	vadd.s32 $0x12, v6;
	[tilespmem:s9+$0x0] =	vst v5;
	v5 =	vadd.f32 v10, v9;
	v9 =	vld.idx.msk [tilespmem:v17+s13+$0x0], $0xffff  }
0x125: {  	s15 =	sor.u32 $0x300, s2;
	v10 =	vadd.s32 $0x7, v23;
	v17 =	vld.idx.msk [tilespmem:v21+s13+$0x0], $0xffff  }
0x126: {  	v21 =	vadd.s32 $0x6, v27;
	[tilespmem:s15+$0xD500] =	vst v5;
	v5 =	vadd.f32 v19, v14;
	v11 =	vld.idx.msk [tilespmem:v11+s13+$0x0], $0xffff  }
0x127: {  	v14 =	vadd.s32 $0x18, v2;
	v13 =	vld.idx.msk [tilespmem:v13+s13+$0x0], $0xffff;
	v12 =	vadd.f32 v15, v12  }
0x128: {  	v15 =	vld.idx.msk [tilespmem:v18+s13+$0x0], $0xffff;
	v18 =	vadd.s32 $0x6, v7;
	v5 =	vadd.f32 v16, v5  }
0x129: {  	s9 =	sadd.s32 $0x14880, s26;
	v19 =	vld.idx.msk [tilespmem:v20+s13+$0x0], $0xffff;
	v16 =	vadd.s32 $0x18, v1;
	v9 =	vadd.f32 v9, v12  }
0x12a: {  	s16 =	sor.u32 s25, s9;
	v10 =	vld.idx.msk [tilespmem:v10+s13+$0x0], $0xffff;
	v12 =	vadd.s32 $0x6, v26;
	[tilespmem:s17+$0x280] =	vst v5  }
0x12b: {  	v5 =	vadd.s32 $0x18, v0;
	v20 =	vld.idx.msk [tilespmem:v21+s13+$0x0], $0xffff;
	[tilespmem:s16+$0x0] =	vst v9  }
0x12c: {  	v9 =	vadd.s32 $0x13, v4;
	v11 =	vadd.f32 v11, v17;
	v14 =	vld.idx.msk [tilespmem:v14+s13+$0x0], $0xffff  }
0x12d: {  	v13 =	vadd.f32 v15, v13;
	v15 =	vadd.s32 $0x8, v8;
	v18 =	vld.idx.msk [tilespmem:v18+s13+$0x0], $0xffff  }
0x12e: {  	v17 =	vadd.s32 $0x8, v25;
	v16 =	vld.idx.msk [tilespmem:v16+s13+$0x0], $0xffff;
	v11 =	vadd.f32 v19, v11  }
0x12f: {  	s17 =	sor.u32 s28, s8;
	v19 =	vadd.s32 $0x13, v3;
	v10 =	vadd.f32 v10, v13;
	v12 =	vld.idx.msk [tilespmem:v12+s13+$0x0], $0xffff  }
0x130: {  	s2 =	sor.u32 $0x380, s2;
	v13 =	vadd.s32 $0x8, v23;
	v5 =	vld.idx.msk [tilespmem:v5+s13+$0x0], $0xffff;
	[tilespmem:s17+$0x0] =	vst v11  }
0x131: {  	s18 =	simm.s32 $0x2;
	v11 =	vadd.s32 $0x13, v6;
	[tilespmem:s2+$0xD500] =	vst v10;
	v9 =	vld.idx.msk [tilespmem:v9+s13+$0x0], $0xffff  }
0x132: {  	v21 =	vadd.s32 $0x7, v27;
	s2 =	sand.u32 $0x7, s18;
	v10 =	vld.idx.msk [tilespmem:v15+s13+$0x0], $0xffff;
	v18 =	vadd.f32 v18, v20  }
0x133: {  	v15 =	vadd.s32 $0x19, v2;
	s2 =	sshll.u32 s2, $0x4;
	v14 =	vadd.f32 v16, v14;
	v16 =	vld.idx.msk [tilespmem:v17+s13+$0x0], $0xffff  }
0x134: {  	v17 =	vadd.s32 $0x19, v1;
	v19 =	vld.idx.msk [tilespmem:v19+s13+$0x0], $0xffff;
	s20 =	sadd.s32 $0x110, s2;
	v12 =	vadd.f32 v12, v18  }
0x135: {  	s8 =	sadd.s32 $0x17D00, s26;
	v20 =	vadd.s32 $0x7, v7;
	v13 =	vld.idx.msk [tilespmem:v13+s13+$0x0], $0xffff;
	s2 =	sor.u32 $0x300, s20;
	v5 =	vadd.f32 v5, v14  }
0x136: {  	s19 =	sor.u32 s25, s8;
	v14 =	vadd.s32 $0x19, v0;
	v11 =	vld.idx.msk [tilespmem:v11+s13+$0x0], $0xffff;
	[tilespmem:s2+$0xD500] =	vst v12  }
0x137: {  	[tilespmem:s19+$0x0] =	vst v5;
	v5 =	vadd.s32 $0x7, v26;
	v18 =	vld.idx.msk [tilespmem:v21+s13+$0x0], $0xffff  }
0x138: {  	v12 =	vadd.s32 $0x9, v8;
	v15 =	vld.idx.msk [tilespmem:v15+s13+$0x0], $0xffff;
	v10 =	vadd.f32 v16, v10  }
0x139: {  	v16 =	vld.idx.msk [tilespmem:v17+s13+$0x0], $0xffff;
	v17 =	vadd.s32 $0x9, v25  }
0x13a: {  	s21 =	sadd.s32 $0x10D00, s0;
	v21 =	vadd.s32 $0x14, v4;
	v9 =	vadd.f32 v19, v9;
	v19 =	vld.idx.msk [tilespmem:v20+s13+$0x0], $0xffff;
	v10 =	vadd.f32 v13, v10  }
0x13b: {  	s22 =	sor.u32 s31, s21;
	v13 =	vld.idx.msk [tilespmem:v14+s13+$0x0], $0xffff;
	v14 =	vadd.s32 $0x9, v23  }
0x13c: {  	v20 =	vadd.s32 $0x14, v3;
	v9 =	vadd.f32 v11, v9;
	[tilespmem:s22+$0x0] =	vst v10;
	v5 =	vld.idx.msk [tilespmem:v5+s13+$0x0], $0xffff  }
0x13d: {  	s4 =	sor.u32 s28, s4;
	v10 =	vadd.s32 $0x14, v6;
	v11 =	vld.idx.msk [tilespmem:v12+s13+$0x0], $0xffff  }
0x13e: {  	[tilespmem:s4+$0x0] =	vst v9;
	v9 =	vld.idx.msk [tilespmem:v17+s13+$0x0], $0xffff;
	v12 =	vadd.f32 v16, v15;
	v15 =	vadd.s32 $0x1A, v2  }
0x13f: {  	v16 =	vadd.s32 $0x1A, v1;
	v17 =	vld.idx.msk [tilespmem:v21+s13+$0x0], $0xffff  }
0x140: {  	s4 =	sadd.s32 $0x17D80, s26;
	v14 =	vld.idx.msk [tilespmem:v14+s13+$0x0], $0xffff;
	v12 =	vadd.f32 v13, v12;
	v13 =	vadd.s32 $0x1A, v0  }
0x141: {  	v21 =	vadd.s32 $0x8, v27;
	v18 =	vadd.f32 v19, v18;
	s23 =	sor.u32 s25, s4;
	v19 =	vld.idx.msk [tilespmem:v20+s13+$0x0], $0xffff  }
0x142: {  	v20 =	vadd.s32 $0x8, v7;
	[tilespmem:s23+$0x0] =	vst v12;
	v10 =	vld.idx.msk [tilespmem:v10+s13+$0x0], $0xffff  }
0x143: {  	v5 =	vadd.f32 v5, v18;
	v12 =	vld.idx.msk [tilespmem:v15+s13+$0x0], $0xffff;
	v9 =	vadd.f32 v9, v11;
	v11 =	vadd.s32 $0xA, v8  }
0x144: {  	s24 =	sor.u32 $0x380, s20;
	v15 =	vld.idx.msk [tilespmem:v16+s13+$0x0], $0xffff;
	v16 =	vadd.s32 $0xA, v25  }
0x145: {  	s11 =	sadd.s32 $0x10D80, s0;
	v18 =	vadd.s32 $0x8, v26;
	[tilespmem:s24+$0xD500] =	vst v5;
	v5 =	vadd.f32 v14, v9;
	v9 =	vld.idx.msk [tilespmem:v13+s13+$0x0], $0xffff  }
0x146: {  	s10 =	sor.u32 s31, s11;
	v13 =	vadd.s32 $0xA, v23;
	v14 =	vld.idx.msk [tilespmem:v21+s13+$0x0], $0xffff  }
0x147: {  	v17 =	vadd.f32 v19, v17;
	v21 =	vadd.s32 $0x15, v4;
	[tilespmem:s10+$0x0] =	vst v5;
	v5 =	vld.idx.msk [tilespmem:v20+s13+$0x0], $0xffff  }
0x148: {  	v19 =	vadd.s32 $0x15, v3;
	v11 =	vld.idx.msk [tilespmem:v11+s13+$0x0], $0xffff  }
0x149: {  	v10 =	vadd.f32 v10, v17;
	v16 =	vld.idx.msk [tilespmem:v16+s13+$0x0], $0xffff;
	v12 =	vadd.f32 v15, v12;
	v15 =	vadd.s32 $0x1B, v2  }
0x14a: {  	s6 =	sor.u32 s28, s6;
	v17 =	vld.idx.msk [tilespmem:v18+s13+$0x0], $0xffff;
	v18 =	vadd.s32 $0x1B, v1  }
0x14b: {  	s7 =	sadd.s32 $0x17E00, s26;
	v20 =	vadd.s32 $0x15, v6;
	[tilespmem:s6+$0x0] =	vst v10;
	v10 =	vld.idx.msk [tilespmem:v13+s13+$0x0], $0xffff;
	v9 =	vadd.f32 v9, v12  }
0x14c: {  	s12 =	sor.u32 s25, s7;
	v12 =	vadd.s32 $0x1B, v0;
	v13 =	vld.idx.msk [tilespmem:v21+s13+$0x0], $0xffff  }
0x14d: {  	v21 =	vadd.s32 $0x9, v27;
	v5 =	vadd.f32 v5, v14;
	[tilespmem:s12+$0x0] =	vst v9;
	v9 =	vld.idx.msk [tilespmem:v19+s13+$0x0], $0xffff  }
0x14e: {  	v14 =	vld.idx.msk [tilespmem:v15+s13+$0x0], $0xffff;
	v11 =	vadd.f32 v16, v11;
	v15 =	vadd.s32 $0xB, v8  }
0x14f: {  	v16 =	vld.idx.msk [tilespmem:v18+s13+$0x0], $0xffff;
	v18 =	vadd.s32 $0xB, v25;
	v5 =	vadd.f32 v17, v5  }
0x150: {  	s14 =	sadd.s32 $0x10E00, s0;
	s2 =	sor.u32 s1, s21;
	v19 =	vld.idx.msk [tilespmem:v20+s13+$0x0], $0xffff;
	v17 =	vadd.s32 $0x9, v7;
	v10 =	vadd.f32 v10, v11  }
0x151: {  	s15 =	sor.u32 s31, s14;
	v11 =	vld.idx.msk [tilespmem:v12+s13+$0x0], $0xffff;
	v12 =	vadd.s32 $0xB, v23;
	[tilespmem:s2+$0x0] =	vst v5  }
0x152: {  	v5 =	vadd.s32 $0x9, v26;
	[tilespmem:s15+$0x0] =	vst v10;
	v10 =	vld.idx.msk [tilespmem:v21+s13+$0x0], $0xffff  }
0x153: {  	v20 =	vadd.s32 $0x16, v4;
	v9 =	vadd.f32 v9, v13;
	v13 =	vld.idx.msk [tilespmem:v15+s13+$0x0], $0xffff  }
0x154: {  	v15 =	vld.idx.msk [tilespmem:v18+s13+$0x0], $0xffff;
	v14 =	vadd.f32 v16, v14;
	v16 =	vadd.s32 $0x1C, v2  }
0x155: {  	v18 =	vadd.s32 $0x1C, v1;
	v17 =	vld.idx.msk [tilespmem:v17+s13+$0x0], $0xffff;
	v9 =	vadd.f32 v19, v9  }
0x156: {  	s16 =	sor.u32 s28, s5;
	s6 =	sadd.s32 $0x17E80, s26;
	v19 =	vadd.s32 $0x16, v3;
	v12 =	vld.idx.msk [tilespmem:v12+s13+$0x0], $0xffff;
	v11 =	vadd.f32 v11, v14  }
0x157: {  	s17 =	sor.u32 s25, s6;
	v14 =	vadd.s32 $0x1C, v0;
	v5 =	vld.idx.msk [tilespmem:v5+s13+$0x0], $0xffff;
	[tilespmem:s16+$0x0] =	vst v9  }
0x158: {  	v9 =	vadd.s32 $0x16, v6;
	[tilespmem:s17+$0x0] =	vst v11;
	v11 =	vld.idx.msk [tilespmem:v20+s13+$0x0], $0xffff  }
0x159: {  	v16 =	vld.idx.msk [tilespmem:v16+s13+$0x0], $0xffff;
	v13 =	vadd.f32 v15, v13;
	v15 =	vadd.s32 $0xC, v8  }
0x15a: {  	v20 =	vadd.s32 $0xC, v25;
	v18 =	vld.idx.msk [tilespmem:v18+s13+$0x0], $0xffff  }
0x15b: {  	s18 =	sadd.s32 $0x10E80, s0;
	v21 =	vadd.s32 $0xA, v27;
	v10 =	vadd.f32 v17, v10;
	v17 =	vld.idx.msk [tilespmem:v19+s13+$0x0], $0xffff;
	v12 =	vadd.f32 v12, v13  }
0x15c: {  	s19 =	sor.u32 s31, s18;
	v13 =	vld.idx.msk [tilespmem:v14+s13+$0x0], $0xffff;
	v14 =	vadd.s32 $0xC, v23  }
0x15d: {  	v19 =	vadd.s32 $0xA, v7;
	v5 =	vadd.f32 v5, v10;
	v9 =	vld.idx.msk [tilespmem:v9+s13+$0x0], $0xffff;
	[tilespmem:s19+$0x0] =	vst v12  }
0x15e: {  	s20 =	sor.u32 s1, s11;
	v10 =	vadd.s32 $0xA, v26;
	v12 =	vld.idx.msk [tilespmem:v15+s13+$0x0], $0xffff  }
0x15f: {  	[tilespmem:s20+$0x0] =	vst v5;
	v5 =	vld.idx.msk [tilespmem:v20+s13+$0x0], $0xffff;
	v15 =	vadd.f32 v18, v16;
	v16 =	vadd.s32 $0x1D, v2  }
0x160: {  	v20 =	vadd.s32 $0x1D, v1;
	v18 =	vld.idx.msk [tilespmem:v21+s13+$0x0], $0xffff  }
0x161: {  	s5 =	sadd.s32 $0x17F00, s26;
	v21 =	vadd.s32 $0x17, v4;
	v11 =	vadd.f32 v17, v11;
	v14 =	vld.idx.msk [tilespmem:v14+s13+$0x0], $0xffff;
	v13 =	vadd.f32 v13, v15  }
0x162: {  	s21 =	sor.u32 s25, s5;
	v17 =	vadd.s32 $0x1D, v0;
	v15 =	vld.idx.msk [tilespmem:v19+s13+$0x0], $0xffff  }
0x163: {  	v19 =	vadd.s32 $0x17, v3;
	v9 =	vadd.f32 v9, v11;
	v10 =	vld.idx.msk [tilespmem:v10+s13+$0x0], $0xffff;
	[tilespmem:s21+$0x0] =	vst v13  }
0x164: {  	s3 =	sor.u32 s28, s3;
	v11 =	vld.idx.msk [tilespmem:v16+s13+$0x0], $0xffff;
	v5 =	vadd.f32 v5, v12;
	v12 =	vadd.s32 $0xD, v8  }
0x165: {  	v13 =	vadd.s32 $0xD, v25;
	[tilespmem:s3+$0x0] =	vst v9;
	v9 =	vld.idx.msk [tilespmem:v20+s13+$0x0], $0xffff  }
0x166: {  	s12 =	sadd.s32 $0x10F00, s0;
	v16 =	vadd.s32 $0x17, v6;
	v20 =	vld.idx.msk [tilespmem:v21+s13+$0x0], $0xffff;
	v5 =	vadd.f32 v14, v5  }
0x167: {  	s22 =	sor.u32 s31, s12;
	v14 =	vld.idx.msk [tilespmem:v17+s13+$0x0], $0xffff;
	v17 =	vadd.s32 $0xD, v23  }
0x168: {  	v21 =	vadd.s32 $0xB, v27;
	v15 =	vadd.f32 v15, v18;
	v18 =	vld.idx.msk [tilespmem:v19+s13+$0x0], $0xffff;
	[tilespmem:s22+$0x0] =	vst v5  }
0x169: {  	v5 =	vadd.s32 $0xB, v7;
	v12 =	vld.idx.msk [tilespmem:v12+s13+$0x0], $0xffff  }
0x16a: {  	v10 =	vadd.f32 v10, v15;
	v13 =	vld.idx.msk [tilespmem:v13+s13+$0x0], $0xffff;
	v9 =	vadd.f32 v9, v11;
	v11 =	vadd.s32 $0x1E, v2  }
0x16b: {  	s23 =	sor.u32 s1, s14;
	v15 =	vld.idx.msk [tilespmem:v16+s13+$0x0], $0xffff;
	v16 =	vadd.s32 $0x1E, v1  }
0x16c: {  	s3 =	sadd.s32 $0x17F80, s26;
	v19 =	vadd.s32 $0xB, v26;
	[tilespmem:s23+$0x0] =	vst v10;
	v10 =	vld.idx.msk [tilespmem:v17+s13+$0x0], $0xffff;
	v9 =	vadd.f32 v14, v9  }
0x16d: {  	s24 =	sor.u32 s25, s3;
	v14 =	vld.idx.msk [tilespmem:v21+s13+$0x0], $0xffff;
	v17 =	vadd.s32 $0x1E, v0  }
0x16e: {  	v21 =	vadd.s32 $0x18, v4;
	v18 =	vadd.f32 v18, v20;
	v5 =	vld.idx.msk [tilespmem:v5+s13+$0x0], $0xffff;
	[tilespmem:s24+$0x0] =	vst v9  }
0x16f: {  	v9 =	vld.idx.msk [tilespmem:v11+s13+$0x0], $0xffff;
	v11 =	vadd.f32 v13, v12;
	v12 =	vadd.s32 $0xE, v8  }
0x170: {  	v13 =	vadd.f32 v15, v18;
	v15 =	vld.idx.msk [tilespmem:v16+s13+$0x0], $0xffff;
	v16 =	vadd.s32 $0xE, v25  }
0x171: {  	s9 =	sor.u32 s28, s9;
	s11 =	sadd.s32 $0x10F80, s0;
	v19 =	vld.idx.msk [tilespmem:v19+s13+$0x0], $0xffff;
	v18 =	vadd.s32 $0x18, v3;
	v10 =	vadd.f32 v10, v11  }
0x172: {  	s10 =	sor.u32 s31, s11;
	[tilespmem:s9+$0x0] =	vst v13;
	v11 =	vld.idx.msk [tilespmem:v17+s13+$0x0], $0xffff;
	v13 =	vadd.s32 $0xE, v23  }
0x173: {  	v17 =	vadd.s32 $0x18, v6;
	v20 =	vld.idx.msk [tilespmem:v21+s13+$0x0], $0xffff;
	[tilespmem:s10+$0x0] =	vst v10  }
0x174: {  	v10 =	vadd.s32 $0xC, v27;
	v5 =	vadd.f32 v5, v14;
	v12 =	vld.idx.msk [tilespmem:v12+s13+$0x0], $0xffff  }
0x175: {  	v2 =	vadd.s32 $0x1F, v2;
	v14 =	vld.idx.msk [tilespmem:v16+s13+$0x0], $0xffff;
	v9 =	vadd.f32 v15, v9  }
0x176: {  	v15 =	vadd.s32 $0xC, v7;
	v16 =	vld.idx.msk [tilespmem:v18+s13+$0x0], $0xffff;
	v5 =	vadd.f32 v19, v5  }
0x177: {  	s2 =	sor.u32 s1, s18;
	s15 =	sor.u32 $0x18000, s26;
	v1 =	vadd.s32 $0x1F, v1;
	v13 =	vld.idx.msk [tilespmem:v13+s13+$0x0], $0xffff;
	v9 =	vadd.f32 v11, v9  }
0x178: {  	s14 =	sor.u32 s25, s15;
	v11 =	vadd.s32 $0xC, v26;
	v17 =	vld.idx.msk [tilespmem:v17+s13+$0x0], $0xffff;
	[tilespmem:s2+$0x0] =	vst v5  }
0x179: {  	v0 =	vadd.s32 $0x1F, v0;
	v5 =	vld.idx.msk [tilespmem:v10+s13+$0x0], $0xffff;
	[tilespmem:s14+$0x0] =	vst v9  }
0x17a: {  	v9 =	vadd.s32 $0xF, v8;
	v10 =	vld.idx.msk [tilespmem:v2+s13+$0x0], $0xffff;
	v2 =	vadd.f32 v14, v12  }
0x17b: {  	v14 =	vadd.s32 $0xF, v25;
	v15 =	vld.idx.msk [tilespmem:v15+s13+$0x0], $0xffff  }
0x17c: {  	s10 =	sadd.s32 $0x11000, s0;
	v18 =	vadd.s32 $0x19, v4;
	v16 =	vadd.f32 v16, v20;
	v12 =	vld.idx.msk [tilespmem:v1+s13+$0x0], $0xffff;
	v1 =	vadd.f32 v13, v2  }
0x17d: {  	s16 =	sor.u32 s31, s10;
	v2 =	vadd.s32 $0xF, v23;
	v13 =	vld.idx.msk [tilespmem:v11+s13+$0x0], $0xffff  }
0x17e: {  	v19 =	vadd.s32 $0x19, v3;
	v16 =	vadd.f32 v17, v16;
	v11 =	vld.idx.msk [tilespmem:v0+s13+$0x0], $0xffff;
	[tilespmem:s16+$0x0] =	vst v1  }
0x17f: {  	s17 =	sor.u32 s28, s8;
	v0 =	vadd.s32 $0x19, v6;
	v1 =	vld.idx.msk [tilespmem:v9+s13+$0x0], $0xffff  }
0x180: {  	[tilespmem:s17+$0x0] =	vst v16;
	v9 =	vadd.s32 $0xD, v27;
	v14 =	vld.idx.msk [tilespmem:v14+s13+$0x0], $0xffff;
	v5 =	vadd.f32 v15, v5  }
0x181: {  	v15 =	vadd.s32 $0xD, v7;
	v16 =	vld.idx.msk [tilespmem:v18+s13+$0x0], $0xffff  }
0x182: {  	v2 =	vld.idx.msk [tilespmem:v2+s13+$0x0], $0xffff;
	v5 =	vadd.f32 v13, v5  }
0x183: {  	s18 =	sor.u32 s1, s12;
	v13 =	vld.idx.msk [tilespmem:v19+s13+$0x0], $0xffff  }
0x184: {  	v17 =	vld.idx.msk [tilespmem:v0+s13+$0x0], $0xffff;
	[tilespmem:s18+$0x0] =	vst v5  }
0x185: {  	v5 =	vadd.s32 $0x10, v8;
	v0 =	vadd.f32 v14, v1;
	v14 =	vld.idx.msk [tilespmem:v9+s13+$0x0], $0xffff  }
0x186: {  	s19 =	simm.s32 $0x40;
	s23 =	simm.s32 $0x40;
	v9 =	vadd.s32 $0x10, v25;
	v15 =	vld.idx.msk [tilespmem:v15+s13+$0x0], $0xffff  }
0x187: {  	s8 =	sadd.s32 $0x11080, s0;
	s21 =	sand.u32 $0x7E0, s19;
	v1 =	vld [tilespmem:s23+$0x0];
	v18 =	vadd.f32 v2, v0  }
0x188: {  	s22 =	sor.u32 s31, s8;
	v19 =	vadd.s32 $0x10, v23;
	v0 =	vld [tilespmem:s21+$0xE00]  }
0x189: {  	v2 =	vld [tilespmem:s21+$0x700];
	[tilespmem:s22+$0x0] =	vst v18  }
0x18a: {  	v18 =	vld.idx.msk [tilespmem:v5+s13+$0x0], $0xffff  }
0x18b: {  	v20 =	vld.idx.msk [tilespmem:v9+s13+$0x0], $0xffff  }
0x18c: {  	v9 =	vld [tilespmem:s23+$0x10]  }
0x18d: {  	v21 =	vadd.s32 $0xD, v26;
	v22 =	vld.idx.msk [tilespmem:v19+s13+$0x0], $0xffff  }
0x18e: {  	v5 =	vld [tilespmem:s23+$0x710]  }
0x18f: {  	v19 =	vld [tilespmem:s23+$0xE10]  }
0x190: {  	v24 =	vld.idx.msk [tilespmem:v1+s13+$0x0], $0xffff;
	v18 =	vadd.f32 v20, v18;
	v20 =	vadd.s32 $0x11, v8  }
0x191: {  	v29 =	vadd.s32 $0x11, v25;
	v28 =	vld.idx.msk [tilespmem:v2+s13+$0x0], $0xffff  }
0x192: {  	s9 =	sadd.s32 $0x14500, s0;
	v21 =	vld.idx.msk [tilespmem:v21+s13+$0x0], $0xffff;
	v18 =	vadd.f32 v22, v18  }
0x193: {  	v30 =	vadd.s32 $0x11, v23;
	s24 =	sor.u32 s31, s9;
	v22 =	vld.idx.msk [tilespmem:v0+s13+$0x0], $0xffff  }
0x194: {  	v13 =	vadd.f32 v13, v16;
	v16 =	vld.idx.msk [tilespmem:v9+s13+$0x0], $0xffff;
	[tilespmem:s24+$0x0] =	vst v18  }
0x195: {  	v31 =	vadd.s32 $0x1A, v4;
	v18 =	vld.idx.msk [tilespmem:v20+s13+$0x0], $0xffff  }
0x196: {  	v13 =	vadd.f32 v17, v13;
	s24 =	simm.s32 $0x200;
	v17 =	vadd.f32 v28, v24;
	v20 =	vadd.s32 $0x1, v1;
	v24 =	vld.idx.msk [tilespmem:v29+s13+$0x0], $0xffff  }
0x197: {  	s4 =	sor.u32 s28, s4;
	s20 =	sand.u32 $0x3C00, s24;
	v28 =	vadd.s32 $0x1, v2;
	v29 =	vld.idx.msk [tilespmem:v5+s13+$0x0], $0xffff  }
0x198: {  	v32 =	vadd.s32 $0x1A, v3;
	s21 =	sand.u32 $0x60, s19;
	[tilespmem:s4+$0x0] =	vst v13;
	s14 =	sadd.s32 $0xD500, s20;
	v13 =	vadd.f32 v22, v17;
	v17 =	vld.idx.msk [tilespmem:v30+s13+$0x0], $0xffff  }
0x199: {  	v33 =	vld.idx.msk [tilespmem:v19+s13+$0x0], $0xffff;
	s17 =	sor.u32 s21, s14;
	v30 =	vadd.s32 $0x1, v0  }
0x19a: {  	v22 =	vld.idx.msk [tilespmem:v31+s13+$0x0], $0xffff;
	v31 =	vadd.s32 $0x1A, v6;
	[tilespmem:s17+$0x0] =	vst v13  }
0x19b: {  	v13 =	vld.idx.msk [tilespmem:v20+s13+$0x0], $0xffff;
	v18 =	vadd.f32 v24, v18;
	v20 =	vadd.s32 $0x12, v8  }
0x19c: {  	v24 =	vld.idx.msk [tilespmem:v28+s13+$0x0], $0xffff;
	v28 =	vadd.s32 $0x12, v25  }
0x19d: {  	s4 =	sadd.s32 $0x14580, s0;
	v32 =	vld.idx.msk [tilespmem:v32+s13+$0x0], $0xffff;
	v34 =	vadd.s32 $0x1, v9;
	v16 =	vadd.f32 v29, v16;
	v17 =	vadd.f32 v17, v18  }
0x19e: {  	s18 =	simm.s32 $0x50;
	s16 =	sor.u32 s31, s4;
	v29 =	vadd.s32 $0x12, v23;
	v18 =	vld.idx.msk [tilespmem:v30+s13+$0x0], $0xffff  }
0x19f: {  	s22 =	sand.u32 $0x70, s18;
	v30 =	vadd.s32 $0x1, v5;
	v31 =	vld.idx.msk [tilespmem:v31+s13+$0x0], $0xffff;
	v16 =	vadd.f32 v33, v16;
	[tilespmem:s16+$0x0] =	vst v17  }
0x1a0: {  	s12 =	sor.u32 s22, s14;
	v17 =	vadd.s32 $0x1, v19;
	v20 =	vld.idx.msk [tilespmem:v20+s13+$0x0], $0xffff  }
0x1a1: {  	[tilespmem:s12+$0x0] =	vst v16;
	v16 =	vadd.s32 $0x2, v1;
	v13 =	vadd.f32 v24, v13;
	v24 =	vld.idx.msk [tilespmem:v28+s13+$0x0], $0xffff  }
0x1a2: {  	v28 =	vadd.s32 $0x2, v2;
	v54 =	vld.idx.msk [tilespmem:v34+s13+$0x0], $0xffff  }
0x1a3: {  	v55 =	vadd.s32 $0xE, v27;
	v14 =	vadd.f32 v15, v14;
	v15 =	vld.idx.msk [tilespmem:v29+s13+$0x0], $0xffff;
	v13 =	vadd.f32 v18, v13  }
0x1a4: {  	v18 =	vadd.s32 $0x2, v0;
	v29 =	vld.idx.msk [tilespmem:v30+s13+$0x0], $0xffff  }
0x1a5: {  	v14 =	vadd.f32 v21, v14;
	v30 =	vadd.s32 $0xE, v7;
	[tilespmem:s17+$0x80] =	vst v13;
	v13 =	vld.idx.msk [tilespmem:v17+s13+$0x0], $0xffff  }
0x1a6: {  	s19 =	sor.u32 s1, s11;
	v17 =	vadd.s32 $0xE, v26;
	v16 =	vld.idx.msk [tilespmem:v16+s13+$0x0], $0xffff  }
0x1a7: {  	v21 =	vadd.s32 $0x13, v8;
	[tilespmem:s19+$0x0] =	vst v14;
	v14 =	vld.idx.msk [tilespmem:v28+s13+$0x0], $0xffff;
	v20 =	vadd.f32 v24, v20  }
0x1a8: {  	v24 =	vadd.s32 $0x13, v25;
	v28 =	vld.idx.msk [tilespmem:v55+s13+$0x0], $0xffff  }
0x1a9: {  	s16 =	sadd.s32 $0x14600, s0;
	v18 =	vld.idx.msk [tilespmem:v18+s13+$0x0], $0xffff;
	v15 =	vadd.f32 v15, v20;
	v20 =	vadd.s32 $0x13, v23  }
0x1aa: {  	v56 =	vadd.s32 $0x2, v9;
	s11 =	sor.u32 s31, s16;
	v29 =	vadd.f32 v29, v54;
	v30 =	vld.idx.msk [tilespmem:v30+s13+$0x0], $0xffff  }
0x1ab: {  	v57 =	vadd.s32 $0x2, v5;
	[tilespmem:s11+$0x0] =	vst v15;
	v15 =	vld.idx.msk [tilespmem:v17+s13+$0x0], $0xffff  }
0x1ac: {  	v13 =	vadd.f32 v13, v29;
	v29 =	vadd.s32 $0x2, v19;
	v17 =	vld.idx.msk [tilespmem:v21+s13+$0x0], $0xffff;
	v14 =	vadd.f32 v14, v16  }
0x1ad: {  	v16 =	vadd.s32 $0x3, v1;
	v21 =	vld.idx.msk [tilespmem:v24+s13+$0x0], $0xffff  }
0x1ae: {  	v24 =	vadd.s32 $0x3, v2;
	[tilespmem:s12+$0x80] =	vst v13;
	v13 =	vadd.f32 v18, v14;
	v14 =	vld.idx.msk [tilespmem:v20+s13+$0x0], $0xffff  }
0x1af: {  	v18 =	vadd.s32 $0x3, v0;
	v20 =	vld.idx.msk [tilespmem:v56+s13+$0x0], $0xffff;
	v28 =	vadd.f32 v30, v28  }
0x1b0: {  	v58 =	vadd.s32 $0xF, v27;
	[tilespmem:s17+$0x100] =	vst v13;
	v13 =	vld.idx.msk [tilespmem:v57+s13+$0x0], $0xffff  }
0x1b1: {  	v30 =	vadd.s32 $0xF, v7;
	v15 =	vadd.f32 v15, v28;
	v28 =	vld.idx.msk [tilespmem:v29+s13+$0x0], $0xffff  }
0x1b2: {  	v16 =	vld.idx.msk [tilespmem:v16+s13+$0x0], $0xffff;
	v17 =	vadd.f32 v21, v17;
	v21 =	vadd.s32 $0x14, v8  }
0x1b3: {  	s14 =	sor.u32 s1, s10;
	v29 =	vadd.s32 $0x14, v25;
	v24 =	vld.idx.msk [tilespmem:v24+s13+$0x0], $0xffff  }
0x1b4: {  	v59 =	vadd.s32 $0xF, v26;
	s11 =	sadd.s32 $0x14680, s0;
	[tilespmem:s14+$0x0] =	vst v15;
	v15 =	vld.idx.msk [tilespmem:v18+s13+$0x0], $0xffff;
	v14 =	vadd.f32 v14, v17  }
0x1b5: {  	s18 =	sor.u32 s31, s11;
	v17 =	vadd.s32 $0x14, v23;
	v18 =	vld.idx.msk [tilespmem:v58+s13+$0x0], $0xffff  }
0x1b6: {  	v60 =	vadd.s32 $0x1B, v4;
	v22 =	vadd.f32 v32, v22;
	[tilespmem:s18+$0x0] =	vst v14;
	v14 =	vld.idx.msk [tilespmem:v30+s13+$0x0], $0xffff  }
0x1b7: {  	v30 =	vadd.s32 $0x3, v9;
	v13 =	vadd.f32 v13, v20;
	v20 =	vld.idx.msk [tilespmem:v21+s13+$0x0], $0xffff  }
0x1b8: {  	v22 =	vadd.f32 v31, v22;
	v16 =	vadd.f32 v24, v16;
	v21 =	vadd.s32 $0x4, v1;
	v24 =	vld.idx.msk [tilespmem:v29+s13+$0x0], $0xffff  }
0x1b9: {  	s19 =	sor.u32 s28, s7;
	v29 =	vadd.s32 $0x4, v2;
	v13 =	vadd.f32 v28, v13;
	v28 =	vld.idx.msk [tilespmem:v59+s13+$0x0], $0xffff  }
0x1ba: {  	v31 =	vadd.s32 $0x3, v5;
	[tilespmem:s19+$0x0] =	vst v22;
	v15 =	vadd.f32 v15, v16;
	v16 =	vld.idx.msk [tilespmem:v17+s13+$0x0], $0xffff  }
0x1bb: {  	v17 =	vadd.s32 $0x4, v0;
	[tilespmem:s12+$0x100] =	vst v13;
	v13 =	vld.idx.msk [tilespmem:v60+s13+$0x0], $0xffff  }
0x1bc: {  	v22 =	vadd.s32 $0x3, v19;
	[tilespmem:s17+$0x180] =	vst v15;
	v15 =	vld.idx.msk [tilespmem:v30+s13+$0x0], $0xffff  }
0x1bd: {  	v30 =	vadd.s32 $0x10, v27;
	v14 =	vadd.f32 v14, v18;
	v18 =	vld.idx.msk [tilespmem:v21+s13+$0x0], $0xffff  }
0x1be: {  	v21 =	vld.idx.msk [tilespmem:v29+s13+$0x0], $0xffff;
	v20 =	vadd.f32 v24, v20;
	v24 =	vadd.s32 $0x15, v8  }
0x1bf: {  	v29 =	vld.idx.msk [tilespmem:v31+s13+$0x0], $0xffff;
	v31 =	vadd.s32 $0x15, v25;
	v14 =	vadd.f32 v28, v14  }
0x1c0: {  	s7 =	sor.u32 s1, s8;
	s8 =	sadd.s32 $0x14700, s0;
	v28 =	vadd.s32 $0x10, v7;
	v17 =	vld.idx.msk [tilespmem:v17+s13+$0x0], $0xffff;
	v16 =	vadd.f32 v16, v20  }
0x1c1: {  	s10 =	sor.u32 s31, s8;
	v20 =	vld.idx.msk [tilespmem:v22+s13+$0x0], $0xffff;
	v22 =	vadd.s32 $0x15, v23;
	[tilespmem:s7+$0x0] =	vst v14  }
0x1c2: {  	v14 =	vadd.s32 $0x10, v26;
	[tilespmem:s10+$0x0] =	vst v16;
	v16 =	vld.idx.msk [tilespmem:v30+s13+$0x0], $0xffff  }
0x1c3: {  	v30 =	vadd.s32 $0x1B, v3;
	v24 =	vld.idx.msk [tilespmem:v24+s13+$0x0], $0xffff  }
0x1c4: {  	v18 =	vadd.f32 v21, v18;
	v21 =	vadd.s32 $0x5, v1;
	v31 =	vld.idx.msk [tilespmem:v31+s13+$0x0], $0xffff  }
0x1c5: {  	v61 =	vadd.s32 $0x5, v2;
	v28 =	vld.idx.msk [tilespmem:v28+s13+$0x0], $0xffff  }
0x1c6: {  	v62 =	vadd.s32 $0x4, v9;
	v15 =	vadd.f32 v29, v15;
	v17 =	vadd.f32 v17, v18;
	v18 =	vld.idx.msk [tilespmem:v22+s13+$0x0], $0xffff  }
0x1c7: {  	v22 =	vadd.s32 $0x5, v0;
	v14 =	vld.idx.msk [tilespmem:v14+s13+$0x0], $0xffff  }
0x1c8: {  	v29 =	vadd.s32 $0x4, v5;
	v15 =	vadd.f32 v20, v15;
	[tilespmem:s17+$0x200] =	vst v17;
	v17 =	vld.idx.msk [tilespmem:v30+s13+$0x0], $0xffff  }
0x1c9: {  	v20 =	vadd.s32 $0x4, v19;
	v21 =	vld.idx.msk [tilespmem:v21+s13+$0x0], $0xffff  }
0x1ca: {  	[tilespmem:s12+$0x180] =	vst v15;
	v30 =	vadd.s32 $0x16, v8;
	v15 =	vld.idx.msk [tilespmem:v61+s13+$0x0], $0xffff;
	v24 =	vadd.f32 v31, v24  }
0x1cb: {  	v63 =	vadd.s32 $0x16, v25;
	v31 =	vld.idx.msk [tilespmem:v62+s13+$0x0], $0xffff  }
0x1cc: {  	v36 =	vadd.s32 $0x11, v27;
	s10 =	sadd.s32 $0x14780, s0;
	v16 =	vadd.f32 v28, v16;
	v22 =	vld.idx.msk [tilespmem:v22+s13+$0x0], $0xffff;
	v18 =	vadd.f32 v18, v24  }
0x1cd: {  	s14 =	sor.u32 s31, s10;
	v28 =	vadd.s32 $0x16, v23;
	v24 =	vld.idx.msk [tilespmem:v29+s13+$0x0], $0xffff  }
0x1ce: {  	v29 =	vadd.s32 $0x11, v7;
	v14 =	vadd.f32 v14, v16;
	v16 =	vld.idx.msk [tilespmem:v20+s13+$0x0], $0xffff;
	[tilespmem:s14+$0x0] =	vst v18  }
0x1cf: {  	v38 =	vadd.s32 $0x1B, v6;
	s18 =	sor.u32 s1, s9;
	v20 =	vld.idx.msk [tilespmem:v30+s13+$0x0], $0xffff  }
0x1d0: {  	v18 =	vadd.s32 $0x11, v26;
	[tilespmem:s18+$0x0] =	vst v14;
	v14 =	vadd.f32 v15, v21;
	v21 =	vld.idx.msk [tilespmem:v63+s13+$0x0], $0xffff  }
0x1d1: {  	v15 =	vadd.s32 $0x6, v1;
	v37 =	vld.idx.msk [tilespmem:v36+s13+$0x0], $0xffff  }
0x1d2: {  	v30 =	vadd.s32 $0x6, v2;
	v14 =	vadd.f32 v22, v14;
	v22 =	vld.idx.msk [tilespmem:v28+s13+$0x0], $0xffff  }
0x1d3: {  	v28 =	vadd.s32 $0x6, v0;
	v29 =	vld.idx.msk [tilespmem:v29+s13+$0x0], $0xffff  }
0x1d4: {  	v39 =	vadd.s32 $0x5, v9;
	v24 =	vadd.f32 v24, v31;
	v31 =	vld.idx.msk [tilespmem:v38+s13+$0x0], $0xffff  }
0x1d5: {  	v40 =	vadd.s32 $0x5, v19;
	[tilespmem:s17+$0x280] =	vst v14;
	v14 =	vld.idx.msk [tilespmem:v18+s13+$0x0], $0xffff  }
0x1d6: {  	v18 =	vadd.s32 $0x5, v5;
	v16 =	vadd.f32 v16, v24;
	v15 =	vld.idx.msk [tilespmem:v15+s13+$0x0], $0xffff  }
0x1d7: {  	v24 =	vld.idx.msk [tilespmem:v30+s13+$0x0], $0xffff;
	v20 =	vadd.f32 v21, v20;
	v21 =	vadd.s32 $0x17, v8  }
0x1d8: {  	v30 =	vadd.s32 $0x17, v25;
	[tilespmem:s12+$0x200] =	vst v16;
	v16 =	vld.idx.msk [tilespmem:v28+s13+$0x0], $0xffff  }
0x1d9: {  	v49 =	vadd.s32 $0x1C, v6;
	s9 =	sadd.s32 $0x14800, s0;
	v13 =	vadd.f32 v17, v13;
	v20 =	vadd.f32 v22, v20;
	v22 =	vld.idx.msk [tilespmem:v39+s13+$0x0], $0xffff  }
0x1da: {  	s19 =	sor.u32 s31, s9;
	v28 =	vadd.s32 $0x17, v23;
	v42 =	vld.idx.msk [tilespmem:v40+s13+$0x0], $0xffff  }
0x1db: {  	v41 =	vadd.s32 $0x12, v27;
	v29 =	vadd.f32 v29, v37;
	v13 =	vadd.f32 v31, v13;
	v18 =	vld.idx.msk [tilespmem:v18+s13+$0x0], $0xffff;
	[tilespmem:s19+$0x0] =	vst v20  }
0x1dc: {  	s29 =	simm.s32 $0x2;
	s17 =	sor.u32 s28, s6;
	v20 =	vadd.s32 $0x12, v7;
	v21 =	vld.idx.msk [tilespmem:v21+s13+$0x0], $0xffff  }
0x1dd: {  	s7 =	sand.u32 $0x3, s29;
	v14 =	vadd.f32 v14, v29;
	[tilespmem:s17+$0x0] =	vst v13;
	v15 =	vadd.f32 v24, v15;
	v24 =	vadd.s32 $0x7, v1;
	v29 =	vld.idx.msk [tilespmem:v30+s13+$0x0], $0xffff  }
0x1de: {  	s4 =	sor.u32 s1, s4;
	s2 =	sshll.u32 s7, $0x5;
	v30 =	vadd.s32 $0x7, v2;
	v51 =	vld.idx.msk [tilespmem:v49+s13+$0x0], $0xffff  }
0x1df: {  	v43 =	vadd.s32 $0x12, v26;
	s2 =	sadd.s32 $0x200, s2;
	[tilespmem:s4+$0x0] =	vst v14;
	v14 =	vadd.f32 v16, v15;
	v15 =	vld.idx.msk [tilespmem:v28+s13+$0x0], $0xffff  }
0x1e0: {  	s14 =	sor.u32 $0x300, s2;
	v16 =	vadd.s32 $0x7, v0;
	v28 =	vld.idx.msk [tilespmem:v41+s13+$0x0], $0xffff  }
0x1e1: {  	v44 =	vadd.s32 $0x1C, v4;
	[tilespmem:s14+$0xD500] =	vst v14;
	v14 =	vld.idx.msk [tilespmem:v20+s13+$0x0], $0xffff  }
0x1e2: {  	v17 =	vadd.s32 $0x6, v9;
	v18 =	vadd.f32 v18, v22;
	v20 =	vld.idx.msk [tilespmem:v24+s13+$0x0], $0xffff  }
0x1e3: {  	v31 =	vadd.s32 $0x6, v5;
	v22 =	vld.idx.msk [tilespmem:v30+s13+$0x0], $0xffff  }
0x1e4: {  	v21 =	vadd.f32 v29, v21;
	v24 =	vadd.s32 $0x18, v8;
	v30 =	vld.idx.msk [tilespmem:v43+s13+$0x0], $0xffff;
	v18 =	vadd.f32 v42, v18  }
0x1e5: {  	v29 =	vadd.s32 $0x18, v25;
	v13 =	vld.idx.msk [tilespmem:v16+s13+$0x0], $0xffff  }
0x1e6: {  	s4 =	sadd.s32 $0x14880, s0;
	v15 =	vadd.f32 v15, v21;
	v16 =	vadd.s32 $0x18, v23;
	[tilespmem:s12+$0x280] =	vst v18;
	v18 =	vld.idx.msk [tilespmem:v44+s13+$0x0], $0xffff  }
0x1e7: {  	s18 =	sor.u32 s31, s4;
	v21 =	vadd.s32 $0x6, v19;
	v17 =	vld.idx.msk [tilespmem:v17+s13+$0x0], $0xffff  }
0x1e8: {  	[tilespmem:s18+$0x0] =	vst v15;
	v15 =	vadd.s32 $0x13, v27;
	v14 =	vadd.f32 v14, v28;
	v31 =	vld.idx.msk [tilespmem:v31+s13+$0x0], $0xffff  }
0x1e9: {  	v24 =	vld.idx.msk [tilespmem:v24+s13+$0x0], $0xffff;
	v20 =	vadd.f32 v22, v20;
	v22 =	vadd.s32 $0x8, v1  }
0x1ea: {  	v28 =	vld.idx.msk [tilespmem:v29+s13+$0x0], $0xffff;
	v29 =	vadd.s32 $0x8, v2;
	v14 =	vadd.f32 v30, v14  }
0x1eb: {  	s19 =	sor.u32 s1, s16;
	v30 =	vadd.s32 $0x13, v7;
	v13 =	vadd.f32 v13, v20;
	v16 =	vld.idx.msk [tilespmem:v16+s13+$0x0], $0xffff  }
0x1ec: {  	s2 =	sor.u32 $0x380, s2;
	v20 =	vadd.s32 $0x8, v0;
	v21 =	vld.idx.msk [tilespmem:v21+s13+$0x0], $0xffff;
	[tilespmem:s19+$0x0] =	vst v14  }
0x1ed: {  	v14 =	vadd.s32 $0x13, v26;
	[tilespmem:s2+$0xD500] =	vst v13;
	v13 =	vld.idx.msk [tilespmem:v15+s13+$0x0], $0xffff  }
0x1ee: {  	v15 =	vadd.s32 $0x1C, v3;
	v22 =	vld.idx.msk [tilespmem:v22+s13+$0x0], $0xffff  }
0x1ef: {  	v29 =	vld.idx.msk [tilespmem:v29+s13+$0x0], $0xffff;
	v24 =	vadd.f32 v28, v24;
	v28 =	vadd.s32 $0x19, v8  }
0x1f0: {  	s30 =	simm.s32 $0x4;
	v45 =	vadd.s32 $0x19, v25;
	v30 =	vld.idx.msk [tilespmem:v30+s13+$0x0], $0xffff  }
0x1f1: {  	v46 =	vadd.s32 $0x7, v9;
	s7 =	sand.u32 $0x7, s30;
	s6 =	sadd.s32 $0x17D00, s0;
	v17 =	vadd.f32 v31, v17;
	v20 =	vld.idx.msk [tilespmem:v20+s13+$0x0], $0xffff;
	v16 =	vadd.f32 v16, v24  }
0x1f2: {  	s12 =	sor.u32 s31, s6;
	s2 =	sshll.u32 s7, $0x4;
	v31 =	vadd.s32 $0x7, v5;
	v14 =	vld.idx.msk [tilespmem:v14+s13+$0x0], $0xffff  }
0x1f3: {  	s2 =	sadd.s32 $0x210, s2;
	v24 =	vadd.s32 $0x19, v23;
	v17 =	vadd.f32 v21, v17;
	[tilespmem:s12+$0x0] =	vst v16;
	v15 =	vld.idx.msk [tilespmem:v15+s13+$0x0], $0xffff  }
0x1f4: {  	s14 =	sor.u32 $0x300, s2;
	v16 =	vadd.s32 $0x7, v19;
	v21 =	vld.idx.msk [tilespmem:v28+s13+$0x0], $0xffff  }
0x1f5: {  	[tilespmem:s14+$0xD500] =	vst v17;
	v17 =	vadd.f32 v29, v22;
	v22 =	vadd.s32 $0x9, v1;
	v28 =	vld.idx.msk [tilespmem:v45+s13+$0x0], $0xffff  }
0x1f6: {  	v29 =	vadd.s32 $0x9, v2;
	v47 =	vld.idx.msk [tilespmem:v46+s13+$0x0], $0xffff  }
0x1f7: {  	v48 =	vadd.s32 $0x14, v27;
	s12 =	sadd.s32 $0x10D00, s20;
	v13 =	vadd.f32 v30, v13;
	v30 =	vld.idx.msk [tilespmem:v31+s13+$0x0], $0xffff;
	v17 =	vadd.f32 v20, v17  }
0x1f8: {  	s16 =	sor.u32 s21, s12;
	v20 =	vld.idx.msk [tilespmem:v24+s13+$0x0], $0xffff;
	v24 =	vadd.s32 $0x9, v0  }
0x1f9: {  	v31 =	vadd.s32 $0x14, v7;
	v13 =	vadd.f32 v14, v13;
	[tilespmem:s16+$0x0] =	vst v17;
	v14 =	vld.idx.msk [tilespmem:v16+s13+$0x0], $0xffff  }
0x1fa: {  	s17 =	sor.u32 s1, s11;
	v16 =	vadd.s32 $0x14, v26;
	v17 =	vld.idx.msk [tilespmem:v22+s13+$0x0], $0xffff  }
0x1fb: {  	[tilespmem:s17+$0x0] =	vst v13;
	v13 =	vld.idx.msk [tilespmem:v29+s13+$0x0], $0xffff;
	v21 =	vadd.f32 v28, v21;
	v22 =	vadd.s32 $0x1A, v8  }
0x1fc: {  	v28 =	vadd.s32 $0x1A, v25;
	v29 =	vld.idx.msk [tilespmem:v48+s13+$0x0], $0xffff  }
0x1fd: {  	s7 =	sadd.s32 $0x17D80, s0;
	v24 =	vld.idx.msk [tilespmem:v24+s13+$0x0], $0xffff;
	v20 =	vadd.f32 v20, v21;
	v21 =	vadd.s32 $0x1A, v23  }
0x1fe: {  	v50 =	vadd.s32 $0x8, v9;
	s18 =	sor.u32 s31, s7;
	v31 =	vld.idx.msk [tilespmem:v31+s13+$0x0], $0xffff;
	v30 =	vadd.f32 v30, v47  }
0x1ff: {  	[tilespmem:s18+$0x0] =	vst v20;
	v16 =	vld.idx.msk [tilespmem:v16+s13+$0x0], $0xffff;
	v20 =	vadd.s32 $0x8, v5  }
0x200: {  	v14 =	vadd.f32 v14, v30;
	v22 =	vld.idx.msk [tilespmem:v22+s13+$0x0], $0xffff;
	v13 =	vadd.f32 v13, v17;
	v17 =	vadd.s32 $0xA, v1  }
0x201: {  	s2 =	sor.u32 $0x380, s2;
	v30 =	vadd.s32 $0xA, v2;
	v28 =	vld.idx.msk [tilespmem:v28+s13+$0x0], $0xffff  }
0x202: {  	v52 =	vadd.s32 $0x8, v19;
	[tilespmem:s2+$0xD500] =	vst v14;
	s2 =	sadd.s32 $0x10D80, s20;
	v13 =	vadd.f32 v24, v13;
	v14 =	vld.idx.msk [tilespmem:v21+s13+$0x0], $0xffff  }
0x203: {  	s19 =	sor.u32 s21, s2;
	v21 =	vadd.s32 $0xA, v0;
	v24 =	vld.idx.msk [tilespmem:v50+s13+$0x0], $0xffff  }
0x204: {  	v53 =	vadd.s32 $0x15, v27;
	v29 =	vadd.f32 v31, v29;
	[tilespmem:s19+$0x0] =	vst v13;
	v13 =	vld.idx.msk [tilespmem:v20+s13+$0x0], $0xffff  }
0x205: {  	v20 =	vadd.s32 $0x15, v7;
	v17 =	vld.idx.msk [tilespmem:v17+s13+$0x0], $0xffff  }
0x206: {  	v16 =	vadd.f32 v16, v29;
	v29 =	vld.idx.msk [tilespmem:v30+s13+$0x0], $0xffff;
	v22 =	vadd.f32 v28, v22;
	v28 =	vadd.s32 $0x1B, v8  }
0x207: {  	s8 =	sor.u32 s1, s8;
	v31 =	vadd.s32 $0x1B, v25;
	v30 =	vld.idx.msk [tilespmem:v52+s13+$0x0], $0xffff  }
0x208: {  	v54 =	vadd.s32 $0x15, v26;
	[tilespmem:s8+$0x0] =	vst v16;
	s8 =	sadd.s32 $0x17E00, s0;
	v16 =	vld.idx.msk [tilespmem:v21+s13+$0x0], $0xffff;
	v14 =	vadd.f32 v14, v22  }
0x209: {  	s14 =	sor.u32 s31, s8;
	v21 =	vadd.s32 $0x1B, v23;
	v22 =	vld.idx.msk [tilespmem:v53+s13+$0x0], $0xffff  }
0x20a: {  	v55 =	vadd.s32 $0x1D, v4;
	v15 =	vadd.f32 v15, v18;
	[tilespmem:s14+$0x0] =	vst v14;
	v18 =	vld.idx.msk [tilespmem:v20+s13+$0x0], $0xffff  }
0x20b: {  	v20 =	vadd.s32 $0x9, v9;
	v13 =	vadd.f32 v13, v24;
	v24 =	vld.idx.msk [tilespmem:v28+s13+$0x0], $0xffff  }
0x20c: {  	v14 =	vadd.f32 v51, v15;
	v15 =	vadd.f32 v29, v17;
	v17 =	vadd.s32 $0xB, v1;
	v28 =	vld.idx.msk [tilespmem:v31+s13+$0x0], $0xffff  }
0x20d: {  	s5 =	sor.u32 s28, s5;
	v29 =	vadd.s32 $0xB, v2;
	v13 =	vadd.f32 v30, v13;
	v30 =	vld.idx.msk [tilespmem:v54+s13+$0x0], $0xffff  }
0x20e: {  	s11 =	sadd.s32 $0x10E00, s20;
	s12 =	sor.u32 s22, s12;
	v31 =	vadd.s32 $0x9, v5;
	[tilespmem:s5+$0x0] =	vst v14;
	v15 =	vadd.f32 v16, v15;
	v16 =	vld.idx.msk [tilespmem:v21+s13+$0x0], $0xffff  }
0x20f: {  	s16 =	sor.u32 s21, s11;
	v21 =	vadd.s32 $0xB, v0;
	v14 =	vld.idx.msk [tilespmem:v55+s13+$0x0], $0xffff;
	[tilespmem:s12+$0x0] =	vst v13  }
0x210: {  	v13 =	vadd.s32 $0x9, v19;
	[tilespmem:s16+$0x0] =	vst v15;
	v15 =	vld.idx.msk [tilespmem:v20+s13+$0x0], $0xffff  }
0x211: {  	v20 =	vadd.s32 $0x16, v27;
	v18 =	vadd.f32 v18, v22;
	v17 =	vld.idx.msk [tilespmem:v17+s13+$0x0], $0xffff  }
0x212: {  	v22 =	vld.idx.msk [tilespmem:v29+s13+$0x0], $0xffff;
	v24 =	vadd.f32 v28, v24;
	v28 =	vadd.s32 $0x1C, v8  }
0x213: {  	v29 =	vld.idx.msk [tilespmem:v31+s13+$0x0], $0xffff;
	v31 =	vadd.s32 $0x1C, v25;
	v18 =	vadd.f32 v30, v18  }
0x214: {  	s10 =	sor.u32 s1, s10;
	s5 =	sadd.s32 $0x17E80, s0;
	v30 =	vadd.s32 $0x16, v7;
	v21 =	vld.idx.msk [tilespmem:v21+s13+$0x0], $0xffff;
	v16 =	vadd.f32 v16, v24  }
0x215: {  	s17 =	sor.u32 s31, s5;
	v24 =	vadd.s32 $0x1C, v23;
	v13 =	vld.idx.msk [tilespmem:v13+s13+$0x0], $0xffff;
	[tilespmem:s10+$0x0] =	vst v18  }
0x216: {  	v18 =	vadd.s32 $0x16, v26;
	[tilespmem:s17+$0x0] =	vst v16;
	v20 =	vld.idx.msk [tilespmem:v20+s13+$0x0], $0xffff  }
0x217: {  	v16 =	vadd.s32 $0x1D, v3;
	v28 =	vld.idx.msk [tilespmem:v28+s13+$0x0], $0xffff  }
0x218: {  	v17 =	vadd.f32 v22, v17;
	v22 =	vadd.s32 $0xC, v1;
	v31 =	vld.idx.msk [tilespmem:v31+s13+$0x0], $0xffff  }
0x219: {  	v56 =	vadd.s32 $0xC, v2;
	v30 =	vld.idx.msk [tilespmem:v30+s13+$0x0], $0xffff  }
0x21a: {  	v57 =	vadd.s32 $0xA, v9;
	s12 =	sadd.s32 $0x10E80, s20;
	v15 =	vadd.f32 v29, v15;
	v17 =	vadd.f32 v21, v17;
	v21 =	vld.idx.msk [tilespmem:v24+s13+$0x0], $0xffff  }
0x21b: {  	s18 =	sor.u32 s21, s12;
	v24 =	vadd.s32 $0xC, v0;
	v18 =	vld.idx.msk [tilespmem:v18+s13+$0x0], $0xffff  }
0x21c: {  	v29 =	vadd.s32 $0xA, v5;
	v13 =	vadd.f32 v13, v15;
	[tilespmem:s18+$0x0] =	vst v17;
	v16 =	vld.idx.msk [tilespmem:v16+s13+$0x0], $0xffff  }
0x21d: {  	s2 =	sor.u32 s22, s2;
	v15 =	vadd.s32 $0xA, v19;
	v17 =	vld.idx.msk [tilespmem:v22+s13+$0x0], $0xffff  }
0x21e: {  	[tilespmem:s2+$0x0] =	vst v13;
	v22 =	vld.idx.msk [tilespmem:v56+s13+$0x0], $0xffff;
	v13 =	vadd.f32 v31, v28;
	v28 =	vadd.s32 $0x1D, v8  }
0x21f: {  	v58 =	vadd.s32 $0x1D, v25;
	v31 =	vld.idx.msk [tilespmem:v57+s13+$0x0], $0xffff  }
0x220: {  	v59 =	vadd.s32 $0x17, v27;
	s10 =	sadd.s32 $0x17F00, s0;
	v20 =	vadd.f32 v30, v20;
	v30 =	vld.idx.msk [tilespmem:v24+s13+$0x0], $0xffff;
	v13 =	vadd.f32 v21, v13  }
0x221: {  	s19 =	sor.u32 s31, s10;
	v21 =	vld.idx.msk [tilespmem:v29+s13+$0x0], $0xffff;
	v29 =	vadd.s32 $0x1D, v23  }
0x222: {  	v60 =	vadd.s32 $0x17, v7;
	v18 =	vadd.f32 v18, v20;
	v20 =	vld.idx.msk [tilespmem:v15+s13+$0x0], $0xffff;
	[tilespmem:s19+$0x0] =	vst v13  }
0x223: {  	v35 =	vadd.s32 $0x1D, v6;
	v36 =	vadd.s32 $0x17, v26;
	v43 =	vadd.s32 $0x1F, v3;
	s14 =	sor.u32 s1, s9;
	v28 =	vld.idx.msk [tilespmem:v28+s13+$0x0], $0xffff  }
0x224: {  	v13 =	vadd.s32 $0x1E, v3;
	v3 =	vadd.s32 $0x1F, v6;
	[tilespmem:s14+$0x0] =	vst v18;
	v17 =	vadd.f32 v22, v17;
	v22 =	vld.idx.msk [tilespmem:v58+s13+$0x0], $0xffff  }
0x225: {  	v18 =	vadd.s32 $0xD, v1;
	v33 =	vld.idx.msk [tilespmem:v59+s13+$0x0], $0xffff;
	[tilespmem:$0x1FE00] =	vst v3  }
0x226: {  	v61 =	vadd.s32 $0xD, v2;
	v3 =	vadd.f32 v30, v17;
	v17 =	vld.idx.msk [tilespmem:v29+s13+$0x0], $0xffff  }
0x227: {  	v37 =	vadd.s32 $0xD, v0;
	s9 =	sadd.s32 $0x10F00, s20;
	v34 =	vld.idx.msk [tilespmem:v60+s13+$0x0], $0xffff;
	v21 =	vadd.f32 v21, v31  }
0x228: {  	v39 =	vadd.s32 $0xB, v9;
	s16 =	sor.u32 s21, s9;
	v31 =	vld.idx.msk [tilespmem:v36+s13+$0x0], $0xffff  }
0x229: {  	v62 =	vadd.s32 $0xB, v5;
	v35 =	vld.idx.msk [tilespmem:v35+s13+$0x0], $0xffff;
	[tilespmem:s16+$0x0] =	vst v3;
	v20 =	vadd.f32 v20, v21;
	v22 =	vadd.f32 v22, v28  }
0x22a: {  	v63 =	vadd.s32 $0x1E, v25;
	s17 =	sor.u32 s22, s11;
	v18 =	vld.idx.msk [tilespmem:v18+s13+$0x0], $0xffff  }
0x22b: {  	v40 =	vadd.s32 $0xB, v19;
	v21 =	vld.idx.msk [tilespmem:v61+s13+$0x0], $0xffff;
	[tilespmem:s17+$0x0] =	vst v20;
	v17 =	vadd.f32 v17, v22;
	v22 =	vadd.s32 $0x1B, v27  }
0x22c: {  	v10 =	vadd.f32 v12, v10;
	v38 =	vadd.s32 $0x18, v26;
	s11 =	sadd.s32 $0x17F80, s0;
	v28 =	vadd.s32 $0x1E, v8;
	v20 =	vld.idx.msk [tilespmem:v37+s13+$0x0], $0xffff;
	[tilespmem:$0x1FE10] =	vst v22  }
0x22d: {  	v42 =	vadd.s32 $0x1E, v23;
	v45 =	vadd.s32 $0x1C, v7;
	s18 =	sor.u32 s31, s11;
	v33 =	vadd.f32 v34, v33;
	v22 =	vld.idx.msk [tilespmem:v39+s13+$0x0], $0xffff  }
0x22e: {  	v46 =	vadd.s32 $0x1D, v7;
	v52 =	vadd.s32 $0x1F, v4;
	v29 =	vadd.s32 $0x18, v27;
	v54 =	vld.idx.msk [tilespmem:v62+s13+$0x0], $0xffff;
	[tilespmem:s18+$0x0] =	vst v17  }
0x22f: {  	v51 =	vadd.s32 $0x1B, v26;
	v30 =	vadd.s32 $0x18, v7;
	v57 =	vadd.f32 v31, v33;
	v31 =	vld.idx.msk [tilespmem:v63+s13+$0x0], $0xffff  }
0x230: {  	v55 =	vadd.s32 $0x1A, v7;
	v18 =	vadd.f32 v21, v18;
	v21 =	vadd.s32 $0xE, v1;
	v63 =	vld.idx.msk [tilespmem:v40+s13+$0x0], $0xffff  }
0x231: {  	v56 =	vadd.s32 $0x1B, v7;
	v15 =	vadd.s32 $0x1E, v4;
	s19 =	sor.u32 s1, s4;
	v59 =	vadd.s32 $0xE, v2;
	v17 =	vld.idx.msk [tilespmem:v28+s13+$0x0], $0xffff  }
0x232: {  	v4 =	vadd.s32 $0x19, v7;
	s4 =	sadd.s32 $0x10F80, s20;
	[tilespmem:s19+$0x0] =	vst v57;
	v18 =	vadd.f32 v20, v18;
	v20 =	vld.idx.msk [tilespmem:v42+s13+$0x0], $0xffff;
	v42 =	vadd.s32 $0xE, v0  }
0x233: {  	v58 =	vadd.s32 $0x1A, v26;
	s14 =	sor.u32 s21, s4;
	v3 =	vadd.s32 $0x19, v26;
	v29 =	vld.idx.msk [tilespmem:v29+s13+$0x0], $0xffff;
	v22 =	vadd.f32 v54, v22  }
0x234: {  	v61 =	vadd.s32 $0x1C, v26;
	v37 =	vadd.s32 $0x1F, v7;
	v39 =	vadd.s32 $0x1E, v26;
	v12 =	vld.idx.msk [tilespmem:v30+s13+$0x0], $0xffff;
	[tilespmem:s14+$0x0] =	vst v18  }
0x235: {  	v28 =	vadd.s32 $0x1D, v26;
	v26 =	vadd.s32 $0x1F, v26;
	v21 =	vld.idx.msk [tilespmem:v21+s13+$0x0], $0xffff;
	v22 =	vadd.f32 v63, v22  }
0x236: {  	s16 =	sor.u32 s22, s12;
	v40 =	vadd.s32 $0x1E, v7;
	v18 =	vadd.s32 $0xC, v9;
	v7 =	vld.idx.msk [tilespmem:v59+s13+$0x0], $0xffff;
	v17 =	vadd.f32 v31, v17;
	[tilespmem:$0x1FE20] =	vst v26  }
0x237: {  	v8 =	vadd.s32 $0x1F, v8;
	v31 =	vld.idx.msk [tilespmem:v42+s13+$0x0], $0xffff;
	[tilespmem:s16+$0x0] =	vst v22;
	v22 =	vadd.s32 $0x1F, v23;
	v23 =	vadd.s32 $0xD, v5  }
0x238: {  	s12 =	sor.u32 $0x18000, s0;
	v20 =	vadd.f32 v20, v17;
	v17 =	vadd.f32 v11, v10;
	v11 =	vld.idx.msk [tilespmem:v38+s13+$0x0], $0xffff;
	[tilespmem:$0x1FE30] =	vst v23;
	v23 =	vadd.s32 $0xE, v9  }
0x239: {  	v25 =	vadd.s32 $0x1F, v25;
	s17 =	sor.u32 s31, s12;
	[tilespmem:$0x1FE40] =	vst v23  }
0x23a: {  	[tilespmem:s17+$0x0] =	vst v20;
	v20 =	vadd.s32 $0xE, v5  }
0x23b: {  	v7 =	vadd.f32 v7, v21;
	v21 =	vadd.s32 $0xF, v9;
	v18 =	vld.idx.msk [tilespmem:v18+s13+$0x0], $0xffff;
	[tilespmem:$0x1FE50] =	vst v20  }
0x23c: {  	v26 =	vadd.s32 $0xC, v5;
	v8 =	vld.idx.msk [tilespmem:v8+s13+$0x0], $0xffff;
	[tilespmem:$0x1FE60] =	vst v21;
	v21 =	vadd.s32 $0xF, v5  }
0x23d: {  	[tilespmem:$0x1FE70] =	vst v21  }
0x23e: {  	v21 =	vld.idx.msk [tilespmem:v25+s13+$0x0], $0xffff;
	v25 =	vadd.s32 $0x10, v9  }
0x23f: {  	[tilespmem:$0x1FE80] =	vst v25;
	v25 =	vadd.s32 $0x10, v5  }
0x240: {  	[tilespmem:$0x1FE90] =	vst v25  }
0x241: {  	v25 =	vld.idx.msk [tilespmem:v26+s13+$0x0], $0xffff;
	v26 =	vadd.s32 $0x11, v9  }
0x242: {  	[tilespmem:$0x1FEA0] =	vst v26;
	v26 =	vadd.s32 $0x11, v5  }
0x243: {  	s2 =	sadd.s32 $0x11000, s20;
	v10 =	vadd.s32 $0xC, v19;
	v7 =	vadd.f32 v31, v7;
	[tilespmem:$0x1FEB0] =	vst v26;
	v26 =	vadd.s32 $0x12, v9  }
0x244: {  	s18 =	sor.u32 s21, s2;
	v20 =	vadd.s32 $0xF, v1;
	[tilespmem:$0x1FEC0] =	vst v26  }
0x245: {  	v23 =	vadd.s32 $0xF, v2;
	[tilespmem:s18+$0x0] =	vst v7;
	v7 =	vadd.s32 $0x12, v5  }
0x246: {  	v49 =	vadd.s32 $0x1C, v27;
	v22 =	vld.idx.msk [tilespmem:v22+s13+$0x0], $0xffff;
	[tilespmem:$0x1FED0] =	vst v7;
	v7 =	vadd.s32 $0x13, v9  }
0x247: {  	v41 =	vadd.s32 $0x1E, v27;
	[tilespmem:$0x1FEE0] =	vst v7;
	v7 =	vadd.f32 v16, v14;
	v14 =	vadd.s32 $0x13, v5  }
0x248: {  	v44 =	vadd.s32 $0x16, v9;
	v47 =	vadd.s32 $0x1A, v27;
	v50 =	vadd.s32 $0x1D, v27;
	v10 =	vld.idx.msk [tilespmem:v10+s13+$0x0], $0xffff;
	[tilespmem:$0x1FEF0] =	vst v14  }
0x249: {  	v53 =	vadd.s32 $0x15, v9;
	v24 =	vadd.s32 $0x1E, v6;
	v6 =	vadd.s32 $0x19, v27;
	v14 =	vld.idx.msk [tilespmem:v20+s13+$0x0], $0xffff  }
0x24a: {  	v36 =	vadd.s32 $0x1F, v27;
	v60 =	vadd.s32 $0x14, v9;
	v16 =	vadd.f32 v35, v7;
	v7 =	vld.idx.msk [tilespmem:v23+s13+$0x0], $0xffff  }
0x24b: {  	v27 =	vadd.s32 $0x1C, v9;
	v33 =	vadd.s32 $0x18, v9;
	v62 =	vadd.s32 $0x1F, v9  }
0x24c: {  	v30 =	vadd.s32 $0xD, v9;
	v38 =	vadd.s32 $0x17, v9;
	v18 =	vadd.f32 v25, v18  }
0x24d: {  	v20 =	vadd.f32 v12, v29;
	v29 =	vadd.s32 $0x19, v9;
	v12 =	vadd.s32 $0x1A, v9  }
0x24e: {  	[tilespmem:$0x1FF00] =	vst v12;
	v12 =	vadd.s32 $0x1B, v9;
	v26 =	vadd.f32 v10, v18;
	v18 =	vadd.s32 $0x1D, v9  }
0x24f: {  	[tilespmem:$0x1FF10] =	vst v12;
	v7 =	vadd.f32 v7, v14;
	v14 =	vadd.s32 $0x1E, v9;
	v9 =	vadd.s32 $0x14, v5  }
0x250: {  	v32 =	vadd.s32 $0x19, v5;
	v48 =	vadd.s32 $0x17, v5;
	[tilespmem:$0x1FF20] =	vst v9;
	v9 =	vadd.s32 $0x15, v5  }
0x251: {  	s3 =	sor.u32 s28, s3;
	v34 =	vadd.s32 $0x1B, v5;
	v54 =	vadd.s32 $0x16, v5;
	v8 =	vadd.f32 v21, v8;
	[tilespmem:$0x1FF30] =	vst v9  }
0x252: {  	v63 =	vadd.s32 $0x1F, v5;
	v11 =	vadd.f32 v11, v20;
	v9 =	vadd.s32 $0x1A, v5;
	[tilespmem:s3+$0x0] =	vst v16  }
0x253: {  	s19 =	sor.u32 s1, s6;
	v42 =	vadd.s32 $0x18, v5;
	v31 =	vadd.s32 $0x1C, v5;
	v8 =	vadd.f32 v22, v8;
	[tilespmem:$0x1FF40] =	vst v9  }
0x254: {  	v16 =	vadd.s32 $0x1D, v5;
	[tilespmem:s19+$0x0] =	vst v11;
	v22 =	vld.idx.msk [tilespmem:v15+s13+$0x0], $0xffff;
	v15 =	vadd.s32 $0x1E, v5;
	v5 =	vadd.s32 $0xE, v19  }
0x255: {  	v10 =	vadd.s32 $0xF, v0;
	v20 =	vld.idx.msk [tilespmem:v6+s13+$0x0], $0xffff;
	[tilespmem:$0x1FF50] =	vst v5  }
0x256: {  	v21 =	vld.idx.msk [tilespmem:v4+s13+$0x0], $0xffff;
	v4 =	vadd.s32 $0xF, v19  }
0x257: {  	[tilespmem:$0x1FF60] =	vst v4;
	v4 =	vadd.s32 $0x10, v19  }
0x258: {  	[tilespmem:$0x1FF70] =	vst v4;
	v4 =	vadd.s32 $0x11, v19  }
0x259: {  	v5 =	vadd.s32 $0x12, v19;
	[tilespmem:$0x1FF80] =	vst v4  }
0x25a: {  	v4 =	vld.idx.msk [tilespmem:v10+s13+$0x0], $0xffff;
	[tilespmem:$0x1FF90] =	vst v5;
	v5 =	vadd.s32 $0x13, v19  }
0x25b: {  	[tilespmem:$0x1FFA0] =	vst v5;
	v5 =	vadd.s32 $0x14, v19  }
0x25c: {  	[tilespmem:$0x1FFB0] =	vst v5  }
0x25d: {  	v25 =	vld.idx.msk [tilespmem:v3+s13+$0x0], $0xffff;
	v3 =	vadd.s32 $0x15, v19  }
0x25e: {  	s0 =	sor.u32 $0x18080, s0;
	[tilespmem:$0x1FFC0] =	vst v3;
	v3 =	vadd.s32 $0x16, v19  }
0x25f: {  	s4 =	sor.u32 s22, s4;
	s31 =	sor.u32 s31, s0;
	s6 =	sor.u32 $0x18080, s26;
	[tilespmem:$0x1FFD0] =	vst v3;
	v3 =	vadd.s32 $0x17, v19  }
0x260: {  	s26 =	sor.u32 s28, s15;
	s15 =	sor.u32 s1, s10;
	s14 =	sor.u32 s25, s6;
	[tilespmem:$0x1FFE0] =	vst v3  }
0x261: {  	s25 =	sor.u32 s28, s6;
	s6 =	sor.u32 s1, s7;
	s28 =	sor.u32 s1, s11;
	v3 =	vadd.s32 $0x1A, v19;
	[tilespmem:s14+$0x0] =	vst v17  }
0x262: {  	v57 =	vadd.s32 $0x1F, v19;
	s7 =	sor.u32 s1, s12;
	s11 =	sor.u32 s22, s2;
	v59 =	vadd.s32 $0x18, v19;
	v35 =	vadd.s32 $0x1B, v19;
	s14 =	sor.u32 s22, s9;
	v23 =	vld.idx.msk [tilespmem:v13+s13+$0x0], $0xffff;
	[tilespmem:$0x1FFF0] =	vst v3  }
0x263: {  	s16 =	simm.s32 $0x4;
	s17 =	simm.s32 $0x210;
	s18 =	sor.u32 s1, s5;
	v9 =	vadd.s32 $0xD, v19;
	v11 =	vadd.s32 $0x19, v19;
	v17 =	vadd.s32 $0x1D, v19;
	[tilespmem:s14+$0x0] =	vst v26;
	v24 =	vld.idx.msk [tilespmem:v24+s13+$0x0], $0xffff  }
0x264: {  	s5 =	sor.u32 s1, s0;
	s0 =	simm.s32 $0x70;
	s19 =	sor.u32 s1, s8;
	v13 =	vadd.s32 $0x1E, v19;
	v3 =	vadd.s32 $0x10, v1;
	v26 =	vadd.s32 $0x1C, v19;
	[tilespmem:s31+$0x0] =	vst v8;
	v5 =	vld.idx.msk [tilespmem:v30+s13+$0x0], $0xffff  }
.LBB2_3:
0x265: {  	[tilespmem:$0x1F930] =	vst v35  }
0x266: {  	[tilespmem:$0x1F970] =	vst v27  }
0x267: {  	[tilespmem:$0x1F9B0] =	vst v45  }
0x268: {  	[tilespmem:$0x1F9C0] =	vst v31  }
0x269: {  	[tilespmem:$0x1FA40] =	vst v61  }
0x26a: {  	[tilespmem:$0x1FB70] =	vst v16  }
0x26b: {  	[tilespmem:$0x1FA50] =	vst v26;
	v8 =	vld [tilespmem:$0x1FE30]  }
0x26c: {  	[tilespmem:$0x1FC00] =	vst v28;
	s2 =	sadd.s32 $0xFFFFFFF0, s0;
	v6 =	vadd.s32 $0x10, v2;
	s23 =	sadd.s32 $0x20, s23  }
0x26d: {  	[tilespmem:$0x1FC10] =	vst v17;
	v17 =	vadd.f32 v21, v20;
	s8 =	sadd.s32 $0x11080, s20;
	v20 =	vld [tilespmem:s23+$0x0];
	s3 =	sand.u32 $0x7E0, s2;
	v4 =	vadd.f32 v4, v7;
	v7 =	vadd.s32 $0x10, v0  }
0x26e: {  	[tilespmem:$0x1FAC0] =	vst v50;
	s9 =	sor.u32 s21, s8;
	v19 =	vld [tilespmem:s3+$0xE00]  }
0x26f: {  	v21 =	vld [tilespmem:s3+$0x700];
	[tilespmem:s9+$0x0] =	vst v4  }
0x270: {  	[tilespmem:$0x1FAD0] =	vst v18;
	v3 =	vld.idx.msk [tilespmem:v3+s13+$0x0], $0xffff  }
0x271: {  	[tilespmem:$0x1FB10] =	vst v44;
	v17 =	vadd.f32 v25, v17;
	v4 =	vadd.f32 v23, v22;
	v6 =	vld.idx.msk [tilespmem:v6+s13+$0x0], $0xffff  }
0x272: {  	[tilespmem:$0x1FCD0] =	vst v14;
	v7 =	vld.idx.msk [tilespmem:v7+s13+$0x0], $0xffff  }
0x273: {  	v4 =	vadd.f32 v24, v4;
	v8 =	vld.idx.msk [tilespmem:v8+s13+$0x0], $0xffff;
	[tilespmem:s6+$0x0] =	vst v17  }
0x274: {  	[tilespmem:$0x1FB60] =	vst v46;
	v31 =	vld [tilespmem:s23+$0x10]  }
0x275: {  	[tilespmem:s26+$0x0] =	vst v4;
	v4 =	vld.idx.msk [tilespmem:v20+s13+$0x0], $0xffff  }
0x276: {  	[tilespmem:$0x1FBD0] =	vst v48;
	v25 =	vmov v57;
	v57 =	vld [tilespmem:s23+$0x710];
	v3 =	vadd.f32 v6, v3  }
0x277: {  	[tilespmem:$0x1FDA0] =	vst v15;
	v44 =	vmov v56;
	v56 =	vld [tilespmem:s23+$0xE10]  }
0x278: {  	[tilespmem:$0x1FDC0] =	vst v39;
	s14 =	sadd.s32 $0x14500, s20;
	v3 =	vadd.f32 v7, v3;
	v5 =	vadd.f32 v8, v5;
	v8 =	vld.idx.msk [tilespmem:v21+s13+$0x0], $0xffff  }
0x279: {  	[tilespmem:$0x1FCC0] =	vst v41;
	s31 =	sor.u32 s21, s14;
	v18 =	vld.idx.msk [tilespmem:v19+s13+$0x0], $0xffff  }
0x27a: {  	v6 =	vadd.s32 $0x11, v1;
	[tilespmem:s31+$0x0] =	vst v3;
	v3 =	vld [tilespmem:$0x1FF00]  }
0x27b: {  	[tilespmem:$0x1FDD0] =	vst v13;
	v17 =	vadd.s32 $0x11, v2  }
0x27c: {  	[tilespmem:$0x1FD20] =	vst v29;
	v27 =	vadd.s32 $0x11, v0  }
0x27d: {  	[tilespmem:$0x1FD90] =	vst v40;
	s24 =	sadd.s32 $0x100, s24;
	v24 =	vld.idx.msk [tilespmem:v9+s13+$0x0], $0xffff;
	v9 =	vadd.s32 $0x5, v56;
	v4 =	vadd.f32 v8, v4  }
0x27e: {  	s3 =	sand.u32 $0x3C00, s24;
	v14 =	vadd.s32 $0x6, v57;
	[tilespmem:$0x1F950] =	vst v9  }
0x27f: {  	s6 =	sadd.s32 $0xD500, s3;
	s31 =	sand.u32 $0x60, s2;
	[tilespmem:$0x1F990] =	vst v14;
	v8 =	vadd.s32 $0x5, v57;
	v48 =	vmov v3;
	v3 =	vld.idx.msk [tilespmem:v6+s13+$0x0], $0xffff;
	v4 =	vadd.f32 v18, v4  }
0x280: {  	s10 =	sor.u32 s31, s6;
	[tilespmem:$0x1F940] =	vst v8;
	v8 =	vld.idx.msk [tilespmem:v17+s13+$0x0], $0xffff  }
0x281: {  	v18 =	vld.idx.msk [tilespmem:v27+s13+$0x0], $0xffff;
	[tilespmem:s10+$0x0] =	vst v4;
	v4 =	vadd.s32 $0x7, v56  }
0x282: {  	v7 =	vld.idx.msk [tilespmem:v31+s13+$0x0], $0xffff;
	[tilespmem:$0x1F9F0] =	vst v4;
	v4 =	vadd.s32 $0x8, v31  }
0x283: {  	v17 =	vld.idx.msk [tilespmem:v57+s13+$0x0], $0xffff;
	[tilespmem:$0x1FA70] =	vst v4;
	v4 =	vadd.s32 $0x8, v57  }
0x284: {  	v13 =	vadd.s32 $0x6, v56;
	[tilespmem:$0x1FA80] =	vst v4;
	v4 =	vld [tilespmem:$0x1FF40]  }
0x285: {  	v10 =	vadd.s32 $0x7, v57;
	[tilespmem:$0x1F9A0] =	vst v13  }
0x286: {  	v16 =	vadd.s32 $0xA, v57;
	v9 =	vadd.s32 $0x6, v31;
	[tilespmem:$0x1F9E0] =	vst v10  }
0x287: {  	v29 =	vld.idx.msk [tilespmem:v47+s13+$0x0], $0xffff;
	[tilespmem:$0x1FB90] =	vst v16;
	v6 =	vadd.s32 $0x1, v20  }
0x288: {  	v12 =	vadd.s32 $0x1, v21;
	v55 =	vld.idx.msk [tilespmem:v55+s13+$0x0], $0xffff;
	[tilespmem:$0x1F980] =	vst v9;
	v14 =	vadd.f32 v17, v7;
	v7 =	vadd.s32 $0xA, v31  }
0x289: {  	v39 =	vadd.s32 $0x1, v19;
	v61 =	vld.idx.msk [tilespmem:v58+s13+$0x0], $0xffff;
	[tilespmem:$0x1FB80] =	vst v7;
	v9 =	vmov v4;
	v4 =	vadd.s32 $0x8, v56  }
0x28a: {  	v10 =	vld [tilespmem:$0x1FFF0];
	v15 =	vadd.f32 v8, v3;
	[tilespmem:$0x1FA90] =	vst v4;
	v4 =	vadd.s32 $0x9, v31  }
0x28b: {  	v41 =	vld.idx.msk [tilespmem:v56+s13+$0x0], $0xffff;
	[tilespmem:$0x1FAE0] =	vst v4;
	v4 =	vadd.s32 $0x9, v57  }
0x28c: {  	s9 =	sadd.s32 $0x14580, s20;
	v6 =	vld.idx.msk [tilespmem:v6+s13+$0x0], $0xffff;
	v8 =	vadd.s32 $0x12, v1;
	v13 =	vadd.f32 v18, v15;
	[tilespmem:$0x1FAF0] =	vst v4;
	v4 =	vadd.s32 $0x9, v56  }
0x28d: {  	s12 =	sor.u32 s21, s9;
	v7 =	vadd.s32 $0x12, v2;
	[tilespmem:$0x1FA60] =	vst v9;
	v9 =	vld.idx.msk [tilespmem:v12+s13+$0x0], $0xffff  }
0x28e: {  	v50 =	vadd.s32 $0x12, v0;
	v12 =	vld.idx.msk [tilespmem:v39+s13+$0x0], $0xffff;
	[tilespmem:s12+$0x0] =	vst v13  }
0x28f: {  	v16 =	vld [tilespmem:$0x1FE40];
	[tilespmem:$0x1FB00] =	vst v4;
	v4 =	vmov v36  }
0x290: {  	v22 =	vadd.s32 $0x1, v31;
	v17 =	vadd.f32 v41, v14;
	v41 =	vmovc v34;
	v34 =	vld.idx.msk [tilespmem:v52+s13+$0x0], $0xffff;
	[tilespmem:$0x1FA20] =	vst v4;
	v4 =	vadd.s32 $0xB, v57  }
0x291: {  	v26 =	vadd.s32 $0x1, v57;
	v8 =	vld.idx.msk [tilespmem:v8+s13+$0x0], $0xffff;
	[tilespmem:$0x1FC40] =	vst v4;
	v4 =	vadd.s32 $0xB, v56  }
0x292: {  	s1 =	sand.u32 $0x70, s0;
	v13 =	vld.idx.msk [tilespmem:v7+s13+$0x0], $0xffff;
	v6 =	vadd.f32 v9, v6;
	v9 =	vadd.s32 $0x2, v20;
	[tilespmem:$0x1FC50] =	vst v4;
	v4 =	vadd.s32 $0xC, v31  }
0x293: {  	v58 =	vadd.s32 $0x2, v21;
	s6 =	sor.u32 s1, s6;
	v45 =	vmov v10;
	v10 =	vmov v37;
	v37 =	vld.idx.msk [tilespmem:v50+s13+$0x0], $0xffff;
	[tilespmem:$0x1FCF0] =	vst v4  }
0x294: {  	v50 =	vadd.s32 $0x2, v19;
	v6 =	vadd.f32 v12, v6;
	v4 =	vld.idx.msk [tilespmem:v43+s13+$0x0], $0xffff;
	[tilespmem:s6+$0x0] =	vst v17  }
0x295: {  	[tilespmem:$0x1FA30] =	vst v10;
	v22 =	vld.idx.msk [tilespmem:v22+s13+$0x0], $0xffff  }
0x296: {  	v10 =	vadd.s32 $0xC, v57;
	[tilespmem:s10+$0x80] =	vst v6;
	v52 =	vld.idx.msk [tilespmem:v26+s13+$0x0], $0xffff  }
0x297: {  	v5 =	vadd.f32 v24, v5;
	[tilespmem:$0x1FD00] =	vst v10;
	v10 =	vadd.s32 $0xC, v56;
	v8 =	vadd.f32 v13, v8;
	v9 =	vld.idx.msk [tilespmem:v9+s13+$0x0], $0xffff  }
0x298: {  	v30 =	vadd.s32 $0x1, v56;
	[tilespmem:$0x1FD10] =	vst v10;
	v12 =	vadd.s32 $0xE, v31;
	v14 =	vld.idx.msk [tilespmem:v58+s13+$0x0], $0xffff  }
0x299: {  	v15 =	vadd.s32 $0x13, v2;
	s12 =	sadd.s32 $0x14600, s20;
	v8 =	vadd.f32 v37, v8;
	v17 =	vmov v12;
	[tilespmem:s4+$0x0] =	vst v5;
	v12 =	vld.idx.msk [tilespmem:v50+s13+$0x0], $0xffff  }
0x29a: {  	s26 =	smov.u32 s7;
	s7 =	sor.u32 s22, s14;
	v39 =	vadd.s32 $0xE, v56;
	s14 =	sor.u32 s21, s12;
	[tilespmem:$0x1FE40] =	vst v17;
	v17 =	vld [tilespmem:$0x1FE50]  }
0x29b: {  	v18 =	vmov v39;
	[tilespmem:s14+$0x0] =	vst v8;
	v8 =	vld [tilespmem:$0x1FF50]  }
0x29c: {  	v24 =	vadd.s32 $0xE, v57;
	v10 =	vadd.s32 $0xD, v31;
	[tilespmem:$0x1FF50] =	vst v18;
	v18 =	vld [tilespmem:$0x1FE20]  }
0x29d: {  	v27 =	vmov v24;
	[tilespmem:$0x1FDF0] =	vst v10;
	v43 =	vld.idx.msk [tilespmem:v30+s13+$0x0], $0xffff  }
0x29e: {  	[tilespmem:$0x1FE50] =	vst v27;
	v27 =	vld.idx.msk [tilespmem:v15+s13+$0x0], $0xffff;
	v15 =	vadd.s32 $0x15, v56  }
0x29f: {  	v24 =	vadd.s32 $0x14, v31;
	v10 =	vadd.s32 $0xD, v57;
	[tilespmem:$0x1FAB0] =	vst v15;
	v15 =	vld [tilespmem:$0x1FE00]  }
0x2a0: {  	[tilespmem:$0x1FA10] =	vst v24;
	v13 =	vadd.s32 $0x13, v1;
	v22 =	vadd.f32 v52, v22;
	v9 =	vadd.f32 v14, v9  }
0x2a1: {  	[tilespmem:$0x1FE30] =	vst v10;
	v37 =	vadd.s32 $0x13, v0;
	v18 =	vmov v18  }
0x2a2: {  	v16 =	vld.idx.msk [tilespmem:v16+s13+$0x0], $0xffff;
	[tilespmem:$0x1FE00] =	vst v18;
	v22 =	vadd.f32 v43, v22;
	v9 =	vadd.f32 v12, v9;
	v12 =	vadd.s32 $0x16, v31  }
0x2a3: {  	v17 =	vld.idx.msk [tilespmem:v17+s13+$0x0], $0xffff;
	[tilespmem:$0x1FB20] =	vst v12  }
0x2a4: {  	v8 =	vld.idx.msk [tilespmem:v8+s13+$0x0], $0xffff;
	v12 =	vadd.s32 $0x16, v57;
	[tilespmem:s6+$0x80] =	vst v22  }
0x2a5: {  	v13 =	vld.idx.msk [tilespmem:v13+s13+$0x0], $0xffff;
	[tilespmem:$0x1FB40] =	vst v12  }
0x2a6: {  	v37 =	vld.idx.msk [tilespmem:v37+s13+$0x0], $0xffff;
	[tilespmem:s10+$0x100] =	vst v9;
	v9 =	vadd.s32 $0x17, v31  }
0x2a7: {  	v28 =	vld.idx.msk [tilespmem:v15+s13+$0x0], $0xffff;
	v15 =	vmov v25;
	[tilespmem:$0x1FBC0] =	vst v9  }
0x2a8: {  	v40 =	vadd.s32 $0x2, v31;
	v9 =	vadd.s32 $0x17, v57;
	[tilespmem:$0x1FE20] =	vst v15  }
0x2a9: {  	v35 =	vadd.s32 $0x2, v56;
	v15 =	vadd.s32 $0x16, v56;
	[tilespmem:$0x1FBE0] =	vst v9  }
0x2aa: {  	v46 =	vadd.s32 $0x2, v57;
	v9 =	vadd.s32 $0x17, v56;
	[tilespmem:$0x1FB50] =	vst v15  }
0x2ab: {  	v24 =	vadd.s32 $0x3, v20;
	[tilespmem:$0x1FBF0] =	vst v9;
	v9 =	vadd.s32 $0x18, v31;
	v16 =	vadd.f32 v17, v16  }
0x2ac: {  	v12 =	vadd.s32 $0x3, v19;
	[tilespmem:$0x1FC70] =	vst v9;
	v9 =	vadd.s32 $0x18, v57  }
0x2ad: {  	v36 =	vadd.s32 $0x3, v21;
	v18 =	vld.idx.msk [tilespmem:v40+s13+$0x0], $0xffff;
	[tilespmem:$0x1FC90] =	vst v9;
	v9 =	vadd.s32 $0x18, v56;
	v8 =	vadd.f32 v8, v16  }
0x2ae: {  	v35 =	vld.idx.msk [tilespmem:v35+s13+$0x0], $0xffff;
	[tilespmem:$0x1FCB0] =	vst v9  }
0x2af: {  	v17 =	vld.idx.msk [tilespmem:v46+s13+$0x0], $0xffff;
	v9 =	vadd.f32 v27, v13;
	[tilespmem:s11+$0x0] =	vst v8;
	v8 =	vadd.s32 $0x19, v56  }
0x2b0: {  	v24 =	vld.idx.msk [tilespmem:v24+s13+$0x0], $0xffff;
	[tilespmem:$0x1FD80] =	vst v8;
	v8 =	vadd.s32 $0x1A, v31  }
0x2b1: {  	v46 =	vld.idx.msk [tilespmem:v12+s13+$0x0], $0xffff;
	[tilespmem:$0x1FF00] =	vst v8;
	v8 =	vadd.f32 v37, v9;
	v9 =	vadd.s32 $0x1A, v57  }
0x2b2: {  	v16 =	vld.idx.msk [tilespmem:v36+s13+$0x0], $0xffff;
	s11 =	sadd.s32 $0x14680, s20;
	[tilespmem:$0x1FF40] =	vst v9;
	v9 =	vadd.s32 $0x1A, v56  }
0x2b3: {  	v10 =	vadd.s32 $0xF, v57;
	s14 =	sor.u32 s21, s11;
	[tilespmem:$0x1FFF0] =	vst v9;
	v9 =	vld [tilespmem:$0x1FE60]  }
0x2b4: {  	v15 =	vmov v10;
	[tilespmem:s14+$0x0] =	vst v8;
	v8 =	vld [tilespmem:$0x1FE70]  }
0x2b5: {  	[tilespmem:$0x1FE70] =	vst v15;
	v15 =	vld [tilespmem:$0x1FF60];
	_ =	sdelay $0x3  }
0x2b6: {  	[tilespmem:$0x1FA00] =	vst v60;
	v29 =	vadd.f32 v55, v29  }
0x2b7: {  	[tilespmem:$0x1FD70] =	vst v11;
	v23 =	vmov v63;
	v63 =	vadd.s32 $0xF, v31;
	v17 =	vadd.f32 v17, v18  }
0x2b8: {  	[tilespmem:$0x1FC80] =	vst v42;
	v29 =	vadd.f32 v61, v29;
	v12 =	vmov v63;
	v27 =	vadd.s32 $0x14, v1;
	v9 =	vld.idx.msk [tilespmem:v9+s13+$0x0], $0xffff  }
0x2b9: {  	v36 =	vadd.s32 $0x14, v2;
	v17 =	vadd.f32 v35, v17;
	[tilespmem:$0x1FE60] =	vst v12;
	v12 =	vld.idx.msk [tilespmem:v8+s13+$0x0], $0xffff  }
0x2ba: {  	v35 =	vld.idx.msk [tilespmem:v15+s13+$0x0], $0xffff;
	[tilespmem:s19+$0x0] =	vst v29  }
0x2bb: {  	v11 =	vadd.s32 $0x7, v31;
	v40 =	vadd.s32 $0x14, v0;
	[tilespmem:s6+$0x100] =	vst v17;
	v17 =	vld [tilespmem:$0x1FE10]  }
0x2bc: {  	[tilespmem:$0x1F9D0] =	vst v11;
	v11 =	vadd.s32 $0xA, v56  }
0x2bd: {  	v42 =	vadd.s32 $0x3, v31;
	[tilespmem:$0x1FBA0] =	vst v11;
	v11 =	vadd.s32 $0xB, v31;
	v27 =	vld.idx.msk [tilespmem:v27+s13+$0x0], $0xffff  }
0x2be: {  	[tilespmem:$0x1FC30] =	vst v11;
	v11 =	vadd.s32 $0xF, v56;
	v10 =	vadd.f32 v16, v24;
	v24 =	vld.idx.msk [tilespmem:v36+s13+$0x0], $0xffff  }
0x2bf: {  	[tilespmem:$0x1FCA0] =	vst v59;
	v60 =	vadd.s32 $0x3, v57;
	v15 =	vmov v11  }
0x2c0: {  	v59 =	vadd.s32 $0x3, v56;
	v37 =	vld.idx.msk [tilespmem:v40+s13+$0x0], $0xffff;
	v11 =	vadd.f32 v46, v10;
	[tilespmem:$0x1FF60] =	vst v15;
	v15 =	vadd.s32 $0x1D, v56  }
0x2c1: {  	[tilespmem:$0x1FC20] =	vst v15;
	v15 =	vld [tilespmem:$0x1FF10]  }
0x2c2: {  	v18 =	vadd.s32 $0x1B, v31;
	v16 =	vadd.s32 $0x4, v20;
	[tilespmem:s10+$0x180] =	vst v11;
	v11 =	vld.idx.msk [tilespmem:v42+s13+$0x0], $0xffff;
	v9 =	vadd.f32 v12, v9  }
0x2c3: {  	[tilespmem:$0x1F960] =	vst v49;
	v40 =	vld.idx.msk [tilespmem:v17+s13+$0x0], $0xffff;
	v17 =	vmov v18;
	v18 =	vadd.f32 v24, v27  }
0x2c4: {  	[tilespmem:$0x1FB30] =	vst v54;
	v7 =	vadd.s32 $0xD, v56;
	v36 =	vadd.s32 $0x4, v21;
	v25 =	vld.idx.msk [tilespmem:v60+s13+$0x0], $0xffff;
	v9 =	vadd.f32 v35, v9  }
0x2c5: {  	s8 =	sor.u32 s22, s8;
	[tilespmem:$0x1FD40] =	vst v7;
	v10 =	vadd.s32 $0x4, v19;
	v60 =	vadd.f32 v37, v18;
	v18 =	vld.idx.msk [tilespmem:v59+s13+$0x0], $0xffff  }
0x2c6: {  	v54 =	vadd.s32 $0x4, v31;
	v49 =	vadd.s32 $0x5, v31;
	v7 =	vadd.s32 $0x10, v31;
	[tilespmem:s8+$0x0] =	vst v9;
	v9 =	vld [tilespmem:$0x1FE80]  }
0x2c7: {  	v26 =	vadd.s32 $0x11, v31;
	v58 =	vadd.s32 $0x12, v31;
	v52 =	vadd.s32 $0x13, v31;
	v12 =	vld.idx.msk [tilespmem:v16+s13+$0x0], $0xffff;
	v15 =	vmovc v15  }
0x2c8: {  	v14 =	vadd.s32 $0x15, v31;
	[tilespmem:$0x1FE10] =	vst v15;
	v15 =	vadd.s32 $0x1E, v31;
	v24 =	vadd.s32 $0x15, v1;
	v37 =	vmovc v23;
	v23 =	vld [tilespmem:$0x1FE90]  }
0x2c9: {  	v3 =	vmovc v62;
	v63 =	vadd.s32 $0x1C, v31;
	v16 =	vld.idx.msk [tilespmem:v36+s13+$0x0], $0xffff;
	v11 =	vadd.f32 v25, v11;
	[tilespmem:$0x1FCE0] =	vst v15;
	v15 =	vadd.s32 $0x1E, v57  }
0x2ca: {  	s4 =	sor.u32 s22, s11;
	s11 =	sadd.s32 $0x14700, s20;
	v36 =	vmovc v3;
	v3 =	vadd.f32 v4, v34;
	v4 =	vld.idx.msk [tilespmem:v10+s13+$0x0], $0xffff;
	v27 =	vadd.s32 $0x15, v2;
	[tilespmem:$0x1FDB0] =	vst v15;
	v15 =	vadd.s32 $0x1E, v56  }
0x2cb: {  	v13 =	vadd.s32 $0x19, v31;
	s14 =	sor.u32 s21, s11;
	v46 =	vadd.s32 $0x1D, v31;
	[tilespmem:$0x1FDE0] =	vst v15;
	v11 =	vadd.f32 v18, v11;
	v18 =	vld [tilespmem:$0x1FF70]  }
0x2cc: {  	v3 =	vadd.f32 v28, v3;
	v15 =	vadd.s32 $0x1F, v31;
	v31 =	vadd.s32 $0x15, v0;
	[tilespmem:s14+$0x0] =	vst v60  }
0x2cd: {  	v10 =	vmov v7;
	v7 =	vld.idx.msk [tilespmem:v24+s13+$0x0], $0xffff  }
0x2ce: {  	v9 =	vld.idx.msk [tilespmem:v9+s13+$0x0], $0xffff;
	[tilespmem:s25+$0x0] =	vst v3;
	v3 =	vadd.f32 v16, v12  }
0x2cf: {  	[tilespmem:$0x1FE80] =	vst v10;
	v10 =	vadd.s32 $0x5, v20;
	v12 =	vld.idx.msk [tilespmem:v27+s13+$0x0], $0xffff  }
0x2d0: {  	[tilespmem:$0x1FAA0] =	vst v53;
	v6 =	vadd.s32 $0x10, v57;
	v16 =	vadd.s32 $0x5, v21;
	v24 =	vld.idx.msk [tilespmem:v23+s13+$0x0], $0xffff;
	v3 =	vadd.f32 v4, v3  }
0x2d1: {  	[tilespmem:$0x1FD30] =	vst v13;
	v23 =	vmov v6;
	v4 =	vld.idx.msk [tilespmem:v31+s13+$0x0], $0xffff  }
0x2d2: {  	v13 =	vadd.s32 $0x19, v57;
	v6 =	vadd.s32 $0x5, v19;
	[tilespmem:s10+$0x200] =	vst v3;
	v3 =	vld.idx.msk [tilespmem:v44+s13+$0x0], $0xffff  }
0x2d3: {  	v53 =	vadd.s32 $0x4, v57;
	v5 =	vadd.s32 $0x10, v56;
	[tilespmem:$0x1FD60] =	vst v13;
	v18 =	vld.idx.msk [tilespmem:v18+s13+$0x0], $0xffff  }
0x2d4: {  	[tilespmem:$0x1FE90] =	vst v23;
	v23 =	vmov v5;
	v5 =	vld.idx.msk [tilespmem:v10+s13+$0x0], $0xffff  }
0x2d5: {  	v13 =	vadd.s32 $0x1B, v57;
	[tilespmem:s6+$0x180] =	vst v11;
	v10 =	vld.idx.msk [tilespmem:v16+s13+$0x0], $0xffff;
	v7 =	vadd.f32 v12, v7;
	v11 =	vadd.s32 $0x16, v1  }
0x2d6: {  	v34 =	vmov v13;
	v13 =	vadd.s32 $0x16, v2;
	v12 =	vld.idx.msk [tilespmem:v54+s13+$0x0], $0xffff  }
0x2d7: {  	s25 =	smov.u32 s5;
	s5 =	sadd.s32 $0x14780, s20;
	v6 =	vld.idx.msk [tilespmem:v6+s13+$0x0], $0xffff;
	v4 =	vadd.f32 v4, v7  }
0x2d8: {  	s8 =	sor.u32 s21, s5;
	v7 =	vld.idx.msk [tilespmem:v53+s13+$0x0], $0xffff  }
0x2d9: {  	v16 =	vadd.s32 $0x16, v0;
	[tilespmem:s8+$0x0] =	vst v4  }
0x2da: {  	v4 =	vld.idx.msk [tilespmem:v11+s13+$0x0], $0xffff  }
0x2db: {  	v5 =	vadd.f32 v10, v5;
	v10 =	vld.idx.msk [tilespmem:v13+s13+$0x0], $0xffff  }
0x2dc: {  	v13 =	vld [tilespmem:$0x1FEA0]  }
0x2dd: {  	v5 =	vadd.f32 v6, v5;
	v7 =	vadd.f32 v7, v12;
	v12 =	vld [tilespmem:$0x1FEB0]  }
0x2de: {  	v47 =	vmov v51;
	v51 =	vadd.s32 $0x4, v56;
	v6 =	vld.idx.msk [tilespmem:v16+s13+$0x0], $0xffff  }
0x2df: {  	v9 =	vadd.f32 v24, v9;
	[tilespmem:s10+$0x280] =	vst v5;
	v5 =	vld [tilespmem:$0x1FF80];
	_ =	sdelay $0x1  }
0x2e0: {  	v9 =	vadd.f32 v18, v9;
	_ =	sdelay $0x1  }
0x2e1: {  	v18 =	vld.idx.msk [tilespmem:v51+s13+$0x0], $0xffff;
	[tilespmem:s7+$0x0] =	vst v9  }
0x2e2: {  	v13 =	vld.idx.msk [tilespmem:v13+s13+$0x0], $0xffff  }
0x2e3: {  	v62 =	vadd.s32 $0x11, v56;
	[tilespmem:$0x1FF70] =	vst v23;
	v23 =	vmov v26;
	v12 =	vld.idx.msk [tilespmem:v12+s13+$0x0], $0xffff  }
0x2e4: {  	v11 =	vadd.s32 $0x6, v21  }
0x2e5: {  	v5 =	vld.idx.msk [tilespmem:v5+s13+$0x0], $0xffff  }
0x2e6: {  	[tilespmem:$0x1FEA0] =	vst v23;
	v23 =	vmov v62;
	v62 =	vmov v15;
	v15 =	vld [tilespmem:$0x1F930]  }
0x2e7: {  	v9 =	vadd.s32 $0x6, v20  }
0x2e8: {  	v16 =	vadd.s32 $0x6, v19;
	v12 =	vadd.f32 v12, v13;
	v13 =	vld [tilespmem:$0x1F940]  }
0x2e9: {  	v11 =	vld.idx.msk [tilespmem:v11+s13+$0x0], $0xffff  }
0x2ea: {  	v5 =	vadd.f32 v5, v12;
	v12 =	vld [tilespmem:$0x1F950]  }
0x2eb: {  	v7 =	vadd.f32 v18, v7;
	v51 =	vmov v15;
	v15 =	vld [tilespmem:$0x1FEC0]  }
0x2ec: {  	v8 =	vadd.s32 $0x1B, v56;
	v4 =	vadd.f32 v10, v4;
	v10 =	vadd.s32 $0x17, v1;
	v9 =	vld.idx.msk [tilespmem:v9+s13+$0x0], $0xffff  }
0x2ed: {  	v35 =	vmov v8;
	v8 =	vld.idx.msk [tilespmem:v16+s13+$0x0], $0xffff;
	[tilespmem:s6+$0x200] =	vst v7  }
0x2ee: {  	s10 =	sadd.s32 $0x14800, s20;
	v4 =	vadd.f32 v6, v4;
	v7 =	vadd.s32 $0x17, v2;
	v18 =	vld.idx.msk [tilespmem:v47+s13+$0x0], $0xffff  }
0x2ef: {  	v3 =	vadd.f32 v3, v40;
	s14 =	sor.u32 s21, s10;
	v16 =	vadd.s32 $0x17, v0;
	v6 =	vld.idx.msk [tilespmem:v49+s13+$0x0], $0xffff  }
0x2f0: {  	s29 =	sadd.s32 $0x1, s29;
	[tilespmem:s14+$0x0] =	vst v4;
	v13 =	vld.idx.msk [tilespmem:v13+s13+$0x0], $0xffff  }
0x2f1: {  	s7 =	sand.u32 $0x3, s29;
	v4 =	vld.idx.msk [tilespmem:v10+s13+$0x0], $0xffff;
	v9 =	vadd.f32 v11, v9  }
0x2f2: {  	s9 =	sor.u32 s22, s9;
	s2 =	sshll.u32 s7, $0x5;
	v12 =	vld.idx.msk [tilespmem:v12+s13+$0x0], $0xffff  }
0x2f3: {  	s2 =	sadd.s32 s2, s24;
	v7 =	vld.idx.msk [tilespmem:v7+s13+$0x0], $0xffff;
	v18 =	vadd.f32 v18, v3;
	v3 =	vmov v58;
	[tilespmem:s9+$0x0] =	vst v5;
	v5 =	vadd.f32 v8, v9  }
0x2f4: {  	s8 =	sor.u32 s22, s10;
	s10 =	sor.u32 $0x300, s2;
	[tilespmem:$0x1FEC0] =	vst v3;
	v8 =	vld.idx.msk [tilespmem:v16+s13+$0x0], $0xffff  }
0x2f5: {  	v10 =	vadd.s32 $0x7, v20;
	[tilespmem:s10+$0xD500] =	vst v5;
	v5 =	vld [tilespmem:$0x1FED0];
	v3 =	vadd.f32 v13, v6;
	_ =	sdelay $0x1  }
0x2f6: {  	v3 =	vadd.f32 v12, v3;
	v12 =	vld [tilespmem:$0x1FF90]  }
0x2f7: {  	[tilespmem:$0x1FC60] =	vst v33;
	v33 =	vadd.s32 $0x12, v57;
	v16 =	vld.idx.msk [tilespmem:v15+s13+$0x0], $0xffff  }
0x2f8: {  	[tilespmem:$0x1FD50] =	vst v32;
	v11 =	vadd.s32 $0x7, v21;
	v4 =	vadd.f32 v7, v4;
	v15 =	vld [tilespmem:$0x1F990];
	v6 =	vmov v33  }
0x2f9: {  	v32 =	vadd.s32 $0x12, v56;
	[tilespmem:$0x1FED0] =	vst v6;
	v6 =	vld.idx.msk [tilespmem:v10+s13+$0x0], $0xffff  }
0x2fa: {  	[tilespmem:s18+$0x0] =	vst v18;
	v13 =	vmov v32;
	v4 =	vadd.f32 v8, v4;
	v8 =	vld [tilespmem:$0x1F960]  }
0x2fb: {  	v9 =	vadd.s32 $0x7, v19;
	[tilespmem:$0x1FF90] =	vst v13;
	v13 =	vld [tilespmem:$0x1F970]  }
0x2fc: {  	v5 =	vld.idx.msk [tilespmem:v5+s13+$0x0], $0xffff  }
0x2fd: {  	v10 =	vld.idx.msk [tilespmem:v11+s13+$0x0], $0xffff;
	v11 =	vadd.s32 $0x18, v2  }
0x2fe: {  	v12 =	vld.idx.msk [tilespmem:v12+s13+$0x0], $0xffff  }
0x2ff: {  	s14 =	sadd.s32 $0x14880, s20  }
0x300: {  	s18 =	sor.u32 s21, s14;
	v9 =	vld.idx.msk [tilespmem:v9+s13+$0x0], $0xffff  }
0x301: {  	v7 =	vadd.s32 $0x18, v1;
	[tilespmem:s18+$0x0] =	vst v4;
	v49 =	vmov v13;
	v13 =	vld [tilespmem:$0x1F980];
	v4 =	vadd.f32 v5, v16  }
0x302: {  	v6 =	vadd.f32 v10, v6;
	v10 =	vld.idx.msk [tilespmem:v11+s13+$0x0], $0xffff;
	[tilespmem:s6+$0x280] =	vst v3;
	v3 =	vadd.s32 $0x18, v0  }
0x303: {  	v4 =	vadd.f32 v12, v4;
	v12 =	vld [tilespmem:$0x1F9A0]  }
0x304: {  	v8 =	vld.idx.msk [tilespmem:v8+s13+$0x0], $0xffff  }
0x305: {  	v16 =	vld.idx.msk [tilespmem:v15+s13+$0x0], $0xffff;
	v15 =	vadd.f32 v9, v6;
	v9 =	vadd.s32 $0x8, v19  }
0x306: {  	v5 =	vld.idx.msk [tilespmem:v7+s13+$0x0], $0xffff  }
0x307: {  	s2 =	sor.u32 $0x380, s2;
	v3 =	vld.idx.msk [tilespmem:v3+s13+$0x0], $0xffff  }
0x308: {  	v7 =	vadd.s32 $0x8, v20;
	[tilespmem:s2+$0xD500] =	vst v15;
	v15 =	vld [tilespmem:$0x1FEF0]  }
0x309: {  	v11 =	vadd.s32 $0x8, v21;
	v13 =	vld.idx.msk [tilespmem:v13+s13+$0x0], $0xffff  }
0x30a: {  	v9 =	vld.idx.msk [tilespmem:v9+s13+$0x0], $0xffff  }
0x30b: {  	s12 =	sor.u32 s22, s12;
	v5 =	vadd.f32 v10, v5;
	v12 =	vld.idx.msk [tilespmem:v12+s13+$0x0], $0xffff  }
0x30c: {  	v6 =	vmov v52;
	[tilespmem:s12+$0x0] =	vst v4;
	v4 =	vld [tilespmem:$0x1FEE0]  }
0x30d: {  	s9 =	sadd.s32 $0x17D00, s20;
	v3 =	vadd.f32 v3, v5;
	[tilespmem:$0x1FEE0] =	vst v6;
	v6 =	vld.idx.msk [tilespmem:v7+s13+$0x0], $0xffff  }
0x30e: {  	s10 =	sor.u32 s21, s9;
	v7 =	vld.idx.msk [tilespmem:v11+s13+$0x0], $0xffff  }
0x30f: {  	v11 =	vadd.f32 v16, v13;
	[tilespmem:s10+$0x0] =	vst v3;
	v3 =	vld [tilespmem:$0x1F9B0]  }
0x310: {  	v50 =	vadd.s32 $0x13, v56;
	v16 =	vld.idx.msk [tilespmem:v15+s13+$0x0], $0xffff  }
0x311: {  	v15 =	vmov v50;
	v5 =	vadd.f32 v12, v11;
	v12 =	vld [tilespmem:$0x1FFA0]  }
0x312: {  	[tilespmem:$0x1FFA0] =	vst v15;
	v15 =	vld [tilespmem:$0x1F9C0];
	_ =	sdelay $0x2  }
0x313: {  	v11 =	vadd.s32 $0x19, v0;
	_ =	sdelay $0x1  }
0x314: {  	s30 =	sadd.s32 $0x2, s30;
	v58 =	vmov v45;
	v10 =	vadd.s32 $0x19, v1;
	v45 =	vmov v15;
	v15 =	vld [tilespmem:$0x1F9D0]  }
0x315: {  	s6 =	sand.u32 $0x7, s30;
	v13 =	vadd.s32 $0x19, v2;
	v6 =	vadd.f32 v7, v6;
	v4 =	vld.idx.msk [tilespmem:v4+s13+$0x0], $0xffff  }
0x316: {  	s17 =	sadd.s32 $0x100, s17;
	s2 =	sshll.u32 s6, $0x4;
	v3 =	vld.idx.msk [tilespmem:v3+s13+$0x0], $0xffff  }
0x317: {  	s2 =	sadd.s32 s2, s17;
	v6 =	vadd.f32 v9, v6;
	v9 =	vld.idx.msk [tilespmem:v11+s13+$0x0], $0xffff  }
0x318: {  	s12 =	sor.u32 $0x300, s2;
	v12 =	vld.idx.msk [tilespmem:v12+s13+$0x0], $0xffff  }
0x319: {  	s7 =	sor.u32 s22, s14;
	s14 =	sadd.s32 $0x10D00, s3;
	[tilespmem:s12+$0xD500] =	vst v5;
	v5 =	vld.idx.msk [tilespmem:v10+s13+$0x0], $0xffff  }
0x31a: {  	s18 =	sor.u32 s31, s14;
	v10 =	vld.idx.msk [tilespmem:v13+s13+$0x0], $0xffff  }
0x31b: {  	[tilespmem:s18+$0x0] =	vst v6;
	v6 =	vld [tilespmem:$0x1F9F0]  }
0x31c: {  	v7 =	vadd.s32 $0x9, v20;
	v18 =	vld.idx.msk [tilespmem:v15+s13+$0x0], $0xffff  }
0x31d: {  	v11 =	vadd.s32 $0x9, v19;
	v15 =	vld [tilespmem:$0x1F9E0];
	_ =	sdelay $0x3  }
0x31e: {  	v13 =	vadd.s32 $0x9, v21;
	v4 =	vadd.f32 v16, v4;
	v7 =	vld.idx.msk [tilespmem:v7+s13+$0x0], $0xffff  }
0x31f: {  	v11 =	vld.idx.msk [tilespmem:v11+s13+$0x0], $0xffff  }
0x320: {  	v4 =	vadd.f32 v12, v4;
	v12 =	vld [tilespmem:$0x1FA00]  }
0x321: {  	v6 =	vld.idx.msk [tilespmem:v6+s13+$0x0], $0xffff  }
0x322: {  	v5 =	vadd.f32 v10, v5;
	v16 =	vld.idx.msk [tilespmem:v15+s13+$0x0], $0xffff  }
0x323: {  	[tilespmem:s4+$0x0] =	vst v4;
	v4 =	vld.idx.msk [tilespmem:v13+s13+$0x0], $0xffff  }
0x324: {  	s10 =	sadd.s32 $0x17D80, s20;
	v5 =	vadd.f32 v9, v5;
	v15 =	vld [tilespmem:$0x1FF20]  }
0x325: {  	v3 =	vadd.f32 v3, v8;
	v8 =	vadd.s32 $0x1A, v1;
	s12 =	sor.u32 s21, s10;
	v13 =	vld [tilespmem:$0x1FA10]  }
0x326: {  	v10 =	vadd.s32 $0x1A, v2;
	[tilespmem:s12+$0x0] =	vst v5;
	v5 =	vld [tilespmem:$0x1FFB0];
	_ =	sdelay $0x2  }
0x327: {  	v12 =	vld.idx.msk [tilespmem:v12+s13+$0x0], $0xffff;
	v9 =	vadd.f32 v16, v18  }
0x328: {  	v8 =	vld.idx.msk [tilespmem:v8+s13+$0x0], $0xffff  }
0x329: {  	v43 =	vadd.s32 $0x14, v56;
	v60 =	vmovc v13;
	v13 =	vadd.s32 $0x1A, v0;
	v6 =	vadd.f32 v6, v9;
	v9 =	vld.idx.msk [tilespmem:v10+s13+$0x0], $0xffff  }
0x32a: {  	v16 =	vld.idx.msk [tilespmem:v15+s13+$0x0], $0xffff;
	v15 =	vmov v43  }
0x32b: {  	v4 =	vadd.f32 v4, v7;
	[tilespmem:$0x1FFB0] =	vst v15;
	v15 =	vld [tilespmem:$0x1FA50]  }
0x32c: {  	s19 =	sor.u32 s22, s11;
	s11 =	sor.u32 s22, s5;
	s2 =	sor.u32 $0x380, s2;
	v5 =	vld.idx.msk [tilespmem:v5+s13+$0x0], $0xffff  }
0x32d: {  	v61 =	vadd.s32 $0x1C, v57;
	s5 =	sor.u32 s22, s9;
	s9 =	sor.u32 s1, s14;
	s14 =	sadd.s32 $0x10D80, s3;
	v4 =	vadd.f32 v11, v4;
	[tilespmem:s2+$0xD500] =	vst v6;
	v6 =	vld [tilespmem:$0x1FA40]  }
0x32e: {  	s18 =	sor.u32 s31, s14;
	v11 =	vld.idx.msk [tilespmem:v13+s13+$0x0], $0xffff  }
0x32f: {  	[tilespmem:s18+$0x0] =	vst v4;
	v4 =	vld [tilespmem:$0x1FA80];
	v12 =	vadd.f32 v16, v12  }
0x330: {  	v31 =	vmov v61;
	v61 =	vmov v15;
	v15 =	vld [tilespmem:$0x1FA70]  }
0x331: {  	v5 =	vadd.f32 v5, v12;
	v12 =	vld [tilespmem:$0x1FA90];
	_ =	sdelay $0x3  }
0x332: {  	v13 =	vadd.s32 $0xA, v19  }
0x333: {  	v6 =	vld.idx.msk [tilespmem:v6+s13+$0x0], $0xffff  }
0x334: {  	v4 =	vld.idx.msk [tilespmem:v4+s13+$0x0], $0xffff  }
0x335: {  	v18 =	vld.idx.msk [tilespmem:v15+s13+$0x0], $0xffff  }
0x336: {  	v8 =	vadd.f32 v9, v8;
	v12 =	vld.idx.msk [tilespmem:v12+s13+$0x0], $0xffff  }
0x337: {  	v7 =	vadd.s32 $0xA, v20;
	[tilespmem:s19+$0x0] =	vst v5;
	v5 =	vld.idx.msk [tilespmem:v13+s13+$0x0], $0xffff  }
0x338: {  	v10 =	vadd.s32 $0xA, v21;
	v13 =	vadd.f32 v11, v8;
	v11 =	vld [tilespmem:$0x1FAA0];
	_ =	sdelay $0x3  }
0x339: {  	v7 =	vld.idx.msk [tilespmem:v7+s13+$0x0], $0xffff  }
0x33a: {  	v10 =	vld.idx.msk [tilespmem:v10+s13+$0x0], $0xffff;
	v16 =	vadd.s32 $0x1B, v2  }
0x33b: {  	s12 =	sadd.s32 $0x17E00, s20;
	v9 =	vadd.s32 $0x1B, v1  }
0x33c: {  	s6 =	sor.u32 s22, s10;
	s10 =	sor.u32 s1, s14;
	s14 =	sor.u32 s21, s12;
	v3 =	vadd.f32 v6, v3;
	v15 =	vld [tilespmem:$0x1FAB0]  }
0x33d: {  	[tilespmem:s14+$0x0] =	vst v13;
	v11 =	vld.idx.msk [tilespmem:v11+s13+$0x0], $0xffff  }
0x33e: {  	v22 =	vadd.s32 $0x15, v57;
	v8 =	vadd.s32 $0x1B, v0;
	[tilespmem:s15+$0x0] =	vst v3;
	v3 =	vadd.f32 v4, v18;
	v4 =	vld [tilespmem:$0x1FF30]  }
0x33f: {  	v7 =	vadd.f32 v10, v7;
	v6 =	vmov v22;
	v10 =	vld.idx.msk [tilespmem:v16+s13+$0x0], $0xffff  }
0x340: {  	[tilespmem:$0x1FF30] =	vst v6;
	v6 =	vld.idx.msk [tilespmem:v9+s13+$0x0], $0xffff  }
0x341: {  	v3 =	vadd.f32 v12, v3;
	v12 =	vld [tilespmem:$0x1FFC0];
	_ =	sdelay $0x1  }
0x342: {  	v5 =	vadd.f32 v5, v7;
	v7 =	vld.idx.msk [tilespmem:v8+s13+$0x0], $0xffff  }
0x343: {  	v53 =	vmov v14;
	v16 =	vld [tilespmem:$0x1FB50];
	v14 =	vmov v15  }
0x344: {  	s15 =	sadd.s32 $0x10E00, s3;
	[tilespmem:$0x1FFC0] =	vst v14;
	v14 =	vld [tilespmem:$0x1FAD0]  }
0x345: {  	v13 =	vadd.s32 $0xB, v21;
	s18 =	sor.u32 s31, s15;
	v6 =	vadd.f32 v10, v6;
	v4 =	vld.idx.msk [tilespmem:v4+s13+$0x0], $0xffff  }
0x346: {  	[tilespmem:s18+$0x0] =	vst v5;
	v5 =	vld [tilespmem:$0x1FAE0]  }
0x347: {  	v6 =	vadd.f32 v7, v6;
	v7 =	vld [tilespmem:$0x1FB00]  }
0x348: {  	v8 =	vadd.s32 $0xB, v19;
	v12 =	vld.idx.msk [tilespmem:v12+s13+$0x0], $0xffff  }
0x349: {  	v9 =	vadd.s32 $0xB, v20;
	[tilespmem:s9+$0x0] =	vst v3;
	v3 =	vld [tilespmem:$0x1FAC0]  }
0x34a: {  	v4 =	vadd.f32 v4, v11;
	v11 =	vld.idx.msk [tilespmem:v13+s13+$0x0], $0xffff  }
0x34b: {  	v13 =	vld [tilespmem:$0x1FAF0]  }
0x34c: {  	v15 =	vld [tilespmem:$0x1FB40]  }
0x34d: {  	v8 =	vld.idx.msk [tilespmem:v8+s13+$0x0], $0xffff;
	s9 =	sadd.s32 $0x17E80, s20  }
0x34e: {  	s19 =	sor.u32 s22, s12;
	v9 =	vld.idx.msk [tilespmem:v9+s13+$0x0], $0xffff;
	s12 =	sor.u32 s21, s9  }
0x34f: {  	v10 =	vadd.s32 $0x1C, v1;
	[tilespmem:s12+$0x0] =	vst v6;
	v6 =	vld [tilespmem:$0x1FB20]  }
0x350: {  	v50 =	vmov v14;
	v14 =	vadd.s32 $0x1C, v2;
	v5 =	vld.idx.msk [tilespmem:v5+s13+$0x0], $0xffff  }
0x351: {  	v4 =	vadd.f32 v12, v4;
	v7 =	vld.idx.msk [tilespmem:v7+s13+$0x0], $0xffff;
	v12 =	vadd.s32 $0x1C, v0  }
0x352: {  	v3 =	vld.idx.msk [tilespmem:v3+s13+$0x0], $0xffff  }
0x353: {  	v13 =	vld.idx.msk [tilespmem:v13+s13+$0x0], $0xffff  }
0x354: {  	v44 =	vmov v6;
	v6 =	vld.idx.msk [tilespmem:v10+s13+$0x0], $0xffff;
	v9 =	vadd.f32 v11, v9  }
0x355: {  	v11 =	vld.idx.msk [tilespmem:v14+s13+$0x0], $0xffff  }
0x356: {  	v8 =	vadd.f32 v8, v9;
	v9 =	vld.idx.msk [tilespmem:v12+s13+$0x0], $0xffff  }
0x357: {  	s14 =	sadd.s32 $0x10E80, s3;
	[tilespmem:s11+$0x0] =	vst v4;
	v4 =	vld [tilespmem:$0x1FB10]  }
0x358: {  	s4 =	sor.u32 s1, s15;
	s15 =	sor.u32 s31, s14;
	v5 =	vadd.f32 v13, v5;
	v13 =	vld [tilespmem:$0x1FB30]  }
0x359: {  	[tilespmem:s15+$0x0] =	vst v8;
	v8 =	vld [tilespmem:$0x1FB60]  }
0x35a: {  	v5 =	vadd.f32 v7, v5;
	v7 =	vld [tilespmem:$0x1FFD0]  }
0x35b: {  	v6 =	vadd.f32 v11, v6;
	_ =	sdelay $0x1  }
0x35c: {  	v54 =	vmov v15;
	v15 =	vmov v16;
	v6 =	vadd.f32 v9, v6;
	v9 =	vld [tilespmem:$0x1FB90]  }
0x35d: {  	v14 =	vadd.s32 $0xC, v21;
	[tilespmem:$0x1FFD0] =	vst v15;
	v15 =	vld [tilespmem:$0x1FB70]  }
0x35e: {  	[tilespmem:$0x1FF10] =	vst v17;
	v17 =	vadd.s32 $0x1F, v57;
	v4 =	vld.idx.msk [tilespmem:v4+s13+$0x0], $0xffff  }
0x35f: {  	v13 =	vld.idx.msk [tilespmem:v13+s13+$0x0], $0xffff  }
0x360: {  	[tilespmem:$0x1FBB0] =	vst v38;
	v38 =	vadd.s32 $0x13, v57;
	v8 =	vld.idx.msk [tilespmem:v8+s13+$0x0], $0xffff  }
0x361: {  	v27 =	vmov v63;
	v63 =	vmov v17;
	v17 =	vmov v38;
	v7 =	vld.idx.msk [tilespmem:v7+s13+$0x0], $0xffff  }
0x362: {  	v10 =	vadd.s32 $0xC, v20;
	[tilespmem:s10+$0x0] =	vst v5;
	v5 =	vld.idx.msk [tilespmem:v14+s13+$0x0], $0xffff  }
0x363: {  	v39 =	vadd.s32 $0x14, v57;
	v12 =	vadd.s32 $0xC, v19;
	v14 =	vld [tilespmem:$0x1FB80]  }
0x364: {  	[tilespmem:$0x1FEF0] =	vst v17;
	v17 =	vmov v39;
	v4 =	vadd.f32 v13, v4  }
0x365: {  	[tilespmem:$0x1FF20] =	vst v17;
	v17 =	vld [tilespmem:$0x1FBF0];
	v11 =	vadd.s32 $0x1D, v1  }
0x366: {  	v4 =	vadd.f32 v7, v4;
	v7 =	vld [tilespmem:$0x1FBA0]  }
0x367: {  	v18 =	vmov v46;
	v10 =	vld.idx.msk [tilespmem:v10+s13+$0x0], $0xffff;
	v46 =	vmov v15;
	v15 =	vadd.s32 $0x1D, v2;
	s10 =	sadd.s32 $0x17F00, s20  }
0x368: {  	v12 =	vld.idx.msk [tilespmem:v12+s13+$0x0], $0xffff;
	s11 =	sor.u32 s21, s10  }
0x369: {  	v9 =	vld.idx.msk [tilespmem:v9+s13+$0x0], $0xffff;
	[tilespmem:s11+$0x0] =	vst v6  }
0x36a: {  	v6 =	vld.idx.msk [tilespmem:v11+s13+$0x0], $0xffff  }
0x36b: {  	v14 =	vld.idx.msk [tilespmem:v14+s13+$0x0], $0xffff  }
0x36c: {  	v3 =	vadd.f32 v8, v3;
	v13 =	vadd.s32 $0x1D, v0;
	v8 =	vld.idx.msk [tilespmem:v15+s13+$0x0], $0xffff  }
0x36d: {  	v15 =	vld [tilespmem:$0x1FBC0]  }
0x36e: {  	v7 =	vld.idx.msk [tilespmem:v7+s13+$0x0], $0xffff;
	[tilespmem:s8+$0x0] =	vst v4;
	v4 =	vadd.f32 v5, v10  }
0x36f: {  	v11 =	vld [tilespmem:$0x1FBB0]  }
0x370: {  	s12 =	sadd.s32 $0x10F00, s3;
	v9 =	vadd.f32 v9, v14;
	v14 =	vld [tilespmem:$0x1FBD0];
	v4 =	vadd.f32 v12, v4  }
0x371: {  	s18 =	sor.u32 s22, s9;
	s9 =	sor.u32 s1, s14;
	s14 =	sor.u32 s31, s12;
	v12 =	vld.idx.msk [tilespmem:v13+s13+$0x0], $0xffff  }
0x372: {  	[tilespmem:s14+$0x0] =	vst v4;
	v4 =	vld [tilespmem:$0x1FFE0]  }
0x373: {  	v38 =	vmov v15;
	v15 =	vld [tilespmem:$0x1FBE0];
	_ =	sdelay $0x2  }
0x374: {  	v10 =	vadd.s32 $0xD, v21  }
0x375: {  	v11 =	vld.idx.msk [tilespmem:v11+s13+$0x0], $0xffff  }
0x376: {  	v47 =	vmov v48;
	v48 =	vmov v15;
	v15 =	vmov v17;
	v14 =	vld.idx.msk [tilespmem:v14+s13+$0x0], $0xffff  }
0x377: {  	[tilespmem:$0x1FFE0] =	vst v15;
	v15 =	vld [tilespmem:$0x1FC10]  }
0x378: {  	v4 =	vld.idx.msk [tilespmem:v4+s13+$0x0], $0xffff  }
0x379: {  	v6 =	vadd.f32 v8, v6;
	v7 =	vadd.f32 v7, v9;
	v9 =	vld.idx.msk [tilespmem:v10+s13+$0x0], $0xffff  }
0x37a: {  	v5 =	vadd.s32 $0xD, v20;
	v10 =	vld [tilespmem:$0x1FC00]  }
0x37b: {  	v13 =	vadd.s32 $0xD, v19;
	v6 =	vadd.f32 v12, v6;
	v12 =	vld [tilespmem:$0x1FC30];
	v11 =	vadd.f32 v14, v11  }
0x37c: {  	v14 =	vld [tilespmem:$0x1FC40]  }
0x37d: {  	v4 =	vadd.f32 v4, v11;
	v11 =	vld [tilespmem:$0x1FC50];
	_ =	sdelay $0x1  }
0x37e: {  	v5 =	vld.idx.msk [tilespmem:v5+s13+$0x0], $0xffff  }
0x37f: {  	v13 =	vld.idx.msk [tilespmem:v13+s13+$0x0], $0xffff  }
0x380: {  	v28 =	vmov v15;
	v15 =	vld [tilespmem:$0x1FC20];
	[tilespmem:s4+$0x0] =	vst v7  }
0x381: {  	v10 =	vld.idx.msk [tilespmem:v10+s13+$0x0], $0xffff  }
0x382: {  	v12 =	vld.idx.msk [tilespmem:v12+s13+$0x0], $0xffff  }
0x383: {  	v5 =	vadd.f32 v9, v5;
	v14 =	vld.idx.msk [tilespmem:v14+s13+$0x0], $0xffff  }
0x384: {  	v11 =	vld.idx.msk [tilespmem:v11+s13+$0x0], $0xffff  }
0x385: {  	[tilespmem:s7+$0x0] =	vst v4;
	v4 =	vadd.f32 v13, v5;
	v13 =	vld [tilespmem:$0x1FC60]  }
0x386: {  	v8 =	vadd.s32 $0x1E, v1  }
0x387: {  	v7 =	vadd.s32 $0x1E, v2  }
0x388: {  	s15 =	sor.u32 s22, s10;
	s10 =	sadd.s32 $0x17F80, s20  }
0x389: {  	s11 =	sor.u32 s21, s10  }
0x38a: {  	[tilespmem:s11+$0x0] =	vst v6;
	v17 =	vmov v15;
	v15 =	vadd.s32 $0x1E, v0  }
0x38b: {  	v6 =	vld.idx.msk [tilespmem:v8+s13+$0x0], $0xffff  }
0x38c: {  	v7 =	vld.idx.msk [tilespmem:v7+s13+$0x0], $0xffff;
	v3 =	vadd.f32 v10, v3  }
0x38d: {  	v13 =	vld.idx.msk [tilespmem:v13+s13+$0x0], $0xffff  }
0x38e: {  	[tilespmem:s28+$0x0] =	vst v3;
	v3 =	vld [tilespmem:$0x1FC70]  }
0x38f: {  	s8 =	sor.u32 s1, s12;
	s12 =	sadd.s32 $0x10F80, s3;
	v5 =	vld.idx.msk [tilespmem:v15+s13+$0x0], $0xffff  }
0x390: {  	s14 =	sor.u32 s31, s12  }
0x391: {  	[tilespmem:s14+$0x0] =	vst v4;
	v4 =	vld [tilespmem:$0x1FC80]  }
0x392: {  	v6 =	vadd.f32 v7, v6  }
0x393: {  	v33 =	vmov v3;
	v3 =	vadd.f32 v14, v12  }
0x394: {  	v5 =	vadd.f32 v5, v6;
	v6 =	vld [tilespmem:$0x1FCD0]  }
0x395: {  	v3 =	vadd.f32 v11, v3;
	v11 =	vadd.s32 $0x1F, v2;
	v2 =	vld [tilespmem:$0x1FCA0];
	_ =	sdelay $0x2  }
0x396: {  	v12 =	vld [tilespmem:$0x1FC90]  }
0x397: {  	v55 =	vadd.s32 $0x1C, v56;
	v4 =	vld.idx.msk [tilespmem:v4+s13+$0x0], $0xffff  }
0x398: {  	v30 =	vadd.s32 $0x11, v57;
	v29 =	vadd.s32 $0x1D, v57;
	v57 =	vadd.s32 $0x1F, v56;
	v56 =	vmovc v41;
	v41 =	vmovc v6;
	v6 =	vld [tilespmem:$0x1FCE0]  }
0x399: {  	v14 =	vld [tilespmem:$0x1FCB0];
	_ =	sdelay $0x1  }
0x39a: {  	v42 =	vmov v12;
	v12 =	vld.idx.msk [tilespmem:v2+s13+$0x0], $0xffff;
	_ =	sdelay $0x1  }
0x39b: {  	v4 =	vadd.f32 v4, v13;
	v13 =	vld [tilespmem:$0x1FD00]  }
0x39c: {  	v59 =	vmov v14;
	v14 =	vmov v6;
	v6 =	vld [tilespmem:$0x1FCF0]  }
0x39d: {  	[tilespmem:s9+$0x0] =	vst v3;
	v3 =	vadd.s32 $0x1F, v0;
	v0 =	vld [tilespmem:$0x1FCC0]  }
0x39e: {  	v4 =	vadd.f32 v12, v4;
	v12 =	vld [tilespmem:$0x1FD10];
	_ =	sdelay $0x4  }
0x39f: {  	v13 =	vld.idx.msk [tilespmem:v13+s13+$0x0], $0xffff  }
0x3a0: {  	v6 =	vld.idx.msk [tilespmem:v6+s13+$0x0], $0xffff  }
0x3a1: {  	v22 =	vld.idx.msk [tilespmem:v0+s13+$0x0], $0xffff  }
0x3a2: {  	v12 =	vld.idx.msk [tilespmem:v12+s13+$0x0], $0xffff  }
0x3a3: {  	[tilespmem:s5+$0x0] =	vst v4;
	v4 =	vld [tilespmem:$0x1FD20];
	_ =	sdelay $0x7  }
0x3a4: {  	v8 =	vadd.s32 $0xE, v20;
	v7 =	vadd.s32 $0x1F, v1;
	v1 =	vmov v20;
	v20 =	vld.idx.msk [tilespmem:v4+s13+$0x0], $0xffff  }
0x3a5: {  	v4 =	vld [tilespmem:$0x1FD30]  }
0x3a6: {  	v9 =	vadd.s32 $0xE, v21;
	_ =	sdelay $0x2  }
0x3a7: {  	v10 =	vadd.s32 $0xE, v19;
	v8 =	vld.idx.msk [tilespmem:v8+s13+$0x0], $0xffff  }
0x3a8: {  	v16 =	vmov v29;
	v29 =	vmov v4;
	v4 =	vld [tilespmem:$0x1FD50]  }
0x3a9: {  	v9 =	vld.idx.msk [tilespmem:v9+s13+$0x0], $0xffff  }
0x3aa: {  	s7 =	sor.u32 $0x18000, s20  }
0x3ab: {  	s2 =	sor.u32 s22, s10;
	s10 =	sor.u32 s21, s7  }
0x3ac: {  	v10 =	vld.idx.msk [tilespmem:v10+s13+$0x0], $0xffff;
	[tilespmem:s10+$0x0] =	vst v5  }
0x3ad: {  	v5 =	vld.idx.msk [tilespmem:v7+s13+$0x0], $0xffff  }
0x3ae: {  	v7 =	vadd.f32 v9, v8;
	v9 =	vld.idx.msk [tilespmem:v11+s13+$0x0], $0xffff  }
0x3af: {  	v8 =	vadd.s32 $0xF, v1;
	v2 =	vmov v21;
	v3 =	vld.idx.msk [tilespmem:v3+s13+$0x0], $0xffff  }
0x3b0: {  	v11 =	vadd.s32 $0xF, v2;
	v0 =	vmov v19;
	v21 =	vld.idx.msk [tilespmem:v4+s13+$0x0], $0xffff  }
0x3b1: {  	s11 =	sadd.s32 $0x11000, s3;
	v7 =	vadd.f32 v10, v7;
	v10 =	vadd.s32 $0xF, v0;
	v4 =	vld [tilespmem:$0x1FD60]  }
0x3b2: {  	s4 =	sor.u32 s1, s12;
	s12 =	sor.u32 s31, s11  }
0x3b3: {  	v5 =	vadd.f32 v9, v5;
	[tilespmem:s12+$0x0] =	vst v7  }
0x3b4: {  	v7 =	vld.idx.msk [tilespmem:v8+s13+$0x0], $0xffff  }
0x3b5: {  	s14 =	sor.u32 $0x18080, s20;
	v8 =	vld.idx.msk [tilespmem:v11+s13+$0x0], $0xffff;
	v3 =	vadd.f32 v3, v5  }
0x3b6: {  	s21 =	sor.u32 s21, s14;
	v32 =	vmov v4;
	v4 =	vld.idx.msk [tilespmem:v10+s13+$0x0], $0xffff  }
0x3b7: {  	[tilespmem:s21+$0x0] =	vst v3;
	v3 =	vld [tilespmem:$0x1FD90];
	_ =	sdelay $0x7  }
0x3b8: {  	[tilespmem:$0x1FF80] =	vst v23;
	v23 =	vld.idx.msk [tilespmem:v3+s13+$0x0], $0xffff  }
0x3b9: {  	v3 =	vld [tilespmem:$0x1FDA0];
	_ =	sdelay $0x4  }
0x3ba: {  	v40 =	vmov v3;
	v3 =	vld [tilespmem:$0x1FDB0];
	_ =	sdelay $0x1  }
0x3bb: {  	v6 =	vadd.f32 v13, v6;
	_ =	sdelay $0x1  }
0x3bc: {  	v5 =	vadd.f32 v12, v6;
	v6 =	vld [tilespmem:$0x1FD70]  }
0x3bd: {  	v15 =	vmov v3;
	v3 =	vld [tilespmem:$0x1FDC0];
	_ =	sdelay $0x6  }
0x3be: {  	v24 =	vmov v30;
	v25 =	vld.idx.msk [tilespmem:v6+s13+$0x0], $0xffff;
	[tilespmem:s8+$0x0] =	vst v5  }
0x3bf: {  	[tilespmem:$0x1FEB0] =	vst v24;
	v24 =	vld.idx.msk [tilespmem:v3+s13+$0x0], $0xffff  }
0x3c0: {  	v3 =	vld [tilespmem:$0x1FDD0];
	_ =	sdelay $0x1  }
0x3c1: {  	v5 =	vld [tilespmem:$0x1FDF0];
	_ =	sdelay $0x1  }
0x3c2: {  	s16 =	sadd.s32 $0x2, s16;
	v6 =	vld [tilespmem:$0x1FD80]  }
0x3c3: {  	p0 =	slt.u32 s16, $0x6E;
	v39 =	vmov v3;
	v3 =	vld [tilespmem:$0x1FDE0]  }
.Ltmp1:
0x3c4: {  	v26 =	vmov v55;
	v55 =	vld [tilespmem:$0x1FA60];
	(pc) =	sbr.rel @p0 .LBB2_3-.Ltmp1, $4  }
0x3c5: {  	v52 =	vld [tilespmem:$0x1FA20]  }
0x3c6: {  	s0 =	sadd.s32 $0x20, s0;
	v43 =	vld [tilespmem:$0x1FA30];
	s11 =	sor.u32 s1, s11  }
0x3c7: {  	s7 =	sor.u32 s22, s7;
	s20 =	smov.u32 s3;
	s28 =	smov.u32 s2;
	v9 =	vld [tilespmem:$0x1FD40]  }
0x3c8: {  	v7 =	vadd.f32 v8, v7;
	s5 =	sor.u32 s22, s14;
	s22 =	smov.u32 s1;
	v11 =	vmovc v6;
	s21 =	smov.u32 s31;
	v5 =	vld.idx.msk [tilespmem:v5+s13+$0x0], $0xffff;
	v13 =	vmov v3;
	v3 =	vadd.s32 $0x10, v1  }
0x3c9: {  	v6 =	vld [tilespmem:$0x1FE30];
	_ =	sdelay $0x7  }
0x3ca: {  	v6 =	vld.idx.msk [tilespmem:v6+s13+$0x0], $0xffff;
	_ =	sdelay $0x1  }
0x3cb: {  	v8 =	vld.idx.msk [tilespmem:v9+s13+$0x0], $0xffff;
	_ =	sdelay $0x2  }
0x3cc: {  	v5 =	vadd.f32 v6, v5;
	_ =	sdelay $0x1  }
0x3cd: {  	v5 =	vadd.f32 v8, v5;
	_ =	sdelay $0x1  }
0x3ce: {  	[tilespmem:s4+$0x0] =	vst v5  }
0x3cf: {  	v5 =	vld [tilespmem:$0x1FE40]  }
0x3d0: {  	v6 =	vld [tilespmem:$0x1FE50];
	_ =	sdelay $0x1  }
0x3d1: {  	v8 =	vld [tilespmem:$0x1FF50];
	_ =	sdelay $0x4  }
0x3d2: {  	v5 =	vld.idx.msk [tilespmem:v5+s13+$0x0], $0xffff  }
0x3d3: {  	v6 =	vld.idx.msk [tilespmem:v6+s13+$0x0], $0xffff;
	_ =	sdelay $0x1  }
0x3d4: {  	v8 =	vld.idx.msk [tilespmem:v8+s13+$0x0], $0xffff;
	_ =	sdelay $0x2  }
0x3d5: {  	v5 =	vadd.f32 v6, v5;
	_ =	sdelay $0x1  }
0x3d6: {  	v5 =	vadd.f32 v8, v5;
	_ =	sdelay $0x1  }
0x3d7: {  	[tilespmem:s11+$0x0] =	vst v5  }
0x3d8: {  	v5 =	vld [tilespmem:$0x1FE60]  }
0x3d9: {  	v6 =	vld [tilespmem:$0x1FE70];
	_ =	sdelay $0x1  }
0x3da: {  	v4 =	vadd.f32 v4, v7;
	v7 =	vld [tilespmem:$0x1FF60];
	_ =	sdelay $0x4  }
0x3db: {  	v5 =	vld.idx.msk [tilespmem:v5+s13+$0x0], $0xffff  }
0x3dc: {  	v6 =	vld.idx.msk [tilespmem:v6+s13+$0x0], $0xffff  }
0x3dd: {  	v8 =	vadd.s32 $0x10, v2  }
0x3de: {  	s0 =	sadd.s32 $0x11080, s20;
	v7 =	vld.idx.msk [tilespmem:v7+s13+$0x0], $0xffff  }
0x3df: {  	s1 =	sor.u32 s21, s0;
	v9 =	vadd.s32 $0x10, v0  }
0x3e0: {  	[tilespmem:s1+$0x0] =	vst v4  }
0x3e1: {  	v3 =	vld.idx.msk [tilespmem:v3+s13+$0x0], $0xffff;
	v4 =	vadd.f32 v6, v5  }
0x3e2: {  	v5 =	vld.idx.msk [tilespmem:v8+s13+$0x0], $0xffff  }
0x3e3: {  	v4 =	vadd.f32 v7, v4  }
0x3e4: {  	s0 =	sor.u32 s22, s0;
	v6 =	vld.idx.msk [tilespmem:v9+s13+$0x0], $0xffff  }
0x3e5: {  	[tilespmem:s0+$0x0] =	vst v4  }
0x3e6: {  	v4 =	vld [tilespmem:$0x1FE80]  }
0x3e7: {  	v3 =	vadd.f32 v5, v3;
	v7 =	vld [tilespmem:$0x1FE90];
	_ =	sdelay $0x1  }
0x3e8: {  	v3 =	vadd.f32 v6, v3;
	v6 =	vld [tilespmem:$0x1FF70];
	_ =	sdelay $0x4  }
0x3e9: {  	v4 =	vld.idx.msk [tilespmem:v4+s13+$0x0], $0xffff  }
0x3ea: {  	v5 =	vadd.s32 $0x11, v1;
	v7 =	vld.idx.msk [tilespmem:v7+s13+$0x0], $0xffff  }
0x3eb: {  	v8 =	vadd.s32 $0x11, v2  }
0x3ec: {  	s17 =	sadd.s32 $0x14500, s20;
	v6 =	vld.idx.msk [tilespmem:v6+s13+$0x0], $0xffff  }
0x3ed: {  	s23 =	sor.u32 s21, s17;
	v9 =	vadd.s32 $0x11, v0  }
0x3ee: {  	[tilespmem:s23+$0x0] =	vst v3  }
0x3ef: {  	v3 =	vld.idx.msk [tilespmem:v5+s13+$0x0], $0xffff;
	v4 =	vadd.f32 v7, v4  }
0x3f0: {  	v5 =	vld.idx.msk [tilespmem:v8+s13+$0x0], $0xffff  }
0x3f1: {  	v4 =	vadd.f32 v6, v4  }
0x3f2: {  	s0 =	sor.u32 s22, s17;
	v6 =	vld.idx.msk [tilespmem:v9+s13+$0x0], $0xffff  }
0x3f3: {  	[tilespmem:s0+$0x0] =	vst v4  }
0x3f4: {  	v4 =	vld [tilespmem:$0x1FEA0]  }
0x3f5: {  	v3 =	vadd.f32 v5, v3;
	v7 =	vld [tilespmem:$0x1FEB0];
	_ =	sdelay $0x1  }
0x3f6: {  	v3 =	vadd.f32 v6, v3;
	v6 =	vld [tilespmem:$0x1FF80];
	_ =	sdelay $0x4  }
0x3f7: {  	v4 =	vld.idx.msk [tilespmem:v4+s13+$0x0], $0xffff  }
0x3f8: {  	v5 =	vadd.s32 $0x12, v1;
	v7 =	vld.idx.msk [tilespmem:v7+s13+$0x0], $0xffff  }
0x3f9: {  	v8 =	vadd.s32 $0x12, v2  }
0x3fa: {  	s24 =	sadd.s32 $0x14580, s20;
	v6 =	vld.idx.msk [tilespmem:v6+s13+$0x0], $0xffff  }
0x3fb: {  	s31 =	sor.u32 s21, s24;
	v9 =	vadd.s32 $0x12, v0  }
0x3fc: {  	[tilespmem:s31+$0x0] =	vst v3  }
0x3fd: {  	v3 =	vld.idx.msk [tilespmem:v5+s13+$0x0], $0xffff;
	v4 =	vadd.f32 v7, v4  }
0x3fe: {  	v5 =	vld.idx.msk [tilespmem:v8+s13+$0x0], $0xffff  }
0x3ff: {  	v4 =	vadd.f32 v6, v4  }
0x400: {  	s0 =	sor.u32 s22, s24;
	v6 =	vld.idx.msk [tilespmem:v9+s13+$0x0], $0xffff  }
0x401: {  	[tilespmem:s0+$0x0] =	vst v4  }
0x402: {  	v4 =	vld [tilespmem:$0x1FEC0]  }
0x403: {  	v3 =	vadd.f32 v5, v3;
	v7 =	vld [tilespmem:$0x1FED0];
	_ =	sdelay $0x1  }
0x404: {  	v3 =	vadd.f32 v6, v3;
	v6 =	vld [tilespmem:$0x1FF90];
	_ =	sdelay $0x4  }
0x405: {  	v4 =	vld.idx.msk [tilespmem:v4+s13+$0x0], $0xffff  }
0x406: {  	v5 =	vadd.s32 $0x13, v1;
	v7 =	vld.idx.msk [tilespmem:v7+s13+$0x0], $0xffff  }
0x407: {  	v8 =	vadd.s32 $0x13, v2  }
0x408: {  	s2 =	sadd.s32 $0x14600, s20;
	v6 =	vld.idx.msk [tilespmem:v6+s13+$0x0], $0xffff  }
0x409: {  	s3 =	sor.u32 s21, s2;
	v9 =	vadd.s32 $0x13, v0  }
0x40a: {  	[tilespmem:s3+$0x0] =	vst v3  }
0x40b: {  	v3 =	vld.idx.msk [tilespmem:v5+s13+$0x0], $0xffff;
	v4 =	vadd.f32 v7, v4  }
0x40c: {  	v5 =	vld.idx.msk [tilespmem:v8+s13+$0x0], $0xffff  }
0x40d: {  	v4 =	vadd.f32 v6, v4  }
0x40e: {  	s0 =	sor.u32 s22, s2;
	v6 =	vld.idx.msk [tilespmem:v9+s13+$0x0], $0xffff  }
0x40f: {  	[tilespmem:s0+$0x0] =	vst v4  }
0x410: {  	v4 =	vld [tilespmem:$0x1FEE0]  }
0x411: {  	v3 =	vadd.f32 v5, v3;
	v7 =	vld [tilespmem:$0x1FEF0];
	_ =	sdelay $0x1  }
0x412: {  	v3 =	vadd.f32 v6, v3;
	v6 =	vld [tilespmem:$0x1FFA0];
	_ =	sdelay $0x4  }
0x413: {  	v5 =	vadd.s32 $0x14, v1;
	v4 =	vld.idx.msk [tilespmem:v4+s13+$0x0], $0xffff  }
0x414: {  	v8 =	vadd.s32 $0x14, v2;
	v7 =	vld.idx.msk [tilespmem:v7+s13+$0x0], $0xffff  }
0x415: {  	s4 =	sadd.s32 $0x14680, s20  }
0x416: {  	s8 =	sor.u32 s21, s4;
	v9 =	vadd.s32 $0x14, v0;
	v6 =	vld.idx.msk [tilespmem:v6+s13+$0x0], $0xffff  }
0x417: {  	[tilespmem:s8+$0x0] =	vst v3  }
0x418: {  	v3 =	vld.idx.msk [tilespmem:v5+s13+$0x0], $0xffff  }
0x419: {  	v5 =	vld.idx.msk [tilespmem:v8+s13+$0x0], $0xffff;
	v4 =	vadd.f32 v7, v4;
	_ =	sdelay $0x1  }
0x41a: {  	v4 =	vadd.f32 v6, v4;
	v6 =	vld.idx.msk [tilespmem:v9+s13+$0x0], $0xffff  }
0x41b: {  	s0 =	sor.u32 s22, s4  }
0x41c: {  	[tilespmem:s0+$0x0] =	vst v4  }
0x41d: {  	v3 =	vadd.f32 v5, v3;
	v7 =	vld [tilespmem:$0x1FF20];
	_ =	sdelay $0x1  }
0x41e: {  	v3 =	vadd.f32 v6, v3;
	v6 =	vld [tilespmem:$0x1FFB0];
	_ =	sdelay $0x4  }
0x41f: {  	v5 =	vadd.s32 $0x15, v1;
	v4 =	vld.idx.msk [tilespmem:v60+s13+$0x0], $0xffff  }
0x420: {  	v8 =	vadd.s32 $0x15, v2;
	v7 =	vld.idx.msk [tilespmem:v7+s13+$0x0], $0xffff  }
0x421: {  	s9 =	sadd.s32 $0x14700, s20  }
0x422: {  	s10 =	sor.u32 s21, s9;
	v9 =	vadd.s32 $0x15, v0;
	v6 =	vld.idx.msk [tilespmem:v6+s13+$0x0], $0xffff  }
0x423: {  	[tilespmem:s10+$0x0] =	vst v3  }
0x424: {  	v3 =	vld.idx.msk [tilespmem:v5+s13+$0x0], $0xffff  }
0x425: {  	v5 =	vld.idx.msk [tilespmem:v8+s13+$0x0], $0xffff;
	v4 =	vadd.f32 v7, v4;
	_ =	sdelay $0x1  }
0x426: {  	v4 =	vadd.f32 v6, v4;
	v6 =	vld.idx.msk [tilespmem:v9+s13+$0x0], $0xffff  }
0x427: {  	s0 =	sor.u32 s22, s9  }
0x428: {  	[tilespmem:s0+$0x0] =	vst v4  }
0x429: {  	v3 =	vadd.f32 v5, v3;
	v7 =	vld [tilespmem:$0x1FF30];
	_ =	sdelay $0x1  }
0x42a: {  	v3 =	vadd.f32 v6, v3;
	v6 =	vld [tilespmem:$0x1FFC0];
	_ =	sdelay $0x4  }
0x42b: {  	v4 =	vld.idx.msk [tilespmem:v53+s13+$0x0], $0xffff  }
0x42c: {  	v7 =	vld.idx.msk [tilespmem:v7+s13+$0x0], $0xffff;
	_ =	sdelay $0x1  }
0x42d: {  	v5 =	vadd.s32 $0x16, v1;
	v6 =	vld.idx.msk [tilespmem:v6+s13+$0x0], $0xffff  }
0x42e: {  	v8 =	vadd.s32 $0x16, v2  }
0x42f: {  	s11 =	sadd.s32 $0x14780, s20;
	v9 =	vadd.s32 $0x16, v0  }
0x430: {  	s12 =	sor.u32 s21, s11;
	v4 =	vadd.f32 v7, v4  }
0x431: {  	[tilespmem:s12+$0x0] =	vst v3  }
0x432: {  	v3 =	vld.idx.msk [tilespmem:v5+s13+$0x0], $0xffff;
	v4 =	vadd.f32 v6, v4  }
0x433: {  	s0 =	sor.u32 s22, s11;
	v5 =	vld.idx.msk [tilespmem:v8+s13+$0x0], $0xffff  }
0x434: {  	v6 =	vld.idx.msk [tilespmem:v9+s13+$0x0], $0xffff;
	[tilespmem:s0+$0x0] =	vst v4  }
0x435: {  	v9 =	vld [tilespmem:$0x1FFD0];
	_ =	sdelay $0x4  }
0x436: {  	v3 =	vadd.f32 v5, v3;
	v5 =	vld.idx.msk [tilespmem:v44+s13+$0x0], $0xffff  }
0x437: {  	v8 =	vld.idx.msk [tilespmem:v54+s13+$0x0], $0xffff;
	_ =	sdelay $0x1  }
0x438: {  	v9 =	vld.idx.msk [tilespmem:v9+s13+$0x0], $0xffff  }
0x439: {  	v4 =	vadd.s32 $0x17, v1  }
0x43a: {  	v7 =	vadd.s32 $0x17, v2  }
0x43b: {  	s14 =	sadd.s32 $0x14800, s20;
	v3 =	vadd.f32 v6, v3;
	v5 =	vadd.f32 v8, v5  }
0x43c: {  	s16 =	sor.u32 s21, s14  }
0x43d: {  	v6 =	vadd.s32 $0x17, v0;
	[tilespmem:s16+$0x0] =	vst v3;
	v5 =	vadd.f32 v9, v5  }
0x43e: {  	s0 =	sor.u32 s22, s14;
	v3 =	vld.idx.msk [tilespmem:v4+s13+$0x0], $0xffff  }
0x43f: {  	v4 =	vld.idx.msk [tilespmem:v7+s13+$0x0], $0xffff;
	[tilespmem:s0+$0x0] =	vst v5  }
0x440: {  	v9 =	vld [tilespmem:$0x1FFE0];
	_ =	sdelay $0x1  }
0x441: {  	v6 =	vld.idx.msk [tilespmem:v6+s13+$0x0], $0xffff;
	_ =	sdelay $0x2  }
0x442: {  	v3 =	vadd.f32 v4, v3;
	v4 =	vadd.s32 $0x18, v1;
	v5 =	vld.idx.msk [tilespmem:v38+s13+$0x0], $0xffff  }
0x443: {  	v7 =	vadd.s32 $0x18, v2;
	v8 =	vld.idx.msk [tilespmem:v48+s13+$0x0], $0xffff  }
0x444: {  	s17 =	sadd.s32 $0x14880, s20;
	v3 =	vadd.f32 v6, v3  }
0x445: {  	s23 =	sor.u32 s21, s17;
	v6 =	vadd.s32 $0x18, v0;
	v9 =	vld.idx.msk [tilespmem:v9+s13+$0x0], $0xffff  }
0x446: {  	[tilespmem:s23+$0x0] =	vst v3  }
0x447: {  	v3 =	vld.idx.msk [tilespmem:v4+s13+$0x0], $0xffff  }
0x448: {  	v4 =	vld.idx.msk [tilespmem:v7+s13+$0x0], $0xffff;
	v5 =	vadd.f32 v8, v5;
	_ =	sdelay $0x1  }
0x449: {  	v6 =	vld.idx.msk [tilespmem:v6+s13+$0x0], $0xffff;
	v5 =	vadd.f32 v9, v5  }
0x44a: {  	s0 =	sor.u32 s22, s17  }
0x44b: {  	[tilespmem:s0+$0x0] =	vst v5  }
0x44c: {  	v3 =	vadd.f32 v4, v3;
	v4 =	vadd.s32 $0x19, v1;
	v5 =	vld.idx.msk [tilespmem:v33+s13+$0x0], $0xffff  }
0x44d: {  	v7 =	vadd.s32 $0x19, v2;
	v8 =	vld.idx.msk [tilespmem:v42+s13+$0x0], $0xffff  }
0x44e: {  	s24 =	sadd.s32 $0x17D00, s20;
	v3 =	vadd.f32 v6, v3  }
0x44f: {  	s31 =	sor.u32 s21, s24;
	v9 =	vld.idx.msk [tilespmem:v59+s13+$0x0], $0xffff  }
0x450: {  	v6 =	vadd.s32 $0x19, v0;
	[tilespmem:s31+$0x0] =	vst v3  }
0x451: {  	v3 =	vadd.f32 v21, v20;
	v4 =	vld.idx.msk [tilespmem:v4+s13+$0x0], $0xffff  }
0x452: {  	v7 =	vld.idx.msk [tilespmem:v7+s13+$0x0], $0xffff;
	v5 =	vadd.f32 v8, v5  }
0x453: {  	v3 =	vadd.f32 v25, v3  }
0x454: {  	v5 =	vadd.f32 v9, v5  }
0x455: {  	v6 =	vld.idx.msk [tilespmem:v6+s13+$0x0], $0xffff;
	[tilespmem:s6+$0x0] =	vst v3;
	s0 =	sor.u32 s22, s24  }
0x456: {  	v3 =	vld.idx.msk [tilespmem:v47+s13+$0x0], $0xffff;
	[tilespmem:s0+$0x0] =	vst v5  }
0x457: {  	v4 =	vadd.f32 v7, v4;
	v7 =	vld.idx.msk [tilespmem:v29+s13+$0x0], $0xffff  }
0x458: {  	v9 =	vld.idx.msk [tilespmem:v32+s13+$0x0], $0xffff  }
0x459: {  	v10 =	vld.idx.msk [tilespmem:v55+s13+$0x0], $0xffff  }
0x45a: {  	v11 =	vld.idx.msk [tilespmem:v11+s13+$0x0], $0xffff  }
0x45b: {  	v12 =	vld.idx.msk [tilespmem:v58+s13+$0x0], $0xffff;
	v5 =	vadd.s32 $0x1A, v1  }
0x45c: {  	v8 =	vadd.s32 $0x1A, v2  }
0x45d: {  	s2 =	sadd.s32 $0x17D80, s20;
	v4 =	vadd.f32 v6, v4;
	v7 =	vadd.f32 v9, v7  }
0x45e: {  	s3 =	sor.u32 s21, s2;
	v3 =	vadd.f32 v10, v3  }
0x45f: {  	[tilespmem:s3+$0x0] =	vst v4;
	v7 =	vadd.f32 v11, v7  }
0x460: {  	v3 =	vadd.f32 v12, v3;
	s0 =	sor.u32 s22, s2;
	v4 =	vld.idx.msk [tilespmem:v5+s13+$0x0], $0xffff  }
0x461: {  	v5 =	vld.idx.msk [tilespmem:v8+s13+$0x0], $0xffff;
	[tilespmem:s0+$0x0] =	vst v7  }
0x462: {  	v7 =	vld [tilespmem:$0x1FF00];
	[tilespmem:s19+$0x0] =	vst v3  }
0x463: {  	v6 =	vadd.s32 $0x1A, v0;
	v8 =	vld [tilespmem:$0x1FF40];
	_ =	sdelay $0x1  }
0x464: {  	v10 =	vld [tilespmem:$0x1FFF0];
	_ =	sdelay $0x2  }
0x465: {  	v6 =	vld.idx.msk [tilespmem:v6+s13+$0x0], $0xffff;
	_ =	sdelay $0x1  }
0x466: {  	v7 =	vld.idx.msk [tilespmem:v7+s13+$0x0], $0xffff  }
0x467: {  	v4 =	vadd.f32 v5, v4;
	v5 =	vadd.s32 $0x1B, v1;
	v8 =	vld.idx.msk [tilespmem:v8+s13+$0x0], $0xffff;
	_ =	sdelay $0x1  }
0x468: {  	s4 =	sadd.s32 $0x17E00, s20;
	v4 =	vadd.f32 v6, v4;
	v10 =	vld.idx.msk [tilespmem:v10+s13+$0x0], $0xffff  }
0x469: {  	s6 =	sor.u32 s21, s4;
	v9 =	vld [tilespmem:$0x1FE10]  }
0x46a: {  	[tilespmem:s6+$0x0] =	vst v4  }
0x46b: {  	v4 =	vld.idx.msk [tilespmem:v5+s13+$0x0], $0xffff;
	v5 =	vadd.f32 v8, v7;
	_ =	sdelay $0x1  }
0x46c: {  	v3 =	vadd.s32 $0x1B, v2;
	v5 =	vadd.f32 v10, v5  }
0x46d: {  	s0 =	sor.u32 s22, s4  }
0x46e: {  	v6 =	vadd.s32 $0x1B, v0;
	v11 =	vld.idx.msk [tilespmem:v56+s13+$0x0], $0xffff;
	[tilespmem:s0+$0x0] =	vst v5  }
0x46f: {  	v5 =	vld [tilespmem:$0x1FF10]  }
0x470: {  	v9 =	vld.idx.msk [tilespmem:v9+s13+$0x0], $0xffff  }
0x471: {  	v3 =	vld.idx.msk [tilespmem:v3+s13+$0x0], $0xffff  }
0x472: {  	v7 =	vld.idx.msk [tilespmem:v51+s13+$0x0], $0xffff  }
0x473: {  	v6 =	vld.idx.msk [tilespmem:v6+s13+$0x0], $0xffff;
	_ =	sdelay $0x1  }
0x474: {  	v8 =	vadd.f32 v11, v9  }
0x475: {  	v3 =	vadd.f32 v3, v4;
	v4 =	vadd.s32 $0x1C, v1;
	v9 =	vld.idx.msk [tilespmem:v34+s13+$0x0], $0xffff  }
0x476: {  	v7 =	vadd.f32 v7, v8;
	v8 =	vadd.s32 $0x1C, v2;
	v5 =	vld.idx.msk [tilespmem:v5+s13+$0x0], $0xffff  }
0x477: {  	s8 =	sadd.s32 $0x17E80, s20;
	v3 =	vadd.f32 v6, v3;
	v6 =	vadd.s32 $0x1C, v0  }
0x478: {  	s9 =	sor.u32 s21, s8;
	[tilespmem:s18+$0x0] =	vst v7;
	v7 =	vld.idx.msk [tilespmem:v35+s13+$0x0], $0xffff  }
0x479: {  	[tilespmem:s9+$0x0] =	vst v3  }
0x47a: {  	v3 =	vld.idx.msk [tilespmem:v4+s13+$0x0], $0xffff  }
0x47b: {  	v4 =	vld.idx.msk [tilespmem:v8+s13+$0x0], $0xffff;
	v5 =	vadd.f32 v9, v5  }
0x47c: {  	v6 =	vld.idx.msk [tilespmem:v6+s13+$0x0], $0xffff  }
0x47d: {  	v10 =	vld.idx.msk [tilespmem:v49+s13+$0x0], $0xffff;
	v5 =	vadd.f32 v7, v5  }
0x47e: {  	s0 =	sor.u32 s22, s8;
	v8 =	vld.idx.msk [tilespmem:v45+s13+$0x0], $0xffff  }
0x47f: {  	v7 =	vld.idx.msk [tilespmem:v61+s13+$0x0], $0xffff;
	[tilespmem:s0+$0x0] =	vst v5  }
0x480: {  	v3 =	vadd.f32 v4, v3;
	v4 =	vadd.s32 $0x1D, v1;
	v5 =	vld.idx.msk [tilespmem:v27+s13+$0x0], $0xffff  }
0x481: {  	v9 =	vadd.s32 $0x1D, v2;
	v11 =	vld.idx.msk [tilespmem:v31+s13+$0x0], $0xffff  }
0x482: {  	s10 =	sadd.s32 $0x17F00, s20;
	v3 =	vadd.f32 v6, v3;
	v6 =	vadd.s32 $0x1D, v0  }
0x483: {  	s11 =	sor.u32 s21, s10;
	v8 =	vadd.f32 v8, v10;
	v10 =	vld.idx.msk [tilespmem:v26+s13+$0x0], $0xffff  }
0x484: {  	[tilespmem:s11+$0x0] =	vst v3  }
0x485: {  	v3 =	vld.idx.msk [tilespmem:v4+s13+$0x0], $0xffff;
	v7 =	vadd.f32 v7, v8  }
0x486: {  	v4 =	vld.idx.msk [tilespmem:v9+s13+$0x0], $0xffff;
	v5 =	vadd.f32 v11, v5  }
0x487: {  	v6 =	vld.idx.msk [tilespmem:v6+s13+$0x0], $0xffff;
	[tilespmem:s15+$0x0] =	vst v7  }
0x488: {  	v7 =	vld.idx.msk [tilespmem:v50+s13+$0x0], $0xffff;
	v5 =	vadd.f32 v10, v5  }
0x489: {  	s0 =	sor.u32 s22, s10;
	v8 =	vld.idx.msk [tilespmem:v46+s13+$0x0], $0xffff  }
0x48a: {  	v9 =	vld.idx.msk [tilespmem:v28+s13+$0x0], $0xffff;
	[tilespmem:s0+$0x0] =	vst v5  }
0x48b: {  	v3 =	vadd.f32 v4, v3;
	v4 =	vadd.s32 $0x1E, v1;
	v5 =	vld.idx.msk [tilespmem:v18+s13+$0x0], $0xffff  }
0x48c: {  	v10 =	vadd.s32 $0x1E, v2;
	v11 =	vld.idx.msk [tilespmem:v16+s13+$0x0], $0xffff  }
0x48d: {  	s12 =	sadd.s32 $0x17F80, s20;
	v3 =	vadd.f32 v6, v3;
	v6 =	vadd.s32 $0x1E, v0  }
0x48e: {  	s14 =	sor.u32 s21, s12;
	v7 =	vadd.f32 v8, v7;
	v8 =	vld.idx.msk [tilespmem:v17+s13+$0x0], $0xffff  }
0x48f: {  	[tilespmem:s14+$0x0] =	vst v3  }
0x490: {  	v3 =	vld.idx.msk [tilespmem:v4+s13+$0x0], $0xffff;
	v4 =	vadd.f32 v9, v7  }
0x491: {  	v7 =	vld.idx.msk [tilespmem:v10+s13+$0x0], $0xffff;
	v5 =	vadd.f32 v11, v5  }
0x492: {  	v6 =	vld.idx.msk [tilespmem:v6+s13+$0x0], $0xffff;
	[tilespmem:s28+$0x0] =	vst v4  }
0x493: {  	v4 =	vadd.f32 v23, v22;
	v9 =	vld.idx.msk [tilespmem:v41+s13+$0x0], $0xffff;
	v5 =	vadd.f32 v8, v5  }
0x494: {  	s0 =	sor.u32 s22, s12;
	v10 =	vld.idx.msk [tilespmem:v39+s13+$0x0], $0xffff  }
0x495: {  	v4 =	vadd.f32 v24, v4;
	v8 =	vld.idx.msk [tilespmem:v40+s13+$0x0], $0xffff;
	[tilespmem:s0+$0x0] =	vst v5  }
0x496: {  	v5 =	vld.idx.msk [tilespmem:v14+s13+$0x0], $0xffff  }
0x497: {  	v3 =	vadd.f32 v7, v3;
	[tilespmem:s26+$0x0] =	vst v4;
	v4 =	vld.idx.msk [tilespmem:v15+s13+$0x0], $0xffff;
	_ =	sdelay $0x1  }
0x498: {  	v3 =	vadd.f32 v6, v3;
	v6 =	vld.idx.msk [tilespmem:v13+s13+$0x0], $0xffff  }
0x499: {  	s15 =	sor.u32 $0x18000, s20;
	v1 =	vadd.s32 $0x1F, v1;
	v8 =	vadd.f32 v8, v9  }
0x49a: {  	s16 =	sor.u32 s21, s15;
	v2 =	vadd.s32 $0x1F, v2  }
0x49b: {  	v9 =	vld [tilespmem:$0x1FE00];
	[tilespmem:s16+$0x0] =	vst v3;
	v3 =	vadd.f32 v10, v8;
	v4 =	vadd.f32 v4, v5  }
0x49c: {  	v0 =	vadd.s32 $0x1F, v0;
	v7 =	vld.idx.msk [tilespmem:v52+s13+$0x0], $0xffff  }
0x49d: {  	v11 =	vld.idx.msk [tilespmem:v43+s13+$0x0], $0xffff;
	[tilespmem:s7+$0x0] =	vst v3;
	v3 =	vadd.f32 v6, v4  }
0x49e: {  	s0 =	sor.u32 s22, s15;
	v1 =	vld.idx.msk [tilespmem:v1+s13+$0x0], $0xffff  }
0x49f: {  	v2 =	vld.idx.msk [tilespmem:v2+s13+$0x0], $0xffff;
	[tilespmem:s0+$0x0] =	vst v3  }
0x4a0: {  	v8 =	vld [tilespmem:$0x1FE20]  }
0x4a1: {  	v0 =	vld.idx.msk [tilespmem:v0+s13+$0x0], $0xffff  }
0x4a2: {  	v4 =	vld.idx.msk [tilespmem:v36+s13+$0x0], $0xffff  }
0x4a3: {  	v5 =	vld.idx.msk [tilespmem:v37+s13+$0x0], $0xffff  }
0x4a4: {  	v3 =	vld.idx.msk [tilespmem:v62+s13+$0x0], $0xffff  }
0x4a5: {  	v6 =	vld.idx.msk [tilespmem:v63+s13+$0x0], $0xffff  }
0x4a6: {  	v9 =	vld.idx.msk [tilespmem:v9+s13+$0x0], $0xffff  }
0x4a7: {  	v10 =	vld.idx.msk [tilespmem:v57+s13+$0x0], $0xffff  }
0x4a8: {  	v1 =	vadd.f32 v2, v1;
	v8 =	vld.idx.msk [tilespmem:v8+s13+$0x0], $0xffff  }
0x4a9: {  	v7 =	vadd.f32 v11, v7  }
0x4aa: {  	s17 =	sor.u32 $0x18080, s20;
	v0 =	vadd.f32 v0, v1;
	v1 =	vadd.f32 v6, v3  }
0x4ab: {  	s18 =	sor.u32 s21, s17;
	v4 =	vadd.f32 v5, v4;
	v2 =	vadd.f32 v9, v7  }
0x4ac: {  	[tilespmem:s18+$0x0] =	vst v0;
	v0 =	vadd.f32 v10, v1  }
0x4ad: {  	s0 =	sor.u32 s22, s17;
	[tilespmem:s25+$0x0] =	vst v2;
	v2 =	vadd.f32 v8, v4  }
0x4ae: {  	[tilespmem:s0+$0x0] =	vst v0  }
0x4af: {  	s3 =	simm.s32 $0xD500;
	s2 =	simm.s32 $0x62000;
	[tilespmem:s5+$0x0] =	vst v2  }
0x4b0: {  	s19 =	simm.s32 $0x3800;
	s20 =	simm.s32 $0x1;
	s0 =	rddreg [dreg:$0x8]  }
0x4b1: {  	[hbm4b:s0+s19] =	stream.strided.scatter [tilespmem:s3], [sflag:$0x1], $0xE000, s2, s19, $0x38;
	[tilespmem:$0x1B500] =	vst v63  }
0x4b2: {  	_ =	swait.ge [sflag:s20], $0xE000  }
0x4b3: {  	[sflag:s20] =	ssyncset.done $0x0  }
0x4b4: {  	s21 =	simm.s32 $0x0;
	s22 =	rddreg [dreg:$0x9];
	[sflag:s20] =	ssyncadd.s32 $0xFFFF2000  }
0x4b5: {  	[tilespmem:s21], [sflag:$0x1] =	stream.linear.gather [hbm4b:s22+s21], $0x700, $0x38;
	[tilespmem:$0x1B500] =	vst v63  }
0x4b6: {  	_ =	swait.ge [sflag:s20], $0x700  }
0x4b7: {  	[sflag:s20] =	ssyncset.done $0x0  }
0x4b8: {  	s24 =	simm.s32 $0x700;
	s23 =	rddreg [dreg:$0xa];
	[sflag:s20] =	ssyncadd.s32 $0xFFFFF900  }
0x4b9: {  	[tilespmem:s24], [sflag:$0x1] =	stream.linear.gather [hbm4b:s23+s21], $0x700, $0x38;
	[tilespmem:$0x1B500] =	vst v63  }
0x4ba: {  	_ =	swait.ge [sflag:s20], $0x700  }
0x4bb: {  	[sflag:s20] =	ssyncset.done $0x0  }
0x4bc: {  	s26 =	simm.s32 $0xE00;
	s25 =	rddreg [dreg:$0xb];
	[sflag:s20] =	ssyncadd.s32 $0xFFFFF900  }
0x4bd: {  	[tilespmem:s26], [sflag:$0x1] =	stream.linear.gather [hbm4b:s25+s21], $0x700, $0x38;
	[tilespmem:$0x1B500] =	vst v63  }
0x4be: {  	_ =	swait.ge [sflag:s20], $0x700  }
0x4bf: {  	[sflag:s20] =	ssyncset.done $0x0  }
0x4c0: {  	s31 =	simm.s32 $0x0;
	[sflag:s20] =	ssyncadd.s32 $0xFFFFF900  }
0x4c1: {  	s3 =	sand.u32 $0x7E0, s31;
	v2 =	vld [tilespmem:s21+$0x0]  }
0x4c2: {  	v1 =	vld [tilespmem:s3+$0x700];
	_ =	sdelay $0x1  }
0x4c3: {  	v0 =	vld [tilespmem:s3+$0xE00];
	_ =	sdelay $0x4  }
0x4c4: {  	v3 =	vld.idx.msk [tilespmem:v2+s13+$0x0], $0xffff  }
0x4c5: {  	v4 =	vld.idx.msk [tilespmem:v1+s13+$0x0], $0xffff;
	_ =	sdelay $0x1  }
0x4c6: {  	v5 =	vld.idx.msk [tilespmem:v0+s13+$0x0], $0xffff;
	_ =	sdelay $0x2  }
0x4c7: {  	v3 =	vadd.f32 v4, v3;
	v4 =	vadd.s32 $0x1, v2  }
0x4c8: {  	s26 =	sand.u32 $0x3C00, s21;
	v6 =	vadd.s32 $0x1, v1  }
0x4c9: {  	s25 =	sand.u32 $0x60, s31;
	s4 =	sadd.s32 $0xD500, s26;
	v3 =	vadd.f32 v5, v3  }
0x4ca: {  	s5 =	sor.u32 s25, s4;
	v5 =	vadd.s32 $0x1, v0  }
0x4cb: {  	[tilespmem:s5+$0x0] =	vst v3  }
0x4cc: {  	v3 =	vld.idx.msk [tilespmem:v4+s13+$0x0], $0xffff  }
0x4cd: {  	v4 =	vld.idx.msk [tilespmem:v6+s13+$0x0], $0xffff;
	_ =	sdelay $0x1  }
0x4ce: {  	v5 =	vld.idx.msk [tilespmem:v5+s13+$0x0], $0xffff;
	_ =	sdelay $0x2  }
0x4cf: {  	v6 =	vadd.s32 $0x2, v2;
	v3 =	vadd.f32 v4, v3  }
0x4d0: {  	v7 =	vadd.s32 $0x2, v1  }
0x4d1: {  	v5 =	vadd.f32 v5, v3  }
0x4d2: {  	v8 =	vadd.s32 $0x2, v0;
	v4 =	vld [tilespmem:s21+$0x10]  }
0x4d3: {  	v3 =	vld [tilespmem:s21+$0x710];
	[tilespmem:s5+$0x80] =	vst v5  }
0x4d4: {  	v5 =	vld.idx.msk [tilespmem:v6+s13+$0x0], $0xffff  }
0x4d5: {  	v7 =	vld.idx.msk [tilespmem:v7+s13+$0x0], $0xffff  }
0x4d6: {  	v6 =	vld [tilespmem:s21+$0xE10]  }
0x4d7: {  	v8 =	vld.idx.msk [tilespmem:v8+s13+$0x0], $0xffff;
	_ =	sdelay $0x2  }
0x4d8: {  	v5 =	vadd.f32 v7, v5;
	v7 =	vadd.s32 $0x3, v2  }
0x4d9: {  	v10 =	vadd.s32 $0x3, v1;
	v9 =	vld.idx.msk [tilespmem:v4+s13+$0x0], $0xffff  }
0x4da: {  	v11 =	vld.idx.msk [tilespmem:v3+s13+$0x0], $0xffff;
	v5 =	vadd.f32 v8, v5  }
0x4db: {  	v8 =	vadd.s32 $0x3, v0  }
0x4dc: {  	v12 =	vld.idx.msk [tilespmem:v6+s13+$0x0], $0xffff;
	[tilespmem:s5+$0x100] =	vst v5  }
0x4dd: {  	v5 =	vld.idx.msk [tilespmem:v7+s13+$0x0], $0xffff  }
0x4de: {  	v7 =	vld.idx.msk [tilespmem:v10+s13+$0x0], $0xffff  }
0x4df: {  	v10 =	vadd.s32 $0x1, v4;
	v9 =	vadd.f32 v11, v9  }
0x4e0: {  	s6 =	simm.s32 $0x10;
	v11 =	vadd.s32 $0x1, v3;
	v8 =	vld.idx.msk [tilespmem:v8+s13+$0x0], $0xffff  }
0x4e1: {  	s28 =	sand.u32 $0x70, s6;
	v9 =	vadd.f32 v12, v9  }
0x4e2: {  	s1 =	sor.u32 s28, s4;
	v12 =	vadd.s32 $0x1, v6  }
0x4e3: {  	[tilespmem:s1+$0x0] =	vst v9;
	v5 =	vadd.f32 v7, v5;
	v7 =	vadd.s32 $0x4, v2  }
0x4e4: {  	v9 =	vld.idx.msk [tilespmem:v10+s13+$0x0], $0xffff;
	v10 =	vadd.s32 $0x4, v1  }
0x4e5: {  	v11 =	vld.idx.msk [tilespmem:v11+s13+$0x0], $0xffff;
	v5 =	vadd.f32 v8, v5  }
0x4e6: {  	v8 =	vadd.s32 $0x4, v0  }
0x4e7: {  	v12 =	vld.idx.msk [tilespmem:v12+s13+$0x0], $0xffff;
	[tilespmem:s5+$0x180] =	vst v5  }
0x4e8: {  	v5 =	vld.idx.msk [tilespmem:v7+s13+$0x0], $0xffff  }
0x4e9: {  	v7 =	vld.idx.msk [tilespmem:v10+s13+$0x0], $0xffff  }
0x4ea: {  	v10 =	vadd.s32 $0x2, v4;
	v9 =	vadd.f32 v11, v9  }
0x4eb: {  	v11 =	vadd.s32 $0x2, v3;
	v8 =	vld.idx.msk [tilespmem:v8+s13+$0x0], $0xffff  }
0x4ec: {  	v9 =	vadd.f32 v12, v9  }
0x4ed: {  	v12 =	vadd.s32 $0x2, v6  }
0x4ee: {  	[tilespmem:s1+$0x80] =	vst v9;
	v5 =	vadd.f32 v7, v5;
	v7 =	vadd.s32 $0x5, v2  }
0x4ef: {  	v9 =	vld.idx.msk [tilespmem:v10+s13+$0x0], $0xffff;
	v10 =	vadd.s32 $0x5, v1  }
0x4f0: {  	v11 =	vld.idx.msk [tilespmem:v11+s13+$0x0], $0xffff;
	v5 =	vadd.f32 v8, v5  }
0x4f1: {  	v8 =	vadd.s32 $0x5, v0  }
0x4f2: {  	v12 =	vld.idx.msk [tilespmem:v12+s13+$0x0], $0xffff;
	[tilespmem:s5+$0x200] =	vst v5  }
0x4f3: {  	v5 =	vld.idx.msk [tilespmem:v7+s13+$0x0], $0xffff  }
0x4f4: {  	v7 =	vld.idx.msk [tilespmem:v10+s13+$0x0], $0xffff  }
0x4f5: {  	v10 =	vadd.s32 $0x3, v4;
	v9 =	vadd.f32 v11, v9  }
0x4f6: {  	v11 =	vadd.s32 $0x3, v3;
	v8 =	vld.idx.msk [tilespmem:v8+s13+$0x0], $0xffff  }
0x4f7: {  	v9 =	vadd.f32 v12, v9  }
0x4f8: {  	v12 =	vadd.s32 $0x3, v6  }
0x4f9: {  	[tilespmem:s1+$0x100] =	vst v9;
	v5 =	vadd.f32 v7, v5;
	v7 =	vadd.s32 $0x6, v2  }
0x4fa: {  	v9 =	vld.idx.msk [tilespmem:v10+s13+$0x0], $0xffff;
	v10 =	vadd.s32 $0x6, v1  }
0x4fb: {  	v11 =	vld.idx.msk [tilespmem:v11+s13+$0x0], $0xffff;
	v5 =	vadd.f32 v8, v5  }
0x4fc: {  	v8 =	vadd.s32 $0x6, v0  }
0x4fd: {  	v12 =	vld.idx.msk [tilespmem:v12+s13+$0x0], $0xffff;
	[tilespmem:s5+$0x280] =	vst v5  }
0x4fe: {  	v5 =	vld.idx.msk [tilespmem:v7+s13+$0x0], $0xffff  }
0x4ff: {  	v7 =	vld.idx.msk [tilespmem:v10+s13+$0x0], $0xffff  }
0x500: {  	v10 =	vadd.s32 $0x4, v4;
	v9 =	vadd.f32 v11, v9  }
0x501: {  	v11 =	vadd.s32 $0x4, v3;
	v8 =	vld.idx.msk [tilespmem:v8+s13+$0x0], $0xffff  }
0x502: {  	v9 =	vadd.f32 v12, v9  }
0x503: {  	v12 =	vadd.s32 $0x4, v6  }
0x504: {  	s7 =	sand.u32 $0x3, s21;
	[tilespmem:s1+$0x180] =	vst v9;
	v5 =	vadd.f32 v7, v5;
	v7 =	vadd.s32 $0x7, v2  }
0x505: {  	s2 =	sshll.u32 s7, $0x5;
	v9 =	vld.idx.msk [tilespmem:v10+s13+$0x0], $0xffff;
	v10 =	vadd.s32 $0x7, v1  }
0x506: {  	s2 =	sadd.s32 $0x0, s2;
	v11 =	vld.idx.msk [tilespmem:v11+s13+$0x0], $0xffff;
	v5 =	vadd.f32 v8, v5  }
0x507: {  	s8 =	sor.u32 $0x300, s2;
	v8 =	vadd.s32 $0x7, v0  }
0x508: {  	v12 =	vld.idx.msk [tilespmem:v12+s13+$0x0], $0xffff;
	[tilespmem:s8+$0xD500] =	vst v5  }
0x509: {  	v5 =	vld.idx.msk [tilespmem:v7+s13+$0x0], $0xffff  }
0x50a: {  	v7 =	vld.idx.msk [tilespmem:v10+s13+$0x0], $0xffff  }
0x50b: {  	v10 =	vadd.s32 $0x5, v4;
	v9 =	vadd.f32 v11, v9  }
0x50c: {  	v11 =	vadd.s32 $0x5, v3;
	v8 =	vld.idx.msk [tilespmem:v8+s13+$0x0], $0xffff  }
0x50d: {  	v9 =	vadd.f32 v12, v9  }
0x50e: {  	v12 =	vadd.s32 $0x5, v6  }
0x50f: {  	[tilespmem:s1+$0x200] =	vst v9;
	v5 =	vadd.f32 v7, v5;
	v7 =	vadd.s32 $0x8, v2  }
0x510: {  	v9 =	vld.idx.msk [tilespmem:v10+s13+$0x0], $0xffff;
	v10 =	vadd.s32 $0x8, v1  }
0x511: {  	v11 =	vld.idx.msk [tilespmem:v11+s13+$0x0], $0xffff;
	v5 =	vadd.f32 v8, v5  }
0x512: {  	s2 =	sor.u32 $0x380, s2;
	v8 =	vadd.s32 $0x8, v0  }
0x513: {  	v12 =	vld.idx.msk [tilespmem:v12+s13+$0x0], $0xffff;
	[tilespmem:s2+$0xD500] =	vst v5  }
0x514: {  	v5 =	vld.idx.msk [tilespmem:v7+s13+$0x0], $0xffff  }
0x515: {  	v7 =	vld.idx.msk [tilespmem:v10+s13+$0x0], $0xffff  }
0x516: {  	v10 =	vadd.s32 $0x6, v4;
	v9 =	vadd.f32 v11, v9  }
0x517: {  	v11 =	vadd.s32 $0x6, v3;
	v8 =	vld.idx.msk [tilespmem:v8+s13+$0x0], $0xffff  }
0x518: {  	v9 =	vadd.f32 v12, v9  }
0x519: {  	v12 =	vadd.s32 $0x6, v6  }
0x51a: {  	[tilespmem:s1+$0x280] =	vst v9;
	v5 =	vadd.f32 v7, v5;
	v7 =	vadd.s32 $0x9, v2  }
0x51b: {  	v9 =	vld.idx.msk [tilespmem:v10+s13+$0x0], $0xffff;
	v10 =	vadd.s32 $0x9, v1  }
0x51c: {  	s9 =	sadd.s32 $0x10D00, s26;
	v11 =	vld.idx.msk [tilespmem:v11+s13+$0x0], $0xffff;
	v5 =	vadd.f32 v8, v5  }
0x51d: {  	s10 =	sor.u32 s25, s9;
	v8 =	vadd.s32 $0x9, v0  }
0x51e: {  	v12 =	vld.idx.msk [tilespmem:v12+s13+$0x0], $0xffff;
	[tilespmem:s10+$0x0] =	vst v5  }
0x51f: {  	v5 =	vld.idx.msk [tilespmem:v7+s13+$0x0], $0xffff  }
0x520: {  	v7 =	vld.idx.msk [tilespmem:v10+s13+$0x0], $0xffff  }
0x521: {  	s0 =	sand.u32 $0x7, s21;
	v10 =	vadd.s32 $0x7, v4;
	v9 =	vadd.f32 v11, v9  }
0x522: {  	s0 =	sshll.u32 s0, $0x4;
	v11 =	vadd.s32 $0x7, v3;
	v8 =	vld.idx.msk [tilespmem:v8+s13+$0x0], $0xffff  }
0x523: {  	s0 =	sadd.s32 $0x10, s0;
	v9 =	vadd.f32 v12, v9  }
0x524: {  	s11 =	sor.u32 $0x300, s0;
	v12 =	vadd.s32 $0x7, v6  }
0x525: {  	[tilespmem:s11+$0xD500] =	vst v9;
	v5 =	vadd.f32 v7, v5;
	v7 =	vadd.s32 $0xA, v2  }
0x526: {  	v9 =	vld.idx.msk [tilespmem:v10+s13+$0x0], $0xffff;
	v10 =	vadd.s32 $0xA, v1  }
0x527: {  	s12 =	sadd.s32 $0x10D80, s26;
	v11 =	vld.idx.msk [tilespmem:v11+s13+$0x0], $0xffff;
	v5 =	vadd.f32 v8, v5  }
0x528: {  	s14 =	sor.u32 s25, s12;
	v8 =	vadd.s32 $0xA, v0  }
0x529: {  	v12 =	vld.idx.msk [tilespmem:v12+s13+$0x0], $0xffff;
	[tilespmem:s14+$0x0] =	vst v5  }
0x52a: {  	v5 =	vld.idx.msk [tilespmem:v7+s13+$0x0], $0xffff  }
0x52b: {  	v7 =	vld.idx.msk [tilespmem:v10+s13+$0x0], $0xffff  }
0x52c: {  	v10 =	vadd.s32 $0x8, v4;
	v9 =	vadd.f32 v11, v9  }
0x52d: {  	v11 =	vadd.s32 $0x8, v3;
	v8 =	vld.idx.msk [tilespmem:v8+s13+$0x0], $0xffff  }
0x52e: {  	v9 =	vadd.f32 v12, v9  }
0x52f: {  	s0 =	sor.u32 $0x380, s0;
	v12 =	vadd.s32 $0x8, v6  }
0x530: {  	[tilespmem:s0+$0xD500] =	vst v9;
	v5 =	vadd.f32 v7, v5;
	v7 =	vadd.s32 $0xB, v2  }
0x531: {  	v9 =	vld.idx.msk [tilespmem:v10+s13+$0x0], $0xffff;
	v10 =	vadd.s32 $0xB, v1  }
0x532: {  	s15 =	sadd.s32 $0x10E00, s26;
	v11 =	vld.idx.msk [tilespmem:v11+s13+$0x0], $0xffff;
	v5 =	vadd.f32 v8, v5  }
0x533: {  	s16 =	sor.u32 s25, s15;
	v8 =	vadd.s32 $0xB, v0  }
0x534: {  	v12 =	vld.idx.msk [tilespmem:v12+s13+$0x0], $0xffff;
	[tilespmem:s16+$0x0] =	vst v5  }
0x535: {  	v5 =	vld.idx.msk [tilespmem:v7+s13+$0x0], $0xffff  }
0x536: {  	v7 =	vld.idx.msk [tilespmem:v10+s13+$0x0], $0xffff  }
0x537: {  	v10 =	vadd.s32 $0x9, v4;
	v9 =	vadd.f32 v11, v9  }
0x538: {  	v11 =	vadd.s32 $0x9, v3;
	v8 =	vld.idx.msk [tilespmem:v8+s13+$0x0], $0xffff  }
0x539: {  	v9 =	vadd.f32 v12, v9  }
0x53a: {  	s17 =	sor.u32 s28, s9;
	v12 =	vadd.s32 $0x9, v6  }
0x53b: {  	[tilespmem:s17+$0x0] =	vst v9;
	v5 =	vadd.f32 v7, v5;
	v7 =	vadd.s32 $0xC, v2  }
0x53c: {  	v9 =	vld.idx.msk [tilespmem:v10+s13+$0x0], $0xffff;
	v10 =	vadd.s32 $0xC, v1  }
0x53d: {  	s18 =	sadd.s32 $0x10E80, s26;
	v11 =	vld.idx.msk [tilespmem:v11+s13+$0x0], $0xffff;
	v5 =	vadd.f32 v8, v5  }
0x53e: {  	s19 =	sor.u32 s25, s18;
	v8 =	vadd.s32 $0xC, v0  }
0x53f: {  	v12 =	vld.idx.msk [tilespmem:v12+s13+$0x0], $0xffff;
	[tilespmem:s19+$0x0] =	vst v5  }
0x540: {  	v5 =	vld.idx.msk [tilespmem:v7+s13+$0x0], $0xffff  }
0x541: {  	v7 =	vld.idx.msk [tilespmem:v10+s13+$0x0], $0xffff  }
0x542: {  	v10 =	vadd.s32 $0xA, v4;
	v9 =	vadd.f32 v11, v9  }
0x543: {  	v11 =	vadd.s32 $0xA, v3;
	v8 =	vld.idx.msk [tilespmem:v8+s13+$0x0], $0xffff  }
0x544: {  	v9 =	vadd.f32 v12, v9  }
0x545: {  	s20 =	sor.u32 s28, s12;
	v12 =	vadd.s32 $0xA, v6  }
0x546: {  	[tilespmem:s20+$0x0] =	vst v9;
	v5 =	vadd.f32 v7, v5;
	v7 =	vadd.s32 $0xD, v2  }
0x547: {  	v9 =	vld.idx.msk [tilespmem:v10+s13+$0x0], $0xffff;
	v10 =	vadd.s32 $0xD, v1  }
0x548: {  	s21 =	sadd.s32 $0x10F00, s26;
	v11 =	vld.idx.msk [tilespmem:v11+s13+$0x0], $0xffff;
	v5 =	vadd.f32 v8, v5  }
0x549: {  	s22 =	sor.u32 s25, s21;
	v8 =	vadd.s32 $0xD, v0  }
0x54a: {  	v12 =	vld.idx.msk [tilespmem:v12+s13+$0x0], $0xffff;
	[tilespmem:s22+$0x0] =	vst v5  }
0x54b: {  	v5 =	vld.idx.msk [tilespmem:v7+s13+$0x0], $0xffff  }
0x54c: {  	v7 =	vld.idx.msk [tilespmem:v10+s13+$0x0], $0xffff  }
0x54d: {  	v10 =	vadd.s32 $0xB, v4;
	v9 =	vadd.f32 v11, v9  }
0x54e: {  	v11 =	vadd.s32 $0xB, v3;
	v8 =	vld.idx.msk [tilespmem:v8+s13+$0x0], $0xffff  }
0x54f: {  	v9 =	vadd.f32 v12, v9  }
0x550: {  	s23 =	sor.u32 s28, s15;
	v12 =	vadd.s32 $0xB, v6  }
0x551: {  	[tilespmem:s23+$0x0] =	vst v9;
	v5 =	vadd.f32 v7, v5;
	v7 =	vadd.s32 $0xE, v2  }
0x552: {  	v9 =	vld.idx.msk [tilespmem:v10+s13+$0x0], $0xffff;
	v10 =	vadd.s32 $0xE, v1  }
0x553: {  	s24 =	sadd.s32 $0x10F80, s26;
	v11 =	vld.idx.msk [tilespmem:v11+s13+$0x0], $0xffff;
	v5 =	vadd.f32 v8, v5  }
0x554: {  	s4 =	sor.u32 s25, s24;
	v8 =	vadd.s32 $0xE, v0  }
0x555: {  	v12 =	vld.idx.msk [tilespmem:v12+s13+$0x0], $0xffff;
	[tilespmem:s4+$0x0] =	vst v5  }
0x556: {  	v5 =	vld.idx.msk [tilespmem:v7+s13+$0x0], $0xffff  }
0x557: {  	v7 =	vld.idx.msk [tilespmem:v10+s13+$0x0], $0xffff  }
0x558: {  	v10 =	vadd.s32 $0xC, v4;
	v9 =	vadd.f32 v11, v9  }
0x559: {  	v8 =	vld.idx.msk [tilespmem:v8+s13+$0x0], $0xffff  }
0x55a: {  	v9 =	vadd.f32 v12, v9  }
0x55b: {  	s1 =	sor.u32 s28, s18  }
0x55c: {  	[tilespmem:s1+$0x0] =	vst v9;
	v5 =	vadd.f32 v7, v5;
	v7 =	vadd.s32 $0xF, v2  }
0x55d: {  	v9 =	vld.idx.msk [tilespmem:v10+s13+$0x0], $0xffff;
	v10 =	vadd.s32 $0xF, v1  }
0x55e: {  	s5 =	sadd.s32 $0x11000, s26;
	v5 =	vadd.f32 v8, v5  }
0x55f: {  	s10 =	sor.u32 s25, s5;
	v8 =	vadd.s32 $0xF, v0  }
0x560: {  	[tilespmem:s10+$0x0] =	vst v5  }
0x561: {  	v5 =	vld.idx.msk [tilespmem:v7+s13+$0x0], $0xffff  }
0x562: {  	v7 =	vld.idx.msk [tilespmem:v10+s13+$0x0], $0xffff  }
0x563: {  	v13 =	vadd.s32 $0xC, v6  }
0x564: {  	v10 =	vld.idx.msk [tilespmem:v8+s13+$0x0], $0xffff;
	_ =	sdelay $0x1  }
0x565: {  	s12 =	simm.s32 $0x20  }
0x566: {  	v27 =	vld [tilespmem:s12+$0x10];
	s11 =	simm.s32 $0x20;
	v5 =	vadd.f32 v7, v5;
	v7 =	vadd.s32 $0x10, v2  }
0x567: {  	s14 =	sand.u32 $0x7E0, s11;
	v12 =	vld.idx.msk [tilespmem:v13+s13+$0x0], $0xffff;
	v13 =	vadd.s32 $0x10, v1  }
0x568: {  	s15 =	sadd.s32 $0x11080, s26;
	v23 =	vld [tilespmem:s14+$0xE00];
	v5 =	vadd.f32 v10, v5  }
0x569: {  	v25 =	vld [tilespmem:s14+$0x700];
	s16 =	sor.u32 s25, s15;
	v10 =	vadd.s32 $0x10, v0  }
0x56a: {  	v11 =	vadd.s32 $0xC, v3;
	v8 =	vld [tilespmem:s12+$0x0];
	[tilespmem:s16+$0x0] =	vst v5  }
0x56b: {  	v5 =	vld.idx.msk [tilespmem:v7+s13+$0x0], $0xffff  }
0x56c: {  	v13 =	vld.idx.msk [tilespmem:v13+s13+$0x0], $0xffff  }
0x56d: {  	v26 =	vld [tilespmem:s12+$0xE10]  }
0x56e: {  	v10 =	vld.idx.msk [tilespmem:v10+s13+$0x0], $0xffff  }
0x56f: {  	v11 =	vld.idx.msk [tilespmem:v11+s13+$0x0], $0xffff  }
0x570: {  	v7 =	vld [tilespmem:s12+$0x710]  }
0x571: {  	v15 =	vld.idx.msk [tilespmem:v25+s13+$0x0], $0xffff;
	v5 =	vadd.f32 v13, v5;
	v13 =	vadd.s32 $0x11, v2  }
0x572: {  	v16 =	vadd.s32 $0x11, v1;
	v14 =	vld.idx.msk [tilespmem:v8+s13+$0x0], $0xffff  }
0x573: {  	s17 =	sadd.s32 $0x14500, s26;
	v5 =	vadd.f32 v10, v5  }
0x574: {  	v17 =	vadd.s32 $0x11, v0;
	s18 =	sor.u32 s25, s17;
	v10 =	vld.idx.msk [tilespmem:v23+s13+$0x0], $0xffff  }
0x575: {  	v9 =	vadd.f32 v11, v9;
	v11 =	vld.idx.msk [tilespmem:v27+s13+$0x0], $0xffff;
	[tilespmem:s18+$0x0] =	vst v5  }
0x576: {  	v18 =	vadd.s32 $0xD, v4;
	v5 =	vld.idx.msk [tilespmem:v13+s13+$0x0], $0xffff  }
0x577: {  	s19 =	simm.s32 $0x100;
	v9 =	vadd.f32 v12, v9;
	v12 =	vadd.f32 v15, v14;
	v13 =	vadd.s32 $0x1, v8;
	v14 =	vld.idx.msk [tilespmem:v16+s13+$0x0], $0xffff  }
0x578: {  	s0 =	sand.u32 $0x3C00, s19;
	s20 =	sor.u32 s28, s21;
	v15 =	vadd.s32 $0x1, v25;
	v16 =	vld.idx.msk [tilespmem:v7+s13+$0x0], $0xffff  }
0x579: {  	v19 =	vadd.s32 $0xD, v3;
	s31 =	sand.u32 $0x60, s11;
	s2 =	sadd.s32 $0xD500, s0;
	[tilespmem:s20+$0x0] =	vst v9;
	v9 =	vadd.f32 v10, v12;
	v10 =	vld.idx.msk [tilespmem:v17+s13+$0x0], $0xffff  }
0x57a: {  	v20 =	vld.idx.msk [tilespmem:v26+s13+$0x0], $0xffff;
	s10 =	sor.u32 s31, s2;
	v17 =	vadd.s32 $0x1, v23  }
0x57b: {  	v12 =	vld.idx.msk [tilespmem:v18+s13+$0x0], $0xffff;
	v18 =	vadd.s32 $0xD, v6;
	[tilespmem:s10+$0x0] =	vst v9  }
0x57c: {  	v9 =	vld.idx.msk [tilespmem:v13+s13+$0x0], $0xffff;
	v5 =	vadd.f32 v14, v5;
	v13 =	vadd.s32 $0x12, v2  }
0x57d: {  	v14 =	vld.idx.msk [tilespmem:v15+s13+$0x0], $0xffff;
	v15 =	vadd.s32 $0x12, v1  }
0x57e: {  	s9 =	sadd.s32 $0x14580, s26;
	v21 =	vadd.s32 $0x1, v27;
	v19 =	vld.idx.msk [tilespmem:v19+s13+$0x0], $0xffff;
	v11 =	vadd.f32 v16, v11;
	v5 =	vadd.f32 v10, v5  }
0x57f: {  	s21 =	simm.s32 $0x30;
	s22 =	sor.u32 s25, s9;
	v16 =	vadd.s32 $0x12, v0;
	v10 =	vld.idx.msk [tilespmem:v17+s13+$0x0], $0xffff  }
0x580: {  	s1 =	sand.u32 $0x70, s21;
	v17 =	vld.idx.msk [tilespmem:v18+s13+$0x0], $0xffff;
	v18 =	vadd.s32 $0x1, v7;
	v11 =	vadd.f32 v20, v11;
	[tilespmem:s22+$0x0] =	vst v5  }
0x581: {  	s23 =	sor.u32 s1, s2;
	v5 =	vadd.s32 $0x1, v26;
	v13 =	vld.idx.msk [tilespmem:v13+s13+$0x0], $0xffff  }
0x582: {  	[tilespmem:s23+$0x0] =	vst v11;
	v11 =	vadd.s32 $0x2, v8;
	v9 =	vadd.f32 v14, v9;
	v14 =	vld.idx.msk [tilespmem:v15+s13+$0x0], $0xffff  }
0x583: {  	v15 =	vadd.s32 $0x2, v25;
	v20 =	vld.idx.msk [tilespmem:v21+s13+$0x0], $0xffff  }
0x584: {  	v12 =	vadd.f32 v19, v12;
	v21 =	vadd.s32 $0xE, v4;
	v9 =	vadd.f32 v10, v9;
	v10 =	vld.idx.msk [tilespmem:v16+s13+$0x0], $0xffff  }
0x585: {  	v16 =	vadd.s32 $0x2, v23;
	v18 =	vld.idx.msk [tilespmem:v18+s13+$0x0], $0xffff  }
0x586: {  	v19 =	vadd.s32 $0xE, v3;
	v12 =	vadd.f32 v17, v12;
	[tilespmem:s10+$0x80] =	vst v9;
	v5 =	vld.idx.msk [tilespmem:v5+s13+$0x0], $0xffff  }
0x587: {  	s24 =	sor.u32 s28, s24;
	v9 =	vadd.s32 $0xE, v6;
	v11 =	vld.idx.msk [tilespmem:v11+s13+$0x0], $0xffff  }
0x588: {  	[tilespmem:s24+$0x0] =	vst v12;
	v12 =	vld.idx.msk [tilespmem:v15+s13+$0x0], $0xffff;
	v13 =	vadd.f32 v14, v13;
	v14 =	vadd.s32 $0x13, v2  }
0x589: {  	v15 =	vadd.s32 $0x13, v1;
	v17 =	vld.idx.msk [tilespmem:v21+s13+$0x0], $0xffff  }
0x58a: {  	s8 =	sadd.s32 $0x14600, s26;
	v16 =	vld.idx.msk [tilespmem:v16+s13+$0x0], $0xffff;
	v10 =	vadd.f32 v10, v13;
	v13 =	vadd.s32 $0x13, v0  }
0x58b: {  	s6 =	sor.u32 s25, s8;
	v21 =	vadd.s32 $0x2, v27;
	v19 =	vld.idx.msk [tilespmem:v19+s13+$0x0], $0xffff;
	v18 =	vadd.f32 v18, v20  }
0x58c: {  	v20 =	vadd.s32 $0x2, v7;
	[tilespmem:s6+$0x0] =	vst v10;
	v9 =	vld.idx.msk [tilespmem:v9+s13+$0x0], $0xffff  }
0x58d: {  	v5 =	vadd.f32 v5, v18;
	v10 =	vld.idx.msk [tilespmem:v14+s13+$0x0], $0xffff;
	v11 =	vadd.f32 v12, v11;
	v12 =	vadd.s32 $0x3, v8  }
0x58e: {  	v14 =	vld.idx.msk [tilespmem:v15+s13+$0x0], $0xffff;
	v15 =	vadd.s32 $0x3, v25  }
0x58f: {  	v18 =	vadd.s32 $0x2, v26;
	[tilespmem:s23+$0x80] =	vst v5;
	v5 =	vadd.f32 v16, v11;
	v11 =	vld.idx.msk [tilespmem:v13+s13+$0x0], $0xffff  }
0x590: {  	v13 =	vadd.s32 $0x3, v23;
	v16 =	vld.idx.msk [tilespmem:v21+s13+$0x0], $0xffff  }
0x591: {  	v17 =	vadd.f32 v19, v17;
	v21 =	vadd.s32 $0xF, v4;
	[tilespmem:s10+$0x100] =	vst v5;
	v5 =	vld.idx.msk [tilespmem:v20+s13+$0x0], $0xffff  }
0x592: {  	v19 =	vadd.s32 $0xF, v3;
	v12 =	vld.idx.msk [tilespmem:v12+s13+$0x0], $0xffff  }
0x593: {  	v9 =	vadd.f32 v9, v17;
	v15 =	vld.idx.msk [tilespmem:v15+s13+$0x0], $0xffff;
	v10 =	vadd.f32 v14, v10;
	v14 =	vadd.s32 $0x14, v2  }
0x594: {  	s11 =	sor.u32 s28, s5;
	v17 =	vld.idx.msk [tilespmem:v18+s13+$0x0], $0xffff;
	v18 =	vadd.s32 $0x14, v1  }
0x595: {  	s4 =	sadd.s32 $0x14680, s26;
	v20 =	vadd.s32 $0xF, v6;
	[tilespmem:s11+$0x0] =	vst v9;
	v9 =	vld.idx.msk [tilespmem:v13+s13+$0x0], $0xffff;
	v10 =	vadd.f32 v11, v10  }
0x596: {  	s12 =	sor.u32 s25, s4;
	v11 =	vadd.s32 $0x14, v0;
	v13 =	vld.idx.msk [tilespmem:v21+s13+$0x0], $0xffff  }
0x597: {  	v21 =	vadd.s32 $0x3, v27;
	v5 =	vadd.f32 v5, v16;
	[tilespmem:s12+$0x0] =	vst v10;
	v10 =	vld.idx.msk [tilespmem:v19+s13+$0x0], $0xffff  }
0x598: {  	v14 =	vld.idx.msk [tilespmem:v14+s13+$0x0], $0xffff;
	v12 =	vadd.f32 v15, v12;
	v15 =	vadd.s32 $0x4, v8  }
0x599: {  	v16 =	vld.idx.msk [tilespmem:v18+s13+$0x0], $0xffff;
	v18 =	vadd.s32 $0x4, v25;
	v5 =	vadd.f32 v17, v5  }
0x59a: {  	v19 =	vld.idx.msk [tilespmem:v20+s13+$0x0], $0xffff;
	v17 =	vadd.s32 $0x3, v7;
	v9 =	vadd.f32 v9, v12  }
0x59b: {  	v11 =	vld.idx.msk [tilespmem:v11+s13+$0x0], $0xffff;
	v12 =	vadd.s32 $0x4, v23;
	[tilespmem:s23+$0x100] =	vst v5  }
0x59c: {  	v5 =	vadd.s32 $0x3, v26;
	[tilespmem:s10+$0x180] =	vst v9;
	v9 =	vld.idx.msk [tilespmem:v21+s13+$0x0], $0xffff  }
0x59d: {  	v20 =	vadd.s32 $0x10, v4;
	v10 =	vadd.f32 v10, v13;
	v13 =	vld.idx.msk [tilespmem:v15+s13+$0x0], $0xffff  }
0x59e: {  	v15 =	vld.idx.msk [tilespmem:v18+s13+$0x0], $0xffff;
	v14 =	vadd.f32 v16, v14;
	v16 =	vadd.s32 $0x15, v2  }
0x59f: {  	v18 =	vadd.s32 $0x15, v1;
	v17 =	vld.idx.msk [tilespmem:v17+s13+$0x0], $0xffff;
	v10 =	vadd.f32 v19, v10  }
0x5a0: {  	s14 =	sor.u32 s28, s15;
	s6 =	sadd.s32 $0x14700, s26;
	v19 =	vadd.s32 $0x10, v3;
	v12 =	vld.idx.msk [tilespmem:v12+s13+$0x0], $0xffff;
	v11 =	vadd.f32 v11, v14  }
0x5a1: {  	s15 =	sor.u32 s25, s6;
	v14 =	vadd.s32 $0x15, v0;
	v5 =	vld.idx.msk [tilespmem:v5+s13+$0x0], $0xffff;
	[tilespmem:s14+$0x0] =	vst v10  }
0x5a2: {  	v10 =	vadd.s32 $0x10, v6;
	[tilespmem:s15+$0x0] =	vst v11;
	v11 =	vld.idx.msk [tilespmem:v20+s13+$0x0], $0xffff  }
0x5a3: {  	v16 =	vld.idx.msk [tilespmem:v16+s13+$0x0], $0xffff;
	v13 =	vadd.f32 v15, v13;
	v15 =	vadd.s32 $0x5, v8  }
0x5a4: {  	v20 =	vadd.s32 $0x5, v25;
	v18 =	vld.idx.msk [tilespmem:v18+s13+$0x0], $0xffff  }
0x5a5: {  	v21 =	vadd.s32 $0x4, v27;
	v9 =	vadd.f32 v17, v9;
	v17 =	vld.idx.msk [tilespmem:v19+s13+$0x0], $0xffff;
	v12 =	vadd.f32 v12, v13  }
0x5a6: {  	v13 =	vld.idx.msk [tilespmem:v14+s13+$0x0], $0xffff;
	v14 =	vadd.s32 $0x5, v23  }
0x5a7: {  	v19 =	vadd.s32 $0x4, v7;
	v5 =	vadd.f32 v5, v9;
	v9 =	vld.idx.msk [tilespmem:v10+s13+$0x0], $0xffff;
	[tilespmem:s10+$0x200] =	vst v12  }
0x5a8: {  	v10 =	vadd.s32 $0x4, v26;
	v12 =	vld.idx.msk [tilespmem:v15+s13+$0x0], $0xffff  }
0x5a9: {  	[tilespmem:s23+$0x180] =	vst v5;
	v5 =	vld.idx.msk [tilespmem:v20+s13+$0x0], $0xffff;
	v15 =	vadd.f32 v18, v16;
	v16 =	vadd.s32 $0x16, v2  }
0x5aa: {  	v20 =	vadd.s32 $0x16, v1;
	v18 =	vld.idx.msk [tilespmem:v21+s13+$0x0], $0xffff  }
0x5ab: {  	s5 =	sadd.s32 $0x14780, s26;
	v21 =	vadd.s32 $0x11, v4;
	v11 =	vadd.f32 v17, v11;
	v14 =	vld.idx.msk [tilespmem:v14+s13+$0x0], $0xffff;
	v13 =	vadd.f32 v13, v15  }
0x5ac: {  	s16 =	sor.u32 s25, s5;
	v17 =	vadd.s32 $0x16, v0;
	v15 =	vld.idx.msk [tilespmem:v19+s13+$0x0], $0xffff  }
0x5ad: {  	v19 =	vadd.s32 $0x11, v3;
	v9 =	vadd.f32 v9, v11;
	v10 =	vld.idx.msk [tilespmem:v10+s13+$0x0], $0xffff;
	[tilespmem:s16+$0x0] =	vst v13  }
0x5ae: {  	s17 =	sor.u32 s28, s17;
	v11 =	vadd.s32 $0x11, v6;
	v13 =	vld.idx.msk [tilespmem:v16+s13+$0x0], $0xffff  }
0x5af: {  	[tilespmem:s17+$0x0] =	vst v9;
	v5 =	vadd.f32 v5, v12;
	v9 =	vadd.s32 $0x6, v8;
	v12 =	vld.idx.msk [tilespmem:v20+s13+$0x0], $0xffff  }
0x5b0: {  	v16 =	vadd.s32 $0x6, v25;
	v20 =	vld.idx.msk [tilespmem:v21+s13+$0x0], $0xffff  }
0x5b1: {  	v5 =	vadd.f32 v14, v5;
	v14 =	vld.idx.msk [tilespmem:v17+s13+$0x0], $0xffff;
	v17 =	vadd.s32 $0x6, v23  }
0x5b2: {  	v21 =	vadd.s32 $0x5, v27;
	v15 =	vadd.f32 v15, v18;
	v18 =	vld.idx.msk [tilespmem:v19+s13+$0x0], $0xffff  }
0x5b3: {  	v19 =	vadd.s32 $0x5, v7;
	[tilespmem:s10+$0x280] =	vst v5;
	v5 =	vld.idx.msk [tilespmem:v11+s13+$0x0], $0xffff  }
0x5b4: {  	v10 =	vadd.f32 v10, v15;
	v9 =	vld.idx.msk [tilespmem:v9+s13+$0x0], $0xffff;
	v11 =	vadd.f32 v12, v13;
	v12 =	vadd.s32 $0x17, v2  }
0x5b5: {  	v15 =	vadd.s32 $0x17, v1;
	v13 =	vld.idx.msk [tilespmem:v16+s13+$0x0], $0xffff  }
0x5b6: {  	s3 =	sadd.s32 $0x14800, s26;
	v16 =	vadd.s32 $0x5, v26;
	[tilespmem:s23+$0x200] =	vst v10;
	v10 =	vld.idx.msk [tilespmem:v17+s13+$0x0], $0xffff;
	v11 =	vadd.f32 v14, v11  }
0x5b7: {  	s18 =	sor.u32 s25, s3;
	v14 =	vld.idx.msk [tilespmem:v21+s13+$0x0], $0xffff;
	v17 =	vadd.s32 $0x17, v0  }
0x5b8: {  	v21 =	vadd.s32 $0x12, v4;
	v18 =	vadd.f32 v18, v20;
	v19 =	vld.idx.msk [tilespmem:v19+s13+$0x0], $0xffff;
	[tilespmem:s18+$0x0] =	vst v11  }
0x5b9: {  	s19 =	simm.s32 $0x1;
	v11 =	vadd.s32 $0x12, v3;
	v12 =	vld.idx.msk [tilespmem:v12+s13+$0x0], $0xffff  }
0x5ba: {  	s2 =	sand.u32 $0x3, s19;
	v5 =	vadd.f32 v5, v18;
	v9 =	vadd.f32 v13, v9;
	v13 =	vadd.s32 $0x7, v8;
	v15 =	vld.idx.msk [tilespmem:v15+s13+$0x0], $0xffff  }
0x5bb: {  	s9 =	sor.u32 s28, s9;
	s2 =	sshll.u32 s2, $0x5;
	v18 =	vadd.s32 $0x7, v25;
	v16 =	vld.idx.msk [tilespmem:v16+s13+$0x0], $0xffff  }
0x5bc: {  	s2 =	sadd.s32 $0x100, s2;
	v20 =	vadd.s32 $0x12, v6;
	[tilespmem:s9+$0x0] =	vst v5;
	v5 =	vadd.f32 v10, v9;
	v9 =	vld.idx.msk [tilespmem:v17+s13+$0x0], $0xffff  }
0x5bd: {  	s20 =	sor.u32 $0x300, s2;
	v10 =	vadd.s32 $0x7, v23;
	v17 =	vld.idx.msk [tilespmem:v21+s13+$0x0], $0xffff  }
0x5be: {  	v21 =	vadd.s32 $0x6, v27;
	[tilespmem:s20+$0xD500] =	vst v5;
	v5 =	vadd.f32 v19, v14;
	v11 =	vld.idx.msk [tilespmem:v11+s13+$0x0], $0xffff  }
0x5bf: {  	v14 =	vadd.s32 $0x18, v2;
	v13 =	vld.idx.msk [tilespmem:v13+s13+$0x0], $0xffff;
	v12 =	vadd.f32 v15, v12  }
0x5c0: {  	v15 =	vld.idx.msk [tilespmem:v18+s13+$0x0], $0xffff;
	v18 =	vadd.s32 $0x6, v7;
	v5 =	vadd.f32 v16, v5  }
0x5c1: {  	s9 =	sadd.s32 $0x14880, s26;
	v19 =	vld.idx.msk [tilespmem:v20+s13+$0x0], $0xffff;
	v16 =	vadd.s32 $0x18, v1;
	v9 =	vadd.f32 v9, v12  }
0x5c2: {  	s21 =	sor.u32 s25, s9;
	v10 =	vld.idx.msk [tilespmem:v10+s13+$0x0], $0xffff;
	v12 =	vadd.s32 $0x6, v26;
	[tilespmem:s23+$0x280] =	vst v5  }
0x5c3: {  	v5 =	vadd.s32 $0x18, v0;
	v20 =	vld.idx.msk [tilespmem:v21+s13+$0x0], $0xffff;
	[tilespmem:s21+$0x0] =	vst v9  }
0x5c4: {  	v9 =	vadd.s32 $0x13, v4;
	v11 =	vadd.f32 v11, v17;
	v14 =	vld.idx.msk [tilespmem:v14+s13+$0x0], $0xffff  }
0x5c5: {  	v13 =	vadd.f32 v15, v13;
	v15 =	vadd.s32 $0x8, v8;
	v18 =	vld.idx.msk [tilespmem:v18+s13+$0x0], $0xffff  }
0x5c6: {  	v17 =	vadd.s32 $0x8, v25;
	v16 =	vld.idx.msk [tilespmem:v16+s13+$0x0], $0xffff;
	v11 =	vadd.f32 v19, v11  }
0x5c7: {  	s22 =	sor.u32 s28, s8;
	v19 =	vadd.s32 $0x13, v3;
	v10 =	vadd.f32 v10, v13;
	v12 =	vld.idx.msk [tilespmem:v12+s13+$0x0], $0xffff  }
0x5c8: {  	s2 =	sor.u32 $0x380, s2;
	v13 =	vadd.s32 $0x8, v23;
	v5 =	vld.idx.msk [tilespmem:v5+s13+$0x0], $0xffff;
	[tilespmem:s22+$0x0] =	vst v11  }
0x5c9: {  	s23 =	simm.s32 $0x2;
	v11 =	vadd.s32 $0x13, v6;
	[tilespmem:s2+$0xD500] =	vst v10;
	v9 =	vld.idx.msk [tilespmem:v9+s13+$0x0], $0xffff  }
0x5ca: {  	v21 =	vadd.s32 $0x7, v27;
	s2 =	sand.u32 $0x7, s23;
	v10 =	vld.idx.msk [tilespmem:v15+s13+$0x0], $0xffff;
	v18 =	vadd.f32 v18, v20  }
0x5cb: {  	v15 =	vadd.s32 $0x19, v2;
	s2 =	sshll.u32 s2, $0x4;
	v14 =	vadd.f32 v16, v14;
	v16 =	vld.idx.msk [tilespmem:v17+s13+$0x0], $0xffff  }
0x5cc: {  	v17 =	vadd.s32 $0x19, v1;
	v19 =	vld.idx.msk [tilespmem:v19+s13+$0x0], $0xffff;
	s2 =	sadd.s32 $0x110, s2;
	v12 =	vadd.f32 v12, v18  }
0x5cd: {  	s8 =	sadd.s32 $0x17D00, s26;
	v20 =	vadd.s32 $0x7, v7;
	v13 =	vld.idx.msk [tilespmem:v13+s13+$0x0], $0xffff;
	s10 =	sor.u32 $0x300, s2;
	v5 =	vadd.f32 v5, v14  }
0x5ce: {  	s24 =	sor.u32 s25, s8;
	v14 =	vadd.s32 $0x19, v0;
	v11 =	vld.idx.msk [tilespmem:v11+s13+$0x0], $0xffff;
	[tilespmem:s10+$0xD500] =	vst v12  }
0x5cf: {  	[tilespmem:s24+$0x0] =	vst v5;
	v5 =	vadd.s32 $0x7, v26;
	v18 =	vld.idx.msk [tilespmem:v21+s13+$0x0], $0xffff  }
0x5d0: {  	v12 =	vadd.s32 $0x9, v8;
	v15 =	vld.idx.msk [tilespmem:v15+s13+$0x0], $0xffff;
	v10 =	vadd.f32 v16, v10  }
0x5d1: {  	v16 =	vld.idx.msk [tilespmem:v17+s13+$0x0], $0xffff;
	v17 =	vadd.s32 $0x9, v25  }
0x5d2: {  	s11 =	sadd.s32 $0x10D00, s0;
	v21 =	vadd.s32 $0x14, v4;
	v9 =	vadd.f32 v19, v9;
	v19 =	vld.idx.msk [tilespmem:v20+s13+$0x0], $0xffff;
	v10 =	vadd.f32 v13, v10  }
0x5d3: {  	s12 =	sor.u32 s31, s11;
	v13 =	vld.idx.msk [tilespmem:v14+s13+$0x0], $0xffff;
	v14 =	vadd.s32 $0x9, v23  }
0x5d4: {  	v20 =	vadd.s32 $0x14, v3;
	v9 =	vadd.f32 v11, v9;
	[tilespmem:s12+$0x0] =	vst v10;
	v5 =	vld.idx.msk [tilespmem:v5+s13+$0x0], $0xffff  }
0x5d5: {  	s4 =	sor.u32 s28, s4;
	v10 =	vadd.s32 $0x14, v6;
	v11 =	vld.idx.msk [tilespmem:v12+s13+$0x0], $0xffff  }
0x5d6: {  	[tilespmem:s4+$0x0] =	vst v9;
	v9 =	vld.idx.msk [tilespmem:v17+s13+$0x0], $0xffff;
	v12 =	vadd.f32 v16, v15;
	v15 =	vadd.s32 $0x1A, v2  }
0x5d7: {  	v16 =	vadd.s32 $0x1A, v1;
	v17 =	vld.idx.msk [tilespmem:v21+s13+$0x0], $0xffff  }
0x5d8: {  	s4 =	sadd.s32 $0x17D80, s26;
	v14 =	vld.idx.msk [tilespmem:v14+s13+$0x0], $0xffff;
	v12 =	vadd.f32 v13, v12;
	v13 =	vadd.s32 $0x1A, v0  }
0x5d9: {  	v21 =	vadd.s32 $0x8, v27;
	v18 =	vadd.f32 v19, v18;
	s14 =	sor.u32 s25, s4;
	v19 =	vld.idx.msk [tilespmem:v20+s13+$0x0], $0xffff  }
0x5da: {  	v20 =	vadd.s32 $0x8, v7;
	[tilespmem:s14+$0x0] =	vst v12;
	v10 =	vld.idx.msk [tilespmem:v10+s13+$0x0], $0xffff  }
0x5db: {  	v5 =	vadd.f32 v5, v18;
	v12 =	vld.idx.msk [tilespmem:v15+s13+$0x0], $0xffff;
	v9 =	vadd.f32 v9, v11;
	v11 =	vadd.s32 $0xA, v8  }
0x5dc: {  	s2 =	sor.u32 $0x380, s2;
	v15 =	vld.idx.msk [tilespmem:v16+s13+$0x0], $0xffff;
	v16 =	vadd.s32 $0xA, v25  }
0x5dd: {  	s15 =	sadd.s32 $0x10D80, s0;
	v18 =	vadd.s32 $0x8, v26;
	[tilespmem:s2+$0xD500] =	vst v5;
	v5 =	vadd.f32 v14, v9;
	v9 =	vld.idx.msk [tilespmem:v13+s13+$0x0], $0xffff  }
0x5de: {  	s16 =	sor.u32 s31, s15;
	v13 =	vadd.s32 $0xA, v23;
	v14 =	vld.idx.msk [tilespmem:v21+s13+$0x0], $0xffff  }
0x5df: {  	v17 =	vadd.f32 v19, v17;
	v21 =	vadd.s32 $0x15, v4;
	[tilespmem:s16+$0x0] =	vst v5;
	v5 =	vld.idx.msk [tilespmem:v20+s13+$0x0], $0xffff  }
0x5e0: {  	v19 =	vadd.s32 $0x15, v3;
	v11 =	vld.idx.msk [tilespmem:v11+s13+$0x0], $0xffff  }
0x5e1: {  	v10 =	vadd.f32 v10, v17;
	v16 =	vld.idx.msk [tilespmem:v16+s13+$0x0], $0xffff;
	v12 =	vadd.f32 v15, v12;
	v15 =	vadd.s32 $0x1B, v2  }
0x5e2: {  	s6 =	sor.u32 s28, s6;
	v17 =	vld.idx.msk [tilespmem:v18+s13+$0x0], $0xffff;
	v18 =	vadd.s32 $0x1B, v1  }
0x5e3: {  	s7 =	sadd.s32 $0x17E00, s26;
	v20 =	vadd.s32 $0x15, v6;
	[tilespmem:s6+$0x0] =	vst v10;
	v10 =	vld.idx.msk [tilespmem:v13+s13+$0x0], $0xffff;
	v9 =	vadd.f32 v9, v12  }
0x5e4: {  	s17 =	sor.u32 s25, s7;
	v12 =	vadd.s32 $0x1B, v0;
	v13 =	vld.idx.msk [tilespmem:v21+s13+$0x0], $0xffff  }
0x5e5: {  	v21 =	vadd.s32 $0x9, v27;
	v5 =	vadd.f32 v5, v14;
	[tilespmem:s17+$0x0] =	vst v9;
	v9 =	vld.idx.msk [tilespmem:v19+s13+$0x0], $0xffff  }
0x5e6: {  	v14 =	vld.idx.msk [tilespmem:v15+s13+$0x0], $0xffff;
	v11 =	vadd.f32 v16, v11;
	v15 =	vadd.s32 $0xB, v8  }
0x5e7: {  	v16 =	vld.idx.msk [tilespmem:v18+s13+$0x0], $0xffff;
	v18 =	vadd.s32 $0xB, v25;
	v5 =	vadd.f32 v17, v5  }
0x5e8: {  	s19 =	sadd.s32 $0x10E00, s0;
	s18 =	sor.u32 s1, s11;
	v19 =	vld.idx.msk [tilespmem:v20+s13+$0x0], $0xffff;
	v17 =	vadd.s32 $0x9, v7;
	v10 =	vadd.f32 v10, v11  }
0x5e9: {  	s20 =	sor.u32 s31, s19;
	v11 =	vld.idx.msk [tilespmem:v12+s13+$0x0], $0xffff;
	v12 =	vadd.s32 $0xB, v23;
	[tilespmem:s18+$0x0] =	vst v5  }
0x5ea: {  	v5 =	vadd.s32 $0x9, v26;
	[tilespmem:s20+$0x0] =	vst v10;
	v10 =	vld.idx.msk [tilespmem:v21+s13+$0x0], $0xffff  }
0x5eb: {  	v20 =	vadd.s32 $0x16, v4;
	v9 =	vadd.f32 v9, v13;
	v13 =	vld.idx.msk [tilespmem:v15+s13+$0x0], $0xffff  }
0x5ec: {  	v15 =	vld.idx.msk [tilespmem:v18+s13+$0x0], $0xffff;
	v14 =	vadd.f32 v16, v14;
	v16 =	vadd.s32 $0x1C, v2  }
0x5ed: {  	v18 =	vadd.s32 $0x1C, v1;
	v17 =	vld.idx.msk [tilespmem:v17+s13+$0x0], $0xffff;
	v9 =	vadd.f32 v19, v9  }
0x5ee: {  	s5 =	sor.u32 s28, s5;
	s6 =	sadd.s32 $0x17E80, s26;
	v19 =	vadd.s32 $0x16, v3;
	v12 =	vld.idx.msk [tilespmem:v12+s13+$0x0], $0xffff;
	v11 =	vadd.f32 v11, v14  }
0x5ef: {  	s21 =	sor.u32 s25, s6;
	v14 =	vadd.s32 $0x1C, v0;
	v5 =	vld.idx.msk [tilespmem:v5+s13+$0x0], $0xffff;
	[tilespmem:s5+$0x0] =	vst v9  }
0x5f0: {  	v9 =	vadd.s32 $0x16, v6;
	[tilespmem:s21+$0x0] =	vst v11;
	v11 =	vld.idx.msk [tilespmem:v20+s13+$0x0], $0xffff  }
0x5f1: {  	v16 =	vld.idx.msk [tilespmem:v16+s13+$0x0], $0xffff;
	v13 =	vadd.f32 v15, v13;
	v15 =	vadd.s32 $0xC, v8  }
0x5f2: {  	v20 =	vadd.s32 $0xC, v25;
	v18 =	vld.idx.msk [tilespmem:v18+s13+$0x0], $0xffff  }
0x5f3: {  	s22 =	sadd.s32 $0x10E80, s0;
	v21 =	vadd.s32 $0xA, v27;
	v10 =	vadd.f32 v17, v10;
	v17 =	vld.idx.msk [tilespmem:v19+s13+$0x0], $0xffff;
	v12 =	vadd.f32 v12, v13  }
0x5f4: {  	s23 =	sor.u32 s31, s22;
	v13 =	vld.idx.msk [tilespmem:v14+s13+$0x0], $0xffff;
	v14 =	vadd.s32 $0xC, v23  }
0x5f5: {  	v19 =	vadd.s32 $0xA, v7;
	v5 =	vadd.f32 v5, v10;
	v9 =	vld.idx.msk [tilespmem:v9+s13+$0x0], $0xffff;
	[tilespmem:s23+$0x0] =	vst v12  }
0x5f6: {  	s2 =	sor.u32 s1, s15;
	v10 =	vadd.s32 $0xA, v26;
	v12 =	vld.idx.msk [tilespmem:v15+s13+$0x0], $0xffff  }
0x5f7: {  	[tilespmem:s2+$0x0] =	vst v5;
	v5 =	vld.idx.msk [tilespmem:v20+s13+$0x0], $0xffff;
	v15 =	vadd.f32 v18, v16;
	v16 =	vadd.s32 $0x1D, v2  }
0x5f8: {  	v20 =	vadd.s32 $0x1D, v1;
	v18 =	vld.idx.msk [tilespmem:v21+s13+$0x0], $0xffff  }
0x5f9: {  	s5 =	sadd.s32 $0x17F00, s26;
	v21 =	vadd.s32 $0x17, v4;
	v11 =	vadd.f32 v17, v11;
	v14 =	vld.idx.msk [tilespmem:v14+s13+$0x0], $0xffff;
	v13 =	vadd.f32 v13, v15  }
0x5fa: {  	s24 =	sor.u32 s25, s5;
	v17 =	vadd.s32 $0x1D, v0;
	v15 =	vld.idx.msk [tilespmem:v19+s13+$0x0], $0xffff  }
0x5fb: {  	v19 =	vadd.s32 $0x17, v3;
	v9 =	vadd.f32 v9, v11;
	v10 =	vld.idx.msk [tilespmem:v10+s13+$0x0], $0xffff;
	[tilespmem:s24+$0x0] =	vst v13  }
0x5fc: {  	s12 =	sor.u32 s28, s3;
	v11 =	vld.idx.msk [tilespmem:v16+s13+$0x0], $0xffff;
	v5 =	vadd.f32 v5, v12;
	v12 =	vadd.s32 $0xD, v8  }
0x5fd: {  	v13 =	vadd.s32 $0xD, v25;
	[tilespmem:s12+$0x0] =	vst v9;
	v9 =	vld.idx.msk [tilespmem:v20+s13+$0x0], $0xffff  }
0x5fe: {  	s14 =	sadd.s32 $0x10F00, s0;
	v16 =	vadd.s32 $0x17, v6;
	v20 =	vld.idx.msk [tilespmem:v21+s13+$0x0], $0xffff;
	v5 =	vadd.f32 v14, v5  }
0x5ff: {  	s15 =	sor.u32 s31, s14;
	v14 =	vld.idx.msk [tilespmem:v17+s13+$0x0], $0xffff;
	v17 =	vadd.s32 $0xD, v23  }
0x600: {  	v21 =	vadd.s32 $0xB, v27;
	v15 =	vadd.f32 v15, v18;
	v18 =	vld.idx.msk [tilespmem:v19+s13+$0x0], $0xffff;
	[tilespmem:s15+$0x0] =	vst v5  }
0x601: {  	v5 =	vadd.s32 $0xB, v7;
	v12 =	vld.idx.msk [tilespmem:v12+s13+$0x0], $0xffff  }
0x602: {  	v10 =	vadd.f32 v10, v15;
	v13 =	vld.idx.msk [tilespmem:v13+s13+$0x0], $0xffff;
	v9 =	vadd.f32 v9, v11;
	v11 =	vadd.s32 $0x1E, v2  }
0x603: {  	s16 =	sor.u32 s1, s19;
	v15 =	vld.idx.msk [tilespmem:v16+s13+$0x0], $0xffff;
	v16 =	vadd.s32 $0x1E, v1  }
0x604: {  	s3 =	sadd.s32 $0x17F80, s26;
	v19 =	vadd.s32 $0xB, v26;
	[tilespmem:s16+$0x0] =	vst v10;
	v10 =	vld.idx.msk [tilespmem:v17+s13+$0x0], $0xffff;
	v9 =	vadd.f32 v14, v9  }
0x605: {  	s17 =	sor.u32 s25, s3;
	v14 =	vld.idx.msk [tilespmem:v21+s13+$0x0], $0xffff;
	v17 =	vadd.s32 $0x1E, v0  }
0x606: {  	v21 =	vadd.s32 $0x18, v4;
	v18 =	vadd.f32 v18, v20;
	v5 =	vld.idx.msk [tilespmem:v5+s13+$0x0], $0xffff;
	[tilespmem:s17+$0x0] =	vst v9  }
0x607: {  	v9 =	vld.idx.msk [tilespmem:v11+s13+$0x0], $0xffff;
	v11 =	vadd.f32 v13, v12;
	v12 =	vadd.s32 $0xE, v8  }
0x608: {  	v13 =	vadd.f32 v15, v18;
	v15 =	vld.idx.msk [tilespmem:v16+s13+$0x0], $0xffff;
	v16 =	vadd.s32 $0xE, v25  }
0x609: {  	s11 =	sadd.s32 $0x10F80, s0;
	s9 =	sor.u32 s28, s9;
	v19 =	vld.idx.msk [tilespmem:v19+s13+$0x0], $0xffff;
	v18 =	vadd.s32 $0x18, v3;
	v10 =	vadd.f32 v10, v11  }
0x60a: {  	s18 =	sor.u32 s31, s11;
	[tilespmem:s9+$0x0] =	vst v13;
	v11 =	vld.idx.msk [tilespmem:v17+s13+$0x0], $0xffff;
	v13 =	vadd.s32 $0xE, v23  }
0x60b: {  	v17 =	vadd.s32 $0x18, v6;
	v20 =	vld.idx.msk [tilespmem:v21+s13+$0x0], $0xffff;
	[tilespmem:s18+$0x0] =	vst v10  }
0x60c: {  	v10 =	vadd.s32 $0xC, v27;
	v5 =	vadd.f32 v5, v14;
	v12 =	vld.idx.msk [tilespmem:v12+s13+$0x0], $0xffff  }
0x60d: {  	v2 =	vadd.s32 $0x1F, v2;
	v14 =	vld.idx.msk [tilespmem:v16+s13+$0x0], $0xffff;
	v9 =	vadd.f32 v15, v9  }
0x60e: {  	v15 =	vadd.s32 $0xC, v7;
	v16 =	vld.idx.msk [tilespmem:v18+s13+$0x0], $0xffff;
	v5 =	vadd.f32 v19, v5  }
0x60f: {  	s19 =	sor.u32 s1, s22;
	s15 =	sor.u32 $0x18000, s26;
	v1 =	vadd.s32 $0x1F, v1;
	v13 =	vld.idx.msk [tilespmem:v13+s13+$0x0], $0xffff;
	v9 =	vadd.f32 v11, v9  }
0x610: {  	s20 =	sor.u32 s25, s15;
	v11 =	vadd.s32 $0xC, v26;
	v17 =	vld.idx.msk [tilespmem:v17+s13+$0x0], $0xffff;
	[tilespmem:s19+$0x0] =	vst v5  }
0x611: {  	v0 =	vadd.s32 $0x1F, v0;
	v5 =	vld.idx.msk [tilespmem:v10+s13+$0x0], $0xffff;
	[tilespmem:s20+$0x0] =	vst v9  }
0x612: {  	v9 =	vadd.s32 $0xF, v8;
	v10 =	vld.idx.msk [tilespmem:v2+s13+$0x0], $0xffff;
	v2 =	vadd.f32 v14, v12  }
0x613: {  	v14 =	vadd.s32 $0xF, v25;
	v15 =	vld.idx.msk [tilespmem:v15+s13+$0x0], $0xffff  }
0x614: {  	s10 =	sadd.s32 $0x11000, s0;
	v18 =	vadd.s32 $0x19, v4;
	v16 =	vadd.f32 v16, v20;
	v12 =	vld.idx.msk [tilespmem:v1+s13+$0x0], $0xffff;
	v1 =	vadd.f32 v13, v2  }
0x615: {  	s21 =	sor.u32 s31, s10;
	v2 =	vadd.s32 $0xF, v23;
	v13 =	vld.idx.msk [tilespmem:v11+s13+$0x0], $0xffff  }
0x616: {  	v19 =	vadd.s32 $0x19, v3;
	v16 =	vadd.f32 v17, v16;
	v11 =	vld.idx.msk [tilespmem:v0+s13+$0x0], $0xffff;
	[tilespmem:s21+$0x0] =	vst v1  }
0x617: {  	s8 =	sor.u32 s28, s8;
	v0 =	vadd.s32 $0x19, v6;
	v1 =	vld.idx.msk [tilespmem:v9+s13+$0x0], $0xffff  }
0x618: {  	[tilespmem:s8+$0x0] =	vst v16;
	v9 =	vadd.s32 $0xD, v27;
	v14 =	vld.idx.msk [tilespmem:v14+s13+$0x0], $0xffff;
	v5 =	vadd.f32 v15, v5  }
0x619: {  	v15 =	vadd.s32 $0xD, v7;
	v16 =	vld.idx.msk [tilespmem:v18+s13+$0x0], $0xffff  }
0x61a: {  	v2 =	vld.idx.msk [tilespmem:v2+s13+$0x0], $0xffff;
	v5 =	vadd.f32 v13, v5  }
0x61b: {  	s2 =	sor.u32 s1, s14;
	v13 =	vld.idx.msk [tilespmem:v19+s13+$0x0], $0xffff  }
0x61c: {  	v17 =	vld.idx.msk [tilespmem:v0+s13+$0x0], $0xffff;
	[tilespmem:s2+$0x0] =	vst v5  }
0x61d: {  	v5 =	vadd.s32 $0x10, v8;
	v0 =	vadd.f32 v14, v1;
	v14 =	vld.idx.msk [tilespmem:v9+s13+$0x0], $0xffff  }
0x61e: {  	s22 =	simm.s32 $0x40;
	s23 =	simm.s32 $0x40;
	v9 =	vadd.s32 $0x10, v25;
	v15 =	vld.idx.msk [tilespmem:v15+s13+$0x0], $0xffff  }
0x61f: {  	s24 =	sand.u32 $0x7E0, s22;
	s8 =	sadd.s32 $0x11080, s0;
	v1 =	vld [tilespmem:s23+$0x0];
	v18 =	vadd.f32 v2, v0  }
0x620: {  	s12 =	sor.u32 s31, s8;
	v19 =	vadd.s32 $0x10, v23;
	v0 =	vld [tilespmem:s24+$0xE00]  }
0x621: {  	v2 =	vld [tilespmem:s24+$0x700];
	[tilespmem:s12+$0x0] =	vst v18  }
0x622: {  	v18 =	vld.idx.msk [tilespmem:v5+s13+$0x0], $0xffff  }
0x623: {  	v20 =	vld.idx.msk [tilespmem:v9+s13+$0x0], $0xffff  }
0x624: {  	v9 =	vld [tilespmem:s23+$0x10]  }
0x625: {  	v21 =	vadd.s32 $0xD, v26;
	v22 =	vld.idx.msk [tilespmem:v19+s13+$0x0], $0xffff  }
0x626: {  	v5 =	vld [tilespmem:s23+$0x710]  }
0x627: {  	v19 =	vld [tilespmem:s23+$0xE10]  }
0x628: {  	v24 =	vld.idx.msk [tilespmem:v1+s13+$0x0], $0xffff;
	v18 =	vadd.f32 v20, v18;
	v20 =	vadd.s32 $0x11, v8  }
0x629: {  	v29 =	vadd.s32 $0x11, v25;
	v28 =	vld.idx.msk [tilespmem:v2+s13+$0x0], $0xffff  }
0x62a: {  	s9 =	sadd.s32 $0x14500, s0;
	v21 =	vld.idx.msk [tilespmem:v21+s13+$0x0], $0xffff;
	v18 =	vadd.f32 v22, v18  }
0x62b: {  	v30 =	vadd.s32 $0x11, v23;
	s14 =	sor.u32 s31, s9;
	v22 =	vld.idx.msk [tilespmem:v0+s13+$0x0], $0xffff  }
0x62c: {  	v13 =	vadd.f32 v13, v16;
	v16 =	vld.idx.msk [tilespmem:v9+s13+$0x0], $0xffff;
	[tilespmem:s14+$0x0] =	vst v18  }
0x62d: {  	v31 =	vadd.s32 $0x1A, v4;
	v18 =	vld.idx.msk [tilespmem:v20+s13+$0x0], $0xffff  }
0x62e: {  	s24 =	simm.s32 $0x200;
	v13 =	vadd.f32 v17, v13;
	v17 =	vadd.f32 v28, v24;
	v20 =	vadd.s32 $0x1, v1;
	v24 =	vld.idx.msk [tilespmem:v29+s13+$0x0], $0xffff  }
0x62f: {  	s4 =	sor.u32 s28, s4;
	s20 =	sand.u32 $0x3C00, s24;
	v28 =	vadd.s32 $0x1, v2;
	v29 =	vld.idx.msk [tilespmem:v5+s13+$0x0], $0xffff  }
0x630: {  	v48 =	vadd.s32 $0x1A, v3;
	s21 =	sand.u32 $0x60, s22;
	s16 =	sadd.s32 $0xD500, s20;
	[tilespmem:s4+$0x0] =	vst v13;
	v13 =	vadd.f32 v22, v17;
	v17 =	vld.idx.msk [tilespmem:v30+s13+$0x0], $0xffff  }
0x631: {  	s17 =	sor.u32 s21, s16;
	v49 =	vld.idx.msk [tilespmem:v19+s13+$0x0], $0xffff;
	v30 =	vadd.s32 $0x1, v0  }
0x632: {  	v22 =	vld.idx.msk [tilespmem:v31+s13+$0x0], $0xffff;
	v31 =	vadd.s32 $0x1A, v6;
	[tilespmem:s17+$0x0] =	vst v13  }
0x633: {  	v13 =	vld.idx.msk [tilespmem:v20+s13+$0x0], $0xffff;
	v18 =	vadd.f32 v24, v18;
	v20 =	vadd.s32 $0x12, v8  }
0x634: {  	v24 =	vld.idx.msk [tilespmem:v28+s13+$0x0], $0xffff;
	v28 =	vadd.s32 $0x12, v25  }
0x635: {  	s4 =	sadd.s32 $0x14580, s0;
	v32 =	vld.idx.msk [tilespmem:v48+s13+$0x0], $0xffff;
	v50 =	vadd.s32 $0x1, v9;
	v16 =	vadd.f32 v29, v16;
	v17 =	vadd.f32 v17, v18  }
0x636: {  	s18 =	simm.s32 $0x50;
	s14 =	sor.u32 s31, s4;
	v29 =	vadd.s32 $0x12, v23;
	v18 =	vld.idx.msk [tilespmem:v30+s13+$0x0], $0xffff  }
0x637: {  	s22 =	sand.u32 $0x70, s18;
	v30 =	vadd.s32 $0x1, v5;
	v31 =	vld.idx.msk [tilespmem:v31+s13+$0x0], $0xffff;
	v16 =	vadd.f32 v49, v16;
	[tilespmem:s14+$0x0] =	vst v17  }
0x638: {  	s12 =	sor.u32 s22, s16;
	v17 =	vadd.s32 $0x1, v19;
	v20 =	vld.idx.msk [tilespmem:v20+s13+$0x0], $0xffff  }
0x639: {  	[tilespmem:s12+$0x0] =	vst v16;
	v16 =	vadd.s32 $0x2, v1;
	v13 =	vadd.f32 v24, v13;
	v24 =	vld.idx.msk [tilespmem:v28+s13+$0x0], $0xffff  }
0x63a: {  	v28 =	vadd.s32 $0x2, v2;
	v51 =	vld.idx.msk [tilespmem:v50+s13+$0x0], $0xffff  }
0x63b: {  	v52 =	vadd.s32 $0xE, v27;
	v14 =	vadd.f32 v15, v14;
	v15 =	vld.idx.msk [tilespmem:v29+s13+$0x0], $0xffff;
	v13 =	vadd.f32 v18, v13  }
0x63c: {  	v18 =	vadd.s32 $0x2, v0;
	v29 =	vld.idx.msk [tilespmem:v30+s13+$0x0], $0xffff  }
0x63d: {  	v14 =	vadd.f32 v21, v14;
	v30 =	vadd.s32 $0xE, v7;
	[tilespmem:s17+$0x80] =	vst v13;
	v13 =	vld.idx.msk [tilespmem:v17+s13+$0x0], $0xffff  }
0x63e: {  	s19 =	sor.u32 s1, s11;
	v17 =	vadd.s32 $0xE, v26;
	v16 =	vld.idx.msk [tilespmem:v16+s13+$0x0], $0xffff  }
0x63f: {  	v21 =	vadd.s32 $0x13, v8;
	[tilespmem:s19+$0x0] =	vst v14;
	v14 =	vld.idx.msk [tilespmem:v28+s13+$0x0], $0xffff;
	v20 =	vadd.f32 v24, v20  }
0x640: {  	v24 =	vadd.s32 $0x13, v25;
	v28 =	vld.idx.msk [tilespmem:v52+s13+$0x0], $0xffff  }
0x641: {  	s16 =	sadd.s32 $0x14600, s0;
	v18 =	vld.idx.msk [tilespmem:v18+s13+$0x0], $0xffff;
	v15 =	vadd.f32 v15, v20;
	v20 =	vadd.s32 $0x13, v23  }
0x642: {  	s11 =	sor.u32 s31, s16;
	v53 =	vadd.s32 $0x2, v9;
	v29 =	vadd.f32 v29, v51;
	v30 =	vld.idx.msk [tilespmem:v30+s13+$0x0], $0xffff  }
0x643: {  	v54 =	vadd.s32 $0x2, v5;
	[tilespmem:s11+$0x0] =	vst v15;
	v15 =	vld.idx.msk [tilespmem:v17+s13+$0x0], $0xffff  }
0x644: {  	v13 =	vadd.f32 v13, v29;
	v29 =	vadd.s32 $0x2, v19;
	v17 =	vld.idx.msk [tilespmem:v21+s13+$0x0], $0xffff;
	v14 =	vadd.f32 v14, v16  }
0x645: {  	v16 =	vadd.s32 $0x3, v1;
	v21 =	vld.idx.msk [tilespmem:v24+s13+$0x0], $0xffff  }
0x646: {  	v24 =	vadd.s32 $0x3, v2;
	[tilespmem:s12+$0x80] =	vst v13;
	v13 =	vadd.f32 v18, v14;
	v14 =	vld.idx.msk [tilespmem:v20+s13+$0x0], $0xffff  }
0x647: {  	v18 =	vadd.s32 $0x3, v0;
	v20 =	vld.idx.msk [tilespmem:v53+s13+$0x0], $0xffff;
	v28 =	vadd.f32 v30, v28  }
0x648: {  	v55 =	vadd.s32 $0xF, v27;
	[tilespmem:s17+$0x100] =	vst v13;
	v13 =	vld.idx.msk [tilespmem:v54+s13+$0x0], $0xffff  }
0x649: {  	v30 =	vadd.s32 $0xF, v7;
	v15 =	vadd.f32 v15, v28;
	v28 =	vld.idx.msk [tilespmem:v29+s13+$0x0], $0xffff  }
0x64a: {  	v16 =	vld.idx.msk [tilespmem:v16+s13+$0x0], $0xffff;
	v17 =	vadd.f32 v21, v17;
	v21 =	vadd.s32 $0x14, v8  }
0x64b: {  	s14 =	sor.u32 s1, s10;
	v29 =	vadd.s32 $0x14, v25;
	v24 =	vld.idx.msk [tilespmem:v24+s13+$0x0], $0xffff  }
0x64c: {  	v56 =	vadd.s32 $0xF, v26;
	s11 =	sadd.s32 $0x14680, s0;
	[tilespmem:s14+$0x0] =	vst v15;
	v15 =	vld.idx.msk [tilespmem:v18+s13+$0x0], $0xffff;
	v14 =	vadd.f32 v14, v17  }
0x64d: {  	s18 =	sor.u32 s31, s11;
	v17 =	vadd.s32 $0x14, v23;
	v18 =	vld.idx.msk [tilespmem:v55+s13+$0x0], $0xffff  }
0x64e: {  	v57 =	vadd.s32 $0x1B, v4;
	v22 =	vadd.f32 v32, v22;
	[tilespmem:s18+$0x0] =	vst v14;
	v14 =	vld.idx.msk [tilespmem:v30+s13+$0x0], $0xffff  }
0x64f: {  	v30 =	vadd.s32 $0x3, v9;
	v13 =	vadd.f32 v13, v20;
	v20 =	vld.idx.msk [tilespmem:v21+s13+$0x0], $0xffff  }
0x650: {  	v22 =	vadd.f32 v31, v22;
	v16 =	vadd.f32 v24, v16;
	v21 =	vadd.s32 $0x4, v1;
	v24 =	vld.idx.msk [tilespmem:v29+s13+$0x0], $0xffff  }
0x651: {  	s19 =	sor.u32 s28, s7;
	v29 =	vadd.s32 $0x4, v2;
	v13 =	vadd.f32 v28, v13;
	v28 =	vld.idx.msk [tilespmem:v56+s13+$0x0], $0xffff  }
0x652: {  	v31 =	vadd.s32 $0x3, v5;
	[tilespmem:s19+$0x0] =	vst v22;
	v15 =	vadd.f32 v15, v16;
	v16 =	vld.idx.msk [tilespmem:v17+s13+$0x0], $0xffff  }
0x653: {  	v17 =	vadd.s32 $0x4, v0;
	[tilespmem:s12+$0x100] =	vst v13;
	v13 =	vld.idx.msk [tilespmem:v57+s13+$0x0], $0xffff  }
0x654: {  	v22 =	vadd.s32 $0x3, v19;
	[tilespmem:s17+$0x180] =	vst v15;
	v15 =	vld.idx.msk [tilespmem:v30+s13+$0x0], $0xffff  }
0x655: {  	v30 =	vadd.s32 $0x10, v27;
	v14 =	vadd.f32 v14, v18;
	v18 =	vld.idx.msk [tilespmem:v21+s13+$0x0], $0xffff  }
0x656: {  	v21 =	vld.idx.msk [tilespmem:v29+s13+$0x0], $0xffff;
	v20 =	vadd.f32 v24, v20;
	v24 =	vadd.s32 $0x15, v8  }
0x657: {  	v29 =	vld.idx.msk [tilespmem:v31+s13+$0x0], $0xffff;
	v31 =	vadd.s32 $0x15, v25;
	v14 =	vadd.f32 v28, v14  }
0x658: {  	s7 =	sor.u32 s1, s8;
	s8 =	sadd.s32 $0x14700, s0;
	v28 =	vadd.s32 $0x10, v7;
	v17 =	vld.idx.msk [tilespmem:v17+s13+$0x0], $0xffff;
	v16 =	vadd.f32 v16, v20  }
0x659: {  	s10 =	sor.u32 s31, s8;
	v20 =	vld.idx.msk [tilespmem:v22+s13+$0x0], $0xffff;
	v22 =	vadd.s32 $0x15, v23;
	[tilespmem:s7+$0x0] =	vst v14  }
0x65a: {  	v14 =	vadd.s32 $0x10, v26;
	[tilespmem:s10+$0x0] =	vst v16;
	v16 =	vld.idx.msk [tilespmem:v30+s13+$0x0], $0xffff  }
0x65b: {  	v30 =	vadd.s32 $0x1B, v3;
	v24 =	vld.idx.msk [tilespmem:v24+s13+$0x0], $0xffff  }
0x65c: {  	v18 =	vadd.f32 v21, v18;
	v21 =	vadd.s32 $0x5, v1;
	v31 =	vld.idx.msk [tilespmem:v31+s13+$0x0], $0xffff  }
0x65d: {  	v58 =	vadd.s32 $0x5, v2;
	v28 =	vld.idx.msk [tilespmem:v28+s13+$0x0], $0xffff  }
0x65e: {  	v59 =	vadd.s32 $0x4, v9;
	v15 =	vadd.f32 v29, v15;
	v17 =	vadd.f32 v17, v18;
	v18 =	vld.idx.msk [tilespmem:v22+s13+$0x0], $0xffff  }
0x65f: {  	v22 =	vadd.s32 $0x5, v0;
	v14 =	vld.idx.msk [tilespmem:v14+s13+$0x0], $0xffff  }
0x660: {  	v29 =	vadd.s32 $0x4, v5;
	v15 =	vadd.f32 v20, v15;
	[tilespmem:s17+$0x200] =	vst v17;
	v17 =	vld.idx.msk [tilespmem:v30+s13+$0x0], $0xffff  }
0x661: {  	v20 =	vadd.s32 $0x4, v19;
	v21 =	vld.idx.msk [tilespmem:v21+s13+$0x0], $0xffff  }
0x662: {  	[tilespmem:s12+$0x180] =	vst v15;
	v30 =	vadd.s32 $0x16, v8;
	v15 =	vld.idx.msk [tilespmem:v58+s13+$0x0], $0xffff;
	v24 =	vadd.f32 v31, v24  }
0x663: {  	v60 =	vadd.s32 $0x16, v25;
	v31 =	vld.idx.msk [tilespmem:v59+s13+$0x0], $0xffff  }
0x664: {  	v61 =	vadd.s32 $0x11, v27;
	s10 =	sadd.s32 $0x14780, s0;
	v16 =	vadd.f32 v28, v16;
	v22 =	vld.idx.msk [tilespmem:v22+s13+$0x0], $0xffff;
	v18 =	vadd.f32 v18, v24  }
0x665: {  	s14 =	sor.u32 s31, s10;
	v28 =	vadd.s32 $0x16, v23;
	v24 =	vld.idx.msk [tilespmem:v29+s13+$0x0], $0xffff  }
0x666: {  	v29 =	vadd.s32 $0x11, v7;
	v14 =	vadd.f32 v14, v16;
	v16 =	vld.idx.msk [tilespmem:v20+s13+$0x0], $0xffff;
	[tilespmem:s14+$0x0] =	vst v18  }
0x667: {  	v63 =	vadd.s32 $0x1B, v6;
	s18 =	sor.u32 s1, s9;
	v20 =	vld.idx.msk [tilespmem:v30+s13+$0x0], $0xffff  }
0x668: {  	v18 =	vadd.s32 $0x11, v26;
	[tilespmem:s18+$0x0] =	vst v14;
	v14 =	vadd.f32 v15, v21;
	v21 =	vld.idx.msk [tilespmem:v60+s13+$0x0], $0xffff  }
0x669: {  	v15 =	vadd.s32 $0x6, v1;
	v62 =	vld.idx.msk [tilespmem:v61+s13+$0x0], $0xffff  }
0x66a: {  	v30 =	vadd.s32 $0x6, v2;
	v14 =	vadd.f32 v22, v14;
	v22 =	vld.idx.msk [tilespmem:v28+s13+$0x0], $0xffff  }
0x66b: {  	v28 =	vadd.s32 $0x6, v0;
	v29 =	vld.idx.msk [tilespmem:v29+s13+$0x0], $0xffff  }
0x66c: {  	v36 =	vadd.s32 $0x5, v9;
	v24 =	vadd.f32 v24, v31;
	v31 =	vld.idx.msk [tilespmem:v63+s13+$0x0], $0xffff  }
0x66d: {  	v37 =	vadd.s32 $0x5, v19;
	[tilespmem:s17+$0x280] =	vst v14;
	v14 =	vld.idx.msk [tilespmem:v18+s13+$0x0], $0xffff  }
0x66e: {  	v18 =	vadd.s32 $0x5, v5;
	v16 =	vadd.f32 v16, v24;
	v15 =	vld.idx.msk [tilespmem:v15+s13+$0x0], $0xffff  }
0x66f: {  	v24 =	vld.idx.msk [tilespmem:v30+s13+$0x0], $0xffff;
	v20 =	vadd.f32 v21, v20;
	v21 =	vadd.s32 $0x17, v8  }
0x670: {  	v30 =	vadd.s32 $0x17, v25;
	[tilespmem:s12+$0x200] =	vst v16;
	v16 =	vld.idx.msk [tilespmem:v28+s13+$0x0], $0xffff  }
0x671: {  	v46 =	vadd.s32 $0x1C, v6;
	s9 =	sadd.s32 $0x14800, s0;
	v13 =	vadd.f32 v17, v13;
	v20 =	vadd.f32 v22, v20;
	v22 =	vld.idx.msk [tilespmem:v36+s13+$0x0], $0xffff  }
0x672: {  	s19 =	sor.u32 s31, s9;
	v28 =	vadd.s32 $0x17, v23;
	v39 =	vld.idx.msk [tilespmem:v37+s13+$0x0], $0xffff  }
0x673: {  	v38 =	vadd.s32 $0x12, v27;
	v29 =	vadd.f32 v29, v62;
	v13 =	vadd.f32 v31, v13;
	v18 =	vld.idx.msk [tilespmem:v18+s13+$0x0], $0xffff;
	[tilespmem:s19+$0x0] =	vst v20  }
0x674: {  	s29 =	simm.s32 $0x2;
	s17 =	sor.u32 s28, s6;
	v20 =	vadd.s32 $0x12, v7;
	v21 =	vld.idx.msk [tilespmem:v21+s13+$0x0], $0xffff  }
0x675: {  	s7 =	sand.u32 $0x3, s29;
	v14 =	vadd.f32 v14, v29;
	[tilespmem:s17+$0x0] =	vst v13;
	v15 =	vadd.f32 v24, v15;
	v24 =	vadd.s32 $0x7, v1;
	v29 =	vld.idx.msk [tilespmem:v30+s13+$0x0], $0xffff  }
0x676: {  	s4 =	sor.u32 s1, s4;
	s2 =	sshll.u32 s7, $0x5;
	v30 =	vadd.s32 $0x7, v2;
	v48 =	vld.idx.msk [tilespmem:v46+s13+$0x0], $0xffff  }
0x677: {  	v40 =	vadd.s32 $0x12, v26;
	s2 =	sadd.s32 $0x200, s2;
	[tilespmem:s4+$0x0] =	vst v14;
	v14 =	vadd.f32 v16, v15;
	v15 =	vld.idx.msk [tilespmem:v28+s13+$0x0], $0xffff  }
0x678: {  	s14 =	sor.u32 $0x300, s2;
	v16 =	vadd.s32 $0x7, v0;
	v28 =	vld.idx.msk [tilespmem:v38+s13+$0x0], $0xffff  }
0x679: {  	v41 =	vadd.s32 $0x1C, v4;
	[tilespmem:s14+$0xD500] =	vst v14;
	v14 =	vld.idx.msk [tilespmem:v20+s13+$0x0], $0xffff  }
0x67a: {  	v17 =	vadd.s32 $0x6, v9;
	v18 =	vadd.f32 v18, v22;
	v20 =	vld.idx.msk [tilespmem:v24+s13+$0x0], $0xffff  }
0x67b: {  	v31 =	vadd.s32 $0x6, v5;
	v22 =	vld.idx.msk [tilespmem:v30+s13+$0x0], $0xffff  }
0x67c: {  	v21 =	vadd.f32 v29, v21;
	v24 =	vadd.s32 $0x18, v8;
	v30 =	vld.idx.msk [tilespmem:v40+s13+$0x0], $0xffff;
	v18 =	vadd.f32 v39, v18  }
0x67d: {  	v29 =	vadd.s32 $0x18, v25;
	v13 =	vld.idx.msk [tilespmem:v16+s13+$0x0], $0xffff  }
0x67e: {  	s4 =	sadd.s32 $0x14880, s0;
	v15 =	vadd.f32 v15, v21;
	v16 =	vadd.s32 $0x18, v23;
	[tilespmem:s12+$0x280] =	vst v18;
	v18 =	vld.idx.msk [tilespmem:v41+s13+$0x0], $0xffff  }
0x67f: {  	s18 =	sor.u32 s31, s4;
	v21 =	vadd.s32 $0x6, v19;
	v17 =	vld.idx.msk [tilespmem:v17+s13+$0x0], $0xffff  }
0x680: {  	[tilespmem:s18+$0x0] =	vst v15;
	v15 =	vadd.s32 $0x13, v27;
	v14 =	vadd.f32 v14, v28;
	v31 =	vld.idx.msk [tilespmem:v31+s13+$0x0], $0xffff  }
0x681: {  	v24 =	vld.idx.msk [tilespmem:v24+s13+$0x0], $0xffff;
	v20 =	vadd.f32 v22, v20;
	v22 =	vadd.s32 $0x8, v1  }
0x682: {  	v28 =	vld.idx.msk [tilespmem:v29+s13+$0x0], $0xffff;
	v29 =	vadd.s32 $0x8, v2;
	v14 =	vadd.f32 v30, v14  }
0x683: {  	s19 =	sor.u32 s1, s16;
	v30 =	vadd.s32 $0x13, v7;
	v13 =	vadd.f32 v13, v20;
	v16 =	vld.idx.msk [tilespmem:v16+s13+$0x0], $0xffff  }
0x684: {  	s2 =	sor.u32 $0x380, s2;
	v20 =	vadd.s32 $0x8, v0;
	v21 =	vld.idx.msk [tilespmem:v21+s13+$0x0], $0xffff;
	[tilespmem:s19+$0x0] =	vst v14  }
0x685: {  	v14 =	vadd.s32 $0x13, v26;
	[tilespmem:s2+$0xD500] =	vst v13;
	v13 =	vld.idx.msk [tilespmem:v15+s13+$0x0], $0xffff  }
0x686: {  	v15 =	vadd.s32 $0x1C, v3;
	v22 =	vld.idx.msk [tilespmem:v22+s13+$0x0], $0xffff  }
0x687: {  	v29 =	vld.idx.msk [tilespmem:v29+s13+$0x0], $0xffff;
	v24 =	vadd.f32 v28, v24;
	v28 =	vadd.s32 $0x19, v8  }
0x688: {  	s30 =	simm.s32 $0x4;
	v42 =	vadd.s32 $0x19, v25;
	v30 =	vld.idx.msk [tilespmem:v30+s13+$0x0], $0xffff  }
0x689: {  	v43 =	vadd.s32 $0x7, v9;
	s7 =	sand.u32 $0x7, s30;
	s6 =	sadd.s32 $0x17D00, s0;
	v17 =	vadd.f32 v31, v17;
	v20 =	vld.idx.msk [tilespmem:v20+s13+$0x0], $0xffff;
	v16 =	vadd.f32 v16, v24  }
0x68a: {  	s12 =	sor.u32 s31, s6;
	s2 =	sshll.u32 s7, $0x4;
	v31 =	vadd.s32 $0x7, v5;
	v14 =	vld.idx.msk [tilespmem:v14+s13+$0x0], $0xffff  }
0x68b: {  	s2 =	sadd.s32 $0x210, s2;
	v24 =	vadd.s32 $0x19, v23;
	v17 =	vadd.f32 v21, v17;
	[tilespmem:s12+$0x0] =	vst v16;
	v15 =	vld.idx.msk [tilespmem:v15+s13+$0x0], $0xffff  }
0x68c: {  	s14 =	sor.u32 $0x300, s2;
	v16 =	vadd.s32 $0x7, v19;
	v21 =	vld.idx.msk [tilespmem:v28+s13+$0x0], $0xffff  }
0x68d: {  	[tilespmem:s14+$0xD500] =	vst v17;
	v17 =	vadd.f32 v29, v22;
	v22 =	vadd.s32 $0x9, v1;
	v28 =	vld.idx.msk [tilespmem:v42+s13+$0x0], $0xffff  }
0x68e: {  	v29 =	vadd.s32 $0x9, v2;
	v44 =	vld.idx.msk [tilespmem:v43+s13+$0x0], $0xffff  }
0x68f: {  	v45 =	vadd.s32 $0x14, v27;
	s12 =	sadd.s32 $0x10D00, s20;
	v13 =	vadd.f32 v30, v13;
	v30 =	vld.idx.msk [tilespmem:v31+s13+$0x0], $0xffff;
	v17 =	vadd.f32 v20, v17  }
0x690: {  	s16 =	sor.u32 s21, s12;
	v20 =	vld.idx.msk [tilespmem:v24+s13+$0x0], $0xffff;
	v24 =	vadd.s32 $0x9, v0  }
0x691: {  	v31 =	vadd.s32 $0x14, v7;
	v13 =	vadd.f32 v14, v13;
	[tilespmem:s16+$0x0] =	vst v17;
	v14 =	vld.idx.msk [tilespmem:v16+s13+$0x0], $0xffff  }
0x692: {  	s17 =	sor.u32 s1, s11;
	v16 =	vadd.s32 $0x14, v26;
	v17 =	vld.idx.msk [tilespmem:v22+s13+$0x0], $0xffff  }
0x693: {  	[tilespmem:s17+$0x0] =	vst v13;
	v13 =	vld.idx.msk [tilespmem:v29+s13+$0x0], $0xffff;
	v21 =	vadd.f32 v28, v21;
	v22 =	vadd.s32 $0x1A, v8  }
0x694: {  	v28 =	vadd.s32 $0x1A, v25;
	v29 =	vld.idx.msk [tilespmem:v45+s13+$0x0], $0xffff  }
0x695: {  	s7 =	sadd.s32 $0x17D80, s0;
	v24 =	vld.idx.msk [tilespmem:v24+s13+$0x0], $0xffff;
	v20 =	vadd.f32 v20, v21;
	v21 =	vadd.s32 $0x1A, v23  }
0x696: {  	v47 =	vadd.s32 $0x8, v9;
	s18 =	sor.u32 s31, s7;
	v31 =	vld.idx.msk [tilespmem:v31+s13+$0x0], $0xffff;
	v30 =	vadd.f32 v30, v44  }
0x697: {  	[tilespmem:s18+$0x0] =	vst v20;
	v16 =	vld.idx.msk [tilespmem:v16+s13+$0x0], $0xffff;
	v20 =	vadd.s32 $0x8, v5  }
0x698: {  	v14 =	vadd.f32 v14, v30;
	v22 =	vld.idx.msk [tilespmem:v22+s13+$0x0], $0xffff;
	v13 =	vadd.f32 v13, v17;
	v17 =	vadd.s32 $0xA, v1  }
0x699: {  	s2 =	sor.u32 $0x380, s2;
	v30 =	vadd.s32 $0xA, v2;
	v28 =	vld.idx.msk [tilespmem:v28+s13+$0x0], $0xffff  }
0x69a: {  	v49 =	vadd.s32 $0x8, v19;
	[tilespmem:s2+$0xD500] =	vst v14;
	s2 =	sadd.s32 $0x10D80, s20;
	v13 =	vadd.f32 v24, v13;
	v14 =	vld.idx.msk [tilespmem:v21+s13+$0x0], $0xffff  }
0x69b: {  	s19 =	sor.u32 s21, s2;
	v21 =	vadd.s32 $0xA, v0;
	v24 =	vld.idx.msk [tilespmem:v47+s13+$0x0], $0xffff  }
0x69c: {  	v50 =	vadd.s32 $0x15, v27;
	v29 =	vadd.f32 v31, v29;
	[tilespmem:s19+$0x0] =	vst v13;
	v13 =	vld.idx.msk [tilespmem:v20+s13+$0x0], $0xffff  }
0x69d: {  	v20 =	vadd.s32 $0x15, v7;
	v17 =	vld.idx.msk [tilespmem:v17+s13+$0x0], $0xffff  }
0x69e: {  	v16 =	vadd.f32 v16, v29;
	v29 =	vld.idx.msk [tilespmem:v30+s13+$0x0], $0xffff;
	v22 =	vadd.f32 v28, v22;
	v28 =	vadd.s32 $0x1B, v8  }
0x69f: {  	s8 =	sor.u32 s1, s8;
	v31 =	vadd.s32 $0x1B, v25;
	v30 =	vld.idx.msk [tilespmem:v49+s13+$0x0], $0xffff  }
0x6a0: {  	v51 =	vadd.s32 $0x15, v26;
	[tilespmem:s8+$0x0] =	vst v16;
	s8 =	sadd.s32 $0x17E00, s0;
	v16 =	vld.idx.msk [tilespmem:v21+s13+$0x0], $0xffff;
	v14 =	vadd.f32 v14, v22  }
0x6a1: {  	s14 =	sor.u32 s31, s8;
	v21 =	vadd.s32 $0x1B, v23;
	v22 =	vld.idx.msk [tilespmem:v50+s13+$0x0], $0xffff  }
0x6a2: {  	v52 =	vadd.s32 $0x1D, v4;
	v15 =	vadd.f32 v15, v18;
	[tilespmem:s14+$0x0] =	vst v14;
	v18 =	vld.idx.msk [tilespmem:v20+s13+$0x0], $0xffff  }
0x6a3: {  	v20 =	vadd.s32 $0x9, v9;
	v13 =	vadd.f32 v13, v24;
	v24 =	vld.idx.msk [tilespmem:v28+s13+$0x0], $0xffff  }
0x6a4: {  	v14 =	vadd.f32 v48, v15;
	v15 =	vadd.f32 v29, v17;
	v17 =	vadd.s32 $0xB, v1;
	v28 =	vld.idx.msk [tilespmem:v31+s13+$0x0], $0xffff  }
0x6a5: {  	s5 =	sor.u32 s28, s5;
	v29 =	vadd.s32 $0xB, v2;
	v13 =	vadd.f32 v30, v13;
	v30 =	vld.idx.msk [tilespmem:v51+s13+$0x0], $0xffff  }
0x6a6: {  	s11 =	sadd.s32 $0x10E00, s20;
	s12 =	sor.u32 s22, s12;
	v31 =	vadd.s32 $0x9, v5;
	[tilespmem:s5+$0x0] =	vst v14;
	v15 =	vadd.f32 v16, v15;
	v16 =	vld.idx.msk [tilespmem:v21+s13+$0x0], $0xffff  }
0x6a7: {  	s16 =	sor.u32 s21, s11;
	v21 =	vadd.s32 $0xB, v0;
	v14 =	vld.idx.msk [tilespmem:v52+s13+$0x0], $0xffff;
	[tilespmem:s12+$0x0] =	vst v13  }
0x6a8: {  	v13 =	vadd.s32 $0x9, v19;
	[tilespmem:s16+$0x0] =	vst v15;
	v15 =	vld.idx.msk [tilespmem:v20+s13+$0x0], $0xffff  }
0x6a9: {  	v20 =	vadd.s32 $0x16, v27;
	v18 =	vadd.f32 v18, v22;
	v17 =	vld.idx.msk [tilespmem:v17+s13+$0x0], $0xffff  }
0x6aa: {  	v22 =	vld.idx.msk [tilespmem:v29+s13+$0x0], $0xffff;
	v24 =	vadd.f32 v28, v24;
	v28 =	vadd.s32 $0x1C, v8  }
0x6ab: {  	v29 =	vld.idx.msk [tilespmem:v31+s13+$0x0], $0xffff;
	v31 =	vadd.s32 $0x1C, v25;
	v18 =	vadd.f32 v30, v18  }
0x6ac: {  	s10 =	sor.u32 s1, s10;
	s5 =	sadd.s32 $0x17E80, s0;
	v30 =	vadd.s32 $0x16, v7;
	v21 =	vld.idx.msk [tilespmem:v21+s13+$0x0], $0xffff;
	v16 =	vadd.f32 v16, v24  }
0x6ad: {  	s17 =	sor.u32 s31, s5;
	v24 =	vadd.s32 $0x1C, v23;
	v13 =	vld.idx.msk [tilespmem:v13+s13+$0x0], $0xffff;
	[tilespmem:s10+$0x0] =	vst v18  }
0x6ae: {  	v18 =	vadd.s32 $0x16, v26;
	[tilespmem:s17+$0x0] =	vst v16;
	v20 =	vld.idx.msk [tilespmem:v20+s13+$0x0], $0xffff  }
0x6af: {  	v16 =	vadd.s32 $0x1D, v3;
	v28 =	vld.idx.msk [tilespmem:v28+s13+$0x0], $0xffff  }
0x6b0: {  	v17 =	vadd.f32 v22, v17;
	v22 =	vadd.s32 $0xC, v1;
	v31 =	vld.idx.msk [tilespmem:v31+s13+$0x0], $0xffff  }
0x6b1: {  	v53 =	vadd.s32 $0xC, v2;
	v30 =	vld.idx.msk [tilespmem:v30+s13+$0x0], $0xffff  }
0x6b2: {  	v54 =	vadd.s32 $0xA, v9;
	s12 =	sadd.s32 $0x10E80, s20;
	v15 =	vadd.f32 v29, v15;
	v17 =	vadd.f32 v21, v17;
	v21 =	vld.idx.msk [tilespmem:v24+s13+$0x0], $0xffff  }
0x6b3: {  	s18 =	sor.u32 s21, s12;
	v24 =	vadd.s32 $0xC, v0;
	v18 =	vld.idx.msk [tilespmem:v18+s13+$0x0], $0xffff  }
0x6b4: {  	v29 =	vadd.s32 $0xA, v5;
	v13 =	vadd.f32 v13, v15;
	[tilespmem:s18+$0x0] =	vst v17;
	v16 =	vld.idx.msk [tilespmem:v16+s13+$0x0], $0xffff  }
0x6b5: {  	s2 =	sor.u32 s22, s2;
	v15 =	vadd.s32 $0xA, v19;
	v17 =	vld.idx.msk [tilespmem:v22+s13+$0x0], $0xffff  }
0x6b6: {  	[tilespmem:s2+$0x0] =	vst v13;
	v22 =	vld.idx.msk [tilespmem:v53+s13+$0x0], $0xffff;
	v13 =	vadd.f32 v31, v28;
	v28 =	vadd.s32 $0x1D, v8  }
0x6b7: {  	v55 =	vadd.s32 $0x1D, v25;
	v31 =	vld.idx.msk [tilespmem:v54+s13+$0x0], $0xffff  }
0x6b8: {  	v56 =	vadd.s32 $0x17, v27;
	s10 =	sadd.s32 $0x17F00, s0;
	v20 =	vadd.f32 v30, v20;
	v30 =	vld.idx.msk [tilespmem:v24+s13+$0x0], $0xffff;
	v13 =	vadd.f32 v21, v13  }
0x6b9: {  	s19 =	sor.u32 s31, s10;
	v21 =	vld.idx.msk [tilespmem:v29+s13+$0x0], $0xffff;
	v29 =	vadd.s32 $0x1D, v23  }
0x6ba: {  	v57 =	vadd.s32 $0x17, v7;
	v18 =	vadd.f32 v18, v20;
	v20 =	vld.idx.msk [tilespmem:v15+s13+$0x0], $0xffff;
	[tilespmem:s19+$0x0] =	vst v13  }
0x6bb: {  	v58 =	vadd.s32 $0x1D, v6;
	v59 =	vadd.s32 $0x17, v26;
	v43 =	vadd.s32 $0x1F, v3;
	s14 =	sor.u32 s1, s9;
	v28 =	vld.idx.msk [tilespmem:v28+s13+$0x0], $0xffff  }
0x6bc: {  	v13 =	vadd.s32 $0x1E, v3;
	v3 =	vadd.s32 $0x1F, v6;
	[tilespmem:s14+$0x0] =	vst v18;
	v17 =	vadd.f32 v22, v17;
	v22 =	vld.idx.msk [tilespmem:v55+s13+$0x0], $0xffff  }
0x6bd: {  	v18 =	vadd.s32 $0xD, v1;
	v33 =	vld.idx.msk [tilespmem:v56+s13+$0x0], $0xffff;
	[tilespmem:$0x1F740] =	vst v3  }
0x6be: {  	v60 =	vadd.s32 $0xD, v2;
	v3 =	vadd.f32 v30, v17;
	v17 =	vld.idx.msk [tilespmem:v29+s13+$0x0], $0xffff  }
0x6bf: {  	v61 =	vadd.s32 $0xD, v0;
	s9 =	sadd.s32 $0x10F00, s20;
	v34 =	vld.idx.msk [tilespmem:v57+s13+$0x0], $0xffff;
	v21 =	vadd.f32 v21, v31  }
0x6c0: {  	v62 =	vadd.s32 $0xB, v9;
	s16 =	sor.u32 s21, s9;
	v31 =	vld.idx.msk [tilespmem:v59+s13+$0x0], $0xffff  }
0x6c1: {  	v63 =	vadd.s32 $0xB, v5;
	v35 =	vld.idx.msk [tilespmem:v58+s13+$0x0], $0xffff;
	[tilespmem:s16+$0x0] =	vst v3;
	v20 =	vadd.f32 v20, v21;
	v22 =	vadd.f32 v22, v28  }
0x6c2: {  	v40 =	vadd.s32 $0xB, v19;
	s17 =	sor.u32 s22, s11;
	v18 =	vld.idx.msk [tilespmem:v18+s13+$0x0], $0xffff  }
0x6c3: {  	v21 =	vld.idx.msk [tilespmem:v60+s13+$0x0], $0xffff;
	v28 =	vadd.s32 $0x1E, v8;
	[tilespmem:s17+$0x0] =	vst v20;
	v17 =	vadd.f32 v17, v22;
	v22 =	vadd.s32 $0x1B, v27  }
0x6c4: {  	v10 =	vadd.f32 v12, v10;
	v32 =	vadd.s32 $0x1E, v25;
	v37 =	vadd.s32 $0x1F, v7;
	v20 =	vld.idx.msk [tilespmem:v61+s13+$0x0], $0xffff;
	[tilespmem:$0x1F750] =	vst v22  }
0x6c5: {  	v46 =	vadd.s32 $0x1D, v7;
	v38 =	vadd.s32 $0x18, v26;
	v42 =	vadd.s32 $0x1E, v23;
	s11 =	sadd.s32 $0x17F80, s0;
	v22 =	vld.idx.msk [tilespmem:v62+s13+$0x0], $0xffff  }
0x6c6: {  	v39 =	vadd.s32 $0x1E, v26;
	s18 =	sor.u32 s31, s11;
	v29 =	vadd.s32 $0x18, v27;
	v33 =	vadd.f32 v34, v33;
	v57 =	vld.idx.msk [tilespmem:v63+s13+$0x0], $0xffff  }
0x6c7: {  	v49 =	vadd.s32 $0x1C, v26;
	v51 =	vadd.s32 $0x1B, v26;
	v30 =	vadd.s32 $0x18, v7;
	[tilespmem:s18+$0x0] =	vst v17;
	v61 =	vld.idx.msk [tilespmem:v40+s13+$0x0], $0xffff  }
0x6c8: {  	v59 =	vadd.f32 v31, v33;
	v17 =	vld.idx.msk [tilespmem:v28+s13+$0x0], $0xffff;
	v18 =	vadd.f32 v21, v18;
	v21 =	vadd.s32 $0xE, v1  }
0x6c9: {  	v52 =	vadd.s32 $0x1F, v4;
	v15 =	vadd.s32 $0x1E, v4;
	s19 =	sor.u32 s1, s4;
	v60 =	vadd.s32 $0xE, v2;
	v31 =	vld.idx.msk [tilespmem:v32+s13+$0x0], $0xffff  }
0x6ca: {  	v4 =	vadd.s32 $0x19, v7;
	s4 =	sadd.s32 $0x10F80, s20;
	v63 =	vadd.s32 $0xE, v0;
	[tilespmem:s19+$0x0] =	vst v59;
	v18 =	vadd.f32 v20, v18;
	v20 =	vld.idx.msk [tilespmem:v42+s13+$0x0], $0xffff  }
0x6cb: {  	v55 =	vadd.s32 $0x1A, v7;
	s14 =	sor.u32 s21, s4;
	v56 =	vadd.s32 $0x1B, v7;
	v29 =	vld.idx.msk [tilespmem:v29+s13+$0x0], $0xffff;
	v22 =	vadd.f32 v57, v22  }
0x6cc: {  	v58 =	vadd.s32 $0x1A, v26;
	v3 =	vadd.s32 $0x19, v26;
	v62 =	vadd.s32 $0x1C, v7;
	v12 =	vld.idx.msk [tilespmem:v30+s13+$0x0], $0xffff;
	[tilespmem:s14+$0x0] =	vst v18  }
0x6cd: {  	v28 =	vadd.s32 $0x1D, v26;
	v26 =	vadd.s32 $0x1F, v26;
	v21 =	vld.idx.msk [tilespmem:v21+s13+$0x0], $0xffff;
	v22 =	vadd.f32 v61, v22  }
0x6ce: {  	s16 =	sor.u32 s22, s12;
	v40 =	vadd.s32 $0x1E, v7;
	v18 =	vadd.s32 $0xC, v9;
	v7 =	vld.idx.msk [tilespmem:v60+s13+$0x0], $0xffff;
	v17 =	vadd.f32 v31, v17;
	[tilespmem:$0x1F760] =	vst v26  }
0x6cf: {  	v8 =	vadd.s32 $0x1F, v8;
	v31 =	vld.idx.msk [tilespmem:v63+s13+$0x0], $0xffff;
	[tilespmem:s16+$0x0] =	vst v22;
	v22 =	vadd.s32 $0x1F, v23;
	v23 =	vadd.s32 $0xD, v5  }
0x6d0: {  	s12 =	sor.u32 $0x18000, s0;
	v20 =	vadd.f32 v20, v17;
	v17 =	vadd.f32 v11, v10;
	v11 =	vld.idx.msk [tilespmem:v38+s13+$0x0], $0xffff;
	[tilespmem:$0x1F770] =	vst v23;
	v23 =	vadd.s32 $0xE, v9  }
0x6d1: {  	v25 =	vadd.s32 $0x1F, v25;
	s17 =	sor.u32 s31, s12;
	[tilespmem:$0x1F780] =	vst v23  }
0x6d2: {  	[tilespmem:s17+$0x0] =	vst v20;
	v20 =	vadd.s32 $0xE, v5  }
0x6d3: {  	v7 =	vadd.f32 v7, v21;
	v21 =	vadd.s32 $0xF, v9;
	v18 =	vld.idx.msk [tilespmem:v18+s13+$0x0], $0xffff;
	[tilespmem:$0x1F790] =	vst v20  }
0x6d4: {  	v26 =	vadd.s32 $0xC, v5;
	v8 =	vld.idx.msk [tilespmem:v8+s13+$0x0], $0xffff;
	[tilespmem:$0x1F7A0] =	vst v21;
	v21 =	vadd.s32 $0xF, v5  }
0x6d5: {  	[tilespmem:$0x1F7B0] =	vst v21  }
0x6d6: {  	v21 =	vld.idx.msk [tilespmem:v25+s13+$0x0], $0xffff;
	v25 =	vadd.s32 $0x10, v9  }
0x6d7: {  	[tilespmem:$0x1F7C0] =	vst v25;
	v25 =	vadd.s32 $0x10, v5  }
0x6d8: {  	[tilespmem:$0x1F7D0] =	vst v25  }
0x6d9: {  	v25 =	vld.idx.msk [tilespmem:v26+s13+$0x0], $0xffff;
	v26 =	vadd.s32 $0x11, v9  }
0x6da: {  	[tilespmem:$0x1F7E0] =	vst v26;
	v26 =	vadd.s32 $0x11, v5  }
0x6db: {  	s2 =	sadd.s32 $0x11000, s20;
	v10 =	vadd.s32 $0xC, v19;
	v7 =	vadd.f32 v31, v7;
	[tilespmem:$0x1F7F0] =	vst v26;
	v26 =	vadd.s32 $0x12, v9  }
0x6dc: {  	s18 =	sor.u32 s21, s2;
	v20 =	vadd.s32 $0xF, v1;
	[tilespmem:$0x1F800] =	vst v26  }
0x6dd: {  	v23 =	vadd.s32 $0xF, v2;
	[tilespmem:s18+$0x0] =	vst v7;
	v7 =	vadd.s32 $0x12, v5  }
0x6de: {  	v36 =	vadd.s32 $0x1F, v27;
	v22 =	vld.idx.msk [tilespmem:v22+s13+$0x0], $0xffff;
	[tilespmem:$0x1F810] =	vst v7;
	v7 =	vadd.s32 $0x13, v9  }
0x6df: {  	v41 =	vadd.s32 $0x1E, v27;
	[tilespmem:$0x1F820] =	vst v7;
	v7 =	vadd.f32 v16, v14;
	v14 =	vadd.s32 $0x13, v5  }
0x6e0: {  	v45 =	vadd.s32 $0x1C, v27;
	v44 =	vadd.s32 $0x16, v9;
	v47 =	vadd.s32 $0x1A, v27;
	v10 =	vld.idx.msk [tilespmem:v10+s13+$0x0], $0xffff;
	[tilespmem:$0x1F830] =	vst v14  }
0x6e1: {  	v50 =	vadd.s32 $0x1D, v27;
	v53 =	vadd.s32 $0x15, v9;
	v24 =	vadd.s32 $0x1E, v6;
	v14 =	vld.idx.msk [tilespmem:v20+s13+$0x0], $0xffff  }
0x6e2: {  	v6 =	vadd.s32 $0x19, v27;
	v27 =	vadd.s32 $0x1C, v9;
	v16 =	vadd.f32 v35, v7;
	v7 =	vld.idx.msk [tilespmem:v23+s13+$0x0], $0xffff  }
0x6e3: {  	v33 =	vadd.s32 $0x18, v9;
	v30 =	vadd.s32 $0xD, v9;
	v60 =	vadd.s32 $0x14, v9  }
0x6e4: {  	v63 =	vadd.s32 $0x1F, v9;
	v38 =	vadd.s32 $0x17, v9;
	v18 =	vadd.f32 v25, v18  }
0x6e5: {  	v20 =	vadd.f32 v12, v29;
	v29 =	vadd.s32 $0x19, v9;
	v12 =	vadd.s32 $0x1A, v9  }
0x6e6: {  	[tilespmem:$0x1F840] =	vst v12;
	v12 =	vadd.s32 $0x1B, v9;
	v26 =	vadd.f32 v10, v18;
	v18 =	vadd.s32 $0x1D, v9  }
0x6e7: {  	[tilespmem:$0x1F850] =	vst v12;
	v7 =	vadd.f32 v7, v14;
	v14 =	vadd.s32 $0x1E, v9;
	v9 =	vadd.s32 $0x14, v5  }
0x6e8: {  	v48 =	vadd.s32 $0x17, v5;
	v54 =	vadd.s32 $0x16, v5;
	[tilespmem:$0x1F860] =	vst v9;
	v9 =	vadd.s32 $0x15, v5  }
0x6e9: {  	s3 =	sor.u32 s28, s3;
	v34 =	vadd.s32 $0x1B, v5;
	v32 =	vadd.s32 $0x19, v5;
	v8 =	vadd.f32 v21, v8;
	[tilespmem:$0x1F870] =	vst v9  }
0x6ea: {  	v42 =	vadd.s32 $0x18, v5;
	v11 =	vadd.f32 v11, v20;
	v9 =	vadd.s32 $0x1A, v5;
	[tilespmem:s3+$0x0] =	vst v16  }
0x6eb: {  	s19 =	sor.u32 s1, s6;
	v31 =	vadd.s32 $0x1C, v5;
	v8 =	vadd.f32 v22, v8;
	v12 =	vadd.s32 $0x1E, v5;
	[tilespmem:$0x1F880] =	vst v9  }
0x6ec: {  	v16 =	vadd.s32 $0x1D, v5;
	[tilespmem:s19+$0x0] =	vst v11;
	v22 =	vld.idx.msk [tilespmem:v15+s13+$0x0], $0xffff;
	v15 =	vadd.s32 $0x1F, v5;
	v5 =	vadd.s32 $0xE, v19  }
0x6ed: {  	v10 =	vadd.s32 $0xF, v0;
	v20 =	vld.idx.msk [tilespmem:v6+s13+$0x0], $0xffff;
	[tilespmem:$0x1F890] =	vst v5  }
0x6ee: {  	v21 =	vld.idx.msk [tilespmem:v4+s13+$0x0], $0xffff;
	v4 =	vadd.s32 $0xF, v19  }
0x6ef: {  	[tilespmem:$0x1F8A0] =	vst v4;
	v4 =	vadd.s32 $0x10, v19  }
0x6f0: {  	[tilespmem:$0x1F8B0] =	vst v4;
	v4 =	vadd.s32 $0x11, v19  }
0x6f1: {  	v5 =	vadd.s32 $0x12, v19;
	[tilespmem:$0x1F8C0] =	vst v4  }
0x6f2: {  	v4 =	vld.idx.msk [tilespmem:v10+s13+$0x0], $0xffff;
	[tilespmem:$0x1F8D0] =	vst v5;
	v5 =	vadd.s32 $0x13, v19  }
0x6f3: {  	[tilespmem:$0x1F8E0] =	vst v5;
	v5 =	vadd.s32 $0x14, v19  }
0x6f4: {  	[tilespmem:$0x1F8F0] =	vst v5  }
0x6f5: {  	s0 =	sor.u32 $0x18080, s0;
	v25 =	vld.idx.msk [tilespmem:v3+s13+$0x0], $0xffff;
	v3 =	vadd.s32 $0x15, v19  }
0x6f6: {  	s4 =	sor.u32 s22, s4;
	s31 =	sor.u32 s31, s0;
	s6 =	sor.u32 $0x18080, s26;
	[tilespmem:$0x1F900] =	vst v3;
	v3 =	vadd.s32 $0x16, v19  }
0x6f7: {  	s26 =	sor.u32 s28, s15;
	s15 =	sor.u32 s1, s10;
	s14 =	sor.u32 s25, s6;
	[tilespmem:$0x1F910] =	vst v3  }
0x6f8: {  	v59 =	vadd.s32 $0x18, v19;
	s25 =	sor.u32 s28, s6;
	s6 =	sor.u32 s1, s7;
	s28 =	sor.u32 s1, s11;
	v3 =	vadd.s32 $0x1A, v19;
	[tilespmem:s14+$0x0] =	vst v17  }
0x6f9: {  	s7 =	sor.u32 s1, s12;
	v57 =	vadd.s32 $0x1F, v19;
	s11 =	sor.u32 s22, s2;
	v61 =	vadd.s32 $0x17, v19;
	v35 =	vadd.s32 $0x1B, v19;
	s14 =	sor.u32 s22, s9;
	v23 =	vld.idx.msk [tilespmem:v13+s13+$0x0], $0xffff;
	[tilespmem:$0x1F920] =	vst v3  }
0x6fa: {  	s16 =	simm.s32 $0x4;
	s17 =	simm.s32 $0x210;
	s18 =	sor.u32 s1, s5;
	v9 =	vadd.s32 $0xD, v19;
	v11 =	vadd.s32 $0x19, v19;
	v17 =	vadd.s32 $0x1D, v19;
	[tilespmem:s14+$0x0] =	vst v26;
	v24 =	vld.idx.msk [tilespmem:v24+s13+$0x0], $0xffff  }
0x6fb: {  	s5 =	sor.u32 s1, s0;
	s0 =	simm.s32 $0x70;
	s19 =	sor.u32 s1, s8;
	v13 =	vadd.s32 $0x1E, v19;
	v3 =	vadd.s32 $0x10, v1;
	v26 =	vadd.s32 $0x1C, v19;
	[tilespmem:s31+$0x0] =	vst v8;
	v5 =	vld.idx.msk [tilespmem:v30+s13+$0x0], $0xffff  }
.LBB2_5:
0x6fc: {  	[tilespmem:$0x1F260] =	vst v35  }
0x6fd: {  	[tilespmem:$0x1F290] =	vst v45  }
0x6fe: {  	[tilespmem:$0x1F2A0] =	vst v27  }
0x6ff: {  	[tilespmem:$0x1F2F0] =	vst v31  }
0x700: {  	[tilespmem:$0x1F4A0] =	vst v16  }
0x701: {  	[tilespmem:$0x1F380] =	vst v26  }
0x702: {  	[tilespmem:$0x1F540] =	vst v28;
	v8 =	vld [tilespmem:$0x1F770]  }
0x703: {  	[tilespmem:$0x1F3F0] =	vst v50;
	s2 =	sadd.s32 $0xFFFFFFF0, s0;
	v6 =	vadd.s32 $0x10, v2;
	s23 =	sadd.s32 $0x20, s23  }
0x704: {  	[tilespmem:$0x1F550] =	vst v17;
	v17 =	vadd.f32 v21, v20;
	s8 =	sadd.s32 $0x11080, s20;
	v20 =	vld [tilespmem:s23+$0x0];
	s3 =	sand.u32 $0x7E0, s2;
	v4 =	vadd.f32 v4, v7;
	v7 =	vadd.s32 $0x10, v0  }
0x705: {  	[tilespmem:$0x1F400] =	vst v18;
	s9 =	sor.u32 s21, s8;
	v19 =	vld [tilespmem:s3+$0xE00]  }
0x706: {  	v21 =	vld [tilespmem:s3+$0x700];
	[tilespmem:s9+$0x0] =	vst v4  }
0x707: {  	[tilespmem:$0x1F520] =	vst v61;
	v3 =	vld.idx.msk [tilespmem:v3+s13+$0x0], $0xffff  }
0x708: {  	[tilespmem:$0x1F440] =	vst v44;
	v17 =	vadd.f32 v25, v17;
	v4 =	vadd.f32 v23, v22;
	v6 =	vld.idx.msk [tilespmem:v6+s13+$0x0], $0xffff  }
0x709: {  	[tilespmem:$0x1F610] =	vst v14;
	v7 =	vld.idx.msk [tilespmem:v7+s13+$0x0], $0xffff  }
0x70a: {  	v4 =	vadd.f32 v24, v4;
	v8 =	vld.idx.msk [tilespmem:v8+s13+$0x0], $0xffff;
	[tilespmem:s6+$0x0] =	vst v17  }
0x70b: {  	[tilespmem:$0x1F490] =	vst v46;
	v31 =	vld [tilespmem:s23+$0x10]  }
0x70c: {  	[tilespmem:s26+$0x0] =	vst v4;
	v4 =	vld.idx.msk [tilespmem:v20+s13+$0x0], $0xffff  }
0x70d: {  	[tilespmem:$0x1F500] =	vst v48;
	v25 =	vmov v57;
	v57 =	vld [tilespmem:s23+$0x710];
	v3 =	vadd.f32 v6, v3  }
0x70e: {  	[tilespmem:$0x1F700] =	vst v39;
	v44 =	vmov v56;
	v56 =	vld [tilespmem:s23+$0xE10]  }
0x70f: {  	[tilespmem:$0x1F600] =	vst v41;
	s14 =	sadd.s32 $0x14500, s20;
	v3 =	vadd.f32 v7, v3;
	v5 =	vadd.f32 v8, v5;
	v8 =	vld.idx.msk [tilespmem:v21+s13+$0x0], $0xffff  }
0x710: {  	[tilespmem:$0x1F710] =	vst v13;
	s31 =	sor.u32 s21, s14;
	v18 =	vld.idx.msk [tilespmem:v19+s13+$0x0], $0xffff  }
0x711: {  	v6 =	vadd.s32 $0x11, v1;
	[tilespmem:s31+$0x0] =	vst v3;
	v3 =	vld [tilespmem:$0x1F840]  }
0x712: {  	[tilespmem:$0x1F660] =	vst v29;
	v17 =	vadd.s32 $0x11, v2  }
0x713: {  	[tilespmem:$0x1F6E0] =	vst v12;
	v27 =	vadd.s32 $0x11, v0  }
0x714: {  	[tilespmem:$0x1F6D0] =	vst v40;
	s24 =	sadd.s32 $0x100, s24;
	v24 =	vld.idx.msk [tilespmem:v9+s13+$0x0], $0xffff;
	v9 =	vadd.s32 $0x5, v56;
	v4 =	vadd.f32 v8, v4  }
0x715: {  	s3 =	sand.u32 $0x3C00, s24;
	v14 =	vadd.s32 $0x6, v57;
	[tilespmem:$0x1F280] =	vst v9  }
0x716: {  	s6 =	sadd.s32 $0xD500, s3;
	s31 =	sand.u32 $0x60, s2;
	[tilespmem:$0x1F2C0] =	vst v14;
	v8 =	vadd.s32 $0x5, v57;
	v48 =	vmov v3;
	v3 =	vld.idx.msk [tilespmem:v6+s13+$0x0], $0xffff;
	v4 =	vadd.f32 v18, v4  }
0x717: {  	s10 =	sor.u32 s31, s6;
	[tilespmem:$0x1F270] =	vst v8;
	v8 =	vld.idx.msk [tilespmem:v17+s13+$0x0], $0xffff  }
0x718: {  	v18 =	vld.idx.msk [tilespmem:v27+s13+$0x0], $0xffff;
	[tilespmem:s10+$0x0] =	vst v4;
	v4 =	vadd.s32 $0x7, v56  }
0x719: {  	v7 =	vld.idx.msk [tilespmem:v31+s13+$0x0], $0xffff;
	[tilespmem:$0x1F320] =	vst v4;
	v4 =	vadd.s32 $0x8, v31  }
0x71a: {  	v17 =	vld.idx.msk [tilespmem:v57+s13+$0x0], $0xffff;
	[tilespmem:$0x1F3A0] =	vst v4;
	v4 =	vadd.s32 $0x8, v57  }
0x71b: {  	v13 =	vadd.s32 $0x6, v56;
	[tilespmem:$0x1F3B0] =	vst v4;
	v4 =	vld [tilespmem:$0x1F880]  }
0x71c: {  	v10 =	vadd.s32 $0x7, v57;
	[tilespmem:$0x1F2D0] =	vst v13  }
0x71d: {  	v23 =	vadd.s32 $0xA, v57;
	v9 =	vadd.s32 $0x6, v31;
	[tilespmem:$0x1F310] =	vst v10  }
0x71e: {  	v29 =	vld.idx.msk [tilespmem:v47+s13+$0x0], $0xffff;
	[tilespmem:$0x1F4C0] =	vst v23;
	v6 =	vadd.s32 $0x1, v20  }
0x71f: {  	v12 =	vadd.s32 $0x1, v21;
	v55 =	vld.idx.msk [tilespmem:v55+s13+$0x0], $0xffff;
	[tilespmem:$0x1F2B0] =	vst v9;
	v14 =	vadd.f32 v17, v7;
	v7 =	vadd.s32 $0xA, v31  }
0x720: {  	v39 =	vadd.s32 $0x1, v19;
	v61 =	vld.idx.msk [tilespmem:v58+s13+$0x0], $0xffff;
	[tilespmem:$0x1F4B0] =	vst v7;
	v9 =	vmov v4;
	v4 =	vadd.s32 $0x8, v56  }
0x721: {  	v41 =	vld.idx.msk [tilespmem:v56+s13+$0x0], $0xffff;
	v16 =	vadd.f32 v8, v3;
	[tilespmem:$0x1F3C0] =	vst v4;
	v4 =	vadd.s32 $0x9, v31  }
0x722: {  	v10 =	vld [tilespmem:$0x1F920];
	[tilespmem:$0x1F410] =	vst v4;
	v4 =	vadd.s32 $0x9, v57  }
0x723: {  	s9 =	sadd.s32 $0x14580, s20;
	v6 =	vld.idx.msk [tilespmem:v6+s13+$0x0], $0xffff;
	v8 =	vadd.s32 $0x12, v1;
	v13 =	vadd.f32 v18, v16;
	[tilespmem:$0x1F420] =	vst v4;
	v4 =	vadd.s32 $0x9, v56  }
0x724: {  	s12 =	sor.u32 s21, s9;
	v7 =	vadd.s32 $0x12, v2;
	[tilespmem:$0x1F390] =	vst v9;
	v9 =	vld.idx.msk [tilespmem:v12+s13+$0x0], $0xffff  }
0x725: {  	v50 =	vadd.s32 $0x12, v0;
	v12 =	vld.idx.msk [tilespmem:v39+s13+$0x0], $0xffff;
	[tilespmem:s12+$0x0] =	vst v13  }
0x726: {  	v17 =	vadd.f32 v41, v14;
	v41 =	vmov v34;
	v34 =	vld.idx.msk [tilespmem:v52+s13+$0x0], $0xffff;
	[tilespmem:$0x1F430] =	vst v4;
	v4 =	vmov v36  }
0x727: {  	v22 =	vadd.s32 $0x1, v31;
	v16 =	vld [tilespmem:$0x1F780];
	[tilespmem:$0x1F350] =	vst v4;
	v4 =	vadd.s32 $0xB, v57  }
0x728: {  	v26 =	vadd.s32 $0x1, v57;
	v8 =	vld.idx.msk [tilespmem:v8+s13+$0x0], $0xffff;
	[tilespmem:$0x1F580] =	vst v4;
	v4 =	vadd.s32 $0xB, v56  }
0x729: {  	s1 =	sand.u32 $0x70, s0;
	v13 =	vld.idx.msk [tilespmem:v7+s13+$0x0], $0xffff;
	v6 =	vadd.f32 v9, v6;
	v9 =	vadd.s32 $0x2, v20;
	[tilespmem:$0x1F590] =	vst v4;
	v4 =	vadd.s32 $0xC, v31  }
0x72a: {  	v58 =	vadd.s32 $0x2, v21;
	s6 =	sor.u32 s1, s6;
	v45 =	vmov v10;
	v10 =	vmov v37;
	v37 =	vld.idx.msk [tilespmem:v50+s13+$0x0], $0xffff;
	[tilespmem:$0x1F630] =	vst v4  }
0x72b: {  	v50 =	vadd.s32 $0x2, v19;
	v6 =	vadd.f32 v12, v6;
	v4 =	vld.idx.msk [tilespmem:v43+s13+$0x0], $0xffff;
	[tilespmem:s6+$0x0] =	vst v17  }
0x72c: {  	[tilespmem:$0x1F360] =	vst v10;
	v22 =	vld.idx.msk [tilespmem:v22+s13+$0x0], $0xffff  }
0x72d: {  	v10 =	vadd.s32 $0xC, v57;
	[tilespmem:s10+$0x80] =	vst v6;
	v52 =	vld.idx.msk [tilespmem:v26+s13+$0x0], $0xffff  }
0x72e: {  	v5 =	vadd.f32 v24, v5;
	[tilespmem:$0x1F640] =	vst v10;
	v10 =	vadd.s32 $0xC, v56;
	v8 =	vadd.f32 v13, v8;
	v9 =	vld.idx.msk [tilespmem:v9+s13+$0x0], $0xffff  }
0x72f: {  	v30 =	vadd.s32 $0x1, v56;
	[tilespmem:$0x1F650] =	vst v10;
	v12 =	vadd.s32 $0xE, v31;
	v14 =	vld.idx.msk [tilespmem:v58+s13+$0x0], $0xffff  }
0x730: {  	v23 =	vmovc v15;
	v15 =	vadd.s32 $0x13, v2;
	s12 =	sadd.s32 $0x14600, s20;
	v8 =	vadd.f32 v37, v8;
	v17 =	vmov v12;
	[tilespmem:s4+$0x0] =	vst v5;
	v12 =	vld.idx.msk [tilespmem:v50+s13+$0x0], $0xffff  }
0x731: {  	s26 =	smov.u32 s7;
	s7 =	sor.u32 s22, s14;
	v39 =	vadd.s32 $0xE, v56;
	s14 =	sor.u32 s21, s12;
	[tilespmem:$0x1F780] =	vst v17;
	v17 =	vld [tilespmem:$0x1F790]  }
0x732: {  	v18 =	vmov v39;
	[tilespmem:s14+$0x0] =	vst v8;
	v8 =	vld [tilespmem:$0x1F890]  }
0x733: {  	v24 =	vadd.s32 $0xE, v57;
	v10 =	vadd.s32 $0xD, v31;
	[tilespmem:$0x1F890] =	vst v18;
	v18 =	vld [tilespmem:$0x1F760]  }
0x734: {  	v27 =	vmov v24;
	[tilespmem:$0x1F730] =	vst v10;
	v43 =	vld.idx.msk [tilespmem:v30+s13+$0x0], $0xffff  }
0x735: {  	[tilespmem:$0x1F790] =	vst v27;
	v27 =	vld.idx.msk [tilespmem:v15+s13+$0x0], $0xffff;
	v15 =	vadd.s32 $0x15, v56  }
0x736: {  	v24 =	vadd.s32 $0x14, v31;
	v10 =	vadd.s32 $0xD, v57;
	[tilespmem:$0x1F3E0] =	vst v15;
	v15 =	vld [tilespmem:$0x1F740]  }
0x737: {  	[tilespmem:$0x1F340] =	vst v24;
	v13 =	vadd.s32 $0x13, v1;
	v22 =	vadd.f32 v52, v22;
	v9 =	vadd.f32 v14, v9  }
0x738: {  	[tilespmem:$0x1F770] =	vst v10;
	v37 =	vadd.s32 $0x13, v0;
	v18 =	vmov v18  }
0x739: {  	v16 =	vld.idx.msk [tilespmem:v16+s13+$0x0], $0xffff;
	[tilespmem:$0x1F740] =	vst v18;
	v22 =	vadd.f32 v43, v22;
	v9 =	vadd.f32 v12, v9;
	v12 =	vadd.s32 $0x16, v31  }
0x73a: {  	v17 =	vld.idx.msk [tilespmem:v17+s13+$0x0], $0xffff;
	[tilespmem:$0x1F450] =	vst v12  }
0x73b: {  	v8 =	vld.idx.msk [tilespmem:v8+s13+$0x0], $0xffff;
	v12 =	vadd.s32 $0x16, v57;
	[tilespmem:s6+$0x80] =	vst v22  }
0x73c: {  	v13 =	vld.idx.msk [tilespmem:v13+s13+$0x0], $0xffff;
	[tilespmem:$0x1F470] =	vst v12  }
0x73d: {  	v37 =	vld.idx.msk [tilespmem:v37+s13+$0x0], $0xffff;
	[tilespmem:s10+$0x100] =	vst v9;
	v9 =	vadd.s32 $0x17, v31  }
0x73e: {  	v28 =	vld.idx.msk [tilespmem:v15+s13+$0x0], $0xffff;
	v15 =	vmov v25;
	[tilespmem:$0x1F4F0] =	vst v9  }
0x73f: {  	v40 =	vadd.s32 $0x2, v31;
	v9 =	vadd.s32 $0x17, v57;
	[tilespmem:$0x1F760] =	vst v15  }
0x740: {  	v35 =	vadd.s32 $0x2, v56;
	v15 =	vadd.s32 $0x16, v56;
	[tilespmem:$0x1F510] =	vst v9  }
0x741: {  	v46 =	vadd.s32 $0x2, v57;
	v9 =	vadd.s32 $0x17, v56;
	[tilespmem:$0x1F480] =	vst v15  }
0x742: {  	v24 =	vadd.s32 $0x3, v20;
	[tilespmem:$0x1F530] =	vst v9;
	v9 =	vadd.s32 $0x18, v31;
	v16 =	vadd.f32 v17, v16  }
0x743: {  	v12 =	vadd.s32 $0x3, v19;
	[tilespmem:$0x1F5B0] =	vst v9;
	v9 =	vadd.s32 $0x18, v57  }
0x744: {  	v36 =	vadd.s32 $0x3, v21;
	v18 =	vld.idx.msk [tilespmem:v40+s13+$0x0], $0xffff;
	[tilespmem:$0x1F5D0] =	vst v9;
	v9 =	vadd.s32 $0x18, v56;
	v8 =	vadd.f32 v8, v16  }
0x745: {  	v35 =	vld.idx.msk [tilespmem:v35+s13+$0x0], $0xffff;
	[tilespmem:$0x1F5F0] =	vst v9  }
0x746: {  	v17 =	vld.idx.msk [tilespmem:v46+s13+$0x0], $0xffff;
	v9 =	vadd.f32 v27, v13;
	[tilespmem:s11+$0x0] =	vst v8;
	v8 =	vadd.s32 $0x19, v56  }
0x747: {  	v24 =	vld.idx.msk [tilespmem:v24+s13+$0x0], $0xffff;
	[tilespmem:$0x1F6C0] =	vst v8;
	v8 =	vadd.s32 $0x1A, v31  }
0x748: {  	v46 =	vld.idx.msk [tilespmem:v12+s13+$0x0], $0xffff;
	[tilespmem:$0x1F840] =	vst v8;
	v8 =	vadd.f32 v37, v9;
	v9 =	vadd.s32 $0x1A, v57  }
0x749: {  	v16 =	vld.idx.msk [tilespmem:v36+s13+$0x0], $0xffff;
	s11 =	sadd.s32 $0x14680, s20;
	[tilespmem:$0x1F880] =	vst v9;
	v9 =	vadd.s32 $0x1A, v56  }
0x74a: {  	v10 =	vadd.s32 $0xF, v57;
	s14 =	sor.u32 s21, s11;
	[tilespmem:$0x1F920] =	vst v9;
	v9 =	vld [tilespmem:$0x1F7A0]  }
0x74b: {  	v15 =	vmov v10;
	[tilespmem:s14+$0x0] =	vst v8;
	v8 =	vld [tilespmem:$0x1F7B0]  }
0x74c: {  	v27 =	vadd.s32 $0x14, v1;
	[tilespmem:$0x1F7B0] =	vst v15;
	v15 =	vld [tilespmem:$0x1F8A0]  }
0x74d: {  	[tilespmem:$0x1F330] =	vst v60  }
0x74e: {  	[tilespmem:$0x1F6B0] =	vst v11;
	v11 =	vadd.s32 $0x7, v31  }
0x74f: {  	[tilespmem:$0x1F300] =	vst v11;
	v11 =	vadd.s32 $0xA, v56  }
0x750: {  	v29 =	vadd.f32 v55, v29;
	[tilespmem:$0x1F4D0] =	vst v11;
	v11 =	vadd.s32 $0xB, v31  }
0x751: {  	[tilespmem:$0x1F5C0] =	vst v42;
	v3 =	vmovc v63;
	v63 =	vadd.s32 $0xF, v31;
	v36 =	vadd.s32 $0x14, v2;
	v17 =	vadd.f32 v17, v18;
	v27 =	vld.idx.msk [tilespmem:v27+s13+$0x0], $0xffff  }
0x752: {  	[tilespmem:$0x1F570] =	vst v11;
	v29 =	vadd.f32 v61, v29;
	v40 =	vadd.s32 $0x14, v0;
	v12 =	vmov v63;
	v9 =	vld.idx.msk [tilespmem:v9+s13+$0x0], $0xffff  }
0x753: {  	v17 =	vadd.f32 v35, v17;
	[tilespmem:$0x1F7A0] =	vst v12;
	v12 =	vld.idx.msk [tilespmem:v8+s13+$0x0], $0xffff  }
0x754: {  	v42 =	vadd.s32 $0x3, v31;
	v35 =	vld.idx.msk [tilespmem:v15+s13+$0x0], $0xffff;
	[tilespmem:s19+$0x0] =	vst v29  }
0x755: {  	v60 =	vadd.s32 $0x3, v57;
	v11 =	vadd.s32 $0xF, v56;
	v10 =	vadd.f32 v16, v24;
	[tilespmem:s6+$0x100] =	vst v17;
	v17 =	vld [tilespmem:$0x1F750]  }
0x756: {  	v16 =	vadd.s32 $0x4, v20;
	v24 =	vld.idx.msk [tilespmem:v36+s13+$0x0], $0xffff;
	v15 =	vmov v11  }
0x757: {  	v36 =	vadd.s32 $0x4, v21;
	v37 =	vld.idx.msk [tilespmem:v40+s13+$0x0], $0xffff;
	v11 =	vadd.f32 v46, v10;
	[tilespmem:$0x1F8A0] =	vst v15;
	v15 =	vadd.s32 $0x1D, v56  }
0x758: {  	[tilespmem:$0x1F560] =	vst v15;
	v15 =	vld [tilespmem:$0x1F850]  }
0x759: {  	v10 =	vadd.s32 $0x4, v19;
	[tilespmem:s10+$0x180] =	vst v11;
	v11 =	vld.idx.msk [tilespmem:v42+s13+$0x0], $0xffff  }
0x75a: {  	[tilespmem:$0x1F5E0] =	vst v59;
	v59 =	vadd.s32 $0x3, v56;
	v25 =	vld.idx.msk [tilespmem:v60+s13+$0x0], $0xffff  }
0x75b: {  	v9 =	vadd.f32 v12, v9;
	v12 =	vld.idx.msk [tilespmem:v16+s13+$0x0], $0xffff  }
0x75c: {  	v18 =	vadd.s32 $0x1B, v31;
	v16 =	vld.idx.msk [tilespmem:v36+s13+$0x0], $0xffff  }
0x75d: {  	v40 =	vld.idx.msk [tilespmem:v17+s13+$0x0], $0xffff;
	v17 =	vmov v18;
	v18 =	vadd.f32 v24, v27  }
0x75e: {  	v36 =	vmov v3;
	v3 =	vadd.f32 v4, v34;
	v4 =	vld.idx.msk [tilespmem:v10+s13+$0x0], $0xffff;
	v9 =	vadd.f32 v35, v9  }
0x75f: {  	s8 =	sor.u32 s22, s8;
	s4 =	sor.u32 s22, s11;
	s11 =	sadd.s32 $0x14700, s20;
	[tilespmem:$0x1F850] =	vst v17;
	v17 =	vadd.f32 v37, v18;
	v18 =	vld.idx.msk [tilespmem:v59+s13+$0x0], $0xffff  }
0x760: {  	s14 =	sor.u32 s21, s11;
	[tilespmem:s8+$0x0] =	vst v9;
	v9 =	vld [tilespmem:$0x1F7C0]  }
0x761: {  	[tilespmem:s14+$0x0] =	vst v17;
	v17 =	vld [tilespmem:$0x1F7D0]  }
0x762: {  	[tilespmem:$0x1F370] =	vst v49;
	v24 =	vadd.s32 $0x15, v1  }
0x763: {  	[tilespmem:$0x1F460] =	vst v54;
	v7 =	vadd.s32 $0xD, v56  }
0x764: {  	[tilespmem:$0x1F680] =	vst v7;
	v15 =	vmov v15  }
0x765: {  	v54 =	vadd.s32 $0x4, v31;
	v49 =	vadd.s32 $0x5, v31;
	[tilespmem:$0x1F750] =	vst v15;
	v15 =	vadd.s32 $0x1E, v31  }
0x766: {  	v7 =	vadd.s32 $0x10, v31;
	v3 =	vadd.f32 v28, v3;
	[tilespmem:$0x1F620] =	vst v15;
	v15 =	vadd.s32 $0x1E, v57  }
0x767: {  	v6 =	vadd.s32 $0x10, v57;
	v26 =	vadd.s32 $0x11, v31;
	v58 =	vadd.s32 $0x12, v31;
	v10 =	vmovc v7;
	[tilespmem:$0x1F6F0] =	vst v15;
	v7 =	vld.idx.msk [tilespmem:v24+s13+$0x0], $0xffff  }
0x768: {  	v52 =	vadd.s32 $0x13, v31;
	v14 =	vadd.s32 $0x15, v31;
	v15 =	vadd.s32 $0x1E, v56;
	v9 =	vld.idx.msk [tilespmem:v9+s13+$0x0], $0xffff;
	[tilespmem:s25+$0x0] =	vst v3  }
0x769: {  	v63 =	vadd.s32 $0x1C, v31;
	v13 =	vadd.s32 $0x19, v31;
	v27 =	vadd.s32 $0x15, v2;
	[tilespmem:$0x1F720] =	vst v15;
	v24 =	vld.idx.msk [tilespmem:v17+s13+$0x0], $0xffff;
	v17 =	vmovc v6  }
0x76a: {  	v46 =	vadd.s32 $0x1D, v31;
	v15 =	vadd.s32 $0x1F, v31;
	v31 =	vadd.s32 $0x15, v0;
	[tilespmem:$0x1F7D0] =	vst v17;
	v17 =	vld [tilespmem:$0x1F8B0];
	_ =	sdelay $0x1  }
0x76b: {  	v3 =	vadd.f32 v16, v12;
	v6 =	vadd.s32 $0x5, v19;
	_ =	sdelay $0x1  }
0x76c: {  	[tilespmem:$0x1F7C0] =	vst v10;
	v10 =	vadd.s32 $0x5, v20;
	v12 =	vld.idx.msk [tilespmem:v27+s13+$0x0], $0xffff;
	v3 =	vadd.f32 v4, v3  }
0x76d: {  	[tilespmem:$0x1F3D0] =	vst v53;
	v11 =	vadd.f32 v25, v11;
	v16 =	vadd.s32 $0x5, v21;
	v4 =	vld.idx.msk [tilespmem:v31+s13+$0x0], $0xffff  }
0x76e: {  	[tilespmem:s10+$0x200] =	vst v3;
	v3 =	vld.idx.msk [tilespmem:v44+s13+$0x0], $0xffff  }
0x76f: {  	v53 =	vadd.s32 $0x4, v57;
	[tilespmem:$0x1F670] =	vst v13;
	v13 =	vadd.s32 $0x19, v57;
	v11 =	vadd.f32 v18, v11;
	v6 =	vld.idx.msk [tilespmem:v6+s13+$0x0], $0xffff  }
0x770: {  	v5 =	vadd.s32 $0x10, v56;
	[tilespmem:$0x1F6A0] =	vst v13;
	v18 =	vld.idx.msk [tilespmem:v17+s13+$0x0], $0xffff  }
0x771: {  	v13 =	vadd.s32 $0x1B, v57;
	v7 =	vadd.f32 v12, v7;
	v17 =	vmovc v5;
	v5 =	vld.idx.msk [tilespmem:v10+s13+$0x0], $0xffff;
	[tilespmem:s6+$0x180] =	vst v11;
	v11 =	vadd.s32 $0x16, v1  }
0x772: {  	v34 =	vmov v13;
	v13 =	vadd.s32 $0x16, v2;
	v10 =	vld.idx.msk [tilespmem:v16+s13+$0x0], $0xffff  }
0x773: {  	s25 =	smov.u32 s5;
	s5 =	sadd.s32 $0x14780, s20;
	v4 =	vadd.f32 v4, v7;
	v12 =	vld.idx.msk [tilespmem:v54+s13+$0x0], $0xffff  }
0x774: {  	s8 =	sor.u32 s21, s5;
	v7 =	vld.idx.msk [tilespmem:v53+s13+$0x0], $0xffff  }
0x775: {  	v16 =	vadd.s32 $0x16, v0;
	[tilespmem:s8+$0x0] =	vst v4  }
0x776: {  	v4 =	vld.idx.msk [tilespmem:v11+s13+$0x0], $0xffff  }
0x777: {  	v5 =	vadd.f32 v10, v5;
	v10 =	vld.idx.msk [tilespmem:v13+s13+$0x0], $0xffff  }
0x778: {  	v13 =	vld [tilespmem:$0x1F7E0]  }
0x779: {  	v7 =	vadd.f32 v7, v12;
	v12 =	vld [tilespmem:$0x1F7F0];
	v5 =	vadd.f32 v6, v5  }
0x77a: {  	v47 =	vmov v51;
	v51 =	vadd.s32 $0x4, v56;
	v6 =	vld.idx.msk [tilespmem:v16+s13+$0x0], $0xffff  }
0x77b: {  	v9 =	vadd.f32 v24, v9;
	[tilespmem:s10+$0x280] =	vst v5;
	v5 =	vld [tilespmem:$0x1F8C0];
	_ =	sdelay $0x1  }
0x77c: {  	v9 =	vadd.f32 v18, v9;
	_ =	sdelay $0x1  }
0x77d: {  	v18 =	vld.idx.msk [tilespmem:v51+s13+$0x0], $0xffff;
	[tilespmem:s7+$0x0] =	vst v9  }
0x77e: {  	v11 =	vadd.s32 $0x6, v21;
	v13 =	vld.idx.msk [tilespmem:v13+s13+$0x0], $0xffff  }
0x77f: {  	v12 =	vld.idx.msk [tilespmem:v12+s13+$0x0], $0xffff  }
0x780: {  	v9 =	vadd.s32 $0x6, v20  }
0x781: {  	v5 =	vld.idx.msk [tilespmem:v5+s13+$0x0], $0xffff  }
0x782: {  	[tilespmem:$0x1F8B0] =	vst v17;
	v17 =	vmov v26;
	v16 =	vadd.s32 $0x6, v19  }
0x783: {  	v11 =	vld.idx.msk [tilespmem:v11+s13+$0x0], $0xffff;
	v4 =	vadd.f32 v10, v4  }
0x784: {  	[tilespmem:$0x1F2E0] =	vst v62;
	v62 =	vadd.s32 $0x11, v56;
	v10 =	vadd.s32 $0x17, v1;
	v12 =	vadd.f32 v12, v13;
	v13 =	vld [tilespmem:$0x1F270]  }
0x785: {  	[tilespmem:$0x1F7E0] =	vst v17;
	v17 =	vmov v62;
	s10 =	sadd.s32 $0x14800, s20;
	v9 =	vld.idx.msk [tilespmem:v9+s13+$0x0], $0xffff;
	v4 =	vadd.f32 v6, v4  }
0x786: {  	v8 =	vadd.s32 $0x1B, v56;
	[tilespmem:$0x1F8C0] =	vst v17;
	v7 =	vadd.f32 v18, v7;
	s14 =	sor.u32 s21, s10;
	v5 =	vadd.f32 v5, v12;
	v12 =	vld [tilespmem:$0x1F280]  }
0x787: {  	v35 =	vmov v8;
	v8 =	vld.idx.msk [tilespmem:v16+s13+$0x0], $0xffff;
	[tilespmem:s14+$0x0] =	vst v4  }
0x788: {  	v17 =	vld [tilespmem:$0x1F260];
	[tilespmem:s6+$0x200] =	vst v7;
	v7 =	vadd.s32 $0x17, v2  }
0x789: {  	v4 =	vld.idx.msk [tilespmem:v10+s13+$0x0], $0xffff  }
0x78a: {  	v16 =	vadd.s32 $0x17, v0;
	v18 =	vld.idx.msk [tilespmem:v47+s13+$0x0], $0xffff  }
0x78b: {  	v3 =	vadd.f32 v3, v40;
	v6 =	vld.idx.msk [tilespmem:v49+s13+$0x0], $0xffff  }
0x78c: {  	s29 =	sadd.s32 $0x1, s29;
	v13 =	vld.idx.msk [tilespmem:v13+s13+$0x0], $0xffff  }
0x78d: {  	s7 =	sand.u32 $0x3, s29;
	v9 =	vadd.f32 v11, v9;
	v7 =	vld.idx.msk [tilespmem:v7+s13+$0x0], $0xffff  }
0x78e: {  	s9 =	sor.u32 s22, s9;
	s2 =	sshll.u32 s7, $0x5;
	v51 =	vmov v17;
	v12 =	vld.idx.msk [tilespmem:v12+s13+$0x0], $0xffff  }
0x78f: {  	s2 =	sadd.s32 s2, s24;
	v17 =	vadd.f32 v18, v3;
	v3 =	vmov v58;
	[tilespmem:s9+$0x0] =	vst v5;
	v5 =	vadd.f32 v8, v9;
	v8 =	vld.idx.msk [tilespmem:v16+s13+$0x0], $0xffff  }
0x790: {  	s8 =	sor.u32 s22, s10;
	s10 =	sor.u32 $0x300, s2;
	v10 =	vadd.s32 $0x7, v20;
	v16 =	vld [tilespmem:$0x1F800];
	[tilespmem:$0x1F800] =	vst v3  }
0x791: {  	[tilespmem:s10+$0xD500] =	vst v5;
	v3 =	vadd.f32 v13, v6;
	v5 =	vld [tilespmem:$0x1F810];
	_ =	sdelay $0x1  }
0x792: {  	[tilespmem:$0x1F5A0] =	vst v33;
	v33 =	vadd.s32 $0x12, v57;
	v3 =	vadd.f32 v12, v3;
	v12 =	vld [tilespmem:$0x1F8D0]  }
0x793: {  	[tilespmem:$0x1F690] =	vst v32;
	v27 =	vmovc v63;
	v63 =	vmov v15;
	v15 =	vld [tilespmem:$0x1F2C0];
	v4 =	vadd.f32 v7, v4;
	v6 =	vmov v33  }
0x794: {  	v32 =	vadd.s32 $0x12, v56;
	v11 =	vadd.s32 $0x7, v21;
	[tilespmem:$0x1F810] =	vst v6;
	v6 =	vld.idx.msk [tilespmem:v10+s13+$0x0], $0xffff  }
0x795: {  	v13 =	vmov v32;
	v4 =	vadd.f32 v8, v4;
	v8 =	vld [tilespmem:$0x1F290]  }
0x796: {  	[tilespmem:$0x1F8D0] =	vst v13;
	v13 =	vld [tilespmem:$0x1F2A0]  }
0x797: {  	v9 =	vadd.s32 $0x7, v19;
	v16 =	vld.idx.msk [tilespmem:v16+s13+$0x0], $0xffff;
	[tilespmem:s18+$0x0] =	vst v17  }
0x798: {  	v5 =	vld.idx.msk [tilespmem:v5+s13+$0x0], $0xffff  }
0x799: {  	v10 =	vld.idx.msk [tilespmem:v11+s13+$0x0], $0xffff;
	v11 =	vadd.s32 $0x18, v2  }
0x79a: {  	v12 =	vld.idx.msk [tilespmem:v12+s13+$0x0], $0xffff  }
0x79b: {  	s14 =	sadd.s32 $0x14880, s20  }
0x79c: {  	v9 =	vld.idx.msk [tilespmem:v9+s13+$0x0], $0xffff;
	s18 =	sor.u32 s21, s14  }
0x79d: {  	v58 =	vmovc v45;
	v7 =	vadd.s32 $0x18, v1;
	[tilespmem:s18+$0x0] =	vst v4;
	v45 =	vmov v13;
	v13 =	vld [tilespmem:$0x1F2B0];
	v4 =	vadd.f32 v5, v16  }
0x79e: {  	v6 =	vadd.f32 v10, v6;
	v10 =	vld.idx.msk [tilespmem:v11+s13+$0x0], $0xffff;
	[tilespmem:s6+$0x280] =	vst v3;
	v3 =	vadd.s32 $0x18, v0  }
0x79f: {  	v4 =	vadd.f32 v12, v4;
	v12 =	vld [tilespmem:$0x1F2D0]  }
0x7a0: {  	v8 =	vld.idx.msk [tilespmem:v8+s13+$0x0], $0xffff  }
0x7a1: {  	v16 =	vld.idx.msk [tilespmem:v15+s13+$0x0], $0xffff;
	v15 =	vadd.f32 v9, v6;
	v9 =	vadd.s32 $0x8, v19  }
0x7a2: {  	v5 =	vld.idx.msk [tilespmem:v7+s13+$0x0], $0xffff  }
0x7a3: {  	s2 =	sor.u32 $0x380, s2;
	v3 =	vld.idx.msk [tilespmem:v3+s13+$0x0], $0xffff  }
0x7a4: {  	v7 =	vadd.s32 $0x8, v20;
	[tilespmem:s2+$0xD500] =	vst v15;
	v15 =	vld [tilespmem:$0x1F830]  }
0x7a5: {  	v11 =	vadd.s32 $0x8, v21;
	v13 =	vld.idx.msk [tilespmem:v13+s13+$0x0], $0xffff  }
0x7a6: {  	v9 =	vld.idx.msk [tilespmem:v9+s13+$0x0], $0xffff  }
0x7a7: {  	s12 =	sor.u32 s22, s12;
	v5 =	vadd.f32 v10, v5;
	v12 =	vld.idx.msk [tilespmem:v12+s13+$0x0], $0xffff  }
0x7a8: {  	v6 =	vmov v52;
	[tilespmem:s12+$0x0] =	vst v4;
	v4 =	vld [tilespmem:$0x1F820]  }
0x7a9: {  	s9 =	sadd.s32 $0x17D00, s20;
	v3 =	vadd.f32 v3, v5;
	[tilespmem:$0x1F820] =	vst v6;
	v6 =	vld.idx.msk [tilespmem:v7+s13+$0x0], $0xffff  }
0x7aa: {  	s10 =	sor.u32 s21, s9;
	v7 =	vld.idx.msk [tilespmem:v11+s13+$0x0], $0xffff  }
0x7ab: {  	v11 =	vadd.f32 v16, v13;
	[tilespmem:s10+$0x0] =	vst v3;
	v3 =	vld [tilespmem:$0x1F2E0]  }
0x7ac: {  	v50 =	vadd.s32 $0x13, v56;
	v16 =	vld.idx.msk [tilespmem:v15+s13+$0x0], $0xffff  }
0x7ad: {  	v15 =	vmov v50;
	v5 =	vadd.f32 v12, v11;
	v12 =	vld [tilespmem:$0x1F8E0]  }
0x7ae: {  	[tilespmem:$0x1F8E0] =	vst v15;
	v15 =	vld [tilespmem:$0x1F2F0];
	_ =	sdelay $0x2  }
0x7af: {  	v11 =	vadd.s32 $0x19, v0;
	_ =	sdelay $0x1  }
0x7b0: {  	s30 =	sadd.s32 $0x2, s30;
	v10 =	vadd.s32 $0x19, v1;
	v62 =	vmov v15;
	v15 =	vld [tilespmem:$0x1F300]  }
0x7b1: {  	s6 =	sand.u32 $0x7, s30;
	v13 =	vadd.s32 $0x19, v2;
	v6 =	vadd.f32 v7, v6;
	v4 =	vld.idx.msk [tilespmem:v4+s13+$0x0], $0xffff  }
0x7b2: {  	s17 =	sadd.s32 $0x100, s17;
	s2 =	sshll.u32 s6, $0x4;
	v3 =	vld.idx.msk [tilespmem:v3+s13+$0x0], $0xffff  }
0x7b3: {  	s2 =	sadd.s32 s2, s17;
	v6 =	vadd.f32 v9, v6;
	v9 =	vld.idx.msk [tilespmem:v11+s13+$0x0], $0xffff  }
0x7b4: {  	s12 =	sor.u32 $0x300, s2;
	v12 =	vld.idx.msk [tilespmem:v12+s13+$0x0], $0xffff  }
0x7b5: {  	s7 =	sor.u32 s22, s14;
	s14 =	sadd.s32 $0x10D00, s3;
	[tilespmem:s12+$0xD500] =	vst v5;
	v5 =	vld.idx.msk [tilespmem:v10+s13+$0x0], $0xffff  }
0x7b6: {  	s18 =	sor.u32 s31, s14;
	v10 =	vld.idx.msk [tilespmem:v13+s13+$0x0], $0xffff  }
0x7b7: {  	[tilespmem:s18+$0x0] =	vst v6;
	v6 =	vld [tilespmem:$0x1F320]  }
0x7b8: {  	v7 =	vadd.s32 $0x9, v20;
	v18 =	vld.idx.msk [tilespmem:v15+s13+$0x0], $0xffff  }
0x7b9: {  	v11 =	vadd.s32 $0x9, v19;
	v15 =	vld [tilespmem:$0x1F310];
	_ =	sdelay $0x3  }
0x7ba: {  	v13 =	vadd.s32 $0x9, v21;
	v4 =	vadd.f32 v16, v4;
	v7 =	vld.idx.msk [tilespmem:v7+s13+$0x0], $0xffff  }
0x7bb: {  	v11 =	vld.idx.msk [tilespmem:v11+s13+$0x0], $0xffff  }
0x7bc: {  	v4 =	vadd.f32 v12, v4;
	v12 =	vld [tilespmem:$0x1F330]  }
0x7bd: {  	v6 =	vld.idx.msk [tilespmem:v6+s13+$0x0], $0xffff  }
0x7be: {  	v5 =	vadd.f32 v10, v5;
	v16 =	vld.idx.msk [tilespmem:v15+s13+$0x0], $0xffff  }
0x7bf: {  	[tilespmem:s4+$0x0] =	vst v4;
	v4 =	vld.idx.msk [tilespmem:v13+s13+$0x0], $0xffff  }
0x7c0: {  	s10 =	sadd.s32 $0x17D80, s20;
	v5 =	vadd.f32 v9, v5;
	v15 =	vld [tilespmem:$0x1F860]  }
0x7c1: {  	v3 =	vadd.f32 v3, v8;
	v8 =	vadd.s32 $0x1A, v1;
	s12 =	sor.u32 s21, s10;
	v13 =	vld [tilespmem:$0x1F340]  }
0x7c2: {  	v10 =	vadd.s32 $0x1A, v2;
	[tilespmem:s12+$0x0] =	vst v5;
	v5 =	vld [tilespmem:$0x1F8F0];
	_ =	sdelay $0x2  }
0x7c3: {  	v12 =	vld.idx.msk [tilespmem:v12+s13+$0x0], $0xffff;
	v9 =	vadd.f32 v16, v18  }
0x7c4: {  	v8 =	vld.idx.msk [tilespmem:v8+s13+$0x0], $0xffff  }
0x7c5: {  	v43 =	vadd.s32 $0x14, v56;
	v60 =	vmovc v13;
	v13 =	vadd.s32 $0x1A, v0;
	v6 =	vadd.f32 v6, v9;
	v9 =	vld.idx.msk [tilespmem:v10+s13+$0x0], $0xffff  }
0x7c6: {  	v16 =	vld.idx.msk [tilespmem:v15+s13+$0x0], $0xffff;
	v15 =	vmov v43  }
0x7c7: {  	v4 =	vadd.f32 v4, v7;
	[tilespmem:$0x1F8F0] =	vst v15;
	v15 =	vld [tilespmem:$0x1F380]  }
0x7c8: {  	s19 =	sor.u32 s22, s11;
	s11 =	sor.u32 s22, s5;
	s2 =	sor.u32 $0x380, s2;
	v5 =	vld.idx.msk [tilespmem:v5+s13+$0x0], $0xffff  }
0x7c9: {  	s5 =	sor.u32 s22, s9;
	s9 =	sor.u32 s1, s14;
	s14 =	sadd.s32 $0x10D80, s3;
	v4 =	vadd.f32 v11, v4;
	[tilespmem:s2+$0xD500] =	vst v6;
	v6 =	vld [tilespmem:$0x1F370]  }
0x7ca: {  	s18 =	sor.u32 s31, s14;
	v11 =	vld.idx.msk [tilespmem:v13+s13+$0x0], $0xffff  }
0x7cb: {  	[tilespmem:s18+$0x0] =	vst v4;
	v4 =	vld [tilespmem:$0x1F3B0];
	v12 =	vadd.f32 v16, v12  }
0x7cc: {  	v49 =	vmov v15;
	v15 =	vld [tilespmem:$0x1F3A0]  }
0x7cd: {  	v5 =	vadd.f32 v5, v12;
	v12 =	vld [tilespmem:$0x1F3C0];
	_ =	sdelay $0x3  }
0x7ce: {  	v13 =	vadd.s32 $0xA, v19  }
0x7cf: {  	v6 =	vld.idx.msk [tilespmem:v6+s13+$0x0], $0xffff  }
0x7d0: {  	v4 =	vld.idx.msk [tilespmem:v4+s13+$0x0], $0xffff  }
0x7d1: {  	v18 =	vld.idx.msk [tilespmem:v15+s13+$0x0], $0xffff  }
0x7d2: {  	v8 =	vadd.f32 v9, v8;
	v12 =	vld.idx.msk [tilespmem:v12+s13+$0x0], $0xffff  }
0x7d3: {  	v7 =	vadd.s32 $0xA, v20;
	[tilespmem:s19+$0x0] =	vst v5;
	v5 =	vld.idx.msk [tilespmem:v13+s13+$0x0], $0xffff  }
0x7d4: {  	v10 =	vadd.s32 $0xA, v21;
	v13 =	vadd.f32 v11, v8;
	v11 =	vld [tilespmem:$0x1F3D0];
	_ =	sdelay $0x3  }
0x7d5: {  	v7 =	vld.idx.msk [tilespmem:v7+s13+$0x0], $0xffff  }
0x7d6: {  	v10 =	vld.idx.msk [tilespmem:v10+s13+$0x0], $0xffff;
	v16 =	vadd.s32 $0x1B, v2  }
0x7d7: {  	s12 =	sadd.s32 $0x17E00, s20;
	v9 =	vadd.s32 $0x1B, v1  }
0x7d8: {  	s6 =	sor.u32 s22, s10;
	s10 =	sor.u32 s1, s14;
	s14 =	sor.u32 s21, s12;
	v3 =	vadd.f32 v6, v3;
	v15 =	vld [tilespmem:$0x1F3E0]  }
0x7d9: {  	[tilespmem:s14+$0x0] =	vst v13;
	v11 =	vld.idx.msk [tilespmem:v11+s13+$0x0], $0xffff  }
0x7da: {  	v22 =	vadd.s32 $0x15, v57;
	v8 =	vadd.s32 $0x1B, v0;
	[tilespmem:s15+$0x0] =	vst v3;
	v3 =	vadd.f32 v4, v18;
	v4 =	vld [tilespmem:$0x1F870]  }
0x7db: {  	v7 =	vadd.f32 v10, v7;
	v6 =	vmov v22;
	v10 =	vld.idx.msk [tilespmem:v16+s13+$0x0], $0xffff  }
0x7dc: {  	[tilespmem:$0x1F870] =	vst v6;
	v6 =	vld.idx.msk [tilespmem:v9+s13+$0x0], $0xffff  }
0x7dd: {  	v3 =	vadd.f32 v12, v3;
	v12 =	vld [tilespmem:$0x1F900];
	_ =	sdelay $0x1  }
0x7de: {  	v5 =	vadd.f32 v5, v7;
	v7 =	vld.idx.msk [tilespmem:v8+s13+$0x0], $0xffff  }
0x7df: {  	v53 =	vmov v14;
	v16 =	vld [tilespmem:$0x1F480];
	v14 =	vmov v15  }
0x7e0: {  	s15 =	sadd.s32 $0x10E00, s3;
	[tilespmem:$0x1F900] =	vst v14;
	v14 =	vld [tilespmem:$0x1F400]  }
0x7e1: {  	v13 =	vadd.s32 $0xB, v21;
	s18 =	sor.u32 s31, s15;
	v6 =	vadd.f32 v10, v6;
	v4 =	vld.idx.msk [tilespmem:v4+s13+$0x0], $0xffff  }
0x7e2: {  	[tilespmem:s18+$0x0] =	vst v5;
	v5 =	vld [tilespmem:$0x1F410]  }
0x7e3: {  	v6 =	vadd.f32 v7, v6;
	v7 =	vld [tilespmem:$0x1F430]  }
0x7e4: {  	v8 =	vadd.s32 $0xB, v19;
	v12 =	vld.idx.msk [tilespmem:v12+s13+$0x0], $0xffff  }
0x7e5: {  	v9 =	vadd.s32 $0xB, v20;
	[tilespmem:s9+$0x0] =	vst v3;
	v3 =	vld [tilespmem:$0x1F3F0]  }
0x7e6: {  	v4 =	vadd.f32 v4, v11;
	v11 =	vld.idx.msk [tilespmem:v13+s13+$0x0], $0xffff  }
0x7e7: {  	v13 =	vld [tilespmem:$0x1F420]  }
0x7e8: {  	v15 =	vld [tilespmem:$0x1F470]  }
0x7e9: {  	v8 =	vld.idx.msk [tilespmem:v8+s13+$0x0], $0xffff;
	s9 =	sadd.s32 $0x17E80, s20  }
0x7ea: {  	s19 =	sor.u32 s22, s12;
	v9 =	vld.idx.msk [tilespmem:v9+s13+$0x0], $0xffff;
	s12 =	sor.u32 s21, s9  }
0x7eb: {  	v10 =	vadd.s32 $0x1C, v1;
	[tilespmem:s12+$0x0] =	vst v6;
	v6 =	vld [tilespmem:$0x1F450]  }
0x7ec: {  	v50 =	vmov v14;
	v14 =	vadd.s32 $0x1C, v2;
	v5 =	vld.idx.msk [tilespmem:v5+s13+$0x0], $0xffff  }
0x7ed: {  	v4 =	vadd.f32 v12, v4;
	v7 =	vld.idx.msk [tilespmem:v7+s13+$0x0], $0xffff;
	v12 =	vadd.s32 $0x1C, v0  }
0x7ee: {  	v3 =	vld.idx.msk [tilespmem:v3+s13+$0x0], $0xffff  }
0x7ef: {  	v13 =	vld.idx.msk [tilespmem:v13+s13+$0x0], $0xffff  }
0x7f0: {  	v44 =	vmov v6;
	v6 =	vld.idx.msk [tilespmem:v10+s13+$0x0], $0xffff;
	v9 =	vadd.f32 v11, v9  }
0x7f1: {  	v11 =	vld.idx.msk [tilespmem:v14+s13+$0x0], $0xffff  }
0x7f2: {  	v8 =	vadd.f32 v8, v9;
	v9 =	vld.idx.msk [tilespmem:v12+s13+$0x0], $0xffff  }
0x7f3: {  	s14 =	sadd.s32 $0x10E80, s3;
	[tilespmem:s11+$0x0] =	vst v4;
	v4 =	vld [tilespmem:$0x1F440]  }
0x7f4: {  	s4 =	sor.u32 s1, s15;
	s15 =	sor.u32 s31, s14;
	v5 =	vadd.f32 v13, v5;
	v13 =	vld [tilespmem:$0x1F460]  }
0x7f5: {  	[tilespmem:s15+$0x0] =	vst v8;
	v8 =	vld [tilespmem:$0x1F490]  }
0x7f6: {  	v5 =	vadd.f32 v7, v5;
	v7 =	vld [tilespmem:$0x1F910]  }
0x7f7: {  	v6 =	vadd.f32 v11, v6;
	_ =	sdelay $0x1  }
0x7f8: {  	v54 =	vmov v15;
	v15 =	vmov v16;
	v6 =	vadd.f32 v9, v6;
	v9 =	vld [tilespmem:$0x1F4C0]  }
0x7f9: {  	v14 =	vadd.s32 $0xC, v21;
	[tilespmem:$0x1F910] =	vst v15;
	v15 =	vld [tilespmem:$0x1F4A0]  }
0x7fa: {  	v4 =	vld.idx.msk [tilespmem:v4+s13+$0x0], $0xffff  }
0x7fb: {  	v13 =	vld.idx.msk [tilespmem:v13+s13+$0x0], $0xffff  }
0x7fc: {  	v10 =	vadd.s32 $0xC, v20;
	v8 =	vld.idx.msk [tilespmem:v8+s13+$0x0], $0xffff  }
0x7fd: {  	v7 =	vld.idx.msk [tilespmem:v7+s13+$0x0], $0xffff  }
0x7fe: {  	v12 =	vadd.s32 $0xC, v19;
	[tilespmem:s10+$0x0] =	vst v5;
	v5 =	vld.idx.msk [tilespmem:v14+s13+$0x0], $0xffff  }
0x7ff: {  	v14 =	vld [tilespmem:$0x1F4B0]  }
0x800: {  	v18 =	vmovc v46;
	v46 =	vmov v15;
	v15 =	vadd.s32 $0x1D, v2;
	v4 =	vadd.f32 v13, v4  }
0x801: {  	v10 =	vld.idx.msk [tilespmem:v10+s13+$0x0], $0xffff  }
0x802: {  	s10 =	sadd.s32 $0x17F00, s20;
	v4 =	vadd.f32 v7, v4;
	v7 =	vld [tilespmem:$0x1F4D0]  }
0x803: {  	v11 =	vadd.s32 $0x1D, v1;
	v12 =	vld.idx.msk [tilespmem:v12+s13+$0x0], $0xffff;
	s11 =	sor.u32 s21, s10  }
0x804: {  	v9 =	vld.idx.msk [tilespmem:v9+s13+$0x0], $0xffff;
	[tilespmem:s11+$0x0] =	vst v6  }
0x805: {  	v3 =	vadd.f32 v8, v3;
	v8 =	vld.idx.msk [tilespmem:v15+s13+$0x0], $0xffff  }
0x806: {  	v15 =	vld [tilespmem:$0x1F4F0]  }
0x807: {  	v14 =	vld.idx.msk [tilespmem:v14+s13+$0x0], $0xffff  }
0x808: {  	[tilespmem:$0x1F4E0] =	vst v38;
	v38 =	vadd.s32 $0x13, v57;
	v13 =	vadd.s32 $0x1D, v0;
	v6 =	vld.idx.msk [tilespmem:v11+s13+$0x0], $0xffff  }
0x809: {  	v11 =	vld [tilespmem:$0x1F4E0]  }
0x80a: {  	v7 =	vld.idx.msk [tilespmem:v7+s13+$0x0], $0xffff;
	[tilespmem:s8+$0x0] =	vst v4;
	v4 =	vadd.f32 v5, v10  }
0x80b: {  	v17 =	vmov v38;
	v38 =	vmov v15;
	v15 =	vld [tilespmem:$0x1F510]  }
0x80c: {  	s12 =	sadd.s32 $0x10F00, s3;
	v9 =	vadd.f32 v9, v14;
	v14 =	vld [tilespmem:$0x1F500];
	v4 =	vadd.f32 v12, v4  }
0x80d: {  	s18 =	sor.u32 s22, s9;
	s9 =	sor.u32 s1, s14;
	s14 =	sor.u32 s31, s12;
	v12 =	vld.idx.msk [tilespmem:v13+s13+$0x0], $0xffff  }
0x80e: {  	[tilespmem:s14+$0x0] =	vst v4;
	v4 =	vld [tilespmem:$0x1F520];
	_ =	sdelay $0x1  }
0x80f: {  	v10 =	vadd.s32 $0xD, v21;
	_ =	sdelay $0x1  }
0x810: {  	v47 =	vmov v48;
	v48 =	vmov v15;
	v15 =	vld [tilespmem:$0x1F530]  }
0x811: {  	v11 =	vld.idx.msk [tilespmem:v11+s13+$0x0], $0xffff  }
0x812: {  	v14 =	vld.idx.msk [tilespmem:v14+s13+$0x0], $0xffff  }
0x813: {  	v61 =	vadd.s32 $0x1C, v57;
	v7 =	vadd.f32 v7, v9;
	v9 =	vld.idx.msk [tilespmem:v10+s13+$0x0], $0xffff  }
0x814: {  	v4 =	vld.idx.msk [tilespmem:v4+s13+$0x0], $0xffff  }
0x815: {  	v6 =	vadd.f32 v8, v6;
	v10 =	vld [tilespmem:$0x1F540]  }
0x816: {  	v31 =	vmov v61;
	v5 =	vadd.s32 $0xD, v20;
	v61 =	vmov v15;
	v15 =	vld [tilespmem:$0x1F550]  }
0x817: {  	v13 =	vadd.s32 $0xD, v19;
	v6 =	vadd.f32 v12, v6;
	v12 =	vld [tilespmem:$0x1F570];
	v11 =	vadd.f32 v14, v11  }
0x818: {  	v14 =	vld [tilespmem:$0x1F580]  }
0x819: {  	v4 =	vadd.f32 v4, v11;
	v11 =	vld [tilespmem:$0x1F590];
	_ =	sdelay $0x1  }
0x81a: {  	v5 =	vld.idx.msk [tilespmem:v5+s13+$0x0], $0xffff  }
0x81b: {  	v13 =	vld.idx.msk [tilespmem:v13+s13+$0x0], $0xffff  }
0x81c: {  	v28 =	vmov v15;
	v15 =	vld [tilespmem:$0x1F560];
	[tilespmem:s4+$0x0] =	vst v7  }
0x81d: {  	v10 =	vld.idx.msk [tilespmem:v10+s13+$0x0], $0xffff  }
0x81e: {  	v12 =	vld.idx.msk [tilespmem:v12+s13+$0x0], $0xffff  }
0x81f: {  	v5 =	vadd.f32 v9, v5;
	v14 =	vld.idx.msk [tilespmem:v14+s13+$0x0], $0xffff  }
0x820: {  	v11 =	vld.idx.msk [tilespmem:v11+s13+$0x0], $0xffff  }
0x821: {  	[tilespmem:s7+$0x0] =	vst v4;
	v4 =	vadd.f32 v13, v5;
	v13 =	vld [tilespmem:$0x1F5A0]  }
0x822: {  	v39 =	vadd.s32 $0x14, v57;
	v8 =	vadd.s32 $0x1E, v1  }
0x823: {  	[tilespmem:$0x1F830] =	vst v17;
	v17 =	vmov v39;
	v7 =	vadd.s32 $0x1E, v2  }
0x824: {  	s15 =	sor.u32 s22, s10;
	s10 =	sadd.s32 $0x17F80, s20  }
0x825: {  	[tilespmem:$0x1F860] =	vst v17;
	s11 =	sor.u32 s21, s10  }
0x826: {  	[tilespmem:s11+$0x0] =	vst v6;
	v17 =	vmov v15;
	v15 =	vadd.s32 $0x1E, v0  }
0x827: {  	v6 =	vld.idx.msk [tilespmem:v8+s13+$0x0], $0xffff  }
0x828: {  	v7 =	vld.idx.msk [tilespmem:v7+s13+$0x0], $0xffff;
	v3 =	vadd.f32 v10, v3  }
0x829: {  	v13 =	vld.idx.msk [tilespmem:v13+s13+$0x0], $0xffff  }
0x82a: {  	[tilespmem:s28+$0x0] =	vst v3;
	v3 =	vld [tilespmem:$0x1F5B0]  }
0x82b: {  	s8 =	sor.u32 s1, s12;
	s12 =	sadd.s32 $0x10F80, s3;
	v5 =	vld.idx.msk [tilespmem:v15+s13+$0x0], $0xffff  }
0x82c: {  	s14 =	sor.u32 s31, s12  }
0x82d: {  	[tilespmem:s14+$0x0] =	vst v4;
	v4 =	vld [tilespmem:$0x1F5C0]  }
0x82e: {  	v6 =	vadd.f32 v7, v6  }
0x82f: {  	v33 =	vmov v3;
	v3 =	vadd.f32 v14, v12  }
0x830: {  	v5 =	vadd.f32 v5, v6;
	v6 =	vld [tilespmem:$0x1F610]  }
0x831: {  	v3 =	vadd.f32 v11, v3;
	v11 =	vadd.s32 $0x1F, v2;
	v2 =	vld [tilespmem:$0x1F5E0];
	_ =	sdelay $0x2  }
0x832: {  	v12 =	vld [tilespmem:$0x1F5D0]  }
0x833: {  	v55 =	vadd.s32 $0x1C, v56;
	v30 =	vadd.s32 $0x11, v57;
	v4 =	vld.idx.msk [tilespmem:v4+s13+$0x0], $0xffff  }
0x834: {  	v29 =	vadd.s32 $0x1D, v57;
	v42 =	vadd.s32 $0x1F, v57;
	v57 =	vadd.s32 $0x1F, v56;
	v56 =	vmovc v41;
	v41 =	vmovc v6;
	v6 =	vld [tilespmem:$0x1F620]  }
0x835: {  	v14 =	vld [tilespmem:$0x1F5F0];
	_ =	sdelay $0x1  }
0x836: {  	v15 =	vmov v42;
	v42 =	vmov v12;
	v12 =	vld.idx.msk [tilespmem:v2+s13+$0x0], $0xffff;
	_ =	sdelay $0x1  }
0x837: {  	v4 =	vadd.f32 v4, v13;
	v13 =	vld [tilespmem:$0x1F640]  }
0x838: {  	v59 =	vmov v14;
	v14 =	vmov v6;
	v6 =	vld [tilespmem:$0x1F630]  }
0x839: {  	[tilespmem:s9+$0x0] =	vst v3;
	v3 =	vadd.s32 $0x1F, v0;
	v0 =	vld [tilespmem:$0x1F600]  }
0x83a: {  	v4 =	vadd.f32 v12, v4;
	v12 =	vld [tilespmem:$0x1F650];
	_ =	sdelay $0x4  }
0x83b: {  	v13 =	vld.idx.msk [tilespmem:v13+s13+$0x0], $0xffff  }
0x83c: {  	v6 =	vld.idx.msk [tilespmem:v6+s13+$0x0], $0xffff  }
0x83d: {  	v22 =	vld.idx.msk [tilespmem:v0+s13+$0x0], $0xffff  }
0x83e: {  	v12 =	vld.idx.msk [tilespmem:v12+s13+$0x0], $0xffff  }
0x83f: {  	[tilespmem:s5+$0x0] =	vst v4;
	v4 =	vld [tilespmem:$0x1F660];
	_ =	sdelay $0x7  }
0x840: {  	v8 =	vadd.s32 $0xE, v20;
	v7 =	vadd.s32 $0x1F, v1;
	v1 =	vmov v20;
	v20 =	vld.idx.msk [tilespmem:v4+s13+$0x0], $0xffff  }
0x841: {  	v4 =	vld [tilespmem:$0x1F670]  }
0x842: {  	v9 =	vadd.s32 $0xE, v21;
	_ =	sdelay $0x2  }
0x843: {  	v10 =	vadd.s32 $0xE, v19;
	v8 =	vld.idx.msk [tilespmem:v8+s13+$0x0], $0xffff  }
0x844: {  	v16 =	vmov v29;
	v29 =	vmov v4;
	v4 =	vld [tilespmem:$0x1F690]  }
0x845: {  	v9 =	vld.idx.msk [tilespmem:v9+s13+$0x0], $0xffff  }
0x846: {  	s7 =	sor.u32 $0x18000, s20  }
0x847: {  	s2 =	sor.u32 s22, s10;
	s10 =	sor.u32 s21, s7  }
0x848: {  	v10 =	vld.idx.msk [tilespmem:v10+s13+$0x0], $0xffff;
	[tilespmem:s10+$0x0] =	vst v5  }
0x849: {  	v5 =	vld.idx.msk [tilespmem:v7+s13+$0x0], $0xffff  }
0x84a: {  	v7 =	vadd.f32 v9, v8;
	v9 =	vld.idx.msk [tilespmem:v11+s13+$0x0], $0xffff  }
0x84b: {  	v8 =	vadd.s32 $0xF, v1;
	v2 =	vmov v21;
	v3 =	vld.idx.msk [tilespmem:v3+s13+$0x0], $0xffff  }
0x84c: {  	v11 =	vadd.s32 $0xF, v2;
	v0 =	vmov v19;
	v21 =	vld.idx.msk [tilespmem:v4+s13+$0x0], $0xffff  }
0x84d: {  	s11 =	sadd.s32 $0x11000, s3;
	v7 =	vadd.f32 v10, v7;
	v10 =	vadd.s32 $0xF, v0;
	v4 =	vld [tilespmem:$0x1F6A0]  }
0x84e: {  	s4 =	sor.u32 s1, s12;
	s12 =	sor.u32 s31, s11  }
0x84f: {  	v5 =	vadd.f32 v9, v5;
	[tilespmem:s12+$0x0] =	vst v7  }
0x850: {  	v7 =	vld.idx.msk [tilespmem:v8+s13+$0x0], $0xffff  }
0x851: {  	s14 =	sor.u32 $0x18080, s20;
	v8 =	vld.idx.msk [tilespmem:v11+s13+$0x0], $0xffff;
	v3 =	vadd.f32 v3, v5  }
0x852: {  	s21 =	sor.u32 s21, s14;
	v32 =	vmov v4;
	v4 =	vld.idx.msk [tilespmem:v10+s13+$0x0], $0xffff  }
0x853: {  	[tilespmem:s21+$0x0] =	vst v3;
	v3 =	vld [tilespmem:$0x1F6D0];
	_ =	sdelay $0x6  }
0x854: {  	v37 =	vmov v23;
	v23 =	vmov v30  }
0x855: {  	[tilespmem:$0x1F7F0] =	vst v23;
	v23 =	vld.idx.msk [tilespmem:v3+s13+$0x0], $0xffff  }
0x856: {  	v3 =	vld [tilespmem:$0x1F6E0];
	_ =	sdelay $0x4  }
0x857: {  	v40 =	vmov v3;
	v3 =	vld [tilespmem:$0x1F6F0];
	_ =	sdelay $0x1  }
0x858: {  	v6 =	vadd.f32 v13, v6;
	_ =	sdelay $0x1  }
0x859: {  	v5 =	vadd.f32 v12, v6;
	v6 =	vld [tilespmem:$0x1F6B0]  }
0x85a: {  	v12 =	vmov v3;
	v3 =	vld [tilespmem:$0x1F700];
	_ =	sdelay $0x6  }
0x85b: {  	v25 =	vld.idx.msk [tilespmem:v6+s13+$0x0], $0xffff;
	[tilespmem:s8+$0x0] =	vst v5  }
0x85c: {  	v24 =	vld.idx.msk [tilespmem:v3+s13+$0x0], $0xffff  }
0x85d: {  	v3 =	vld [tilespmem:$0x1F710];
	_ =	sdelay $0x1  }
0x85e: {  	v5 =	vld [tilespmem:$0x1F730];
	_ =	sdelay $0x1  }
0x85f: {  	s16 =	sadd.s32 $0x2, s16;
	v6 =	vld [tilespmem:$0x1F6C0]  }
0x860: {  	p0 =	slt.u32 s16, $0x6E;
	v39 =	vmov v3;
	v3 =	vld [tilespmem:$0x1F720]  }
.Ltmp2:
0x861: {  	v26 =	vmov v55;
	v55 =	vld [tilespmem:$0x1F390];
	(pc) =	sbr.rel @p0 .LBB2_5-.Ltmp2, $4  }
0x862: {  	v52 =	vld [tilespmem:$0x1F350]  }
0x863: {  	s0 =	sadd.s32 $0x20, s0;
	v43 =	vld [tilespmem:$0x1F360];
	s11 =	sor.u32 s1, s11  }
0x864: {  	s7 =	sor.u32 s22, s7;
	s20 =	smov.u32 s3;
	s28 =	smov.u32 s2;
	v9 =	vld [tilespmem:$0x1F680]  }
0x865: {  	v7 =	vadd.f32 v8, v7;
	s5 =	sor.u32 s22, s14;
	s22 =	smov.u32 s1;
	v11 =	vmovc v6;
	s21 =	smov.u32 s31;
	v5 =	vld.idx.msk [tilespmem:v5+s13+$0x0], $0xffff;
	v13 =	vmov v3;
	v3 =	vadd.s32 $0x10, v1  }
0x866: {  	v6 =	vld [tilespmem:$0x1F770];
	_ =	sdelay $0x7  }
0x867: {  	v6 =	vld.idx.msk [tilespmem:v6+s13+$0x0], $0xffff;
	_ =	sdelay $0x1  }
0x868: {  	v8 =	vld.idx.msk [tilespmem:v9+s13+$0x0], $0xffff;
	_ =	sdelay $0x2  }
0x869: {  	v5 =	vadd.f32 v6, v5;
	_ =	sdelay $0x1  }
0x86a: {  	v5 =	vadd.f32 v8, v5;
	_ =	sdelay $0x1  }
0x86b: {  	[tilespmem:s4+$0x0] =	vst v5  }
0x86c: {  	v5 =	vld [tilespmem:$0x1F780]  }
0x86d: {  	v19 =	vld [tilespmem:$0x1F790];
	_ =	sdelay $0x1  }
0x86e: {  	v30 =	vld [tilespmem:$0x1F890];
	_ =	sdelay $0x4  }
0x86f: {  	v5 =	vld.idx.msk [tilespmem:v5+s13+$0x0], $0xffff  }
0x870: {  	v6 =	vld.idx.msk [tilespmem:v19+s13+$0x0], $0xffff;
	_ =	sdelay $0x1  }
0x871: {  	v8 =	vld.idx.msk [tilespmem:v30+s13+$0x0], $0xffff;
	_ =	sdelay $0x2  }
0x872: {  	v5 =	vadd.f32 v6, v5;
	_ =	sdelay $0x1  }
0x873: {  	v5 =	vadd.f32 v8, v5;
	_ =	sdelay $0x1  }
0x874: {  	[tilespmem:s11+$0x0] =	vst v5  }
0x875: {  	v5 =	vld [tilespmem:$0x1F7A0]  }
0x876: {  	v10 =	vld [tilespmem:$0x1F7B0];
	_ =	sdelay $0x1  }
0x877: {  	v19 =	vld [tilespmem:$0x1F8A0];
	_ =	sdelay $0x4  }
0x878: {  	v5 =	vld.idx.msk [tilespmem:v5+s13+$0x0], $0xffff  }
0x879: {  	v6 =	vld.idx.msk [tilespmem:v10+s13+$0x0], $0xffff;
	_ =	sdelay $0x1  }
0x87a: {  	v4 =	vadd.f32 v4, v7;
	v7 =	vld.idx.msk [tilespmem:v19+s13+$0x0], $0xffff  }
0x87b: {  	v8 =	vadd.s32 $0x10, v2  }
0x87c: {  	s0 =	sadd.s32 $0x11080, s20  }
0x87d: {  	s1 =	sor.u32 s21, s0;
	v10 =	vadd.f32 v6, v5  }
0x87e: {  	[tilespmem:s1+$0x0] =	vst v4  }
0x87f: {  	v3 =	vld.idx.msk [tilespmem:v3+s13+$0x0], $0xffff;
	v4 =	vadd.f32 v7, v10  }
0x880: {  	s0 =	sor.u32 s22, s0;
	v19 =	vld.idx.msk [tilespmem:v8+s13+$0x0], $0xffff  }
0x881: {  	[tilespmem:s0+$0x0] =	vst v4  }
0x882: {  	v4 =	vld [tilespmem:$0x1F7C0]  }
0x883: {  	v10 =	vld [tilespmem:$0x1F7D0]  }
0x884: {  	v30 =	vadd.s32 $0x10, v0  }
0x885: {  	v3 =	vadd.f32 v19, v3;
	v19 =	vld [tilespmem:$0x1F8B0];
	_ =	sdelay $0x3  }
0x886: {  	v30 =	vld.idx.msk [tilespmem:v30+s13+$0x0], $0xffff  }
0x887: {  	v4 =	vld.idx.msk [tilespmem:v4+s13+$0x0], $0xffff  }
0x888: {  	v7 =	vld.idx.msk [tilespmem:v10+s13+$0x0], $0xffff;
	_ =	sdelay $0x1  }
0x889: {  	v5 =	vadd.s32 $0x11, v1;
	v6 =	vld.idx.msk [tilespmem:v19+s13+$0x0], $0xffff  }
0x88a: {  	v8 =	vadd.s32 $0x11, v2  }
0x88b: {  	s3 =	sadd.s32 $0x14500, s20;
	v3 =	vadd.f32 v30, v3  }
0x88c: {  	s4 =	sor.u32 s21, s3;
	v4 =	vadd.f32 v7, v4  }
0x88d: {  	[tilespmem:s4+$0x0] =	vst v3  }
0x88e: {  	v3 =	vld.idx.msk [tilespmem:v5+s13+$0x0], $0xffff;
	v4 =	vadd.f32 v6, v4  }
0x88f: {  	s0 =	sor.u32 s22, s3;
	v19 =	vld.idx.msk [tilespmem:v8+s13+$0x0], $0xffff  }
0x890: {  	[tilespmem:s0+$0x0] =	vst v4  }
0x891: {  	v4 =	vld [tilespmem:$0x1F7E0]  }
0x892: {  	v10 =	vld [tilespmem:$0x1F7F0]  }
0x893: {  	v30 =	vadd.s32 $0x11, v0  }
0x894: {  	v3 =	vadd.f32 v19, v3;
	v19 =	vld [tilespmem:$0x1F8C0];
	_ =	sdelay $0x3  }
0x895: {  	v30 =	vld.idx.msk [tilespmem:v30+s13+$0x0], $0xffff  }
0x896: {  	v4 =	vld.idx.msk [tilespmem:v4+s13+$0x0], $0xffff  }
0x897: {  	v7 =	vld.idx.msk [tilespmem:v10+s13+$0x0], $0xffff;
	_ =	sdelay $0x1  }
0x898: {  	v5 =	vadd.s32 $0x12, v1;
	v6 =	vld.idx.msk [tilespmem:v19+s13+$0x0], $0xffff  }
0x899: {  	v8 =	vadd.s32 $0x12, v2  }
0x89a: {  	s8 =	sadd.s32 $0x14580, s20;
	v3 =	vadd.f32 v30, v3  }
0x89b: {  	s9 =	sor.u32 s21, s8;
	v4 =	vadd.f32 v7, v4  }
0x89c: {  	[tilespmem:s9+$0x0] =	vst v3  }
0x89d: {  	v3 =	vld.idx.msk [tilespmem:v5+s13+$0x0], $0xffff;
	v4 =	vadd.f32 v6, v4  }
0x89e: {  	s0 =	sor.u32 s22, s8;
	v19 =	vld.idx.msk [tilespmem:v8+s13+$0x0], $0xffff  }
0x89f: {  	[tilespmem:s0+$0x0] =	vst v4  }
0x8a0: {  	v4 =	vld [tilespmem:$0x1F800]  }
0x8a1: {  	v10 =	vld [tilespmem:$0x1F810]  }
0x8a2: {  	v30 =	vadd.s32 $0x12, v0  }
0x8a3: {  	v3 =	vadd.f32 v19, v3;
	v19 =	vld [tilespmem:$0x1F8D0];
	_ =	sdelay $0x3  }
0x8a4: {  	v30 =	vld.idx.msk [tilespmem:v30+s13+$0x0], $0xffff  }
0x8a5: {  	v4 =	vld.idx.msk [tilespmem:v4+s13+$0x0], $0xffff  }
0x8a6: {  	v7 =	vld.idx.msk [tilespmem:v10+s13+$0x0], $0xffff;
	_ =	sdelay $0x1  }
0x8a7: {  	v5 =	vadd.s32 $0x13, v1;
	v6 =	vld.idx.msk [tilespmem:v19+s13+$0x0], $0xffff  }
0x8a8: {  	v8 =	vadd.s32 $0x13, v2  }
0x8a9: {  	s10 =	sadd.s32 $0x14600, s20;
	v3 =	vadd.f32 v30, v3  }
0x8aa: {  	s11 =	sor.u32 s21, s10;
	v4 =	vadd.f32 v7, v4  }
0x8ab: {  	[tilespmem:s11+$0x0] =	vst v3  }
0x8ac: {  	v3 =	vld.idx.msk [tilespmem:v5+s13+$0x0], $0xffff;
	v4 =	vadd.f32 v6, v4  }
0x8ad: {  	s0 =	sor.u32 s22, s10;
	v19 =	vld.idx.msk [tilespmem:v8+s13+$0x0], $0xffff  }
0x8ae: {  	[tilespmem:s0+$0x0] =	vst v4  }
0x8af: {  	v30 =	vadd.s32 $0x13, v0;
	v4 =	vld [tilespmem:$0x1F820]  }
0x8b0: {  	v10 =	vld [tilespmem:$0x1F830];
	_ =	sdelay $0x1  }
0x8b1: {  	v3 =	vadd.f32 v19, v3;
	v19 =	vld [tilespmem:$0x1F8E0];
	_ =	sdelay $0x1  }
0x8b2: {  	v30 =	vld.idx.msk [tilespmem:v30+s13+$0x0], $0xffff;
	_ =	sdelay $0x2  }
0x8b3: {  	v5 =	vadd.s32 $0x14, v1;
	v4 =	vld.idx.msk [tilespmem:v4+s13+$0x0], $0xffff  }
0x8b4: {  	v8 =	vadd.s32 $0x14, v2;
	v7 =	vld.idx.msk [tilespmem:v10+s13+$0x0], $0xffff  }
0x8b5: {  	s12 =	sadd.s32 $0x14680, s20;
	v3 =	vadd.f32 v30, v3  }
0x8b6: {  	s14 =	sor.u32 s21, s12;
	v30 =	vadd.s32 $0x14, v0;
	v6 =	vld.idx.msk [tilespmem:v19+s13+$0x0], $0xffff  }
0x8b7: {  	[tilespmem:s14+$0x0] =	vst v3  }
0x8b8: {  	v3 =	vld.idx.msk [tilespmem:v5+s13+$0x0], $0xffff  }
0x8b9: {  	v19 =	vld.idx.msk [tilespmem:v8+s13+$0x0], $0xffff;
	v4 =	vadd.f32 v7, v4;
	_ =	sdelay $0x1  }
0x8ba: {  	v30 =	vld.idx.msk [tilespmem:v30+s13+$0x0], $0xffff;
	v4 =	vadd.f32 v6, v4  }
0x8bb: {  	s0 =	sor.u32 s22, s12  }
0x8bc: {  	[tilespmem:s0+$0x0] =	vst v4  }
0x8bd: {  	v3 =	vadd.f32 v19, v3;
	v10 =	vld [tilespmem:$0x1F860];
	_ =	sdelay $0x1  }
0x8be: {  	v3 =	vadd.f32 v30, v3;
	v30 =	vld [tilespmem:$0x1F8F0];
	_ =	sdelay $0x4  }
0x8bf: {  	v4 =	vld.idx.msk [tilespmem:v60+s13+$0x0], $0xffff  }
0x8c0: {  	v7 =	vld.idx.msk [tilespmem:v10+s13+$0x0], $0xffff;
	_ =	sdelay $0x1  }
0x8c1: {  	v5 =	vadd.s32 $0x15, v1;
	v6 =	vld.idx.msk [tilespmem:v30+s13+$0x0], $0xffff  }
0x8c2: {  	v19 =	vadd.s32 $0x15, v2  }
0x8c3: {  	s16 =	sadd.s32 $0x14700, s20  }
0x8c4: {  	s17 =	sor.u32 s21, s16;
	v4 =	vadd.f32 v7, v4  }
0x8c5: {  	[tilespmem:s17+$0x0] =	vst v3  }
0x8c6: {  	v60 =	vadd.s32 $0x15, v0;
	v3 =	vld.idx.msk [tilespmem:v5+s13+$0x0], $0xffff;
	v4 =	vadd.f32 v6, v4  }
0x8c7: {  	s0 =	sor.u32 s22, s16;
	v19 =	vld.idx.msk [tilespmem:v19+s13+$0x0], $0xffff  }
0x8c8: {  	[tilespmem:s0+$0x0] =	vst v4  }
0x8c9: {  	v4 =	vld.idx.msk [tilespmem:v53+s13+$0x0], $0xffff  }
0x8ca: {  	v53 =	vld [tilespmem:$0x1F870]  }
0x8cb: {  	v30 =	vld.idx.msk [tilespmem:v60+s13+$0x0], $0xffff  }
0x8cc: {  	v3 =	vadd.f32 v19, v3;
	v19 =	vld [tilespmem:$0x1F900];
	_ =	sdelay $0x1  }
0x8cd: {  	v5 =	vadd.s32 $0x16, v1;
	_ =	sdelay $0x1  }
0x8ce: {  	s23 =	sadd.s32 $0x14780, s20;
	v60 =	vadd.s32 $0x16, v2;
	v3 =	vadd.f32 v30, v3  }
0x8cf: {  	s24 =	sor.u32 s21, s23  }
0x8d0: {  	v30 =	vadd.s32 $0x16, v0;
	[tilespmem:s24+$0x0] =	vst v3;
	v7 =	vld.idx.msk [tilespmem:v53+s13+$0x0], $0xffff  }
0x8d1: {  	v3 =	vld.idx.msk [tilespmem:v5+s13+$0x0], $0xffff  }
0x8d2: {  	v6 =	vld.idx.msk [tilespmem:v19+s13+$0x0], $0xffff  }
0x8d3: {  	v53 =	vld.idx.msk [tilespmem:v60+s13+$0x0], $0xffff;
	_ =	sdelay $0x1  }
0x8d4: {  	v60 =	vld.idx.msk [tilespmem:v30+s13+$0x0], $0xffff;
	v4 =	vadd.f32 v7, v4;
	_ =	sdelay $0x1  }
0x8d5: {  	v4 =	vadd.f32 v6, v4  }
0x8d6: {  	s0 =	sor.u32 s22, s23;
	v3 =	vadd.f32 v53, v3  }
0x8d7: {  	[tilespmem:s0+$0x0] =	vst v4  }
0x8d8: {  	v3 =	vadd.f32 v60, v3;
	v60 =	vld [tilespmem:$0x1F910];
	_ =	sdelay $0x4  }
0x8d9: {  	v30 =	vld.idx.msk [tilespmem:v44+s13+$0x0], $0xffff  }
0x8da: {  	v53 =	vld.idx.msk [tilespmem:v54+s13+$0x0], $0xffff  }
0x8db: {  	v19 =	vadd.s32 $0x17, v1  }
0x8dc: {  	v44 =	vadd.s32 $0x17, v2;
	v9 =	vld.idx.msk [tilespmem:v60+s13+$0x0], $0xffff  }
0x8dd: {  	s29 =	sadd.s32 $0x14800, s20  }
0x8de: {  	s30 =	sor.u32 s21, s29;
	v54 =	vadd.s32 $0x17, v0  }
0x8df: {  	[tilespmem:s30+$0x0] =	vst v3;
	v8 =	vadd.f32 v53, v30  }
0x8e0: {  	v3 =	vld.idx.msk [tilespmem:v19+s13+$0x0], $0xffff  }
0x8e1: {  	v10 =	vld.idx.msk [tilespmem:v44+s13+$0x0], $0xffff;
	v4 =	vadd.f32 v9, v8  }
0x8e2: {  	s0 =	sor.u32 s22, s29  }
0x8e3: {  	v6 =	vld.idx.msk [tilespmem:v54+s13+$0x0], $0xffff;
	[tilespmem:s0+$0x0] =	vst v4  }
0x8e4: {  	v30 =	vld.idx.msk [tilespmem:v38+s13+$0x0], $0xffff  }
0x8e5: {  	v44 =	vld.idx.msk [tilespmem:v48+s13+$0x0], $0xffff  }
0x8e6: {  	v19 =	vadd.s32 $0x18, v1;
	v3 =	vadd.f32 v10, v3  }
0x8e7: {  	v38 =	vadd.s32 $0x18, v2;
	v53 =	vld.idx.msk [tilespmem:v61+s13+$0x0], $0xffff  }
0x8e8: {  	s31 =	sadd.s32 $0x14880, s20;
	v3 =	vadd.f32 v6, v3  }
0x8e9: {  	s2 =	sor.u32 s21, s31;
	v48 =	vadd.s32 $0x18, v0  }
0x8ea: {  	[tilespmem:s2+$0x0] =	vst v3;
	v54 =	vadd.f32 v44, v30  }
0x8eb: {  	v3 =	vld.idx.msk [tilespmem:v19+s13+$0x0], $0xffff  }
0x8ec: {  	v60 =	vld.idx.msk [tilespmem:v38+s13+$0x0], $0xffff;
	v4 =	vadd.f32 v53, v54  }
0x8ed: {  	s0 =	sor.u32 s22, s31  }
0x8ee: {  	v6 =	vld.idx.msk [tilespmem:v48+s13+$0x0], $0xffff;
	[tilespmem:s0+$0x0] =	vst v4  }
0x8ef: {  	v19 =	vld.idx.msk [tilespmem:v33+s13+$0x0], $0xffff  }
0x8f0: {  	v33 =	vld.idx.msk [tilespmem:v42+s13+$0x0], $0xffff  }
0x8f1: {  	v61 =	vadd.s32 $0x19, v1;
	v3 =	vadd.f32 v60, v3  }
0x8f2: {  	v30 =	vadd.s32 $0x19, v2;
	v42 =	vld.idx.msk [tilespmem:v59+s13+$0x0], $0xffff  }
0x8f3: {  	s3 =	sadd.s32 $0x17D00, s20;
	v38 =	vadd.s32 $0x19, v0;
	v3 =	vadd.f32 v6, v3  }
0x8f4: {  	s4 =	sor.u32 s21, s3;
	v44 =	vadd.f32 v21, v20  }
0x8f5: {  	[tilespmem:s4+$0x0] =	vst v3;
	v5 =	vadd.f32 v33, v19  }
0x8f6: {  	v3 =	vadd.f32 v25, v44;
	v4 =	vld.idx.msk [tilespmem:v61+s13+$0x0], $0xffff  }
0x8f7: {  	v7 =	vld.idx.msk [tilespmem:v30+s13+$0x0], $0xffff;
	v5 =	vadd.f32 v42, v5  }
0x8f8: {  	s0 =	sor.u32 s22, s3;
	v6 =	vld.idx.msk [tilespmem:v38+s13+$0x0], $0xffff;
	[tilespmem:s6+$0x0] =	vst v3  }
0x8f9: {  	v3 =	vld.idx.msk [tilespmem:v47+s13+$0x0], $0xffff;
	[tilespmem:s0+$0x0] =	vst v5  }
0x8fa: {  	v48 =	vld.idx.msk [tilespmem:v29+s13+$0x0], $0xffff  }
0x8fb: {  	v54 =	vld.idx.msk [tilespmem:v32+s13+$0x0], $0xffff  }
0x8fc: {  	v10 =	vld.idx.msk [tilespmem:v55+s13+$0x0], $0xffff  }
0x8fd: {  	v11 =	vld.idx.msk [tilespmem:v11+s13+$0x0], $0xffff  }
0x8fe: {  	v59 =	vld.idx.msk [tilespmem:v58+s13+$0x0], $0xffff  }
0x8ff: {  	v4 =	vadd.f32 v7, v4  }
0x900: {  	v7 =	vadd.f32 v54, v48  }
0x901: {  	s8 =	sadd.s32 $0x17D80, s20;
	v4 =	vadd.f32 v6, v4;
	v3 =	vadd.f32 v10, v3  }
0x902: {  	s9 =	sor.u32 s21, s8;
	v47 =	vadd.s32 $0x1A, v1;
	v7 =	vadd.f32 v11, v7  }
0x903: {  	s0 =	sor.u32 s22, s8;
	[tilespmem:s9+$0x0] =	vst v4;
	v3 =	vadd.f32 v59, v3  }
0x904: {  	v53 =	vadd.s32 $0x1A, v2;
	[tilespmem:s0+$0x0] =	vst v7  }
0x905: {  	v7 =	vld [tilespmem:$0x1F840];
	[tilespmem:s19+$0x0] =	vst v3  }
0x906: {  	v20 =	vld [tilespmem:$0x1F880]  }
0x907: {  	v5 =	vld.idx.msk [tilespmem:v47+s13+$0x0], $0xffff  }
0x908: {  	v29 =	vld [tilespmem:$0x1F920]  }
0x909: {  	v8 =	vld.idx.msk [tilespmem:v53+s13+$0x0], $0xffff  }
0x90a: {  	v55 =	vadd.s32 $0x1A, v0;
	_ =	sdelay $0x2  }
0x90b: {  	v7 =	vld.idx.msk [tilespmem:v7+s13+$0x0], $0xffff  }
0x90c: {  	v60 =	vadd.f32 v8, v5;
	v8 =	vld.idx.msk [tilespmem:v20+s13+$0x0], $0xffff  }
0x90d: {  	v6 =	vld.idx.msk [tilespmem:v55+s13+$0x0], $0xffff  }
0x90e: {  	v10 =	vld.idx.msk [tilespmem:v29+s13+$0x0], $0xffff  }
0x90f: {  	v21 =	vld [tilespmem:$0x1F750]  }
0x910: {  	v61 =	vadd.s32 $0x1B, v1  }
0x911: {  	v7 =	vadd.f32 v8, v7  }
0x912: {  	s10 =	sadd.s32 $0x17E00, s20;
	v4 =	vadd.f32 v6, v60  }
0x913: {  	s11 =	sor.u32 s21, s10;
	v19 =	vadd.s32 $0x1B, v2;
	v7 =	vadd.f32 v10, v7  }
0x914: {  	s0 =	sor.u32 s22, s10;
	v30 =	vld.idx.msk [tilespmem:v56+s13+$0x0], $0xffff;
	[tilespmem:s11+$0x0] =	vst v4  }
0x915: {  	v25 =	vadd.s32 $0x1B, v0;
	v5 =	vld.idx.msk [tilespmem:v61+s13+$0x0], $0xffff;
	[tilespmem:s0+$0x0] =	vst v7  }
0x916: {  	v7 =	vld [tilespmem:$0x1F850]  }
0x917: {  	v9 =	vld.idx.msk [tilespmem:v21+s13+$0x0], $0xffff  }
0x918: {  	v3 =	vld.idx.msk [tilespmem:v19+s13+$0x0], $0xffff  }
0x919: {  	v32 =	vld.idx.msk [tilespmem:v51+s13+$0x0], $0xffff  }
0x91a: {  	v6 =	vld.idx.msk [tilespmem:v25+s13+$0x0], $0xffff;
	_ =	sdelay $0x1  }
0x91b: {  	v4 =	vadd.f32 v30, v9  }
0x91c: {  	v33 =	vadd.s32 $0x1C, v1;
	v3 =	vadd.f32 v3, v5;
	v42 =	vld.idx.msk [tilespmem:v34+s13+$0x0], $0xffff  }
0x91d: {  	v38 =	vadd.s32 $0x1C, v2;
	v4 =	vadd.f32 v32, v4;
	v7 =	vld.idx.msk [tilespmem:v7+s13+$0x0], $0xffff  }
0x91e: {  	s12 =	sadd.s32 $0x17E80, s20;
	v3 =	vadd.f32 v6, v3  }
0x91f: {  	s14 =	sor.u32 s21, s12;
	v44 =	vadd.s32 $0x1C, v0;
	[tilespmem:s18+$0x0] =	vst v4;
	v47 =	vld.idx.msk [tilespmem:v35+s13+$0x0], $0xffff  }
0x920: {  	[tilespmem:s14+$0x0] =	vst v3;
	v48 =	vld.idx.msk [tilespmem:v45+s13+$0x0], $0xffff  }
0x921: {  	v5 =	vld.idx.msk [tilespmem:v33+s13+$0x0], $0xffff  }
0x922: {  	v8 =	vld.idx.msk [tilespmem:v38+s13+$0x0], $0xffff;
	v7 =	vadd.f32 v42, v7  }
0x923: {  	v51 =	vld.idx.msk [tilespmem:v62+s13+$0x0], $0xffff  }
0x924: {  	v4 =	vld.idx.msk [tilespmem:v44+s13+$0x0], $0xffff;
	v6 =	vadd.f32 v47, v7  }
0x925: {  	s0 =	sor.u32 s22, s12;
	v53 =	vld.idx.msk [tilespmem:v49+s13+$0x0], $0xffff  }
0x926: {  	[tilespmem:s0+$0x0] =	vst v6  }
0x927: {  	v54 =	vadd.s32 $0x1D, v1;
	v5 =	vadd.f32 v8, v5;
	v55 =	vld.idx.msk [tilespmem:v27+s13+$0x0], $0xffff  }
0x928: {  	v3 =	vadd.f32 v51, v48;
	v58 =	vld.idx.msk [tilespmem:v31+s13+$0x0], $0xffff  }
0x929: {  	s16 =	sadd.s32 $0x17F00, s20;
	v4 =	vadd.f32 v4, v5  }
0x92a: {  	s17 =	sor.u32 s21, s16;
	v56 =	vadd.s32 $0x1D, v2;
	v3 =	vadd.f32 v53, v3;
	v60 =	vld.idx.msk [tilespmem:v26+s13+$0x0], $0xffff  }
0x92b: {  	[tilespmem:s17+$0x0] =	vst v4  }
0x92c: {  	v59 =	vadd.s32 $0x1D, v0;
	[tilespmem:s15+$0x0] =	vst v3;
	v4 =	vld.idx.msk [tilespmem:v54+s13+$0x0], $0xffff  }
0x92d: {  	v19 =	vld.idx.msk [tilespmem:v50+s13+$0x0], $0xffff;
	v61 =	vadd.f32 v58, v55  }
0x92e: {  	v20 =	vld.idx.msk [tilespmem:v46+s13+$0x0], $0xffff  }
0x92f: {  	v62 =	vld.idx.msk [tilespmem:v56+s13+$0x0], $0xffff;
	v3 =	vadd.f32 v60, v61  }
0x930: {  	v21 =	vld.idx.msk [tilespmem:v28+s13+$0x0], $0xffff;
	s0 =	sor.u32 s22, s16  }
0x931: {  	v5 =	vld.idx.msk [tilespmem:v59+s13+$0x0], $0xffff;
	[tilespmem:s0+$0x0] =	vst v3  }
0x932: {  	v27 =	vld.idx.msk [tilespmem:v18+s13+$0x0], $0xffff  }
0x933: {  	v7 =	vadd.f32 v20, v19;
	v29 =	vld.idx.msk [tilespmem:v16+s13+$0x0], $0xffff;
	_ =	sdelay $0x1  }
0x934: {  	v25 =	vadd.f32 v62, v4;
	v26 =	vadd.s32 $0x1E, v1;
	v32 =	vadd.f32 v21, v7;
	v31 =	vld.idx.msk [tilespmem:v17+s13+$0x0], $0xffff  }
0x935: {  	v28 =	vadd.s32 $0x1E, v2  }
0x936: {  	v30 =	vadd.s32 $0x1E, v0;
	s18 =	sadd.s32 $0x17F80, s20;
	[tilespmem:s28+$0x0] =	vst v32;
	v3 =	vadd.f32 v5, v25  }
0x937: {  	s19 =	sor.u32 s21, s18;
	v38 =	vld.idx.msk [tilespmem:v41+s13+$0x0], $0xffff;
	v6 =	vadd.f32 v29, v27  }
0x938: {  	v41 =	vld.idx.msk [tilespmem:v40+s13+$0x0], $0xffff;
	[tilespmem:s19+$0x0] =	vst v3  }
0x939: {  	v4 =	vld.idx.msk [tilespmem:v26+s13+$0x0], $0xffff;
	v6 =	vadd.f32 v31, v6  }
0x93a: {  	s0 =	sor.u32 s22, s18;
	v33 =	vld.idx.msk [tilespmem:v28+s13+$0x0], $0xffff  }
0x93b: {  	v34 =	vld.idx.msk [tilespmem:v30+s13+$0x0], $0xffff;
	[tilespmem:s0+$0x0] =	vst v6  }
0x93c: {  	v44 =	vld.idx.msk [tilespmem:v14+s13+$0x0], $0xffff  }
0x93d: {  	v35 =	vadd.f32 v23, v22;
	v46 =	vld.idx.msk [tilespmem:v12+s13+$0x0], $0xffff  }
0x93e: {  	v42 =	vld.idx.msk [tilespmem:v39+s13+$0x0], $0xffff  }
0x93f: {  	v5 =	vadd.f32 v24, v35;
	v4 =	vadd.f32 v33, v4;
	v50 =	vld.idx.msk [tilespmem:v13+s13+$0x0], $0xffff  }
0x940: {  	v45 =	vadd.s32 $0x1F, v1  }
0x941: {  	s23 =	sor.u32 $0x18000, s20;
	v48 =	vadd.s32 $0x1F, v2;
	v8 =	vadd.f32 v41, v38;
	[tilespmem:s26+$0x0] =	vst v5;
	v3 =	vadd.f32 v34, v4  }
0x942: {  	s24 =	sor.u32 s21, s23;
	v47 =	vld.idx.msk [tilespmem:v52+s13+$0x0], $0xffff;
	v5 =	vadd.f32 v46, v44  }
0x943: {  	v49 =	vadd.s32 $0x1F, v0;
	v51 =	vld.idx.msk [tilespmem:v43+s13+$0x0], $0xffff;
	v6 =	vadd.f32 v42, v8;
	[tilespmem:s24+$0x0] =	vst v3  }
0x944: {  	v3 =	vld [tilespmem:$0x1F740];
	v4 =	vadd.f32 v50, v5  }
0x945: {  	s0 =	sor.u32 s22, s23;
	v1 =	vld.idx.msk [tilespmem:v45+s13+$0x0], $0xffff;
	[tilespmem:s7+$0x0] =	vst v6  }
0x946: {  	v2 =	vld.idx.msk [tilespmem:v48+s13+$0x0], $0xffff;
	[tilespmem:s0+$0x0] =	vst v4  }
0x947: {  	v56 =	vld [tilespmem:$0x1F760]  }
0x948: {  	v0 =	vld.idx.msk [tilespmem:v49+s13+$0x0], $0xffff  }
0x949: {  	v52 =	vld.idx.msk [tilespmem:v36+s13+$0x0], $0xffff  }
0x94a: {  	v53 =	vld.idx.msk [tilespmem:v37+s13+$0x0], $0xffff  }
0x94b: {  	v54 =	vld.idx.msk [tilespmem:v63+s13+$0x0], $0xffff  }
0x94c: {  	v55 =	vld.idx.msk [tilespmem:v15+s13+$0x0], $0xffff  }
0x94d: {  	v3 =	vld.idx.msk [tilespmem:v3+s13+$0x0], $0xffff  }
0x94e: {  	v58 =	vld.idx.msk [tilespmem:v57+s13+$0x0], $0xffff  }
0x94f: {  	v1 =	vadd.f32 v2, v1;
	v10 =	vld.idx.msk [tilespmem:v56+s13+$0x0], $0xffff  }
0x950: {  	v7 =	vadd.f32 v51, v47  }
0x951: {  	s26 =	sor.u32 $0x18080, s20;
	v0 =	vadd.f32 v0, v1;
	v61 =	vadd.f32 v55, v54  }
0x952: {  	s28 =	sor.u32 s21, s26;
	v60 =	vadd.f32 v53, v52;
	v59 =	vadd.f32 v3, v7  }
0x953: {  	[tilespmem:s28+$0x0] =	vst v0;
	v63 =	vadd.f32 v58, v61  }
0x954: {  	s0 =	sor.u32 s22, s26;
	[tilespmem:s25+$0x0] =	vst v59;
	v62 =	vadd.f32 v10, v60  }
0x955: {  	[tilespmem:s0+$0x0] =	vst v63  }
0x956: {  	s29 =	simm.s32 $0x3800;
	[tilespmem:s5+$0x0] =	vst v62  }
0x957: {  	s2 =	simm.s32 $0x62000;
	s3 =	simm.s32 $0xD500;
	s0 =	rddreg [dreg:$0xc]  }
0x958: {  	[hbm4b:s0+s29] =	stream.strided.scatter [tilespmem:s3], [sflag:$0x1], $0xE000, s2, s29, $0x38;
	[tilespmem:$0x1B500] =	vst v63  }
0x959: {  	s2 =	simm.s32 $0x1  }
0x95a: {  	_ =	swait.ge [sflag:s2], $0xE000  }
0x95b: {  	s30 =	rddreg [dreg:$0x3]  }
0x95c: {  	s31 =	rddreg [dreg:$0xd];
	s5 =	sadd.s32 $0x1, s30  }
0x95d: {  	p0 =	sne.s32 s5, s31  }
.Ltmp3:
0x95e: {  	_ = 	snop;
	(pc) =	sbr.rel @p0 .LBB2_2-.Ltmp3, $3  }
0x95f: {  	_ =	sdelay $0x1  }
0x960: {  	[sflag:s2] =	ssyncset.done $0x0  }
0x961: {  	[sflag:s2] =	ssyncadd.s32 $0xFFFF2000  }
.LBB2_7:
0x962: {  	_ =	sfence.sel $0x180000  }
0x963: {  	[bflag:$0x0] =	sbarrier.arrive $0xFFFF  }
0x964: {  	_ =	strace $0x90000047  }
0x965: {  	s0 =	stileid.u32;
	[bflag:$0x2] =	sbarrier.arrive $0xFFFF  }
0x966: {  	p0 =	sne.s32 s0, $0x0;
	s0 =	rddreg [dreg:$0x2]  }
0x967: {  	s0 =	sadd.s32 @!p0 $0x100000, s0  }
0x968: {  	[sflag:s0] =	ssyncadd.tile.s32 @!p0 $0x1;
	_ =	shalt  }
.Lfunc_end2:
_tile_overlayer_lowered:
.L_overlay_start_2:
0x969: {  	(tag) =	ssettag $0x2  }
0x96a: {  	s0 =	rddreg [dreg:$0x0];
	s2 =	stileid.u32  }
0x96b: {  	s1 =	rddreg [dreg:$0x1];
	p0 =	sne.s32 s2, $0x0  }
0x96c: {  	s3 =	rddreg [dreg:$0x2];
	[bflag:$0x3] =	sbarrier.arrive $0xFFFF;
	s2 =	simm.s32 @!p0 $0x1C01  }
0x96d: {  	[timem:s3], [sflag:s2] =	dma.local @!p0 [hbm:s0], s1  }
0x96e: {  	s0 =	simm.s32 @!p0 $0x1  }
0x96f: {  	_ =	swait.ge @!p0 [sflag:s0], s1  }
0x970: {  	s1 =	ssub.s32 @!p0 $0x0, s1;
	[sflag:s0] =	ssyncset.done @!p0 $0x0  }
0x971: {  	[sflag:s0] =	ssyncadd.s32 @!p0 s1  }
0x972: {  	[bflag:$0x3] =	sbarrier.arrive $0xFFFF  }
0x973: {  	_ =	shalt  }

</sc_bundles>
